<compile_context>
chip_gen: v7x
topology: tpu7x:2x2x1
jax: 0.10.2.dev20260603
libtpu: 0.0.44.dev20260713+nightly
codegen_flags: <defaults>
</compile_context>

<pallas_src>
import functools

import jax
import jax.numpy as jnp
from jax import lax
from jax.experimental import pallas as pl
from jax.experimental.pallas import tpu as pltpu
from jax.experimental.pallas import tpu_sc as plsc

_K = 16
_EPS = 1e-5
_QC = 32
_HI = lax.Precision.HIGHEST


def _k0_body(f2t, p2t, w1f, w1p, a_o):
    a_o[0] = (jnp.dot(f2t[0], w1f[...], preferred_element_type=jnp.float32)
              + jnp.dot(p2t[0], w1p[...], preferred_element_type=jnp.float32))


def _k1_body(p1t, p2, w1p, idx_o, c_o, sums_o, *, blk, n2):
    q = p1t[0]
    s3 = p2[0]

    cblk = jnp.dot(q, w1p[...], preferred_element_type=jnp.float32)

    qq = jnp.sum(q * q, axis=1, keepdims=True)
    ss = jnp.sum(s3 * s3, axis=0, keepdims=True)
    qs = jnp.dot(q, s3, preferred_element_type=jnp.float32)
    d = (qq - 2.0 * qs) + ss

    iota = lax.broadcasted_iota(jnp.int32, (blk, n2), 1)
    iota_k = lax.broadcasted_iota(jnp.int32, (blk, _K), 1)
    inf = jnp.float32(jnp.inf)
    boff = pl.program_id(0) * n2

    acc = jnp.zeros((blk, _K), jnp.int32)
    for t in range(_K):
        idx_t = jnp.argmin(d, axis=1).astype(jnp.int32)[:, None]
        d = jnp.where(iota == idx_t, inf, d)
        acc = jnp.where(iota_k == t, idx_t + boff, acc)

    idx_o[0] = acc
    c_o[0] = cblk
    c64 = cblk[:, :64]
    part = jnp.concatenate([
        jnp.sum(c64, axis=0, keepdims=True),
        jnp.sum(c64 * c64, axis=0, keepdims=True),
        jnp.zeros((6, 64), jnp.float32),
    ], axis=0)

    @pl.when((pl.program_id(0) == 0) & (pl.program_id(1) == 0))
    def _():
        sums_o[...] = jnp.zeros_like(sums_o)

    sums_o[...] += part


def _sc_gather(a_hbm, idx_hbm, c_hbm, mmn_hbm, p_hbm,
               idx_v, rows_v, c_v, mmn_v, p_v, sem, *, qpw, nc):
    wid = lax.axis_index("s") * nc + lax.axis_index("c")
    zero = jnp.zeros((16,), jnp.float32)
    nsub = (_QC * _K) // 128

    nchunks = qpw // _QC

    def chunk(ci, carry):
        qbase = wid * qpw + ci * _QC
        pltpu.sync_copy(idx_hbm.at[wid * nchunks + ci], idx_v)
        copies = [pltpu.async_copy(a_hbm.at[idx_v.at[i]],
                                   rows_v.at[pl.ds(i * 128, 128)], sem)
                  for i in range(nsub)]
        for cp in copies:
            cp.wait()
        pltpu.sync_copy(c_hbm.at[pl.ds(qbase, _QC)], c_v)

        def qloop(qi, pc):
            out = list(pc)
            for cb in range(4):
                sl = slice(16 * cb, 16 * (cb + 1))
                m = jnp.full((16,), -jnp.inf, jnp.float32)
                mn = jnp.full((16,), jnp.inf, jnp.float32)
                s = zero
                qsum = zero
                for j in range(_K):
                    f = rows_v[qi * _K + j, sl]
                    m = jnp.maximum(m, f)
                    mn = jnp.minimum(mn, f)
                    s = s + f
                    qsum = qsum + f * f
                mmn_v[qi, sl] = m
                mmn_v[qi, slice(64 + 16 * cb, 64 + 16 * (cb + 1))] = mn
                cv = c_v[qi, sl]
                out[cb] = out[cb] + s
                out[4 + cb] = out[4 + cb] + qsum
                out[8 + cb] = out[8 + cb] + cv * s
            return tuple(out)

        pc = lax.fori_loop(0, _QC, qloop, carry)
        pltpu.sync_copy(mmn_v, mmn_hbm.at[pl.ds(qbase, _QC)])
        return pc

    pc = lax.fori_loop(0, nchunks, chunk, tuple(zero for _ in range(12)))
    for r in range(16):
        for l in range(8):
            p_v[r, slice(16 * l, 16 * (l + 1))] = pc[r] if (r < 12 and l == 0) else zero
    pltpu.sync_copy(p_v, p_hbm.at[wid])


def _bn1_consts(sums, p_red, g1r, b1r, n1_total):
    sum_s, sum_q, sum_cs = p_red[0:1], p_red[1:2], p_red[2:3]
    sum_c, sum_c2 = sums[0:1], sums[1:2]
    mean1 = (sum_s - _K * sum_c) / n1_total
    ey2 = (sum_q - 2.0 * sum_cs + _K * sum_c2) / n1_total
    var1 = ey2 - mean1 * mean1
    alpha = g1r[...] * lax.rsqrt(var1 + _EPS)
    beta = b1r[...] - alpha * mean1
    return alpha, beta


def _reduce_partials(p_ref):
    return jnp.sum(p_ref[...], axis=0)


def _stage1(mmn_ref, c_ref, f1t_ref, alpha, beta):
    mmn = mmn_ref[0]
    msel = jnp.where(alpha >= 0.0, mmn[:, :64], mmn[:, 64:])
    h = jnp.maximum(alpha * (msel - c_ref[0][:, :64]) + beta, 0.0)
    return jnp.concatenate([h, f1t_ref[0]], axis=1)


def _k2_body(mmn_i, c_i, f1t_i, sums_i, p_i, g1r, b1r, g_o, sz_o,
             *, n1_total):
    alpha, beta = _bn1_consts(jnp.sum(sums_i[...], axis=0),
                              _reduce_partials(p_i), g1r, b1r, n1_total)
    z = _stage1(mmn_i, c_i, f1t_i, alpha, beta)
    ztz = lax.dot_general(z, z, (((0,), (0,)), ((), ())),
                          preferred_element_type=jnp.float32, precision=_HI)
    szrow = jnp.sum(z, axis=0, keepdims=True)

    @pl.when((pl.program_id(0) == 0) & (pl.program_id(1) == 0))
    def _():
        g_o[...] = jnp.zeros_like(g_o)
        sz_o[...] = jnp.zeros_like(sz_o)

    g_o[...] += ztz
    sz_o[...] += jnp.concatenate([szrow, jnp.zeros((7, 128), jnp.float32)], 0)


def _k3_body(mmn_i, c_i, f1t_i, sums_i, p_i, g1r, b1r, g_i, sz_i, w2t,
             g2r, b2r, y_o, *, n1_total, n2_total):
    alpha, beta = _bn1_consts(jnp.sum(sums_i[...], axis=0),
                              _reduce_partials(p_i), g1r, b1r, n1_total)
    z = _stage1(mmn_i, c_i, f1t_i, alpha, beta)

    g_sum = jnp.sum(g_i[...], axis=0)
    szrow = jnp.sum(sz_i[...], axis=0)[0:1] / n2_total
    m2 = jnp.dot(szrow, w2t[...], preferred_element_type=jnp.float32,
                 precision=_HI)
    t = jnp.dot(g_sum, w2t[...], preferred_element_type=jnp.float32,
                precision=_HI)
    e2 = jnp.sum(w2t[...] * t, axis=0, keepdims=True) / n2_total
    inv2 = lax.rsqrt((e2 - m2 * m2) + _EPS)
    scale = g2r[...] * inv2
    bias = b2r[...] - m2 * scale

    y = jnp.dot(z, w2t[...], preferred_element_type=jnp.float32)
    y_o[0] = jnp.transpose(jnp.maximum(y * scale + bias, 0.0))


def kernel(pos1, pos2, feature1, feature2, W1, g1, b1, W2, g2, b2):
    B, _, N1 = pos1.shape
    N2 = pos2.shape[2]
    f32 = jnp.float32

    pos1t = jnp.transpose(pos1, (0, 2, 1))
    pos2t = jnp.transpose(pos2, (0, 2, 1))
    f2t = jnp.transpose(feature2, (0, 2, 1))
    f1t = jnp.transpose(feature1, (0, 2, 1))
    w1t = jnp.transpose(W1)
    w1f = jnp.pad(w1t[:64], ((0, 0), (0, 64)))
    w1p = jnp.pad(w1t[64:], ((0, 0), (0, 64)))
    w2t = jnp.transpose(W2)
    g1r, b1r = g1.reshape(1, 64), b1.reshape(1, 64)
    g2r, b2r = g2.reshape(1, 128), b2.reshape(1, 128)

    whole = lambda shp: pl.BlockSpec(shp, lambda b, i: (0,) * len(shp))

    a_tab = pl.pallas_call(
        _k0_body,
        grid=(B,),
        in_specs=[pl.BlockSpec((1, N2, 64), lambda b: (b, 0, 0)),
                  pl.BlockSpec((1, N2, 3), lambda b: (b, 0, 0)),
                  pl.BlockSpec((64, 128), lambda b: (0, 0)),
                  pl.BlockSpec((3, 128), lambda b: (0, 0))],
        out_specs=[pl.BlockSpec((1, N2, 128), lambda b: (b, 0, 0))],
        out_shape=[jax.ShapeDtypeStruct((B, N2, 128), f32)],
    )(f2t, pos2t, w1f, w1p)[0]

    blk = 512
    rowblk = lambda w: pl.BlockSpec((1, blk, w), lambda b, i: (b, i, 0))
    blk2 = 512
    rowblk2 = lambda w: pl.BlockSpec((1, blk2, w), lambda b, i: (b, i, 0))
    whole2 = lambda shp: pl.BlockSpec(shp, lambda b, i: (0,) * len(shp))

    info = plsc.get_sparse_core_info()
    nc, ns = info.num_cores, info.num_subcores
    nw = nc * ns
    qpw = N1 // nw

    sc = functools.partial(
        pl.kernel,
        mesh=plsc.VectorSubcoreMesh(core_axis_name="c", subcore_axis_name="s"),
        out_type=[jax.ShapeDtypeStruct((N1, 128), f32),
                  jax.ShapeDtypeStruct((nw, 16, 128), f32)],
        scratch_types=[pltpu.VMEM(((_QC * _K) // 128, 128), jnp.int32),
                       pltpu.VMEM((_QC * _K, 128), f32),
                       pltpu.VMEM((_QC, 128), f32),
                       pltpu.VMEM((_QC, 128), f32),
                       pltpu.VMEM((16, 128), f32),
                       pltpu.SemaphoreType.DMA],
    )(functools.partial(_sc_gather, qpw=qpw, nc=nc))

    k1 = pl.pallas_call(
        functools.partial(_k1_body, blk=blk, n2=N2),
        grid=(1, N1 // blk),
        in_specs=[rowblk(3), pl.BlockSpec((1, 3, N2), lambda b, i: (b, 0, 0)),
                  pl.BlockSpec((3, 128), lambda b, i: (0, 0))],
        out_specs=[rowblk(_K), rowblk(128),
                   pl.BlockSpec((8, 64), lambda b, i: (0, 0))],
        out_shape=[jax.ShapeDtypeStruct((1, N1, _K), jnp.int32),
                   jax.ShapeDtypeStruct((1, N1, 128), f32),
                   jax.ShapeDtypeStruct((8, 64), f32)],
    )

    mmn_l, c_l, sums_l, p_l = [], [], [], []
    for b in range(B):
        idx_b, c_b, sums_b = k1(pos1t[b:b + 1], pos2[b:b + 1], w1p)
        idx_3d = idx_b.reshape(N1 // _QC, (_QC * _K) // 128, 128)
        mmn_b, p_b = sc(a_tab[b], idx_3d, c_b.reshape(N1, 128))
        mmn_l.append(mmn_b)
        c_l.append(c_b)
        sums_l.append(sums_b)
        p_l.append(p_b)

    sums_all = jnp.stack(sums_l)
    p_cat = jnp.concatenate(p_l, axis=0)
    p_in = p_cat[:, :12, :16].reshape(B * nw, 3, 64)
    p_in = jnp.concatenate([p_in, jnp.zeros((B * nw, 5, 64), f32)], axis=1)

    n1_total = float(B * N1 * _K)
    n2_total = float(B * N1)

    k2 = pl.pallas_call(
        functools.partial(_k2_body, n1_total=n1_total),
        grid=(1, N1 // blk2),
        in_specs=[rowblk2(128), rowblk2(128), rowblk2(64),
                  whole2((B, 8, 64)), whole2((B * nw, 8, 64)),
                  whole2((1, 64)), whole2((1, 64))],
        out_specs=[whole2((128, 128)), whole2((8, 128))],
        out_shape=[jax.ShapeDtypeStruct((128, 128), f32),
                   jax.ShapeDtypeStruct((8, 128), f32)],
    )

    g_l, sz_l = [], []
    for b in range(B):
        g_b, sz_b = k2(mmn_l[b].reshape(1, N1, 128), c_l[b], f1t[b:b + 1],
                       sums_all, p_in, g1r, b1r)
        g_l.append(g_b)
        sz_l.append(sz_b)
    g_all = jnp.stack(g_l)
    sz_all = jnp.stack(sz_l)

    k3 = pl.pallas_call(
        functools.partial(_k3_body, n1_total=n1_total, n2_total=n2_total),
        grid=(1, N1 // blk2),
        in_specs=[rowblk2(128), rowblk2(128), rowblk2(64),
                  whole2((B, 8, 64)), whole2((B * nw, 8, 64)),
                  whole2((1, 64)), whole2((1, 64)),
                  whole2((B, 128, 128)), whole2((B, 8, 128)),
                  whole2((128, 128)), whole2((1, 128)), whole2((1, 128))],
        out_specs=[pl.BlockSpec((1, 128, blk2), lambda b, i: (b, 0, i))],
        out_shape=[jax.ShapeDtypeStruct((1, 128, N1), f32)],
    )

    y_l = [k3(mmn_l[b].reshape(1, N1, 128), c_l[b], f1t[b:b + 1], sums_all,
              p_in, g1r, b1r, g_all, sz_all, w2t, g2r, b2r)[0]
           for b in range(B)]
    return jnp.concatenate(y_l, axis=0)

# --- scband reference (transcript-rebuilt; emitter-appended) ---
"""Pipeline reference for scband-sumodule-8761733284508 (READ-ONLY COPY).

The authoritative reference and input builder live on the scoring server;
editing this copy changes nothing except your own understanding.
"""

import jax, jax.numpy as jnp
import numpy as np


def _knn_idx(q, s, k):
    # q: (B, N, 3) queries, s: (B, M, 3) support; returns (B, N, k) indices into M
    d = jnp.sum(q * q, axis=-1)[:, :, None] - 2.0 * jnp.einsum('bnc,bmc->bnm', q, s) + jnp.sum(s * s, axis=-1)[:, None, :]
    _, idx = jax.lax.top_k(-d, k)
    return idx


def _group(feat, idx):
    # feat: (B, C, M), idx: (B, N, k) -> (B, C, N, k)
    return jax.vmap(lambda f, i: f[:, i])(feat, idx)


def _bn(x, g, b, axes):
    m = jnp.mean(x, axis=axes, keepdims=True)
    v = jnp.var(x, axis=axes, keepdims=True)
    shape = [1] * x.ndim
    shape[1] = -1
    return g.reshape(shape) * (x - m) / jnp.sqrt(v + 1e-5) + b.reshape(shape)


def setup_inputs(seed: int = 0) -> dict:
    key = jax.random.key(seed)
    ks = jax.random.split(key, 8)
    B, N1, N2, C1, C2 = 2, 8192, 2048, 64, 64
    pos1 = jax.random.normal(ks[0], (B, 3, N1), dtype=jnp.float32)
    pos2 = jax.random.normal(ks[1], (B, 3, N2), dtype=jnp.float32)
    feature1 = jax.random.normal(ks[2], (B, C1, N1), dtype=jnp.float32)
    feature2 = jax.random.normal(ks[3], (B, C2, N2), dtype=jnp.float32)
    W1 = jax.random.normal(ks[4], (64, C2 + 3), dtype=jnp.float32) * 0.1
    g1 = jnp.ones((64,), dtype=jnp.float32)
    b1 = jnp.zeros((64,), dtype=jnp.float32)
    W2 = jax.random.normal(ks[5], (128, 64 + C1), dtype=jnp.float32) * 0.1
    g2 = jnp.ones((128,), dtype=jnp.float32)
    b2 = jnp.zeros((128,), dtype=jnp.float32)
    return {'pos1': pos1, 'pos2': pos2, 'feature1': feature1, 'feature2': feature2,
            'W1': W1, 'g1': g1, 'b1': b1, 'W2': W2, 'g2': g2, 'b2': b2}


def reference(pos1, pos2, feature1, feature2, W1, g1, b1, W2, g2, b2):
    nsample = 16
    q = jnp.transpose(pos1, (0, 2, 1))
    s = jnp.transpose(pos2, (0, 2, 1))
    idx = _knn_idx(q, s, nsample)                       # (B, N1, k)
    pos2_grouped = _group(pos2, idx)                    # (B, 3, N1, k)
    pos_diff = pos2_grouped - pos1[:, :, :, None]       # (B, 3, N1, k)
    feat2_grouped = _group(feature2, idx)               # (B, C2, N1, k)
    feat_new = jnp.concatenate([feat2_grouped, pos_diff], axis=1)
    # mlp1: Conv2d(1x1, no bias) -> BN2d (batch stats) -> ReLU
    feat_new = jax.nn.relu(_bn(jnp.einsum('oc,bcnk->bonk', W1, feat_new), g1, b1, (0, 2, 3)))
    feat_new = jnp.max(feat_new, axis=-1)               # (B, 64, N1)
    feat_new = jnp.concatenate([feat_new, feature1], axis=1)
    # mlp2: Conv1d(1, no bias) -> BN1d -> ReLU
    feat_new = jax.nn.relu(_bn(jnp.einsum('oc,bcn->bon', W2, feat_new), g2, b2, (0, 2)))
    return feat_new

if __name__ == "__main__":
    import jax
    _d = setup_inputs()
    print(jax.jit(kernel)(*tuple(_d.values())))

</pallas_src>

<mosaic_0001>
#map = affine_map<(d0, d1) -> (0, 0)>
#map1 = affine_map<(d0, d1) -> (0, 0, 0)>
module attributes {stable_mosaic.version = 14 : i64} {
  func.func @_sc_gather(%arg0: i32, %arg1: i32, %arg2: memref<2048x128xf32, #tpu.memory_space<hbm>>, %arg3: memref<256x4x128xi32, #tpu.memory_space<hbm>>, %arg4: memref<8192x128xf32, #tpu.memory_space<hbm>>, %arg5: memref<8192x128xf32, #tpu.memory_space<hbm>>, %arg6: memref<32x16x128xf32, #tpu.memory_space<hbm>>, %arg7: memref<4x128xi32, #tpu.memory_space<vmem>>, %arg8: memref<512x128xf32, #tpu.memory_space<vmem>>, %arg9: memref<32x128xf32, #tpu.memory_space<vmem>>, %arg10: memref<32x128xf32, #tpu.memory_space<vmem>>, %arg11: memref<16x128xf32, #tpu.memory_space<vmem>>, %arg12: memref<!tpu.dma_semaphore, #tpu.memory_space<semaphore_mem>>) attributes {dimension_semantics = [#tpu.dimension_semantics<core_parallel>, #tpu.dimension_semantics<subcore_parallel>], iteration_bounds = array<i64: 2, 16>, scalar_prefetch = 0 : i64, scratch_operands = 6 : i64, tpu.core_type = #tpu.core_type<sc_vector_subcore>, window_params = [{transform_indices = #map}, {transform_indices = #map1}, {transform_indices = #map}, {transform_indices = #map}, {transform_indices = #map1}]} {
    %mul3A = arith.constant 2 : i32
    %mul3A_0 = arith.muli %arg1, %mul3A : i32
    %add3A = arith.addi %mul3A_0, %arg0 : i32
    %broadcast_in_dim3A = arith.constant 0.000000e+00 : f32
    %broadcast_in_dim3A_1 = vector.broadcast %broadcast_in_dim3A : f32 to vector<16xf32>
    %scan3A = arith.constant 0 : i32
    %scan3A_2 = arith.constant 8 : i32
    %scan3A_3 = arith.addi %scan3A, %scan3A_2 : i32
    %scan3A_4 = arith.constant 1 : i32
    %scan3A_5:12 = scf.for %scan3A_774 = %scan3A to %scan3A_3 step %scan3A_4 iter_args(%scan3A_775 = %broadcast_in_dim3A_1, %scan3A_776 = %broadcast_in_dim3A_1, %scan3A_777 = %broadcast_in_dim3A_1, %scan3A_778 = %broadcast_in_dim3A_1, %scan3A_779 = %broadcast_in_dim3A_1, %scan3A_780 = %broadcast_in_dim3A_1, %scan3A_781 = %broadcast_in_dim3A_1, %scan3A_782 = %broadcast_in_dim3A_1, %scan3A_783 = %broadcast_in_dim3A_1, %scan3A_784 = %broadcast_in_dim3A_1, %scan3A_785 = %broadcast_in_dim3A_1, %scan3A_786 = %broadcast_in_dim3A_1) -> (vector<16xf32>, vector<16xf32>, vector<16xf32>, vector<16xf32>, vector<16xf32>, vector<16xf32>, vector<16xf32>, vector<16xf32>, vector<16xf32>, vector<16xf32>, vector<16xf32>, vector<16xf32>)  : i32 {
      %mul3A_787 = arith.constant 256 : i32
      %mul3A_788 = arith.muli %add3A, %mul3A_787 : i32
      %mul3A_789 = arith.constant 32 : i32
      %mul3A_790 = arith.muli %scan3A_774, %mul3A_789 : i32
      %add3A_791 = arith.addi %mul3A_788, %mul3A_790 : i32
      %mul3A_792 = arith.constant 8 : i32
      %mul3A_793 = arith.muli %add3A, %mul3A_792 : i32
      %add3A_794 = arith.addi %mul3A_793, %scan3A_774 : i32
      "tpu.region"() ({
        %run_scoped3A = tpu.sem_alloc : memref<!tpu.dma_semaphore, #tpu.memory_space<semaphore_mem>>
        %dma_start3A_879 = arith.constant 0 : i32
        %dma_start3A_880 = arith.constant 0 : i32
        %dma_start3A_881 = tpu.memref_slice %arg3[%add3A_794, %dma_start3A_879, %dma_start3A_880] : memref<256x4x128xi32, #tpu.memory_space<hbm>> -> memref<1x4x128xi32, #tpu.memory_space<hbm>>
        %dma_start3A_882 = tpu.memref_squeeze %dma_start3A_881 : memref<1x4x128xi32, #tpu.memory_space<hbm>> -> memref<4x128xi32, #tpu.memory_space<hbm>>
        %dma_start3A_883 = arith.constant 0 : i32
        %dma_start3A_884 = arith.constant 0 : i32
        %dma_start3A_885 = tpu.memref_slice %arg3[%add3A_794, %dma_start3A_883, %dma_start3A_884] : memref<256x4x128xi32, #tpu.memory_space<hbm>> -> memref<1x4x128xi32, #tpu.memory_space<hbm>>
        %dma_start3A_886 = tpu.memref_squeeze %dma_start3A_885 : memref<1x4x128xi32, #tpu.memory_space<hbm>> -> memref<4x128xi32, #tpu.memory_space<hbm>>
        tpu.enqueue_dma source(%dma_start3A_886 : memref<4x128xi32, #tpu.memory_space<hbm>>) target(%arg7 : memref<4x128xi32, #tpu.memory_space<vmem>>) target_semaphore(%run_scoped3A : memref<!tpu.dma_semaphore, #tpu.memory_space<semaphore_mem>>)
        %dma_wait3A_887 = arith.constant 0 : i32
        %dma_wait3A_888 = arith.constant 0 : i32
        %dma_wait3A_889 = tpu.memref_slice %arg3[%add3A_794, %dma_wait3A_887, %dma_wait3A_888] : memref<256x4x128xi32, #tpu.memory_space<hbm>> -> memref<1x4x128xi32, #tpu.memory_space<hbm>>
        %dma_wait3A_890 = tpu.memref_squeeze %dma_wait3A_889 : memref<1x4x128xi32, #tpu.memory_space<hbm>> -> memref<4x128xi32, #tpu.memory_space<hbm>>
        %dma_wait3A_891 = arith.constant 0 : i32
        %dma_wait3A_892 = arith.constant 0 : i32
        %dma_wait3A_893 = tpu.memref_slice %arg3[%add3A_794, %dma_wait3A_891, %dma_wait3A_892] : memref<256x4x128xi32, #tpu.memory_space<hbm>> -> memref<1x4x128xi32, #tpu.memory_space<hbm>>
        %dma_wait3A_894 = tpu.memref_squeeze %dma_wait3A_893 : memref<1x4x128xi32, #tpu.memory_space<hbm>> -> memref<4x128xi32, #tpu.memory_space<hbm>>
        tpu.wait_dma2 semaphore(%run_scoped3A : memref<!tpu.dma_semaphore, #tpu.memory_space<semaphore_mem>>) src(%dma_wait3A_894 : memref<4x128xi32, #tpu.memory_space<hbm>>) dst(%arg7 : memref<4x128xi32, #tpu.memory_space<vmem>>)
        tpu.yield
      }) : () -> ()
      %dma_start3A = arith.constant 0 : i32
      %dma_start3A_795 = arith.constant 0 : i32
      %dma_start3A_796 = arith.constant 0 : i32
      %dma_start3A_797 = tpu.memref_slice %arg8[%dma_start3A_795, %dma_start3A_796] : memref<512x128xf32, #tpu.memory_space<vmem>> -> memref<128x128xf32, #tpu.memory_space<vmem>>
      %dma_start3A_798 = arith.constant 0 : i32
      %dma_start3A_799 = tpu.memref_slice %arg7[%dma_start3A, %dma_start3A_798] : memref<4x128xi32, #tpu.memory_space<vmem>> -> memref<1x128xi32, #tpu.memory_space<vmem>>
      %dma_start3A_800 = tpu.memref_squeeze %dma_start3A_799 : memref<1x128xi32, #tpu.memory_space<vmem>> -> memref<128xi32, #tpu.memory_space<vmem>>
      %dma_start3A_801 = arith.constant 0 : i32
      %dma_start3A_802 = arith.constant 0 : i32
      %dma_start3A_803 = tpu.memref_slice %arg2[%dma_start3A_801, %dma_start3A_802] : memref<2048x128xf32, #tpu.memory_space<hbm>> -> memref<2048x128xf32, #tpu.memory_space<hbm>>
      tpu.enqueue_indirect_dma source(%dma_start3A_803 : memref<2048x128xf32, #tpu.memory_space<hbm>>) target(%dma_start3A_797 : memref<128x128xf32, #tpu.memory_space<vmem>>) offsets(%dma_start3A_800 : memref<128xi32, #tpu.memory_space<vmem>>) semaphore(%arg12 : memref<!tpu.dma_semaphore, #tpu.memory_space<semaphore_mem>>)
      %dma_start3A_804 = arith.constant 1 : i32
      %dma_start3A_805 = arith.constant 128 : i32
      %dma_start3A_806 = arith.constant 0 : i32
      %dma_start3A_807 = tpu.memref_slice %arg8[%dma_start3A_805, %dma_start3A_806] : memref<512x128xf32, #tpu.memory_space<vmem>> -> memref<128x128xf32, #tpu.memory_space<vmem>>
      %dma_start3A_808 = arith.constant 0 : i32
      %dma_start3A_809 = tpu.memref_slice %arg7[%dma_start3A_804, %dma_start3A_808] : memref<4x128xi32, #tpu.memory_space<vmem>> -> memref<1x128xi32, #tpu.memory_space<vmem>>
      %dma_start3A_810 = tpu.memref_squeeze %dma_start3A_809 : memref<1x128xi32, #tpu.memory_space<vmem>> -> memref<128xi32, #tpu.memory_space<vmem>>
      %dma_start3A_811 = arith.constant 0 : i32
      %dma_start3A_812 = arith.constant 0 : i32
      %dma_start3A_813 = tpu.memref_slice %arg2[%dma_start3A_811, %dma_start3A_812] : memref<2048x128xf32, #tpu.memory_space<hbm>> -> memref<2048x128xf32, #tpu.memory_space<hbm>>
      tpu.enqueue_indirect_dma source(%dma_start3A_813 : memref<2048x128xf32, #tpu.memory_space<hbm>>) target(%dma_start3A_807 : memref<128x128xf32, #tpu.memory_space<vmem>>) offsets(%dma_start3A_810 : memref<128xi32, #tpu.memory_space<vmem>>) semaphore(%arg12 : memref<!tpu.dma_semaphore, #tpu.memory_space<semaphore_mem>>)
      %dma_start3A_814 = arith.constant 2 : i32
      %dma_start3A_815 = arith.constant 256 : i32
      %dma_start3A_816 = arith.constant 0 : i32
      %dma_start3A_817 = tpu.memref_slice %arg8[%dma_start3A_815, %dma_start3A_816] : memref<512x128xf32, #tpu.memory_space<vmem>> -> memref<128x128xf32, #tpu.memory_space<vmem>>
      %dma_start3A_818 = arith.constant 0 : i32
      %dma_start3A_819 = tpu.memref_slice %arg7[%dma_start3A_814, %dma_start3A_818] : memref<4x128xi32, #tpu.memory_space<vmem>> -> memref<1x128xi32, #tpu.memory_space<vmem>>
      %dma_start3A_820 = tpu.memref_squeeze %dma_start3A_819 : memref<1x128xi32, #tpu.memory_space<vmem>> -> memref<128xi32, #tpu.memory_space<vmem>>
      %dma_start3A_821 = arith.constant 0 : i32
      %dma_start3A_822 = arith.constant 0 : i32
      %dma_start3A_823 = tpu.memref_slice %arg2[%dma_start3A_821, %dma_start3A_822] : memref<2048x128xf32, #tpu.memory_space<hbm>> -> memref<2048x128xf32, #tpu.memory_space<hbm>>
      tpu.enqueue_indirect_dma source(%dma_start3A_823 : memref<2048x128xf32, #tpu.memory_space<hbm>>) target(%dma_start3A_817 : memref<128x128xf32, #tpu.memory_space<vmem>>) offsets(%dma_start3A_820 : memref<128xi32, #tpu.memory_space<vmem>>) semaphore(%arg12 : memref<!tpu.dma_semaphore, #tpu.memory_space<semaphore_mem>>)
      %dma_start3A_824 = arith.constant 3 : i32
      %dma_start3A_825 = arith.constant 384 : i32
      %dma_start3A_826 = arith.constant 0 : i32
      %dma_start3A_827 = tpu.memref_slice %arg8[%dma_start3A_825, %dma_start3A_826] : memref<512x128xf32, #tpu.memory_space<vmem>> -> memref<128x128xf32, #tpu.memory_space<vmem>>
      %dma_start3A_828 = arith.constant 0 : i32
      %dma_start3A_829 = tpu.memref_slice %arg7[%dma_start3A_824, %dma_start3A_828] : memref<4x128xi32, #tpu.memory_space<vmem>> -> memref<1x128xi32, #tpu.memory_space<vmem>>
      %dma_start3A_830 = tpu.memref_squeeze %dma_start3A_829 : memref<1x128xi32, #tpu.memory_space<vmem>> -> memref<128xi32, #tpu.memory_space<vmem>>
      %dma_start3A_831 = arith.constant 0 : i32
      %dma_start3A_832 = arith.constant 0 : i32
      %dma_start3A_833 = tpu.memref_slice %arg2[%dma_start3A_831, %dma_start3A_832] : memref<2048x128xf32, #tpu.memory_space<hbm>> -> memref<2048x128xf32, #tpu.memory_space<hbm>>
      tpu.enqueue_indirect_dma source(%dma_start3A_833 : memref<2048x128xf32, #tpu.memory_space<hbm>>) target(%dma_start3A_827 : memref<128x128xf32, #tpu.memory_space<vmem>>) offsets(%dma_start3A_830 : memref<128xi32, #tpu.memory_space<vmem>>) semaphore(%arg12 : memref<!tpu.dma_semaphore, #tpu.memory_space<semaphore_mem>>)
      %dma_wait3A = arith.constant 0 : i32
      %dma_wait3A_834 = arith.constant 0 : i32
      %dma_wait3A_835 = arith.constant 0 : i32
      %dma_wait3A_836 = tpu.memref_slice %arg8[%dma_wait3A_834, %dma_wait3A_835] : memref<512x128xf32, #tpu.memory_space<vmem>> -> memref<128x128xf32, #tpu.memory_space<vmem>>
      %dma_wait3A_837 = arith.constant 0 : i32
      %dma_wait3A_838 = tpu.memref_slice %arg7[%dma_wait3A, %dma_wait3A_837] : memref<4x128xi32, #tpu.memory_space<vmem>> -> memref<1x128xi32, #tpu.memory_space<vmem>>
      %dma_wait3A_839 = tpu.memref_squeeze %dma_wait3A_838 : memref<1x128xi32, #tpu.memory_space<vmem>> -> memref<128xi32, #tpu.memory_space<vmem>>
      %dma_wait3A_840 = arith.constant 0 : i32
      %dma_wait3A_841 = arith.constant 0 : i32
      %dma_wait3A_842 = tpu.memref_slice %arg2[%dma_wait3A_840, %dma_wait3A_841] : memref<2048x128xf32, #tpu.memory_space<hbm>> -> memref<2048x128xf32, #tpu.memory_space<hbm>>
      tpu.wait_indirect_dma semaphore(%arg12 : memref<!tpu.dma_semaphore, #tpu.memory_space<semaphore_mem>>) src(%dma_wait3A_842 : memref<2048x128xf32, #tpu.memory_space<hbm>>) dst(%dma_wait3A_836 : memref<128x128xf32, #tpu.memory_space<vmem>>)
      %dma_wait3A_843 = arith.constant 1 : i32
      %dma_wait3A_844 = arith.constant 128 : i32
      %dma_wait3A_845 = arith.constant 0 : i32
      %dma_wait3A_846 = tpu.memref_slice %arg8[%dma_wait3A_844, %dma_wait3A_845] : memref<512x128xf32, #tpu.memory_space<vmem>> -> memref<128x128xf32, #tpu.memory_space<vmem>>
      %dma_wait3A_847 = arith.constant 0 : i32
      %dma_wait3A_848 = tpu.memref_slice %arg7[%dma_wait3A_843, %dma_wait3A_847] : memref<4x128xi32, #tpu.memory_space<vmem>> -> memref<1x128xi32, #tpu.memory_space<vmem>>
      %dma_wait3A_849 = tpu.memref_squeeze %dma_wait3A_848 : memref<1x128xi32, #tpu.memory_space<vmem>> -> memref<128xi32, #tpu.memory_space<vmem>>
      %dma_wait3A_850 = arith.constant 0 : i32
      %dma_wait3A_851 = arith.constant 0 : i32
      %dma_wait3A_852 = tpu.memref_slice %arg2[%dma_wait3A_850, %dma_wait3A_851] : memref<2048x128xf32, #tpu.memory_space<hbm>> -> memref<2048x128xf32, #tpu.memory_space<hbm>>
      tpu.wait_indirect_dma semaphore(%arg12 : memref<!tpu.dma_semaphore, #tpu.memory_space<semaphore_mem>>) src(%dma_wait3A_852 : memref<2048x128xf32, #tpu.memory_space<hbm>>) dst(%dma_wait3A_846 : memref<128x128xf32, #tpu.memory_space<vmem>>)
      %dma_wait3A_853 = arith.constant 2 : i32
      %dma_wait3A_854 = arith.constant 256 : i32
      %dma_wait3A_855 = arith.constant 0 : i32
      %dma_wait3A_856 = tpu.memref_slice %arg8[%dma_wait3A_854, %dma_wait3A_855] : memref<512x128xf32, #tpu.memory_space<vmem>> -> memref<128x128xf32, #tpu.memory_space<vmem>>
      %dma_wait3A_857 = arith.constant 0 : i32
      %dma_wait3A_858 = tpu.memref_slice %arg7[%dma_wait3A_853, %dma_wait3A_857] : memref<4x128xi32, #tpu.memory_space<vmem>> -> memref<1x128xi32, #tpu.memory_space<vmem>>
      %dma_wait3A_859 = tpu.memref_squeeze %dma_wait3A_858 : memref<1x128xi32, #tpu.memory_space<vmem>> -> memref<128xi32, #tpu.memory_space<vmem>>
      %dma_wait3A_860 = arith.constant 0 : i32
      %dma_wait3A_861 = arith.constant 0 : i32
      %dma_wait3A_862 = tpu.memref_slice %arg2[%dma_wait3A_860, %dma_wait3A_861] : memref<2048x128xf32, #tpu.memory_space<hbm>> -> memref<2048x128xf32, #tpu.memory_space<hbm>>
      tpu.wait_indirect_dma semaphore(%arg12 : memref<!tpu.dma_semaphore, #tpu.memory_space<semaphore_mem>>) src(%dma_wait3A_862 : memref<2048x128xf32, #tpu.memory_space<hbm>>) dst(%dma_wait3A_856 : memref<128x128xf32, #tpu.memory_space<vmem>>)
      %dma_wait3A_863 = arith.constant 3 : i32
      %dma_wait3A_864 = arith.constant 384 : i32
      %dma_wait3A_865 = arith.constant 0 : i32
      %dma_wait3A_866 = tpu.memref_slice %arg8[%dma_wait3A_864, %dma_wait3A_865] : memref<512x128xf32, #tpu.memory_space<vmem>> -> memref<128x128xf32, #tpu.memory_space<vmem>>
      %dma_wait3A_867 = arith.constant 0 : i32
      %dma_wait3A_868 = tpu.memref_slice %arg7[%dma_wait3A_863, %dma_wait3A_867] : memref<4x128xi32, #tpu.memory_space<vmem>> -> memref<1x128xi32, #tpu.memory_space<vmem>>
      %dma_wait3A_869 = tpu.memref_squeeze %dma_wait3A_868 : memref<1x128xi32, #tpu.memory_space<vmem>> -> memref<128xi32, #tpu.memory_space<vmem>>
      %dma_wait3A_870 = arith.constant 0 : i32
      %dma_wait3A_871 = arith.constant 0 : i32
      %dma_wait3A_872 = tpu.memref_slice %arg2[%dma_wait3A_870, %dma_wait3A_871] : memref<2048x128xf32, #tpu.memory_space<hbm>> -> memref<2048x128xf32, #tpu.memory_space<hbm>>
      tpu.wait_indirect_dma semaphore(%arg12 : memref<!tpu.dma_semaphore, #tpu.memory_space<semaphore_mem>>) src(%dma_wait3A_872 : memref<2048x128xf32, #tpu.memory_space<hbm>>) dst(%dma_wait3A_866 : memref<128x128xf32, #tpu.memory_space<vmem>>)
      "tpu.region"() ({
        %run_scoped3A = tpu.sem_alloc : memref<!tpu.dma_semaphore, #tpu.memory_space<semaphore_mem>>
        %dma_start3A_879 = arith.constant 0 : i32
        %dma_start3A_880 = tpu.memref_slice %arg4[%add3A_791, %dma_start3A_879] : memref<8192x128xf32, #tpu.memory_space<hbm>> -> memref<32x128xf32, #tpu.memory_space<hbm>>
        %dma_start3A_881 = arith.constant 0 : i32
        %dma_start3A_882 = tpu.memref_slice %arg4[%add3A_791, %dma_start3A_881] : memref<8192x128xf32, #tpu.memory_space<hbm>> -> memref<32x128xf32, #tpu.memory_space<hbm>>
        tpu.enqueue_dma source(%dma_start3A_882 : memref<32x128xf32, #tpu.memory_space<hbm>>) target(%arg9 : memref<32x128xf32, #tpu.memory_space<vmem>>) target_semaphore(%run_scoped3A : memref<!tpu.dma_semaphore, #tpu.memory_space<semaphore_mem>>)
        %dma_wait3A_883 = arith.constant 0 : i32
        %dma_wait3A_884 = tpu.memref_slice %arg4[%add3A_791, %dma_wait3A_883] : memref<8192x128xf32, #tpu.memory_space<hbm>> -> memref<32x128xf32, #tpu.memory_space<hbm>>
        %dma_wait3A_885 = arith.constant 0 : i32
        %dma_wait3A_886 = tpu.memref_slice %arg4[%add3A_791, %dma_wait3A_885] : memref<8192x128xf32, #tpu.memory_space<hbm>> -> memref<32x128xf32, #tpu.memory_space<hbm>>
        tpu.wait_dma2 semaphore(%run_scoped3A : memref<!tpu.dma_semaphore, #tpu.memory_space<semaphore_mem>>) src(%dma_wait3A_886 : memref<32x128xf32, #tpu.memory_space<hbm>>) dst(%arg9 : memref<32x128xf32, #tpu.memory_space<vmem>>)
        tpu.yield
      }) : () -> ()
      %scan3A_873 = arith.constant 0 : i32
      %scan3A_874 = arith.constant 32 : i32
      %scan3A_875 = arith.addi %scan3A_873, %scan3A_874 : i32
      %scan3A_876 = arith.constant 1 : i32
      %scan3A_877:12 = scf.for %scan3A_879 = %scan3A_873 to %scan3A_875 step %scan3A_876 iter_args(%scan3A_880 = %scan3A_775, %scan3A_881 = %scan3A_776, %scan3A_882 = %scan3A_777, %scan3A_883 = %scan3A_778, %scan3A_884 = %scan3A_779, %scan3A_885 = %scan3A_780, %scan3A_886 = %scan3A_781, %scan3A_887 = %scan3A_782, %scan3A_888 = %scan3A_783, %scan3A_889 = %scan3A_784, %scan3A_890 = %scan3A_785, %scan3A_891 = %scan3A_786) -> (vector<16xf32>, vector<16xf32>, vector<16xf32>, vector<16xf32>, vector<16xf32>, vector<16xf32>, vector<16xf32>, vector<16xf32>, vector<16xf32>, vector<16xf32>, vector<16xf32>, vector<16xf32>)  : i32 {
        %broadcast_in_dim3A_892 = arith.constant 0xFF800000 : f32
        %broadcast_in_dim3A_893 = vector.broadcast %broadcast_in_dim3A_892 : f32 to vector<16xf32>
        %broadcast_in_dim3A_894 = arith.constant 0x7F800000 : f32
        %broadcast_in_dim3A_895 = vector.broadcast %broadcast_in_dim3A_894 : f32 to vector<16xf32>
        %mul3A_896 = arith.constant 16 : i32
        %mul3A_897 = arith.muli %scan3A_879, %mul3A_896 : i32
        %add3A_898 = arith.constant 0 : i32
        %add3A_899 = arith.addi %mul3A_897, %add3A_898 : i32
        %get3A = arith.index_cast %add3A_899 : i32 to index
        %get3A_900 = arith.constant 0 : index
        %get3A_901 = tpu.vector_load %arg8[%get3A, %get3A_900] {strides = array<i32>} : memref<512x128xf32, #tpu.memory_space<vmem>>, vector<1x16xf32>,
        %get3A_902 = vector.shape_cast %get3A_901 : vector<1x16xf32> to vector<16xf32>
        %max3A = arith.maximumf %broadcast_in_dim3A_893, %get3A_902 : vector<16xf32>
        %min3A = arith.minimumf %broadcast_in_dim3A_895, %get3A_902 : vector<16xf32>
        %add3A_903 = arith.addf %broadcast_in_dim3A_1, %get3A_902 : vector<16xf32>
        %mul3A_904 = arith.mulf %get3A_902, %get3A_902 : vector<16xf32>
        %add3A_905 = arith.addf %broadcast_in_dim3A_1, %mul3A_904 : vector<16xf32>
        %mul3A_906 = arith.constant 16 : i32
        %mul3A_907 = arith.muli %scan3A_879, %mul3A_906 : i32
        %add3A_908 = arith.constant 1 : i32
        %add3A_909 = arith.addi %mul3A_907, %add3A_908 : i32
        %get3A_910 = arith.index_cast %add3A_909 : i32 to index
        %get3A_911 = arith.constant 0 : index
        %get3A_912 = tpu.vector_load %arg8[%get3A_910, %get3A_911] {strides = array<i32>} : memref<512x128xf32, #tpu.memory_space<vmem>>, vector<1x16xf32>,
        %get3A_913 = vector.shape_cast %get3A_912 : vector<1x16xf32> to vector<16xf32>
        %max3A_914 = arith.maximumf %max3A, %get3A_913 : vector<16xf32>
        %min3A_915 = arith.minimumf %min3A, %get3A_913 : vector<16xf32>
        %add3A_916 = arith.addf %add3A_903, %get3A_913 : vector<16xf32>
        %mul3A_917 = arith.mulf %get3A_913, %get3A_913 : vector<16xf32>
        %add3A_918 = arith.addf %add3A_905, %mul3A_917 : vector<16xf32>
        %mul3A_919 = arith.constant 16 : i32
        %mul3A_920 = arith.muli %scan3A_879, %mul3A_919 : i32
        %add3A_921 = arith.constant 2 : i32
        %add3A_922 = arith.addi %mul3A_920, %add3A_921 : i32
        %get3A_923 = arith.index_cast %add3A_922 : i32 to index
        %get3A_924 = arith.constant 0 : index
        %get3A_925 = tpu.vector_load %arg8[%get3A_923, %get3A_924] {strides = array<i32>} : memref<512x128xf32, #tpu.memory_space<vmem>>, vector<1x16xf32>,
        %get3A_926 = vector.shape_cast %get3A_925 : vector<1x16xf32> to vector<16xf32>
        %max3A_927 = arith.maximumf %max3A_914, %get3A_926 : vector<16xf32>
        %min3A_928 = arith.minimumf %min3A_915, %get3A_926 : vector<16xf32>
        %add3A_929 = arith.addf %add3A_916, %get3A_926 : vector<16xf32>
        %mul3A_930 = arith.mulf %get3A_926, %get3A_926 : vector<16xf32>
        %add3A_931 = arith.addf %add3A_918, %mul3A_930 : vector<16xf32>
        %mul3A_932 = arith.constant 16 : i32
        %mul3A_933 = arith.muli %scan3A_879, %mul3A_932 : i32
        %add3A_934 = arith.constant 3 : i32
        %add3A_935 = arith.addi %mul3A_933, %add3A_934 : i32
        %get3A_936 = arith.index_cast %add3A_935 : i32 to index
        %get3A_937 = arith.constant 0 : index
        %get3A_938 = tpu.vector_load %arg8[%get3A_936, %get3A_937] {strides = array<i32>} : memref<512x128xf32, #tpu.memory_space<vmem>>, vector<1x16xf32>,
        %get3A_939 = vector.shape_cast %get3A_938 : vector<1x16xf32> to vector<16xf32>
        %max3A_940 = arith.maximumf %max3A_927, %get3A_939 : vector<16xf32>
        %min3A_941 = arith.minimumf %min3A_928, %get3A_939 : vector<16xf32>
        %add3A_942 = arith.addf %add3A_929, %get3A_939 : vector<16xf32>
        %mul3A_943 = arith.mulf %get3A_939, %get3A_939 : vector<16xf32>
        %add3A_944 = arith.addf %add3A_931, %mul3A_943 : vector<16xf32>
        %mul3A_945 = arith.constant 16 : i32
        %mul3A_946 = arith.muli %scan3A_879, %mul3A_945 : i32
        %add3A_947 = arith.constant 4 : i32
        %add3A_948 = arith.addi %mul3A_946, %add3A_947 : i32
        %get3A_949 = arith.index_cast %add3A_948 : i32 to index
        %get3A_950 = arith.constant 0 : index
        %get3A_951 = tpu.vector_load %arg8[%get3A_949, %get3A_950] {strides = array<i32>} : memref<512x128xf32, #tpu.memory_space<vmem>>, vector<1x16xf32>,
        %get3A_952 = vector.shape_cast %get3A_951 : vector<1x16xf32> to vector<16xf32>
        %max3A_953 = arith.maximumf %max3A_940, %get3A_952 : vector<16xf32>
        %min3A_954 = arith.minimumf %min3A_941, %get3A_952 : vector<16xf32>
        %add3A_955 = arith.addf %add3A_942, %get3A_952 : vector<16xf32>
        %mul3A_956 = arith.mulf %get3A_952, %get3A_952 : vector<16xf32>
        %add3A_957 = arith.addf %add3A_944, %mul3A_956 : vector<16xf32>
        %mul3A_958 = arith.constant 16 : i32
        %mul3A_959 = arith.muli %scan3A_879, %mul3A_958 : i32
        %add3A_960 = arith.constant 5 : i32
        %add3A_961 = arith.addi %mul3A_959, %add3A_960 : i32
        %get3A_962 = arith.index_cast %add3A_961 : i32 to index
        %get3A_963 = arith.constant 0 : index
        %get3A_964 = tpu.vector_load %arg8[%get3A_962, %get3A_963] {strides = array<i32>} : memref<512x128xf32, #tpu.memory_space<vmem>>, vector<1x16xf32>,
        %get3A_965 = vector.shape_cast %get3A_964 : vector<1x16xf32> to vector<16xf32>
        %max3A_966 = arith.maximumf %max3A_953, %get3A_965 : vector<16xf32>
        %min3A_967 = arith.minimumf %min3A_954, %get3A_965 : vector<16xf32>
        %add3A_968 = arith.addf %add3A_955, %get3A_965 : vector<16xf32>
        %mul3A_969 = arith.mulf %get3A_965, %get3A_965 : vector<16xf32>
        %add3A_970 = arith.addf %add3A_957, %mul3A_969 : vector<16xf32>
        %mul3A_971 = arith.constant 16 : i32
        %mul3A_972 = arith.muli %scan3A_879, %mul3A_971 : i32
        %add3A_973 = arith.constant 6 : i32
        %add3A_974 = arith.addi %mul3A_972, %add3A_973 : i32
        %get3A_975 = arith.index_cast %add3A_974 : i32 to index
        %get3A_976 = arith.constant 0 : index
        %get3A_977 = tpu.vector_load %arg8[%get3A_975, %get3A_976] {strides = array<i32>} : memref<512x128xf32, #tpu.memory_space<vmem>>, vector<1x16xf32>,
        %get3A_978 = vector.shape_cast %get3A_977 : vector<1x16xf32> to vector<16xf32>
        %max3A_979 = arith.maximumf %max3A_966, %get3A_978 : vector<16xf32>
        %min3A_980 = arith.minimumf %min3A_967, %get3A_978 : vector<16xf32>
        %add3A_981 = arith.addf %add3A_968, %get3A_978 : vector<16xf32>
        %mul3A_982 = arith.mulf %get3A_978, %get3A_978 : vector<16xf32>
        %add3A_983 = arith.addf %add3A_970, %mul3A_982 : vector<16xf32>
        %mul3A_984 = arith.constant 16 : i32
        %mul3A_985 = arith.muli %scan3A_879, %mul3A_984 : i32
        %add3A_986 = arith.constant 7 : i32
        %add3A_987 = arith.addi %mul3A_985, %add3A_986 : i32
        %get3A_988 = arith.index_cast %add3A_987 : i32 to index
        %get3A_989 = arith.constant 0 : index
        %get3A_990 = tpu.vector_load %arg8[%get3A_988, %get3A_989] {strides = array<i32>} : memref<512x128xf32, #tpu.memory_space<vmem>>, vector<1x16xf32>,
        %get3A_991 = vector.shape_cast %get3A_990 : vector<1x16xf32> to vector<16xf32>
        %max3A_992 = arith.maximumf %max3A_979, %get3A_991 : vector<16xf32>
        %min3A_993 = arith.minimumf %min3A_980, %get3A_991 : vector<16xf32>
        %add3A_994 = arith.addf %add3A_981, %get3A_991 : vector<16xf32>
        %mul3A_995 = arith.mulf %get3A_991, %get3A_991 : vector<16xf32>
        %add3A_996 = arith.addf %add3A_983, %mul3A_995 : vector<16xf32>
        %mul3A_997 = arith.constant 16 : i32
        %mul3A_998 = arith.muli %scan3A_879, %mul3A_997 : i32
        %add3A_999 = arith.constant 8 : i32
        %add3A_1000 = arith.addi %mul3A_998, %add3A_999 : i32
        %get3A_1001 = arith.index_cast %add3A_1000 : i32 to index
        %get3A_1002 = arith.constant 0 : index
        %get3A_1003 = tpu.vector_load %arg8[%get3A_1001, %get3A_1002] {strides = array<i32>} : memref<512x128xf32, #tpu.memory_space<vmem>>, vector<1x16xf32>,
        %get3A_1004 = vector.shape_cast %get3A_1003 : vector<1x16xf32> to vector<16xf32>
        %max3A_1005 = arith.maximumf %max3A_992, %get3A_1004 : vector<16xf32>
        %min3A_1006 = arith.minimumf %min3A_993, %get3A_1004 : vector<16xf32>
        %add3A_1007 = arith.addf %add3A_994, %get3A_1004 : vector<16xf32>
        %mul3A_1008 = arith.mulf %get3A_1004, %get3A_1004 : vector<16xf32>
        %add3A_1009 = arith.addf %add3A_996, %mul3A_1008 : vector<16xf32>
        %mul3A_1010 = arith.constant 16 : i32
        %mul3A_1011 = arith.muli %scan3A_879, %mul3A_1010 : i32
        %add3A_1012 = arith.constant 9 : i32
        %add3A_1013 = arith.addi %mul3A_1011, %add3A_1012 : i32
        %get3A_1014 = arith.index_cast %add3A_1013 : i32 to index
        %get3A_1015 = arith.constant 0 : index
        %get3A_1016 = tpu.vector_load %arg8[%get3A_1014, %get3A_1015] {strides = array<i32>} : memref<512x128xf32, #tpu.memory_space<vmem>>, vector<1x16xf32>,
        %get3A_1017 = vector.shape_cast %get3A_1016 : vector<1x16xf32> to vector<16xf32>
        %max3A_1018 = arith.maximumf %max3A_1005, %get3A_1017 : vector<16xf32>
        %min3A_1019 = arith.minimumf %min3A_1006, %get3A_1017 : vector<16xf32>
        %add3A_1020 = arith.addf %add3A_1007, %get3A_1017 : vector<16xf32>
        %mul3A_1021 = arith.mulf %get3A_1017, %get3A_1017 : vector<16xf32>
        %add3A_1022 = arith.addf %add3A_1009, %mul3A_1021 : vector<16xf32>
        %mul3A_1023 = arith.constant 16 : i32
        %mul3A_1024 = arith.muli %scan3A_879, %mul3A_1023 : i32
        %add3A_1025 = arith.constant 10 : i32
        %add3A_1026 = arith.addi %mul3A_1024, %add3A_1025 : i32
        %get3A_1027 = arith.index_cast %add3A_1026 : i32 to index
        %get3A_1028 = arith.constant 0 : index
        %get3A_1029 = tpu.vector_load %arg8[%get3A_1027, %get3A_1028] {strides = array<i32>} : memref<512x128xf32, #tpu.memory_space<vmem>>, vector<1x16xf32>,
        %get3A_1030 = vector.shape_cast %get3A_1029 : vector<1x16xf32> to vector<16xf32>
        %max3A_1031 = arith.maximumf %max3A_1018, %get3A_1030 : vector<16xf32>
        %min3A_1032 = arith.minimumf %min3A_1019, %get3A_1030 : vector<16xf32>
        %add3A_1033 = arith.addf %add3A_1020, %get3A_1030 : vector<16xf32>
        %mul3A_1034 = arith.mulf %get3A_1030, %get3A_1030 : vector<16xf32>
        %add3A_1035 = arith.addf %add3A_1022, %mul3A_1034 : vector<16xf32>
        %mul3A_1036 = arith.constant 16 : i32
        %mul3A_1037 = arith.muli %scan3A_879, %mul3A_1036 : i32
        %add3A_1038 = arith.constant 11 : i32
        %add3A_1039 = arith.addi %mul3A_1037, %add3A_1038 : i32
        %get3A_1040 = arith.index_cast %add3A_1039 : i32 to index
        %get3A_1041 = arith.constant 0 : index
        %get3A_1042 = tpu.vector_load %arg8[%get3A_1040, %get3A_1041] {strides = array<i32>} : memref<512x128xf32, #tpu.memory_space<vmem>>, vector<1x16xf32>,
        %get3A_1043 = vector.shape_cast %get3A_1042 : vector<1x16xf32> to vector<16xf32>
        %max3A_1044 = arith.maximumf %max3A_1031, %get3A_1043 : vector<16xf32>
        %min3A_1045 = arith.minimumf %min3A_1032, %get3A_1043 : vector<16xf32>
        %add3A_1046 = arith.addf %add3A_1033, %get3A_1043 : vector<16xf32>
        %mul3A_1047 = arith.mulf %get3A_1043, %get3A_1043 : vector<16xf32>
        %add3A_1048 = arith.addf %add3A_1035, %mul3A_1047 : vector<16xf32>
        %mul3A_1049 = arith.constant 16 : i32
        %mul3A_1050 = arith.muli %scan3A_879, %mul3A_1049 : i32
        %add3A_1051 = arith.constant 12 : i32
        %add3A_1052 = arith.addi %mul3A_1050, %add3A_1051 : i32
        %get3A_1053 = arith.index_cast %add3A_1052 : i32 to index
        %get3A_1054 = arith.constant 0 : index
        %get3A_1055 = tpu.vector_load %arg8[%get3A_1053, %get3A_1054] {strides = array<i32>} : memref<512x128xf32, #tpu.memory_space<vmem>>, vector<1x16xf32>,
        %get3A_1056 = vector.shape_cast %get3A_1055 : vector<1x16xf32> to vector<16xf32>
        %max3A_1057 = arith.maximumf %max3A_1044, %get3A_1056 : vector<16xf32>
        %min3A_1058 = arith.minimumf %min3A_1045, %get3A_1056 : vector<16xf32>
        %add3A_1059 = arith.addf %add3A_1046, %get3A_1056 : vector<16xf32>
        %mul3A_1060 = arith.mulf %get3A_1056, %get3A_1056 : vector<16xf32>
        %add3A_1061 = arith.addf %add3A_1048, %mul3A_1060 : vector<16xf32>
        %mul3A_1062 = arith.constant 16 : i32
        %mul3A_1063 = arith.muli %scan3A_879, %mul3A_1062 : i32
        %add3A_1064 = arith.constant 13 : i32
        %add3A_1065 = arith.addi %mul3A_1063, %add3A_1064 : i32
        %get3A_1066 = arith.index_cast %add3A_1065 : i32 to index
        %get3A_1067 = arith.constant 0 : index
        %get3A_1068 = tpu.vector_load %arg8[%get3A_1066, %get3A_1067] {strides = array<i32>} : memref<512x128xf32, #tpu.memory_space<vmem>>, vector<1x16xf32>,
        %get3A_1069 = vector.shape_cast %get3A_1068 : vector<1x16xf32> to vector<16xf32>
        %max3A_1070 = arith.maximumf %max3A_1057, %get3A_1069 : vector<16xf32>
        %min3A_1071 = arith.minimumf %min3A_1058, %get3A_1069 : vector<16xf32>
        %add3A_1072 = arith.addf %add3A_1059, %get3A_1069 : vector<16xf32>
        %mul3A_1073 = arith.mulf %get3A_1069, %get3A_1069 : vector<16xf32>
        %add3A_1074 = arith.addf %add3A_1061, %mul3A_1073 : vector<16xf32>
        %mul3A_1075 = arith.constant 16 : i32
        %mul3A_1076 = arith.muli %scan3A_879, %mul3A_1075 : i32
        %add3A_1077 = arith.constant 14 : i32
        %add3A_1078 = arith.addi %mul3A_1076, %add3A_1077 : i32
        %get3A_1079 = arith.index_cast %add3A_1078 : i32 to index
        %get3A_1080 = arith.constant 0 : index
        %get3A_1081 = tpu.vector_load %arg8[%get3A_1079, %get3A_1080] {strides = array<i32>} : memref<512x128xf32, #tpu.memory_space<vmem>>, vector<1x16xf32>,
        %get3A_1082 = vector.shape_cast %get3A_1081 : vector<1x16xf32> to vector<16xf32>
        %max3A_1083 = arith.maximumf %max3A_1070, %get3A_1082 : vector<16xf32>
        %min3A_1084 = arith.minimumf %min3A_1071, %get3A_1082 : vector<16xf32>
        %add3A_1085 = arith.addf %add3A_1072, %get3A_1082 : vector<16xf32>
        %mul3A_1086 = arith.mulf %get3A_1082, %get3A_1082 : vector<16xf32>
        %add3A_1087 = arith.addf %add3A_1074, %mul3A_1086 : vector<16xf32>
        %mul3A_1088 = arith.constant 16 : i32
        %mul3A_1089 = arith.muli %scan3A_879, %mul3A_1088 : i32
        %add3A_1090 = arith.constant 15 : i32
        %add3A_1091 = arith.addi %mul3A_1089, %add3A_1090 : i32
        %get3A_1092 = arith.index_cast %add3A_1091 : i32 to index
        %get3A_1093 = arith.constant 0 : index
        %get3A_1094 = tpu.vector_load %arg8[%get3A_1092, %get3A_1093] {strides = array<i32>} : memref<512x128xf32, #tpu.memory_space<vmem>>, vector<1x16xf32>,
        %get3A_1095 = vector.shape_cast %get3A_1094 : vector<1x16xf32> to vector<16xf32>
        %max3A_1096 = arith.maximumf %max3A_1083, %get3A_1095 : vector<16xf32>
        %min3A_1097 = arith.minimumf %min3A_1084, %get3A_1095 : vector<16xf32>
        %add3A_1098 = arith.addf %add3A_1085, %get3A_1095 : vector<16xf32>
        %mul3A_1099 = arith.mulf %get3A_1095, %get3A_1095 : vector<16xf32>
        %add3A_1100 = arith.addf %add3A_1087, %mul3A_1099 : vector<16xf32>
        %swap3A_1101 = arith.index_cast %scan3A_879 : i32 to index
        %swap3A_1102 = arith.constant 0 : index
        %swap3A_1103 = tpu.vector_load %arg10[%swap3A_1101, %swap3A_1102] {strides = array<i32>} : memref<32x128xf32, #tpu.memory_space<vmem>>, vector<1x16xf32>,
        %swap3A_1104 = vector.shape_cast %swap3A_1103 : vector<1x16xf32> to vector<16xf32>
        %swap3A_1105 = vector.shape_cast %max3A_1096 : vector<16xf32> to vector<1x16xf32>
        tpu.vector_store %arg10[%swap3A_1101, %swap3A_1102], %swap3A_1105 {strides = array<i32>} : memref<32x128xf32, #tpu.memory_space<vmem>>, vector<1x16xf32>,
        %swap3A_1106 = arith.index_cast %scan3A_879 : i32 to index
        %swap3A_1107 = arith.constant 64 : index
        %swap3A_1108 = tpu.vector_load %arg10[%swap3A_1106, %swap3A_1107] {strides = array<i32>} : memref<32x128xf32, #tpu.memory_space<vmem>>, vector<1x16xf32>,
        %swap3A_1109 = vector.shape_cast %swap3A_1108 : vector<1x16xf32> to vector<16xf32>
        %swap3A_1110 = vector.shape_cast %min3A_1097 : vector<16xf32> to vector<1x16xf32>
        tpu.vector_store %arg10[%swap3A_1106, %swap3A_1107], %swap3A_1110 {strides = array<i32>} : memref<32x128xf32, #tpu.memory_space<vmem>>, vector<1x16xf32>,
        %get3A_1111 = arith.index_cast %scan3A_879 : i32 to index
        %get3A_1112 = arith.constant 0 : index
        %get3A_1113 = tpu.vector_load %arg9[%get3A_1111, %get3A_1112] {strides = array<i32>} : memref<32x128xf32, #tpu.memory_space<vmem>>, vector<1x16xf32>,
        %get3A_1114 = vector.shape_cast %get3A_1113 : vector<1x16xf32> to vector<16xf32>
        %add3A_1115 = arith.addf %scan3A_880, %add3A_1098 : vector<16xf32>
        %add3A_1116 = arith.addf %scan3A_884, %add3A_1100 : vector<16xf32>
        %mul3A_1117 = arith.mulf %get3A_1114, %add3A_1098 : vector<16xf32>
        %add3A_1118 = arith.addf %scan3A_888, %mul3A_1117 : vector<16xf32>
        %broadcast_in_dim3A_1119 = arith.constant 0xFF800000 : f32
        %broadcast_in_dim3A_1120 = vector.broadcast %broadcast_in_dim3A_1119 : f32 to vector<16xf32>
        %broadcast_in_dim3A_1121 = arith.constant 0x7F800000 : f32
        %broadcast_in_dim3A_1122 = vector.broadcast %broadcast_in_dim3A_1121 : f32 to vector<16xf32>
        %mul3A_1123 = arith.constant 16 : i32
        %mul3A_1124 = arith.muli %scan3A_879, %mul3A_1123 : i32
        %add3A_1125 = arith.constant 0 : i32
        %add3A_1126 = arith.addi %mul3A_1124, %add3A_1125 : i32
        %get3A_1127 = arith.index_cast %add3A_1126 : i32 to index
        %get3A_1128 = arith.constant 16 : index
        %get3A_1129 = tpu.vector_load %arg8[%get3A_1127, %get3A_1128] {strides = array<i32>} : memref<512x128xf32, #tpu.memory_space<vmem>>, vector<1x16xf32>,
        %get3A_1130 = vector.shape_cast %get3A_1129 : vector<1x16xf32> to vector<16xf32>
        %max3A_1131 = arith.maximumf %broadcast_in_dim3A_1120, %get3A_1130 : vector<16xf32>
        %min3A_1132 = arith.minimumf %broadcast_in_dim3A_1122, %get3A_1130 : vector<16xf32>
        %add3A_1133 = arith.addf %broadcast_in_dim3A_1, %get3A_1130 : vector<16xf32>
        %mul3A_1134 = arith.mulf %get3A_1130, %get3A_1130 : vector<16xf32>
        %add3A_1135 = arith.addf %broadcast_in_dim3A_1, %mul3A_1134 : vector<16xf32>
        %mul3A_1136 = arith.constant 16 : i32
        %mul3A_1137 = arith.muli %scan3A_879, %mul3A_1136 : i32
        %add3A_1138 = arith.constant 1 : i32
        %add3A_1139 = arith.addi %mul3A_1137, %add3A_1138 : i32
        %get3A_1140 = arith.index_cast %add3A_1139 : i32 to index
        %get3A_1141 = arith.constant 16 : index
        %get3A_1142 = tpu.vector_load %arg8[%get3A_1140, %get3A_1141] {strides = array<i32>} : memref<512x128xf32, #tpu.memory_space<vmem>>, vector<1x16xf32>,
        %get3A_1143 = vector.shape_cast %get3A_1142 : vector<1x16xf32> to vector<16xf32>
        %max3A_1144 = arith.maximumf %max3A_1131, %get3A_1143 : vector<16xf32>
        %min3A_1145 = arith.minimumf %min3A_1132, %get3A_1143 : vector<16xf32>
        %add3A_1146 = arith.addf %add3A_1133, %get3A_1143 : vector<16xf32>
        %mul3A_1147 = arith.mulf %get3A_1143, %get3A_1143 : vector<16xf32>
        %add3A_1148 = arith.addf %add3A_1135, %mul3A_1147 : vector<16xf32>
        %mul3A_1149 = arith.constant 16 : i32
        %mul3A_1150 = arith.muli %scan3A_879, %mul3A_1149 : i32
        %add3A_1151 = arith.constant 2 : i32
        %add3A_1152 = arith.addi %mul3A_1150, %add3A_1151 : i32
        %get3A_1153 = arith.index_cast %add3A_1152 : i32 to index
        %get3A_1154 = arith.constant 16 : index
        %get3A_1155 = tpu.vector_load %arg8[%get3A_1153, %get3A_1154] {strides = array<i32>} : memref<512x128xf32, #tpu.memory_space<vmem>>, vector<1x16xf32>,
        %get3A_1156 = vector.shape_cast %get3A_1155 : vector<1x16xf32> to vector<16xf32>
        %max3A_1157 = arith.maximumf %max3A_1144, %get3A_1156 : vector<16xf32>
        %min3A_1158 = arith.minimumf %min3A_1145, %get3A_1156 : vector<16xf32>
        %add3A_1159 = arith.addf %add3A_1146, %get3A_1156 : vector<16xf32>
        %mul3A_1160 = arith.mulf %get3A_1156, %get3A_1156 : vector<16xf32>
        %add3A_1161 = arith.addf %add3A_1148, %mul3A_1160 : vector<16xf32>
        %mul3A_1162 = arith.constant 16 : i32
        %mul3A_1163 = arith.muli %scan3A_879, %mul3A_1162 : i32
        %add3A_1164 = arith.constant 3 : i32
        %add3A_1165 = arith.addi %mul3A_1163, %add3A_1164 : i32
        %get3A_1166 = arith.index_cast %add3A_1165 : i32 to index
        %get3A_1167 = arith.constant 16 : index
        %get3A_1168 = tpu.vector_load %arg8[%get3A_1166, %get3A_1167] {strides = array<i32>} : memref<512x128xf32, #tpu.memory_space<vmem>>, vector<1x16xf32>,
        %get3A_1169 = vector.shape_cast %get3A_1168 : vector<1x16xf32> to vector<16xf32>
        %max3A_1170 = arith.maximumf %max3A_1157, %get3A_1169 : vector<16xf32>
        %min3A_1171 = arith.minimumf %min3A_1158, %get3A_1169 : vector<16xf32>
        %add3A_1172 = arith.addf %add3A_1159, %get3A_1169 : vector<16xf32>
        %mul3A_1173 = arith.mulf %get3A_1169, %get3A_1169 : vector<16xf32>
        %add3A_1174 = arith.addf %add3A_1161, %mul3A_1173 : vector<16xf32>
        %mul3A_1175 = arith.constant 16 : i32
        %mul3A_1176 = arith.muli %scan3A_879, %mul3A_1175 : i32
        %add3A_1177 = arith.constant 4 : i32
        %add3A_1178 = arith.addi %mul3A_1176, %add3A_1177 : i32
        %get3A_1179 = arith.index_cast %add3A_1178 : i32 to index
        %get3A_1180 = arith.constant 16 : index
        %get3A_1181 = tpu.vector_load %arg8[%get3A_1179, %get3A_1180] {strides = array<i32>} : memref<512x128xf32, #tpu.memory_space<vmem>>, vector<1x16xf32>,
        %get3A_1182 = vector.shape_cast %get3A_1181 : vector<1x16xf32> to vector<16xf32>
        %max3A_1183 = arith.maximumf %max3A_1170, %get3A_1182 : vector<16xf32>
        %min3A_1184 = arith.minimumf %min3A_1171, %get3A_1182 : vector<16xf32>
        %add3A_1185 = arith.addf %add3A_1172, %get3A_1182 : vector<16xf32>
        %mul3A_1186 = arith.mulf %get3A_1182, %get3A_1182 : vector<16xf32>
        %add3A_1187 = arith.addf %add3A_1174, %mul3A_1186 : vector<16xf32>
        %mul3A_1188 = arith.constant 16 : i32
        %mul3A_1189 = arith.muli %scan3A_879, %mul3A_1188 : i32
        %add3A_1190 = arith.constant 5 : i32
        %add3A_1191 = arith.addi %mul3A_1189, %add3A_1190 : i32
        %get3A_1192 = arith.index_cast %add3A_1191 : i32 to index
        %get3A_1193 = arith.constant 16 : index
        %get3A_1194 = tpu.vector_load %arg8[%get3A_1192, %get3A_1193] {strides = array<i32>} : memref<512x128xf32, #tpu.memory_space<vmem>>, vector<1x16xf32>,
        %get3A_1195 = vector.shape_cast %get3A_1194 : vector<1x16xf32> to vector<16xf32>
        %max3A_1196 = arith.maximumf %max3A_1183, %get3A_1195 : vector<16xf32>
        %min3A_1197 = arith.minimumf %min3A_1184, %get3A_1195 : vector<16xf32>
        %add3A_1198 = arith.addf %add3A_1185, %get3A_1195 : vector<16xf32>
        %mul3A_1199 = arith.mulf %get3A_1195, %get3A_1195 : vector<16xf32>
        %add3A_1200 = arith.addf %add3A_1187, %mul3A_1199 : vector<16xf32>
        %mul3A_1201 = arith.constant 16 : i32
        %mul3A_1202 = arith.muli %scan3A_879, %mul3A_1201 : i32
        %add3A_1203 = arith.constant 6 : i32
        %add3A_1204 = arith.addi %mul3A_1202, %add3A_1203 : i32
        %get3A_1205 = arith.index_cast %add3A_1204 : i32 to index
        %get3A_1206 = arith.constant 16 : index
        %get3A_1207 = tpu.vector_load %arg8[%get3A_1205, %get3A_1206] {strides = array<i32>} : memref<512x128xf32, #tpu.memory_space<vmem>>, vector<1x16xf32>,
        %get3A_1208 = vector.shape_cast %get3A_1207 : vector<1x16xf32> to vector<16xf32>
        %max3A_1209 = arith.maximumf %max3A_1196, %get3A_1208 : vector<16xf32>
        %min3A_1210 = arith.minimumf %min3A_1197, %get3A_1208 : vector<16xf32>
        %add3A_1211 = arith.addf %add3A_1198, %get3A_1208 : vector<16xf32>
        %mul3A_1212 = arith.mulf %get3A_1208, %get3A_1208 : vector<16xf32>
        %add3A_1213 = arith.addf %add3A_1200, %mul3A_1212 : vector<16xf32>
        %mul3A_1214 = arith.constant 16 : i32
        %mul3A_1215 = arith.muli %scan3A_879, %mul3A_1214 : i32
        %add3A_1216 = arith.constant 7 : i32
        %add3A_1217 = arith.addi %mul3A_1215, %add3A_1216 : i32
        %get3A_1218 = arith.index_cast %add3A_1217 : i32 to index
        %get3A_1219 = arith.constant 16 : index
        %get3A_1220 = tpu.vector_load %arg8[%get3A_1218, %get3A_1219] {strides = array<i32>} : memref<512x128xf32, #tpu.memory_space<vmem>>, vector<1x16xf32>,
        %get3A_1221 = vector.shape_cast %get3A_1220 : vector<1x16xf32> to vector<16xf32>
        %max3A_1222 = arith.maximumf %max3A_1209, %get3A_1221 : vector<16xf32>
        %min3A_1223 = arith.minimumf %min3A_1210, %get3A_1221 : vector<16xf32>
        %add3A_1224 = arith.addf %add3A_1211, %get3A_1221 : vector<16xf32>
        %mul3A_1225 = arith.mulf %get3A_1221, %get3A_1221 : vector<16xf32>
        %add3A_1226 = arith.addf %add3A_1213, %mul3A_1225 : vector<16xf32>
        %mul3A_1227 = arith.constant 16 : i32
        %mul3A_1228 = arith.muli %scan3A_879, %mul3A_1227 : i32
        %add3A_1229 = arith.constant 8 : i32
        %add3A_1230 = arith.addi %mul3A_1228, %add3A_1229 : i32
        %get3A_1231 = arith.index_cast %add3A_1230 : i32 to index
        %get3A_1232 = arith.constant 16 : index
        %get3A_1233 = tpu.vector_load %arg8[%get3A_1231, %get3A_1232] {strides = array<i32>} : memref<512x128xf32, #tpu.memory_space<vmem>>, vector<1x16xf32>,
        %get3A_1234 = vector.shape_cast %get3A_1233 : vector<1x16xf32> to vector<16xf32>
        %max3A_1235 = arith.maximumf %max3A_1222, %get3A_1234 : vector<16xf32>
        %min3A_1236 = arith.minimumf %min3A_1223, %get3A_1234 : vector<16xf32>
        %add3A_1237 = arith.addf %add3A_1224, %get3A_1234 : vector<16xf32>
        %mul3A_1238 = arith.mulf %get3A_1234, %get3A_1234 : vector<16xf32>
        %add3A_1239 = arith.addf %add3A_1226, %mul3A_1238 : vector<16xf32>
        %mul3A_1240 = arith.constant 16 : i32
        %mul3A_1241 = arith.muli %scan3A_879, %mul3A_1240 : i32
        %add3A_1242 = arith.constant 9 : i32
        %add3A_1243 = arith.addi %mul3A_1241, %add3A_1242 : i32
        %get3A_1244 = arith.index_cast %add3A_1243 : i32 to index
        %get3A_1245 = arith.constant 16 : index
        %get3A_1246 = tpu.vector_load %arg8[%get3A_1244, %get3A_1245] {strides = array<i32>} : memref<512x128xf32, #tpu.memory_space<vmem>>, vector<1x16xf32>,
        %get3A_1247 = vector.shape_cast %get3A_1246 : vector<1x16xf32> to vector<16xf32>
        %max3A_1248 = arith.maximumf %max3A_1235, %get3A_1247 : vector<16xf32>
        %min3A_1249 = arith.minimumf %min3A_1236, %get3A_1247 : vector<16xf32>
        %add3A_1250 = arith.addf %add3A_1237, %get3A_1247 : vector<16xf32>
        %mul3A_1251 = arith.mulf %get3A_1247, %get3A_1247 : vector<16xf32>
        %add3A_1252 = arith.addf %add3A_1239, %mul3A_1251 : vector<16xf32>
        %mul3A_1253 = arith.constant 16 : i32
        %mul3A_1254 = arith.muli %scan3A_879, %mul3A_1253 : i32
        %add3A_1255 = arith.constant 10 : i32
        %add3A_1256 = arith.addi %mul3A_1254, %add3A_1255 : i32
        %get3A_1257 = arith.index_cast %add3A_1256 : i32 to index
        %get3A_1258 = arith.constant 16 : index
        %get3A_1259 = tpu.vector_load %arg8[%get3A_1257, %get3A_1258] {strides = array<i32>} : memref<512x128xf32, #tpu.memory_space<vmem>>, vector<1x16xf32>,
        %get3A_1260 = vector.shape_cast %get3A_1259 : vector<1x16xf32> to vector<16xf32>
        %max3A_1261 = arith.maximumf %max3A_1248, %get3A_1260 : vector<16xf32>
        %min3A_1262 = arith.minimumf %min3A_1249, %get3A_1260 : vector<16xf32>
        %add3A_1263 = arith.addf %add3A_1250, %get3A_1260 : vector<16xf32>
        %mul3A_1264 = arith.mulf %get3A_1260, %get3A_1260 : vector<16xf32>
        %add3A_1265 = arith.addf %add3A_1252, %mul3A_1264 : vector<16xf32>
        %mul3A_1266 = arith.constant 16 : i32
        %mul3A_1267 = arith.muli %scan3A_879, %mul3A_1266 : i32
        %add3A_1268 = arith.constant 11 : i32
        %add3A_1269 = arith.addi %mul3A_1267, %add3A_1268 : i32
        %get3A_1270 = arith.index_cast %add3A_1269 : i32 to index
        %get3A_1271 = arith.constant 16 : index
        %get3A_1272 = tpu.vector_load %arg8[%get3A_1270, %get3A_1271] {strides = array<i32>} : memref<512x128xf32, #tpu.memory_space<vmem>>, vector<1x16xf32>,
        %get3A_1273 = vector.shape_cast %get3A_1272 : vector<1x16xf32> to vector<16xf32>
        %max3A_1274 = arith.maximumf %max3A_1261, %get3A_1273 : vector<16xf32>
        %min3A_1275 = arith.minimumf %min3A_1262, %get3A_1273 : vector<16xf32>
        %add3A_1276 = arith.addf %add3A_1263, %get3A_1273 : vector<16xf32>
        %mul3A_1277 = arith.mulf %get3A_1273, %get3A_1273 : vector<16xf32>
        %add3A_1278 = arith.addf %add3A_1265, %mul3A_1277 : vector<16xf32>
        %mul3A_1279 = arith.constant 16 : i32
        %mul3A_1280 = arith.muli %scan3A_879, %mul3A_1279 : i32
        %add3A_1281 = arith.constant 12 : i32
        %add3A_1282 = arith.addi %mul3A_1280, %add3A_1281 : i32
        %get3A_1283 = arith.index_cast %add3A_1282 : i32 to index
        %get3A_1284 = arith.constant 16 : index
        %get3A_1285 = tpu.vector_load %arg8[%get3A_1283, %get3A_1284] {strides = array<i32>} : memref<512x128xf32, #tpu.memory_space<vmem>>, vector<1x16xf32>,
        %get3A_1286 = vector.shape_cast %get3A_1285 : vector<1x16xf32> to vector<16xf32>
        %max3A_1287 = arith.maximumf %max3A_1274, %get3A_1286 : vector<16xf32>
        %min3A_1288 = arith.minimumf %min3A_1275, %get3A_1286 : vector<16xf32>
        %add3A_1289 = arith.addf %add3A_1276, %get3A_1286 : vector<16xf32>
        %mul3A_1290 = arith.mulf %get3A_1286, %get3A_1286 : vector<16xf32>
        %add3A_1291 = arith.addf %add3A_1278, %mul3A_1290 : vector<16xf32>
        %mul3A_1292 = arith.constant 16 : i32
        %mul3A_1293 = arith.muli %scan3A_879, %mul3A_1292 : i32
        %add3A_1294 = arith.constant 13 : i32
        %add3A_1295 = arith.addi %mul3A_1293, %add3A_1294 : i32
        %get3A_1296 = arith.index_cast %add3A_1295 : i32 to index
        %get3A_1297 = arith.constant 16 : index
        %get3A_1298 = tpu.vector_load %arg8[%get3A_1296, %get3A_1297] {strides = array<i32>} : memref<512x128xf32, #tpu.memory_space<vmem>>, vector<1x16xf32>,
        %get3A_1299 = vector.shape_cast %get3A_1298 : vector<1x16xf32> to vector<16xf32>
        %max3A_1300 = arith.maximumf %max3A_1287, %get3A_1299 : vector<16xf32>
        %min3A_1301 = arith.minimumf %min3A_1288, %get3A_1299 : vector<16xf32>
        %add3A_1302 = arith.addf %add3A_1289, %get3A_1299 : vector<16xf32>
        %mul3A_1303 = arith.mulf %get3A_1299, %get3A_1299 : vector<16xf32>
        %add3A_1304 = arith.addf %add3A_1291, %mul3A_1303 : vector<16xf32>
        %mul3A_1305 = arith.constant 16 : i32
        %mul3A_1306 = arith.muli %scan3A_879, %mul3A_1305 : i32
        %add3A_1307 = arith.constant 14 : i32
        %add3A_1308 = arith.addi %mul3A_1306, %add3A_1307 : i32
        %get3A_1309 = arith.index_cast %add3A_1308 : i32 to index
        %get3A_1310 = arith.constant 16 : index
        %get3A_1311 = tpu.vector_load %arg8[%get3A_1309, %get3A_1310] {strides = array<i32>} : memref<512x128xf32, #tpu.memory_space<vmem>>, vector<1x16xf32>,
        %get3A_1312 = vector.shape_cast %get3A_1311 : vector<1x16xf32> to vector<16xf32>
        %max3A_1313 = arith.maximumf %max3A_1300, %get3A_1312 : vector<16xf32>
        %min3A_1314 = arith.minimumf %min3A_1301, %get3A_1312 : vector<16xf32>
        %add3A_1315 = arith.addf %add3A_1302, %get3A_1312 : vector<16xf32>
        %mul3A_1316 = arith.mulf %get3A_1312, %get3A_1312 : vector<16xf32>
        %add3A_1317 = arith.addf %add3A_1304, %mul3A_1316 : vector<16xf32>
        %mul3A_1318 = arith.constant 16 : i32
        %mul3A_1319 = arith.muli %scan3A_879, %mul3A_1318 : i32
        %add3A_1320 = arith.constant 15 : i32
        %add3A_1321 = arith.addi %mul3A_1319, %add3A_1320 : i32
        %get3A_1322 = arith.index_cast %add3A_1321 : i32 to index
        %get3A_1323 = arith.constant 16 : index
        %get3A_1324 = tpu.vector_load %arg8[%get3A_1322, %get3A_1323] {strides = array<i32>} : memref<512x128xf32, #tpu.memory_space<vmem>>, vector<1x16xf32>,
        %get3A_1325 = vector.shape_cast %get3A_1324 : vector<1x16xf32> to vector<16xf32>
        %max3A_1326 = arith.maximumf %max3A_1313, %get3A_1325 : vector<16xf32>
        %min3A_1327 = arith.minimumf %min3A_1314, %get3A_1325 : vector<16xf32>
        %add3A_1328 = arith.addf %add3A_1315, %get3A_1325 : vector<16xf32>
        %mul3A_1329 = arith.mulf %get3A_1325, %get3A_1325 : vector<16xf32>
        %add3A_1330 = arith.addf %add3A_1317, %mul3A_1329 : vector<16xf32>
        %swap3A_1331 = arith.index_cast %scan3A_879 : i32 to index
        %swap3A_1332 = arith.constant 16 : index
        %swap3A_1333 = tpu.vector_load %arg10[%swap3A_1331, %swap3A_1332] {strides = array<i32>} : memref<32x128xf32, #tpu.memory_space<vmem>>, vector<1x16xf32>,
        %swap3A_1334 = vector.shape_cast %swap3A_1333 : vector<1x16xf32> to vector<16xf32>
        %swap3A_1335 = vector.shape_cast %max3A_1326 : vector<16xf32> to vector<1x16xf32>
        tpu.vector_store %arg10[%swap3A_1331, %swap3A_1332], %swap3A_1335 {strides = array<i32>} : memref<32x128xf32, #tpu.memory_space<vmem>>, vector<1x16xf32>,
        %swap3A_1336 = arith.index_cast %scan3A_879 : i32 to index
        %swap3A_1337 = arith.constant 80 : index
        %swap3A_1338 = tpu.vector_load %arg10[%swap3A_1336, %swap3A_1337] {strides = array<i32>} : memref<32x128xf32, #tpu.memory_space<vmem>>, vector<1x16xf32>,
        %swap3A_1339 = vector.shape_cast %swap3A_1338 : vector<1x16xf32> to vector<16xf32>
        %swap3A_1340 = vector.shape_cast %min3A_1327 : vector<16xf32> to vector<1x16xf32>
        tpu.vector_store %arg10[%swap3A_1336, %swap3A_1337], %swap3A_1340 {strides = array<i32>} : memref<32x128xf32, #tpu.memory_space<vmem>>, vector<1x16xf32>,
        %get3A_1341 = arith.index_cast %scan3A_879 : i32 to index
        %get3A_1342 = arith.constant 16 : index
        %get3A_1343 = tpu.vector_load %arg9[%get3A_1341, %get3A_1342] {strides = array<i32>} : memref<32x128xf32, #tpu.memory_space<vmem>>, vector<1x16xf32>,
        %get3A_1344 = vector.shape_cast %get3A_1343 : vector<1x16xf32> to vector<16xf32>
        %add3A_1345 = arith.addf %scan3A_881, %add3A_1328 : vector<16xf32>
        %add3A_1346 = arith.addf %scan3A_885, %add3A_1330 : vector<16xf32>
        %mul3A_1347 = arith.mulf %get3A_1344, %add3A_1328 : vector<16xf32>
        %add3A_1348 = arith.addf %scan3A_889, %mul3A_1347 : vector<16xf32>
        %broadcast_in_dim3A_1349 = arith.constant 0xFF800000 : f32
        %broadcast_in_dim3A_1350 = vector.broadcast %broadcast_in_dim3A_1349 : f32 to vector<16xf32>
        %broadcast_in_dim3A_1351 = arith.constant 0x7F800000 : f32
        %broadcast_in_dim3A_1352 = vector.broadcast %broadcast_in_dim3A_1351 : f32 to vector<16xf32>
        %mul3A_1353 = arith.constant 16 : i32
        %mul3A_1354 = arith.muli %scan3A_879, %mul3A_1353 : i32
        %add3A_1355 = arith.constant 0 : i32
        %add3A_1356 = arith.addi %mul3A_1354, %add3A_1355 : i32
        %get3A_1357 = arith.index_cast %add3A_1356 : i32 to index
        %get3A_1358 = arith.constant 32 : index
        %get3A_1359 = tpu.vector_load %arg8[%get3A_1357, %get3A_1358] {strides = array<i32>} : memref<512x128xf32, #tpu.memory_space<vmem>>, vector<1x16xf32>,
        %get3A_1360 = vector.shape_cast %get3A_1359 : vector<1x16xf32> to vector<16xf32>
        %max3A_1361 = arith.maximumf %broadcast_in_dim3A_1350, %get3A_1360 : vector<16xf32>
        %min3A_1362 = arith.minimumf %broadcast_in_dim3A_1352, %get3A_1360 : vector<16xf32>
        %add3A_1363 = arith.addf %broadcast_in_dim3A_1, %get3A_1360 : vector<16xf32>
        %mul3A_1364 = arith.mulf %get3A_1360, %get3A_1360 : vector<16xf32>
        %add3A_1365 = arith.addf %broadcast_in_dim3A_1, %mul3A_1364 : vector<16xf32>
        %mul3A_1366 = arith.constant 16 : i32
        %mul3A_1367 = arith.muli %scan3A_879, %mul3A_1366 : i32
        %add3A_1368 = arith.constant 1 : i32
        %add3A_1369 = arith.addi %mul3A_1367, %add3A_1368 : i32
        %get3A_1370 = arith.index_cast %add3A_1369 : i32 to index
        %get3A_1371 = arith.constant 32 : index
        %get3A_1372 = tpu.vector_load %arg8[%get3A_1370, %get3A_1371] {strides = array<i32>} : memref<512x128xf32, #tpu.memory_space<vmem>>, vector<1x16xf32>,
        %get3A_1373 = vector.shape_cast %get3A_1372 : vector<1x16xf32> to vector<16xf32>
        %max3A_1374 = arith.maximumf %max3A_1361, %get3A_1373 : vector<16xf32>
        %min3A_1375 = arith.minimumf %min3A_1362, %get3A_1373 : vector<16xf32>
        %add3A_1376 = arith.addf %add3A_1363, %get3A_1373 : vector<16xf32>
        %mul3A_1377 = arith.mulf %get3A_1373, %get3A_1373 : vector<16xf32>
        %add3A_1378 = arith.addf %add3A_1365, %mul3A_1377 : vector<16xf32>
        %mul3A_1379 = arith.constant 16 : i32
        %mul3A_1380 = arith.muli %scan3A_879, %mul3A_1379 : i32
        %add3A_1381 = arith.constant 2 : i32
        %add3A_1382 = arith.addi %mul3A_1380, %add3A_1381 : i32
        %get3A_1383 = arith.index_cast %add3A_1382 : i32 to index
        %get3A_1384 = arith.constant 32 : index
        %get3A_1385 = tpu.vector_load %arg8[%get3A_1383, %get3A_1384] {strides = array<i32>} : memref<512x128xf32, #tpu.memory_space<vmem>>, vector<1x16xf32>,
        %get3A_1386 = vector.shape_cast %get3A_1385 : vector<1x16xf32> to vector<16xf32>
        %max3A_1387 = arith.maximumf %max3A_1374, %get3A_1386 : vector<16xf32>
        %min3A_1388 = arith.minimumf %min3A_1375, %get3A_1386 : vector<16xf32>
        %add3A_1389 = arith.addf %add3A_1376, %get3A_1386 : vector<16xf32>
        %mul3A_1390 = arith.mulf %get3A_1386, %get3A_1386 : vector<16xf32>
        %add3A_1391 = arith.addf %add3A_1378, %mul3A_1390 : vector<16xf32>
        %mul3A_1392 = arith.constant 16 : i32
        %mul3A_1393 = arith.muli %scan3A_879, %mul3A_1392 : i32
        %add3A_1394 = arith.constant 3 : i32
        %add3A_1395 = arith.addi %mul3A_1393, %add3A_1394 : i32
        %get3A_1396 = arith.index_cast %add3A_1395 : i32 to index
        %get3A_1397 = arith.constant 32 : index
        %get3A_1398 = tpu.vector_load %arg8[%get3A_1396, %get3A_1397] {strides = array<i32>} : memref<512x128xf32, #tpu.memory_space<vmem>>, vector<1x16xf32>,
        %get3A_1399 = vector.shape_cast %get3A_1398 : vector<1x16xf32> to vector<16xf32>
        %max3A_1400 = arith.maximumf %max3A_1387, %get3A_1399 : vector<16xf32>
        %min3A_1401 = arith.minimumf %min3A_1388, %get3A_1399 : vector<16xf32>
        %add3A_1402 = arith.addf %add3A_1389, %get3A_1399 : vector<16xf32>
        %mul3A_1403 = arith.mulf %get3A_1399, %get3A_1399 : vector<16xf32>
        %add3A_1404 = arith.addf %add3A_1391, %mul3A_1403 : vector<16xf32>
        %mul3A_1405 = arith.constant 16 : i32
        %mul3A_1406 = arith.muli %scan3A_879, %mul3A_1405 : i32
        %add3A_1407 = arith.constant 4 : i32
        %add3A_1408 = arith.addi %mul3A_1406, %add3A_1407 : i32
        %get3A_1409 = arith.index_cast %add3A_1408 : i32 to index
        %get3A_1410 = arith.constant 32 : index
        %get3A_1411 = tpu.vector_load %arg8[%get3A_1409, %get3A_1410] {strides = array<i32>} : memref<512x128xf32, #tpu.memory_space<vmem>>, vector<1x16xf32>,
        %get3A_1412 = vector.shape_cast %get3A_1411 : vector<1x16xf32> to vector<16xf32>
        %max3A_1413 = arith.maximumf %max3A_1400, %get3A_1412 : vector<16xf32>
        %min3A_1414 = arith.minimumf %min3A_1401, %get3A_1412 : vector<16xf32>
        %add3A_1415 = arith.addf %add3A_1402, %get3A_1412 : vector<16xf32>
        %mul3A_1416 = arith.mulf %get3A_1412, %get3A_1412 : vector<16xf32>
        %add3A_1417 = arith.addf %add3A_1404, %mul3A_1416 : vector<16xf32>
        %mul3A_1418 = arith.constant 16 : i32
        %mul3A_1419 = arith.muli %scan3A_879, %mul3A_1418 : i32
        %add3A_1420 = arith.constant 5 : i32
        %add3A_1421 = arith.addi %mul3A_1419, %add3A_1420 : i32
        %get3A_1422 = arith.index_cast %add3A_1421 : i32 to index
        %get3A_1423 = arith.constant 32 : index
        %get3A_1424 = tpu.vector_load %arg8[%get3A_1422, %get3A_1423] {strides = array<i32>} : memref<512x128xf32, #tpu.memory_space<vmem>>, vector<1x16xf32>,
        %get3A_1425 = vector.shape_cast %get3A_1424 : vector<1x16xf32> to vector<16xf32>
        %max3A_1426 = arith.maximumf %max3A_1413, %get3A_1425 : vector<16xf32>
        %min3A_1427 = arith.minimumf %min3A_1414, %get3A_1425 : vector<16xf32>
        %add3A_1428 = arith.addf %add3A_1415, %get3A_1425 : vector<16xf32>
        %mul3A_1429 = arith.mulf %get3A_1425, %get3A_1425 : vector<16xf32>
        %add3A_1430 = arith.addf %add3A_1417, %mul3A_1429 : vector<16xf32>
        %mul3A_1431 = arith.constant 16 : i32
        %mul3A_1432 = arith.muli %scan3A_879, %mul3A_1431 : i32
        %add3A_1433 = arith.constant 6 : i32
        %add3A_1434 = arith.addi %mul3A_1432, %add3A_1433 : i32
        %get3A_1435 = arith.index_cast %add3A_1434 : i32 to index
        %get3A_1436 = arith.constant 32 : index
        %get3A_1437 = tpu.vector_load %arg8[%get3A_1435, %get3A_1436] {strides = array<i32>} : memref<512x128xf32, #tpu.memory_space<vmem>>, vector<1x16xf32>,
        %get3A_1438 = vector.shape_cast %get3A_1437 : vector<1x16xf32> to vector<16xf32>
        %max3A_1439 = arith.maximumf %max3A_1426, %get3A_1438 : vector<16xf32>
        %min3A_1440 = arith.minimumf %min3A_1427, %get3A_1438 : vector<16xf32>
        %add3A_1441 = arith.addf %add3A_1428, %get3A_1438 : vector<16xf32>
        %mul3A_1442 = arith.mulf %get3A_1438, %get3A_1438 : vector<16xf32>
        %add3A_1443 = arith.addf %add3A_1430, %mul3A_1442 : vector<16xf32>
        %mul3A_1444 = arith.constant 16 : i32
        %mul3A_1445 = arith.muli %scan3A_879, %mul3A_1444 : i32
        %add3A_1446 = arith.constant 7 : i32
        %add3A_1447 = arith.addi %mul3A_1445, %add3A_1446 : i32
        %get3A_1448 = arith.index_cast %add3A_1447 : i32 to index
        %get3A_1449 = arith.constant 32 : index
        %get3A_1450 = tpu.vector_load %arg8[%get3A_1448, %get3A_1449] {strides = array<i32>} : memref<512x128xf32, #tpu.memory_space<vmem>>, vector<1x16xf32>,
        %get3A_1451 = vector.shape_cast %get3A_1450 : vector<1x16xf32> to vector<16xf32>
        %max3A_1452 = arith.maximumf %max3A_1439, %get3A_1451 : vector<16xf32>
        %min3A_1453 = arith.minimumf %min3A_1440, %get3A_1451 : vector<16xf32>
        %add3A_1454 = arith.addf %add3A_1441, %get3A_1451 : vector<16xf32>
        %mul3A_1455 = arith.mulf %get3A_1451, %get3A_1451 : vector<16xf32>
        %add3A_1456 = arith.addf %add3A_1443, %mul3A_1455 : vector<16xf32>
        %mul3A_1457 = arith.constant 16 : i32
        %mul3A_1458 = arith.muli %scan3A_879, %mul3A_1457 : i32
        %add3A_1459 = arith.constant 8 : i32
        %add3A_1460 = arith.addi %mul3A_1458, %add3A_1459 : i32
        %get3A_1461 = arith.index_cast %add3A_1460 : i32 to index
        %get3A_1462 = arith.constant 32 : index
        %get3A_1463 = tpu.vector_load %arg8[%get3A_1461, %get3A_1462] {strides = array<i32>} : memref<512x128xf32, #tpu.memory_space<vmem>>, vector<1x16xf32>,
        %get3A_1464 = vector.shape_cast %get3A_1463 : vector<1x16xf32> to vector<16xf32>
        %max3A_1465 = arith.maximumf %max3A_1452, %get3A_1464 : vector<16xf32>
        %min3A_1466 = arith.minimumf %min3A_1453, %get3A_1464 : vector<16xf32>
        %add3A_1467 = arith.addf %add3A_1454, %get3A_1464 : vector<16xf32>
        %mul3A_1468 = arith.mulf %get3A_1464, %get3A_1464 : vector<16xf32>
        %add3A_1469 = arith.addf %add3A_1456, %mul3A_1468 : vector<16xf32>
        %mul3A_1470 = arith.constant 16 : i32
        %mul3A_1471 = arith.muli %scan3A_879, %mul3A_1470 : i32
        %add3A_1472 = arith.constant 9 : i32
        %add3A_1473 = arith.addi %mul3A_1471, %add3A_1472 : i32
        %get3A_1474 = arith.index_cast %add3A_1473 : i32 to index
        %get3A_1475 = arith.constant 32 : index
        %get3A_1476 = tpu.vector_load %arg8[%get3A_1474, %get3A_1475] {strides = array<i32>} : memref<512x128xf32, #tpu.memory_space<vmem>>, vector<1x16xf32>,
        %get3A_1477 = vector.shape_cast %get3A_1476 : vector<1x16xf32> to vector<16xf32>
        %max3A_1478 = arith.maximumf %max3A_1465, %get3A_1477 : vector<16xf32>
        %min3A_1479 = arith.minimumf %min3A_1466, %get3A_1477 : vector<16xf32>
        %add3A_1480 = arith.addf %add3A_1467, %get3A_1477 : vector<16xf32>
        %mul3A_1481 = arith.mulf %get3A_1477, %get3A_1477 : vector<16xf32>
        %add3A_1482 = arith.addf %add3A_1469, %mul3A_1481 : vector<16xf32>
        %mul3A_1483 = arith.constant 16 : i32
        %mul3A_1484 = arith.muli %scan3A_879, %mul3A_1483 : i32
        %add3A_1485 = arith.constant 10 : i32
        %add3A_1486 = arith.addi %mul3A_1484, %add3A_1485 : i32
        %get3A_1487 = arith.index_cast %add3A_1486 : i32 to index
        %get3A_1488 = arith.constant 32 : index
        %get3A_1489 = tpu.vector_load %arg8[%get3A_1487, %get3A_1488] {strides = array<i32>} : memref<512x128xf32, #tpu.memory_space<vmem>>, vector<1x16xf32>,
        %get3A_1490 = vector.shape_cast %get3A_1489 : vector<1x16xf32> to vector<16xf32>
        %max3A_1491 = arith.maximumf %max3A_1478, %get3A_1490 : vector<16xf32>
        %min3A_1492 = arith.minimumf %min3A_1479, %get3A_1490 : vector<16xf32>
        %add3A_1493 = arith.addf %add3A_1480, %get3A_1490 : vector<16xf32>
        %mul3A_1494 = arith.mulf %get3A_1490, %get3A_1490 : vector<16xf32>
        %add3A_1495 = arith.addf %add3A_1482, %mul3A_1494 : vector<16xf32>
        %mul3A_1496 = arith.constant 16 : i32
        %mul3A_1497 = arith.muli %scan3A_879, %mul3A_1496 : i32
        %add3A_1498 = arith.constant 11 : i32
        %add3A_1499 = arith.addi %mul3A_1497, %add3A_1498 : i32
        %get3A_1500 = arith.index_cast %add3A_1499 : i32 to index
        %get3A_1501 = arith.constant 32 : index
        %get3A_1502 = tpu.vector_load %arg8[%get3A_1500, %get3A_1501] {strides = array<i32>} : memref<512x128xf32, #tpu.memory_space<vmem>>, vector<1x16xf32>,
        %get3A_1503 = vector.shape_cast %get3A_1502 : vector<1x16xf32> to vector<16xf32>
        %max3A_1504 = arith.maximumf %max3A_1491, %get3A_1503 : vector<16xf32>
        %min3A_1505 = arith.minimumf %min3A_1492, %get3A_1503 : vector<16xf32>
        %add3A_1506 = arith.addf %add3A_1493, %get3A_1503 : vector<16xf32>
        %mul3A_1507 = arith.mulf %get3A_1503, %get3A_1503 : vector<16xf32>
        %add3A_1508 = arith.addf %add3A_1495, %mul3A_1507 : vector<16xf32>
        %mul3A_1509 = arith.constant 16 : i32
        %mul3A_1510 = arith.muli %scan3A_879, %mul3A_1509 : i32
        %add3A_1511 = arith.constant 12 : i32
        %add3A_1512 = arith.addi %mul3A_1510, %add3A_1511 : i32
        %get3A_1513 = arith.index_cast %add3A_1512 : i32 to index
        %get3A_1514 = arith.constant 32 : index
        %get3A_1515 = tpu.vector_load %arg8[%get3A_1513, %get3A_1514] {strides = array<i32>} : memref<512x128xf32, #tpu.memory_space<vmem>>, vector<1x16xf32>,
        %get3A_1516 = vector.shape_cast %get3A_1515 : vector<1x16xf32> to vector<16xf32>
        %max3A_1517 = arith.maximumf %max3A_1504, %get3A_1516 : vector<16xf32>
        %min3A_1518 = arith.minimumf %min3A_1505, %get3A_1516 : vector<16xf32>
        %add3A_1519 = arith.addf %add3A_1506, %get3A_1516 : vector<16xf32>
        %mul3A_1520 = arith.mulf %get3A_1516, %get3A_1516 : vector<16xf32>
        %add3A_1521 = arith.addf %add3A_1508, %mul3A_1520 : vector<16xf32>
        %mul3A_1522 = arith.constant 16 : i32
        %mul3A_1523 = arith.muli %scan3A_879, %mul3A_1522 : i32
        %add3A_1524 = arith.constant 13 : i32
        %add3A_1525 = arith.addi %mul3A_1523, %add3A_1524 : i32
        %get3A_1526 = arith.index_cast %add3A_1525 : i32 to index
        %get3A_1527 = arith.constant 32 : index
        %get3A_1528 = tpu.vector_load %arg8[%get3A_1526, %get3A_1527] {strides = array<i32>} : memref<512x128xf32, #tpu.memory_space<vmem>>, vector<1x16xf32>,
        %get3A_1529 = vector.shape_cast %get3A_1528 : vector<1x16xf32> to vector<16xf32>
        %max3A_1530 = arith.maximumf %max3A_1517, %get3A_1529 : vector<16xf32>
        %min3A_1531 = arith.minimumf %min3A_1518, %get3A_1529 : vector<16xf32>
        %add3A_1532 = arith.addf %add3A_1519, %get3A_1529 : vector<16xf32>
        %mul3A_1533 = arith.mulf %get3A_1529, %get3A_1529 : vector<16xf32>
        %add3A_1534 = arith.addf %add3A_1521, %mul3A_1533 : vector<16xf32>
        %mul3A_1535 = arith.constant 16 : i32
        %mul3A_1536 = arith.muli %scan3A_879, %mul3A_1535 : i32
        %add3A_1537 = arith.constant 14 : i32
        %add3A_1538 = arith.addi %mul3A_1536, %add3A_1537 : i32
        %get3A_1539 = arith.index_cast %add3A_1538 : i32 to index
        %get3A_1540 = arith.constant 32 : index
        %get3A_1541 = tpu.vector_load %arg8[%get3A_1539, %get3A_1540] {strides = array<i32>} : memref<512x128xf32, #tpu.memory_space<vmem>>, vector<1x16xf32>,
        %get3A_1542 = vector.shape_cast %get3A_1541 : vector<1x16xf32> to vector<16xf32>
        %max3A_1543 = arith.maximumf %max3A_1530, %get3A_1542 : vector<16xf32>
        %min3A_1544 = arith.minimumf %min3A_1531, %get3A_1542 : vector<16xf32>
        %add3A_1545 = arith.addf %add3A_1532, %get3A_1542 : vector<16xf32>
        %mul3A_1546 = arith.mulf %get3A_1542, %get3A_1542 : vector<16xf32>
        %add3A_1547 = arith.addf %add3A_1534, %mul3A_1546 : vector<16xf32>
        %mul3A_1548 = arith.constant 16 : i32
        %mul3A_1549 = arith.muli %scan3A_879, %mul3A_1548 : i32
        %add3A_1550 = arith.constant 15 : i32
        %add3A_1551 = arith.addi %mul3A_1549, %add3A_1550 : i32
        %get3A_1552 = arith.index_cast %add3A_1551 : i32 to index
        %get3A_1553 = arith.constant 32 : index
        %get3A_1554 = tpu.vector_load %arg8[%get3A_1552, %get3A_1553] {strides = array<i32>} : memref<512x128xf32, #tpu.memory_space<vmem>>, vector<1x16xf32>,
        %get3A_1555 = vector.shape_cast %get3A_1554 : vector<1x16xf32> to vector<16xf32>
        %max3A_1556 = arith.maximumf %max3A_1543, %get3A_1555 : vector<16xf32>
        %min3A_1557 = arith.minimumf %min3A_1544, %get3A_1555 : vector<16xf32>
        %add3A_1558 = arith.addf %add3A_1545, %get3A_1555 : vector<16xf32>
        %mul3A_1559 = arith.mulf %get3A_1555, %get3A_1555 : vector<16xf32>
        %add3A_1560 = arith.addf %add3A_1547, %mul3A_1559 : vector<16xf32>
        %swap3A_1561 = arith.index_cast %scan3A_879 : i32 to index
        %swap3A_1562 = arith.constant 32 : index
        %swap3A_1563 = tpu.vector_load %arg10[%swap3A_1561, %swap3A_1562] {strides = array<i32>} : memref<32x128xf32, #tpu.memory_space<vmem>>, vector<1x16xf32>,
        %swap3A_1564 = vector.shape_cast %swap3A_1563 : vector<1x16xf32> to vector<16xf32>
        %swap3A_1565 = vector.shape_cast %max3A_1556 : vector<16xf32> to vector<1x16xf32>
        tpu.vector_store %arg10[%swap3A_1561, %swap3A_1562], %swap3A_1565 {strides = array<i32>} : memref<32x128xf32, #tpu.memory_space<vmem>>, vector<1x16xf32>,
        %swap3A_1566 = arith.index_cast %scan3A_879 : i32 to index
        %swap3A_1567 = arith.constant 96 : index
        %swap3A_1568 = tpu.vector_load %arg10[%swap3A_1566, %swap3A_1567] {strides = array<i32>} : memref<32x128xf32, #tpu.memory_space<vmem>>, vector<1x16xf32>,
        %swap3A_1569 = vector.shape_cast %swap3A_1568 : vector<1x16xf32> to vector<16xf32>
        %swap3A_1570 = vector.shape_cast %min3A_1557 : vector<16xf32> to vector<1x16xf32>
        tpu.vector_store %arg10[%swap3A_1566, %swap3A_1567], %swap3A_1570 {strides = array<i32>} : memref<32x128xf32, #tpu.memory_space<vmem>>, vector<1x16xf32>,
        %get3A_1571 = arith.index_cast %scan3A_879 : i32 to index
        %get3A_1572 = arith.constant 32 : index
        %get3A_1573 = tpu.vector_load %arg9[%get3A_1571, %get3A_1572] {strides = array<i32>} : memref<32x128xf32, #tpu.memory_space<vmem>>, vector<1x16xf32>,
        %get3A_1574 = vector.shape_cast %get3A_1573 : vector<1x16xf32> to vector<16xf32>
        %add3A_1575 = arith.addf %scan3A_882, %add3A_1558 : vector<16xf32>
        %add3A_1576 = arith.addf %scan3A_886, %add3A_1560 : vector<16xf32>
        %mul3A_1577 = arith.mulf %get3A_1574, %add3A_1558 : vector<16xf32>
        %add3A_1578 = arith.addf %scan3A_890, %mul3A_1577 : vector<16xf32>
        %broadcast_in_dim3A_1579 = arith.constant 0xFF800000 : f32
        %broadcast_in_dim3A_1580 = vector.broadcast %broadcast_in_dim3A_1579 : f32 to vector<16xf32>
        %broadcast_in_dim3A_1581 = arith.constant 0x7F800000 : f32
        %broadcast_in_dim3A_1582 = vector.broadcast %broadcast_in_dim3A_1581 : f32 to vector<16xf32>
        %mul3A_1583 = arith.constant 16 : i32
        %mul3A_1584 = arith.muli %scan3A_879, %mul3A_1583 : i32
        %add3A_1585 = arith.constant 0 : i32
        %add3A_1586 = arith.addi %mul3A_1584, %add3A_1585 : i32
        %get3A_1587 = arith.index_cast %add3A_1586 : i32 to index
        %get3A_1588 = arith.constant 48 : index
        %get3A_1589 = tpu.vector_load %arg8[%get3A_1587, %get3A_1588] {strides = array<i32>} : memref<512x128xf32, #tpu.memory_space<vmem>>, vector<1x16xf32>,
        %get3A_1590 = vector.shape_cast %get3A_1589 : vector<1x16xf32> to vector<16xf32>
        %max3A_1591 = arith.maximumf %broadcast_in_dim3A_1580, %get3A_1590 : vector<16xf32>
        %min3A_1592 = arith.minimumf %broadcast_in_dim3A_1582, %get3A_1590 : vector<16xf32>
        %add3A_1593 = arith.addf %broadcast_in_dim3A_1, %get3A_1590 : vector<16xf32>
        %mul3A_1594 = arith.mulf %get3A_1590, %get3A_1590 : vector<16xf32>
        %add3A_1595 = arith.addf %broadcast_in_dim3A_1, %mul3A_1594 : vector<16xf32>
        %mul3A_1596 = arith.constant 16 : i32
        %mul3A_1597 = arith.muli %scan3A_879, %mul3A_1596 : i32
        %add3A_1598 = arith.constant 1 : i32
        %add3A_1599 = arith.addi %mul3A_1597, %add3A_1598 : i32
        %get3A_1600 = arith.index_cast %add3A_1599 : i32 to index
        %get3A_1601 = arith.constant 48 : index
        %get3A_1602 = tpu.vector_load %arg8[%get3A_1600, %get3A_1601] {strides = array<i32>} : memref<512x128xf32, #tpu.memory_space<vmem>>, vector<1x16xf32>,
        %get3A_1603 = vector.shape_cast %get3A_1602 : vector<1x16xf32> to vector<16xf32>
        %max3A_1604 = arith.maximumf %max3A_1591, %get3A_1603 : vector<16xf32>
        %min3A_1605 = arith.minimumf %min3A_1592, %get3A_1603 : vector<16xf32>
        %add3A_1606 = arith.addf %add3A_1593, %get3A_1603 : vector<16xf32>
        %mul3A_1607 = arith.mulf %get3A_1603, %get3A_1603 : vector<16xf32>
        %add3A_1608 = arith.addf %add3A_1595, %mul3A_1607 : vector<16xf32>
        %mul3A_1609 = arith.constant 16 : i32
        %mul3A_1610 = arith.muli %scan3A_879, %mul3A_1609 : i32
        %add3A_1611 = arith.constant 2 : i32
        %add3A_1612 = arith.addi %mul3A_1610, %add3A_1611 : i32
        %get3A_1613 = arith.index_cast %add3A_1612 : i32 to index
        %get3A_1614 = arith.constant 48 : index
        %get3A_1615 = tpu.vector_load %arg8[%get3A_1613, %get3A_1614] {strides = array<i32>} : memref<512x128xf32, #tpu.memory_space<vmem>>, vector<1x16xf32>,
        %get3A_1616 = vector.shape_cast %get3A_1615 : vector<1x16xf32> to vector<16xf32>
        %max3A_1617 = arith.maximumf %max3A_1604, %get3A_1616 : vector<16xf32>
        %min3A_1618 = arith.minimumf %min3A_1605, %get3A_1616 : vector<16xf32>
        %add3A_1619 = arith.addf %add3A_1606, %get3A_1616 : vector<16xf32>
        %mul3A_1620 = arith.mulf %get3A_1616, %get3A_1616 : vector<16xf32>
        %add3A_1621 = arith.addf %add3A_1608, %mul3A_1620 : vector<16xf32>
        %mul3A_1622 = arith.constant 16 : i32
        %mul3A_1623 = arith.muli %scan3A_879, %mul3A_1622 : i32
        %add3A_1624 = arith.constant 3 : i32
        %add3A_1625 = arith.addi %mul3A_1623, %add3A_1624 : i32
        %get3A_1626 = arith.index_cast %add3A_1625 : i32 to index
        %get3A_1627 = arith.constant 48 : index
        %get3A_1628 = tpu.vector_load %arg8[%get3A_1626, %get3A_1627] {strides = array<i32>} : memref<512x128xf32, #tpu.memory_space<vmem>>, vector<1x16xf32>,
        %get3A_1629 = vector.shape_cast %get3A_1628 : vector<1x16xf32> to vector<16xf32>
        %max3A_1630 = arith.maximumf %max3A_1617, %get3A_1629 : vector<16xf32>
        %min3A_1631 = arith.minimumf %min3A_1618, %get3A_1629 : vector<16xf32>
        %add3A_1632 = arith.addf %add3A_1619, %get3A_1629 : vector<16xf32>
        %mul3A_1633 = arith.mulf %get3A_1629, %get3A_1629 : vector<16xf32>
        %add3A_1634 = arith.addf %add3A_1621, %mul3A_1633 : vector<16xf32>
        %mul3A_1635 = arith.constant 16 : i32
        %mul3A_1636 = arith.muli %scan3A_879, %mul3A_1635 : i32
        %add3A_1637 = arith.constant 4 : i32
        %add3A_1638 = arith.addi %mul3A_1636, %add3A_1637 : i32
        %get3A_1639 = arith.index_cast %add3A_1638 : i32 to index
        %get3A_1640 = arith.constant 48 : index
        %get3A_1641 = tpu.vector_load %arg8[%get3A_1639, %get3A_1640] {strides = array<i32>} : memref<512x128xf32, #tpu.memory_space<vmem>>, vector<1x16xf32>,
        %get3A_1642 = vector.shape_cast %get3A_1641 : vector<1x16xf32> to vector<16xf32>
        %max3A_1643 = arith.maximumf %max3A_1630, %get3A_1642 : vector<16xf32>
        %min3A_1644 = arith.minimumf %min3A_1631, %get3A_1642 : vector<16xf32>
        %add3A_1645 = arith.addf %add3A_1632, %get3A_1642 : vector<16xf32>
        %mul3A_1646 = arith.mulf %get3A_1642, %get3A_1642 : vector<16xf32>
        %add3A_1647 = arith.addf %add3A_1634, %mul3A_1646 : vector<16xf32>
        %mul3A_1648 = arith.constant 16 : i32
        %mul3A_1649 = arith.muli %scan3A_879, %mul3A_1648 : i32
        %add3A_1650 = arith.constant 5 : i32
        %add3A_1651 = arith.addi %mul3A_1649, %add3A_1650 : i32
        %get3A_1652 = arith.index_cast %add3A_1651 : i32 to index
        %get3A_1653 = arith.constant 48 : index
        %get3A_1654 = tpu.vector_load %arg8[%get3A_1652, %get3A_1653] {strides = array<i32>} : memref<512x128xf32, #tpu.memory_space<vmem>>, vector<1x16xf32>,
        %get3A_1655 = vector.shape_cast %get3A_1654 : vector<1x16xf32> to vector<16xf32>
        %max3A_1656 = arith.maximumf %max3A_1643, %get3A_1655 : vector<16xf32>
        %min3A_1657 = arith.minimumf %min3A_1644, %get3A_1655 : vector<16xf32>
        %add3A_1658 = arith.addf %add3A_1645, %get3A_1655 : vector<16xf32>
        %mul3A_1659 = arith.mulf %get3A_1655, %get3A_1655 : vector<16xf32>
        %add3A_1660 = arith.addf %add3A_1647, %mul3A_1659 : vector<16xf32>
        %mul3A_1661 = arith.constant 16 : i32
        %mul3A_1662 = arith.muli %scan3A_879, %mul3A_1661 : i32
        %add3A_1663 = arith.constant 6 : i32
        %add3A_1664 = arith.addi %mul3A_1662, %add3A_1663 : i32
        %get3A_1665 = arith.index_cast %add3A_1664 : i32 to index
        %get3A_1666 = arith.constant 48 : index
        %get3A_1667 = tpu.vector_load %arg8[%get3A_1665, %get3A_1666] {strides = array<i32>} : memref<512x128xf32, #tpu.memory_space<vmem>>, vector<1x16xf32>,
        %get3A_1668 = vector.shape_cast %get3A_1667 : vector<1x16xf32> to vector<16xf32>
        %max3A_1669 = arith.maximumf %max3A_1656, %get3A_1668 : vector<16xf32>
        %min3A_1670 = arith.minimumf %min3A_1657, %get3A_1668 : vector<16xf32>
        %add3A_1671 = arith.addf %add3A_1658, %get3A_1668 : vector<16xf32>
        %mul3A_1672 = arith.mulf %get3A_1668, %get3A_1668 : vector<16xf32>
        %add3A_1673 = arith.addf %add3A_1660, %mul3A_1672 : vector<16xf32>
        %mul3A_1674 = arith.constant 16 : i32
        %mul3A_1675 = arith.muli %scan3A_879, %mul3A_1674 : i32
        %add3A_1676 = arith.constant 7 : i32
        %add3A_1677 = arith.addi %mul3A_1675, %add3A_1676 : i32
        %get3A_1678 = arith.index_cast %add3A_1677 : i32 to index
        %get3A_1679 = arith.constant 48 : index
        %get3A_1680 = tpu.vector_load %arg8[%get3A_1678, %get3A_1679] {strides = array<i32>} : memref<512x128xf32, #tpu.memory_space<vmem>>, vector<1x16xf32>,
        %get3A_1681 = vector.shape_cast %get3A_1680 : vector<1x16xf32> to vector<16xf32>
        %max3A_1682 = arith.maximumf %max3A_1669, %get3A_1681 : vector<16xf32>
        %min3A_1683 = arith.minimumf %min3A_1670, %get3A_1681 : vector<16xf32>
        %add3A_1684 = arith.addf %add3A_1671, %get3A_1681 : vector<16xf32>
        %mul3A_1685 = arith.mulf %get3A_1681, %get3A_1681 : vector<16xf32>
        %add3A_1686 = arith.addf %add3A_1673, %mul3A_1685 : vector<16xf32>
        %mul3A_1687 = arith.constant 16 : i32
        %mul3A_1688 = arith.muli %scan3A_879, %mul3A_1687 : i32
        %add3A_1689 = arith.constant 8 : i32
        %add3A_1690 = arith.addi %mul3A_1688, %add3A_1689 : i32
        %get3A_1691 = arith.index_cast %add3A_1690 : i32 to index
        %get3A_1692 = arith.constant 48 : index
        %get3A_1693 = tpu.vector_load %arg8[%get3A_1691, %get3A_1692] {strides = array<i32>} : memref<512x128xf32, #tpu.memory_space<vmem>>, vector<1x16xf32>,
        %get3A_1694 = vector.shape_cast %get3A_1693 : vector<1x16xf32> to vector<16xf32>
        %max3A_1695 = arith.maximumf %max3A_1682, %get3A_1694 : vector<16xf32>
        %min3A_1696 = arith.minimumf %min3A_1683, %get3A_1694 : vector<16xf32>
        %add3A_1697 = arith.addf %add3A_1684, %get3A_1694 : vector<16xf32>
        %mul3A_1698 = arith.mulf %get3A_1694, %get3A_1694 : vector<16xf32>
        %add3A_1699 = arith.addf %add3A_1686, %mul3A_1698 : vector<16xf32>
        %mul3A_1700 = arith.constant 16 : i32
        %mul3A_1701 = arith.muli %scan3A_879, %mul3A_1700 : i32
        %add3A_1702 = arith.constant 9 : i32
        %add3A_1703 = arith.addi %mul3A_1701, %add3A_1702 : i32
        %get3A_1704 = arith.index_cast %add3A_1703 : i32 to index
        %get3A_1705 = arith.constant 48 : index
        %get3A_1706 = tpu.vector_load %arg8[%get3A_1704, %get3A_1705] {strides = array<i32>} : memref<512x128xf32, #tpu.memory_space<vmem>>, vector<1x16xf32>,
        %get3A_1707 = vector.shape_cast %get3A_1706 : vector<1x16xf32> to vector<16xf32>
        %max3A_1708 = arith.maximumf %max3A_1695, %get3A_1707 : vector<16xf32>
        %min3A_1709 = arith.minimumf %min3A_1696, %get3A_1707 : vector<16xf32>
        %add3A_1710 = arith.addf %add3A_1697, %get3A_1707 : vector<16xf32>
        %mul3A_1711 = arith.mulf %get3A_1707, %get3A_1707 : vector<16xf32>
        %add3A_1712 = arith.addf %add3A_1699, %mul3A_1711 : vector<16xf32>
        %mul3A_1713 = arith.constant 16 : i32
        %mul3A_1714 = arith.muli %scan3A_879, %mul3A_1713 : i32
        %add3A_1715 = arith.constant 10 : i32
        %add3A_1716 = arith.addi %mul3A_1714, %add3A_1715 : i32
        %get3A_1717 = arith.index_cast %add3A_1716 : i32 to index
        %get3A_1718 = arith.constant 48 : index
        %get3A_1719 = tpu.vector_load %arg8[%get3A_1717, %get3A_1718] {strides = array<i32>} : memref<512x128xf32, #tpu.memory_space<vmem>>, vector<1x16xf32>,
        %get3A_1720 = vector.shape_cast %get3A_1719 : vector<1x16xf32> to vector<16xf32>
        %max3A_1721 = arith.maximumf %max3A_1708, %get3A_1720 : vector<16xf32>
        %min3A_1722 = arith.minimumf %min3A_1709, %get3A_1720 : vector<16xf32>
        %add3A_1723 = arith.addf %add3A_1710, %get3A_1720 : vector<16xf32>
        %mul3A_1724 = arith.mulf %get3A_1720, %get3A_1720 : vector<16xf32>
        %add3A_1725 = arith.addf %add3A_1712, %mul3A_1724 : vector<16xf32>
        %mul3A_1726 = arith.constant 16 : i32
        %mul3A_1727 = arith.muli %scan3A_879, %mul3A_1726 : i32
        %add3A_1728 = arith.constant 11 : i32
        %add3A_1729 = arith.addi %mul3A_1727, %add3A_1728 : i32
        %get3A_1730 = arith.index_cast %add3A_1729 : i32 to index
        %get3A_1731 = arith.constant 48 : index
        %get3A_1732 = tpu.vector_load %arg8[%get3A_1730, %get3A_1731] {strides = array<i32>} : memref<512x128xf32, #tpu.memory_space<vmem>>, vector<1x16xf32>,
        %get3A_1733 = vector.shape_cast %get3A_1732 : vector<1x16xf32> to vector<16xf32>
        %max3A_1734 = arith.maximumf %max3A_1721, %get3A_1733 : vector<16xf32>
        %min3A_1735 = arith.minimumf %min3A_1722, %get3A_1733 : vector<16xf32>
        %add3A_1736 = arith.addf %add3A_1723, %get3A_1733 : vector<16xf32>
        %mul3A_1737 = arith.mulf %get3A_1733, %get3A_1733 : vector<16xf32>
        %add3A_1738 = arith.addf %add3A_1725, %mul3A_1737 : vector<16xf32>
        %mul3A_1739 = arith.constant 16 : i32
        %mul3A_1740 = arith.muli %scan3A_879, %mul3A_1739 : i32
        %add3A_1741 = arith.constant 12 : i32
        %add3A_1742 = arith.addi %mul3A_1740, %add3A_1741 : i32
        %get3A_1743 = arith.index_cast %add3A_1742 : i32 to index
        %get3A_1744 = arith.constant 48 : index
        %get3A_1745 = tpu.vector_load %arg8[%get3A_1743, %get3A_1744] {strides = array<i32>} : memref<512x128xf32, #tpu.memory_space<vmem>>, vector<1x16xf32>,
        %get3A_1746 = vector.shape_cast %get3A_1745 : vector<1x16xf32> to vector<16xf32>
        %max3A_1747 = arith.maximumf %max3A_1734, %get3A_1746 : vector<16xf32>
        %min3A_1748 = arith.minimumf %min3A_1735, %get3A_1746 : vector<16xf32>
        %add3A_1749 = arith.addf %add3A_1736, %get3A_1746 : vector<16xf32>
        %mul3A_1750 = arith.mulf %get3A_1746, %get3A_1746 : vector<16xf32>
        %add3A_1751 = arith.addf %add3A_1738, %mul3A_1750 : vector<16xf32>
        %mul3A_1752 = arith.constant 16 : i32
        %mul3A_1753 = arith.muli %scan3A_879, %mul3A_1752 : i32
        %add3A_1754 = arith.constant 13 : i32
        %add3A_1755 = arith.addi %mul3A_1753, %add3A_1754 : i32
        %get3A_1756 = arith.index_cast %add3A_1755 : i32 to index
        %get3A_1757 = arith.constant 48 : index
        %get3A_1758 = tpu.vector_load %arg8[%get3A_1756, %get3A_1757] {strides = array<i32>} : memref<512x128xf32, #tpu.memory_space<vmem>>, vector<1x16xf32>,
        %get3A_1759 = vector.shape_cast %get3A_1758 : vector<1x16xf32> to vector<16xf32>
        %max3A_1760 = arith.maximumf %max3A_1747, %get3A_1759 : vector<16xf32>
        %min3A_1761 = arith.minimumf %min3A_1748, %get3A_1759 : vector<16xf32>
        %add3A_1762 = arith.addf %add3A_1749, %get3A_1759 : vector<16xf32>
        %mul3A_1763 = arith.mulf %get3A_1759, %get3A_1759 : vector<16xf32>
        %add3A_1764 = arith.addf %add3A_1751, %mul3A_1763 : vector<16xf32>
        %mul3A_1765 = arith.constant 16 : i32
        %mul3A_1766 = arith.muli %scan3A_879, %mul3A_1765 : i32
        %add3A_1767 = arith.constant 14 : i32
        %add3A_1768 = arith.addi %mul3A_1766, %add3A_1767 : i32
        %get3A_1769 = arith.index_cast %add3A_1768 : i32 to index
        %get3A_1770 = arith.constant 48 : index
        %get3A_1771 = tpu.vector_load %arg8[%get3A_1769, %get3A_1770] {strides = array<i32>} : memref<512x128xf32, #tpu.memory_space<vmem>>, vector<1x16xf32>,
        %get3A_1772 = vector.shape_cast %get3A_1771 : vector<1x16xf32> to vector<16xf32>
        %max3A_1773 = arith.maximumf %max3A_1760, %get3A_1772 : vector<16xf32>
        %min3A_1774 = arith.minimumf %min3A_1761, %get3A_1772 : vector<16xf32>
        %add3A_1775 = arith.addf %add3A_1762, %get3A_1772 : vector<16xf32>
        %mul3A_1776 = arith.mulf %get3A_1772, %get3A_1772 : vector<16xf32>
        %add3A_1777 = arith.addf %add3A_1764, %mul3A_1776 : vector<16xf32>
        %mul3A_1778 = arith.constant 16 : i32
        %mul3A_1779 = arith.muli %scan3A_879, %mul3A_1778 : i32
        %add3A_1780 = arith.constant 15 : i32
        %add3A_1781 = arith.addi %mul3A_1779, %add3A_1780 : i32
        %get3A_1782 = arith.index_cast %add3A_1781 : i32 to index
        %get3A_1783 = arith.constant 48 : index
        %get3A_1784 = tpu.vector_load %arg8[%get3A_1782, %get3A_1783] {strides = array<i32>} : memref<512x128xf32, #tpu.memory_space<vmem>>, vector<1x16xf32>,
        %get3A_1785 = vector.shape_cast %get3A_1784 : vector<1x16xf32> to vector<16xf32>
        %max3A_1786 = arith.maximumf %max3A_1773, %get3A_1785 : vector<16xf32>
        %min3A_1787 = arith.minimumf %min3A_1774, %get3A_1785 : vector<16xf32>
        %add3A_1788 = arith.addf %add3A_1775, %get3A_1785 : vector<16xf32>
        %mul3A_1789 = arith.mulf %get3A_1785, %get3A_1785 : vector<16xf32>
        %add3A_1790 = arith.addf %add3A_1777, %mul3A_1789 : vector<16xf32>
        %swap3A_1791 = arith.index_cast %scan3A_879 : i32 to index
        %swap3A_1792 = arith.constant 48 : index
        %swap3A_1793 = tpu.vector_load %arg10[%swap3A_1791, %swap3A_1792] {strides = array<i32>} : memref<32x128xf32, #tpu.memory_space<vmem>>, vector<1x16xf32>,
        %swap3A_1794 = vector.shape_cast %swap3A_1793 : vector<1x16xf32> to vector<16xf32>
        %swap3A_1795 = vector.shape_cast %max3A_1786 : vector<16xf32> to vector<1x16xf32>
        tpu.vector_store %arg10[%swap3A_1791, %swap3A_1792], %swap3A_1795 {strides = array<i32>} : memref<32x128xf32, #tpu.memory_space<vmem>>, vector<1x16xf32>,
        %swap3A_1796 = arith.index_cast %scan3A_879 : i32 to index
        %swap3A_1797 = arith.constant 112 : index
        %swap3A_1798 = tpu.vector_load %arg10[%swap3A_1796, %swap3A_1797] {strides = array<i32>} : memref<32x128xf32, #tpu.memory_space<vmem>>, vector<1x16xf32>,
        %swap3A_1799 = vector.shape_cast %swap3A_1798 : vector<1x16xf32> to vector<16xf32>
        %swap3A_1800 = vector.shape_cast %min3A_1787 : vector<16xf32> to vector<1x16xf32>
        tpu.vector_store %arg10[%swap3A_1796, %swap3A_1797], %swap3A_1800 {strides = array<i32>} : memref<32x128xf32, #tpu.memory_space<vmem>>, vector<1x16xf32>,
        %get3A_1801 = arith.index_cast %scan3A_879 : i32 to index
        %get3A_1802 = arith.constant 48 : index
        %get3A_1803 = tpu.vector_load %arg9[%get3A_1801, %get3A_1802] {strides = array<i32>} : memref<32x128xf32, #tpu.memory_space<vmem>>, vector<1x16xf32>,
        %get3A_1804 = vector.shape_cast %get3A_1803 : vector<1x16xf32> to vector<16xf32>
        %add3A_1805 = arith.addf %scan3A_883, %add3A_1788 : vector<16xf32>
        %add3A_1806 = arith.addf %scan3A_887, %add3A_1790 : vector<16xf32>
        %mul3A_1807 = arith.mulf %get3A_1804, %add3A_1788 : vector<16xf32>
        %add3A_1808 = arith.addf %scan3A_891, %mul3A_1807 : vector<16xf32>
        scf.yield %add3A_1115, %add3A_1345, %add3A_1575, %add3A_1805, %add3A_1116, %add3A_1346, %add3A_1576, %add3A_1806, %add3A_1118, %add3A_1348, %add3A_1578, %add3A_1808 : vector<16xf32>, vector<16xf32>, vector<16xf32>, vector<16xf32>, vector<16xf32>, vector<16xf32>, vector<16xf32>, vector<16xf32>, vector<16xf32>, vector<16xf32>, vector<16xf32>, vector<16xf32>
      }
      %scan3A_878 = arith.constant 32 : i32
      "tpu.region"() ({
        %run_scoped3A = tpu.sem_alloc : memref<!tpu.dma_semaphore, #tpu.memory_space<semaphore_mem>>
        %dma_start3A_879 = arith.constant 0 : i32
        %dma_start3A_880 = tpu.memref_slice %arg5[%add3A_791, %dma_start3A_879] : memref<8192x128xf32, #tpu.memory_space<hbm>> -> memref<32x128xf32, #tpu.memory_space<hbm>>
        %dma_start3A_881 = arith.constant 0 : i32
        %dma_start3A_882 = tpu.memref_slice %arg5[%add3A_791, %dma_start3A_881] : memref<8192x128xf32, #tpu.memory_space<hbm>> -> memref<32x128xf32, #tpu.memory_space<hbm>>
        tpu.enqueue_dma source(%arg10 : memref<32x128xf32, #tpu.memory_space<vmem>>) target(%dma_start3A_882 : memref<32x128xf32, #tpu.memory_space<hbm>>) target_semaphore(%run_scoped3A : memref<!tpu.dma_semaphore, #tpu.memory_space<semaphore_mem>>)
        %dma_wait3A_883 = arith.constant 0 : i32
        %dma_wait3A_884 = tpu.memref_slice %arg5[%add3A_791, %dma_wait3A_883] : memref<8192x128xf32, #tpu.memory_space<hbm>> -> memref<32x128xf32, #tpu.memory_space<hbm>>
        %dma_wait3A_885 = arith.constant 0 : i32
        %dma_wait3A_886 = tpu.memref_slice %arg5[%add3A_791, %dma_wait3A_885] : memref<8192x128xf32, #tpu.memory_space<hbm>> -> memref<32x128xf32, #tpu.memory_space<hbm>>
        tpu.wait_dma2 semaphore(%run_scoped3A : memref<!tpu.dma_semaphore, #tpu.memory_space<semaphore_mem>>) src(%arg10 : memref<32x128xf32, #tpu.memory_space<vmem>>) dst(%dma_wait3A_886 : memref<32x128xf32, #tpu.memory_space<hbm>>)
        tpu.yield
      }) : () -> ()
      scf.yield %scan3A_877#0, %scan3A_877#1, %scan3A_877#2, %scan3A_877#3, %scan3A_877#4, %scan3A_877#5, %scan3A_877#6, %scan3A_877#7, %scan3A_877#8, %scan3A_877#9, %scan3A_877#10, %scan3A_877#11 : vector<16xf32>, vector<16xf32>, vector<16xf32>, vector<16xf32>, vector<16xf32>, vector<16xf32>, vector<16xf32>, vector<16xf32>, vector<16xf32>, vector<16xf32>, vector<16xf32>, vector<16xf32>
    }
    %scan3A_6 = arith.constant 8 : i32
    %swap3A = arith.constant 0 : i32
    %swap3A_7 = arith.index_cast %swap3A : i32 to index
    %swap3A_8 = arith.constant 0 : index
    %swap3A_9 = tpu.vector_load %arg11[%swap3A_7, %swap3A_8] {strides = array<i32>} : memref<16x128xf32, #tpu.memory_space<vmem>>, vector<1x16xf32>,
    %swap3A_10 = vector.shape_cast %swap3A_9 : vector<1x16xf32> to vector<16xf32>
    %swap3A_11 = vector.shape_cast %scan3A_5#0 : vector<16xf32> to vector<1x16xf32>
    tpu.vector_store %arg11[%swap3A_7, %swap3A_8], %swap3A_11 {strides = array<i32>} : memref<16x128xf32, #tpu.memory_space<vmem>>, vector<1x16xf32>,
    %swap3A_12 = arith.constant 0 : i32
    %swap3A_13 = arith.index_cast %swap3A_12 : i32 to index
    %swap3A_14 = arith.constant 16 : index
    %swap3A_15 = tpu.vector_load %arg11[%swap3A_13, %swap3A_14] {strides = array<i32>} : memref<16x128xf32, #tpu.memory_space<vmem>>, vector<1x16xf32>,
    %swap3A_16 = vector.shape_cast %swap3A_15 : vector<1x16xf32> to vector<16xf32>
    %swap3A_17 = vector.shape_cast %broadcast_in_dim3A_1 : vector<16xf32> to vector<1x16xf32>
    tpu.vector_store %arg11[%swap3A_13, %swap3A_14], %swap3A_17 {strides = array<i32>} : memref<16x128xf32, #tpu.memory_space<vmem>>, vector<1x16xf32>,
    %swap3A_18 = arith.constant 0 : i32
    %swap3A_19 = arith.index_cast %swap3A_18 : i32 to index
    %swap3A_20 = arith.constant 32 : index
    %swap3A_21 = tpu.vector_load %arg11[%swap3A_19, %swap3A_20] {strides = array<i32>} : memref<16x128xf32, #tpu.memory_space<vmem>>, vector<1x16xf32>,
    %swap3A_22 = vector.shape_cast %swap3A_21 : vector<1x16xf32> to vector<16xf32>
    %swap3A_23 = vector.shape_cast %broadcast_in_dim3A_1 : vector<16xf32> to vector<1x16xf32>
    tpu.vector_store %arg11[%swap3A_19, %swap3A_20], %swap3A_23 {strides = array<i32>} : memref<16x128xf32, #tpu.memory_space<vmem>>, vector<1x16xf32>,
    %swap3A_24 = arith.constant 0 : i32
    %swap3A_25 = arith.index_cast %swap3A_24 : i32 to index
    %swap3A_26 = arith.constant 48 : index
    %swap3A_27 = tpu.vector_load %arg11[%swap3A_25, %swap3A_26] {strides = array<i32>} : memref<16x128xf32, #tpu.memory_space<vmem>>, vector<1x16xf32>,
    %swap3A_28 = vector.shape_cast %swap3A_27 : vector<1x16xf32> to vector<16xf32>
    %swap3A_29 = vector.shape_cast %broadcast_in_dim3A_1 : vector<16xf32> to vector<1x16xf32>
    tpu.vector_store %arg11[%swap3A_25, %swap3A_26], %swap3A_29 {strides = array<i32>} : memref<16x128xf32, #tpu.memory_space<vmem>>, vector<1x16xf32>,
    %swap3A_30 = arith.constant 0 : i32
    %swap3A_31 = arith.index_cast %swap3A_30 : i32 to index
    %swap3A_32 = arith.constant 64 : index
    %swap3A_33 = tpu.vector_load %arg11[%swap3A_31, %swap3A_32] {strides = array<i32>} : memref<16x128xf32, #tpu.memory_space<vmem>>, vector<1x16xf32>,
    %swap3A_34 = vector.shape_cast %swap3A_33 : vector<1x16xf32> to vector<16xf32>
    %swap3A_35 = vector.shape_cast %broadcast_in_dim3A_1 : vector<16xf32> to vector<1x16xf32>
    tpu.vector_store %arg11[%swap3A_31, %swap3A_32], %swap3A_35 {strides = array<i32>} : memref<16x128xf32, #tpu.memory_space<vmem>>, vector<1x16xf32>,
    %swap3A_36 = arith.constant 0 : i32
    %swap3A_37 = arith.index_cast %swap3A_36 : i32 to index
    %swap3A_38 = arith.constant 80 : index
    %swap3A_39 = tpu.vector_load %arg11[%swap3A_37, %swap3A_38] {strides = array<i32>} : memref<16x128xf32, #tpu.memory_space<vmem>>, vector<1x16xf32>,
    %swap3A_40 = vector.shape_cast %swap3A_39 : vector<1x16xf32> to vector<16xf32>
    %swap3A_41 = vector.shape_cast %broadcast_in_dim3A_1 : vector<16xf32> to vector<1x16xf32>
    tpu.vector_store %arg11[%swap3A_37, %swap3A_38], %swap3A_41 {strides = array<i32>} : memref<16x128xf32, #tpu.memory_space<vmem>>, vector<1x16xf32>,
    %swap3A_42 = arith.constant 0 : i32
    %swap3A_43 = arith.index_cast %swap3A_42 : i32 to index
    %swap3A_44 = arith.constant 96 : index
    %swap3A_45 = tpu.vector_load %arg11[%swap3A_43, %swap3A_44] {strides = array<i32>} : memref<16x128xf32, #tpu.memory_space<vmem>>, vector<1x16xf32>,
    %swap3A_46 = vector.shape_cast %swap3A_45 : vector<1x16xf32> to vector<16xf32>
    %swap3A_47 = vector.shape_cast %broadcast_in_dim3A_1 : vector<16xf32> to vector<1x16xf32>
    tpu.vector_store %arg11[%swap3A_43, %swap3A_44], %swap3A_47 {strides = array<i32>} : memref<16x128xf32, #tpu.memory_space<vmem>>, vector<1x16xf32>,
    %swap3A_48 = arith.constant 0 : i32
    %swap3A_49 = arith.index_cast %swap3A_48 : i32 to index
    %swap3A_50 = arith.constant 112 : index
    %swap3A_51 = tpu.vector_load %arg11[%swap3A_49, %swap3A_50] {strides = array<i32>} : memref<16x128xf32, #tpu.memory_space<vmem>>, vector<1x16xf32>,
    %swap3A_52 = vector.shape_cast %swap3A_51 : vector<1x16xf32> to vector<16xf32>
    %swap3A_53 = vector.shape_cast %broadcast_in_dim3A_1 : vector<16xf32> to vector<1x16xf32>
    tpu.vector_store %arg11[%swap3A_49, %swap3A_50], %swap3A_53 {strides = array<i32>} : memref<16x128xf32, #tpu.memory_space<vmem>>, vector<1x16xf32>,
    %swap3A_54 = arith.constant 1 : i32
    %swap3A_55 = arith.index_cast %swap3A_54 : i32 to index
    %swap3A_56 = arith.constant 0 : index
    %swap3A_57 = tpu.vector_load %arg11[%swap3A_55, %swap3A_56] {strides = array<i32>} : memref<16x128xf32, #tpu.memory_space<vmem>>, vector<1x16xf32>,
    %swap3A_58 = vector.shape_cast %swap3A_57 : vector<1x16xf32> to vector<16xf32>
    %swap3A_59 = vector.shape_cast %scan3A_5#1 : vector<16xf32> to vector<1x16xf32>
    tpu.vector_store %arg11[%swap3A_55, %swap3A_56], %swap3A_59 {strides = array<i32>} : memref<16x128xf32, #tpu.memory_space<vmem>>, vector<1x16xf32>,
    %swap3A_60 = arith.constant 1 : i32
    %swap3A_61 = arith.index_cast %swap3A_60 : i32 to index
    %swap3A_62 = arith.constant 16 : index
    %swap3A_63 = tpu.vector_load %arg11[%swap3A_61, %swap3A_62] {strides = array<i32>} : memref<16x128xf32, #tpu.memory_space<vmem>>, vector<1x16xf32>,
    %swap3A_64 = vector.shape_cast %swap3A_63 : vector<1x16xf32> to vector<16xf32>
    %swap3A_65 = vector.shape_cast %broadcast_in_dim3A_1 : vector<16xf32> to vector<1x16xf32>
    tpu.vector_store %arg11[%swap3A_61, %swap3A_62], %swap3A_65 {strides = array<i32>} : memref<16x128xf32, #tpu.memory_space<vmem>>, vector<1x16xf32>,
    %swap3A_66 = arith.constant 1 : i32
    %swap3A_67 = arith.index_cast %swap3A_66 : i32 to index
    %swap3A_68 = arith.constant 32 : index
    %swap3A_69 = tpu.vector_load %arg11[%swap3A_67, %swap3A_68] {strides = array<i32>} : memref<16x128xf32, #tpu.memory_space<vmem>>, vector<1x16xf32>,
    %swap3A_70 = vector.shape_cast %swap3A_69 : vector<1x16xf32> to vector<16xf32>
    %swap3A_71 = vector.shape_cast %broadcast_in_dim3A_1 : vector<16xf32> to vector<1x16xf32>
    tpu.vector_store %arg11[%swap3A_67, %swap3A_68], %swap3A_71 {strides = array<i32>} : memref<16x128xf32, #tpu.memory_space<vmem>>, vector<1x16xf32>,
    %swap3A_72 = arith.constant 1 : i32
    %swap3A_73 = arith.index_cast %swap3A_72 : i32 to index
    %swap3A_74 = arith.constant 48 : index
    %swap3A_75 = tpu.vector_load %arg11[%swap3A_73, %swap3A_74] {strides = array<i32>} : memref<16x128xf32, #tpu.memory_space<vmem>>, vector<1x16xf32>,
    %swap3A_76 = vector.shape_cast %swap3A_75 : vector<1x16xf32> to vector<16xf32>
    %swap3A_77 = vector.shape_cast %broadcast_in_dim3A_1 : vector<16xf32> to vector<1x16xf32>
    tpu.vector_store %arg11[%swap3A_73, %swap3A_74], %swap3A_77 {strides = array<i32>} : memref<16x128xf32, #tpu.memory_space<vmem>>, vector<1x16xf32>,
    %swap3A_78 = arith.constant 1 : i32
    %swap3A_79 = arith.index_cast %swap3A_78 : i32 to index
    %swap3A_80 = arith.constant 64 : index
    %swap3A_81 = tpu.vector_load %arg11[%swap3A_79, %swap3A_80] {strides = array<i32>} : memref<16x128xf32, #tpu.memory_space<vmem>>, vector<1x16xf32>,
    %swap3A_82 = vector.shape_cast %swap3A_81 : vector<1x16xf32> to vector<16xf32>
    %swap3A_83 = vector.shape_cast %broadcast_in_dim3A_1 : vector<16xf32> to vector<1x16xf32>
    tpu.vector_store %arg11[%swap3A_79, %swap3A_80], %swap3A_83 {strides = array<i32>} : memref<16x128xf32, #tpu.memory_space<vmem>>, vector<1x16xf32>,
    %swap3A_84 = arith.constant 1 : i32
    %swap3A_85 = arith.index_cast %swap3A_84 : i32 to index
    %swap3A_86 = arith.constant 80 : index
    %swap3A_87 = tpu.vector_load %arg11[%swap3A_85, %swap3A_86] {strides = array<i32>} : memref<16x128xf32, #tpu.memory_space<vmem>>, vector<1x16xf32>,
    %swap3A_88 = vector.shape_cast %swap3A_87 : vector<1x16xf32> to vector<16xf32>
    %swap3A_89 = vector.shape_cast %broadcast_in_dim3A_1 : vector<16xf32> to vector<1x16xf32>
    tpu.vector_store %arg11[%swap3A_85, %swap3A_86], %swap3A_89 {strides = array<i32>} : memref<16x128xf32, #tpu.memory_space<vmem>>, vector<1x16xf32>,
    %swap3A_90 = arith.constant 1 : i32
    %swap3A_91 = arith.index_cast %swap3A_90 : i32 to index
    %swap3A_92 = arith.constant 96 : index
    %swap3A_93 = tpu.vector_load %arg11[%swap3A_91, %swap3A_92] {strides = array<i32>} : memref<16x128xf32, #tpu.memory_space<vmem>>, vector<1x16xf32>,
    %swap3A_94 = vector.shape_cast %swap3A_93 : vector<1x16xf32> to vector<16xf32>
    %swap3A_95 = vector.shape_cast %broadcast_in_dim3A_1 : vector<16xf32> to vector<1x16xf32>
    tpu.vector_store %arg11[%swap3A_91, %swap3A_92], %swap3A_95 {strides = array<i32>} : memref<16x128xf32, #tpu.memory_space<vmem>>, vector<1x16xf32>,
    %swap3A_96 = arith.constant 1 : i32
    %swap3A_97 = arith.index_cast %swap3A_96 : i32 to index
    %swap3A_98 = arith.constant 112 : index
    %swap3A_99 = tpu.vector_load %arg11[%swap3A_97, %swap3A_98] {strides = array<i32>} : memref<16x128xf32, #tpu.memory_space<vmem>>, vector<1x16xf32>,
    %swap3A_100 = vector.shape_cast %swap3A_99 : vector<1x16xf32> to vector<16xf32>
    %swap3A_101 = vector.shape_cast %broadcast_in_dim3A_1 : vector<16xf32> to vector<1x16xf32>
    tpu.vector_store %arg11[%swap3A_97, %swap3A_98], %swap3A_101 {strides = array<i32>} : memref<16x128xf32, #tpu.memory_space<vmem>>, vector<1x16xf32>,
    %swap3A_102 = arith.constant 2 : i32
    %swap3A_103 = arith.index_cast %swap3A_102 : i32 to index
    %swap3A_104 = arith.constant 0 : index
    %swap3A_105 = tpu.vector_load %arg11[%swap3A_103, %swap3A_104] {strides = array<i32>} : memref<16x128xf32, #tpu.memory_space<vmem>>, vector<1x16xf32>,
    %swap3A_106 = vector.shape_cast %swap3A_105 : vector<1x16xf32> to vector<16xf32>
    %swap3A_107 = vector.shape_cast %scan3A_5#2 : vector<16xf32> to vector<1x16xf32>
    tpu.vector_store %arg11[%swap3A_103, %swap3A_104], %swap3A_107 {strides = array<i32>} : memref<16x128xf32, #tpu.memory_space<vmem>>, vector<1x16xf32>,
    %swap3A_108 = arith.constant 2 : i32
    %swap3A_109 = arith.index_cast %swap3A_108 : i32 to index
    %swap3A_110 = arith.constant 16 : index
    %swap3A_111 = tpu.vector_load %arg11[%swap3A_109, %swap3A_110] {strides = array<i32>} : memref<16x128xf32, #tpu.memory_space<vmem>>, vector<1x16xf32>,
    %swap3A_112 = vector.shape_cast %swap3A_111 : vector<1x16xf32> to vector<16xf32>
    %swap3A_113 = vector.shape_cast %broadcast_in_dim3A_1 : vector<16xf32> to vector<1x16xf32>
    tpu.vector_store %arg11[%swap3A_109, %swap3A_110], %swap3A_113 {strides = array<i32>} : memref<16x128xf32, #tpu.memory_space<vmem>>, vector<1x16xf32>,
    %swap3A_114 = arith.constant 2 : i32
    %swap3A_115 = arith.index_cast %swap3A_114 : i32 to index
    %swap3A_116 = arith.constant 32 : index
    %swap3A_117 = tpu.vector_load %arg11[%swap3A_115, %swap3A_116] {strides = array<i32>} : memref<16x128xf32, #tpu.memory_space<vmem>>, vector<1x16xf32>,
    %swap3A_118 = vector.shape_cast %swap3A_117 : vector<1x16xf32> to vector<16xf32>
    %swap3A_119 = vector.shape_cast %broadcast_in_dim3A_1 : vector<16xf32> to vector<1x16xf32>
    tpu.vector_store %arg11[%swap3A_115, %swap3A_116], %swap3A_119 {strides = array<i32>} : memref<16x128xf32, #tpu.memory_space<vmem>>, vector<1x16xf32>,
    %swap3A_120 = arith.constant 2 : i32
    %swap3A_121 = arith.index_cast %swap3A_120 : i32 to index
    %swap3A_122 = arith.constant 48 : index
    %swap3A_123 = tpu.vector_load %arg11[%swap3A_121, %swap3A_122] {strides = array<i32>} : memref<16x128xf32, #tpu.memory_space<vmem>>, vector<1x16xf32>,
    %swap3A_124 = vector.shape_cast %swap3A_123 : vector<1x16xf32> to vector<16xf32>
    %swap3A_125 = vector.shape_cast %broadcast_in_dim3A_1 : vector<16xf32> to vector<1x16xf32>
    tpu.vector_store %arg11[%swap3A_121, %swap3A_122], %swap3A_125 {strides = array<i32>} : memref<16x128xf32, #tpu.memory_space<vmem>>, vector<1x16xf32>,
    %swap3A_126 = arith.constant 2 : i32
    %swap3A_127 = arith.index_cast %swap3A_126 : i32 to index
    %swap3A_128 = arith.constant 64 : index
    %swap3A_129 = tpu.vector_load %arg11[%swap3A_127, %swap3A_128] {strides = array<i32>} : memref<16x128xf32, #tpu.memory_space<vmem>>, vector<1x16xf32>,
    %swap3A_130 = vector.shape_cast %swap3A_129 : vector<1x16xf32> to vector<16xf32>
    %swap3A_131 = vector.shape_cast %broadcast_in_dim3A_1 : vector<16xf32> to vector<1x16xf32>
    tpu.vector_store %arg11[%swap3A_127, %swap3A_128], %swap3A_131 {strides = array<i32>} : memref<16x128xf32, #tpu.memory_space<vmem>>, vector<1x16xf32>,
    %swap3A_132 = arith.constant 2 : i32
    %swap3A_133 = arith.index_cast %swap3A_132 : i32 to index
    %swap3A_134 = arith.constant 80 : index
    %swap3A_135 = tpu.vector_load %arg11[%swap3A_133, %swap3A_134] {strides = array<i32>} : memref<16x128xf32, #tpu.memory_space<vmem>>, vector<1x16xf32>,
    %swap3A_136 = vector.shape_cast %swap3A_135 : vector<1x16xf32> to vector<16xf32>
    %swap3A_137 = vector.shape_cast %broadcast_in_dim3A_1 : vector<16xf32> to vector<1x16xf32>
    tpu.vector_store %arg11[%swap3A_133, %swap3A_134], %swap3A_137 {strides = array<i32>} : memref<16x128xf32, #tpu.memory_space<vmem>>, vector<1x16xf32>,
    %swap3A_138 = arith.constant 2 : i32
    %swap3A_139 = arith.index_cast %swap3A_138 : i32 to index
    %swap3A_140 = arith.constant 96 : index
    %swap3A_141 = tpu.vector_load %arg11[%swap3A_139, %swap3A_140] {strides = array<i32>} : memref<16x128xf32, #tpu.memory_space<vmem>>, vector<1x16xf32>,
    %swap3A_142 = vector.shape_cast %swap3A_141 : vector<1x16xf32> to vector<16xf32>
    %swap3A_143 = vector.shape_cast %broadcast_in_dim3A_1 : vector<16xf32> to vector<1x16xf32>
    tpu.vector_store %arg11[%swap3A_139, %swap3A_140], %swap3A_143 {strides = array<i32>} : memref<16x128xf32, #tpu.memory_space<vmem>>, vector<1x16xf32>,
    %swap3A_144 = arith.constant 2 : i32
    %swap3A_145 = arith.index_cast %swap3A_144 : i32 to index
    %swap3A_146 = arith.constant 112 : index
    %swap3A_147 = tpu.vector_load %arg11[%swap3A_145, %swap3A_146] {strides = array<i32>} : memref<16x128xf32, #tpu.memory_space<vmem>>, vector<1x16xf32>,
    %swap3A_148 = vector.shape_cast %swap3A_147 : vector<1x16xf32> to vector<16xf32>
    %swap3A_149 = vector.shape_cast %broadcast_in_dim3A_1 : vector<16xf32> to vector<1x16xf32>
    tpu.vector_store %arg11[%swap3A_145, %swap3A_146], %swap3A_149 {strides = array<i32>} : memref<16x128xf32, #tpu.memory_space<vmem>>, vector<1x16xf32>,
    %swap3A_150 = arith.constant 3 : i32
    %swap3A_151 = arith.index_cast %swap3A_150 : i32 to index
    %swap3A_152 = arith.constant 0 : index
    %swap3A_153 = tpu.vector_load %arg11[%swap3A_151, %swap3A_152] {strides = array<i32>} : memref<16x128xf32, #tpu.memory_space<vmem>>, vector<1x16xf32>,
    %swap3A_154 = vector.shape_cast %swap3A_153 : vector<1x16xf32> to vector<16xf32>
    %swap3A_155 = vector.shape_cast %scan3A_5#3 : vector<16xf32> to vector<1x16xf32>
    tpu.vector_store %arg11[%swap3A_151, %swap3A_152], %swap3A_155 {strides = array<i32>} : memref<16x128xf32, #tpu.memory_space<vmem>>, vector<1x16xf32>,
    %swap3A_156 = arith.constant 3 : i32
    %swap3A_157 = arith.index_cast %swap3A_156 : i32 to index
    %swap3A_158 = arith.constant 16 : index
    %swap3A_159 = tpu.vector_load %arg11[%swap3A_157, %swap3A_158] {strides = array<i32>} : memref<16x128xf32, #tpu.memory_space<vmem>>, vector<1x16xf32>,
    %swap3A_160 = vector.shape_cast %swap3A_159 : vector<1x16xf32> to vector<16xf32>
    %swap3A_161 = vector.shape_cast %broadcast_in_dim3A_1 : vector<16xf32> to vector<1x16xf32>
    tpu.vector_store %arg11[%swap3A_157, %swap3A_158], %swap3A_161 {strides = array<i32>} : memref<16x128xf32, #tpu.memory_space<vmem>>, vector<1x16xf32>,
    %swap3A_162 = arith.constant 3 : i32
    %swap3A_163 = arith.index_cast %swap3A_162 : i32 to index
    %swap3A_164 = arith.constant 32 : index
    %swap3A_165 = tpu.vector_load %arg11[%swap3A_163, %swap3A_164] {strides = array<i32>} : memref<16x128xf32, #tpu.memory_space<vmem>>, vector<1x16xf32>,
    %swap3A_166 = vector.shape_cast %swap3A_165 : vector<1x16xf32> to vector<16xf32>
    %swap3A_167 = vector.shape_cast %broadcast_in_dim3A_1 : vector<16xf32> to vector<1x16xf32>
    tpu.vector_store %arg11[%swap3A_163, %swap3A_164], %swap3A_167 {strides = array<i32>} : memref<16x128xf32, #tpu.memory_space<vmem>>, vector<1x16xf32>,
    %swap3A_168 = arith.constant 3 : i32
    %swap3A_169 = arith.index_cast %swap3A_168 : i32 to index
    %swap3A_170 = arith.constant 48 : index
    %swap3A_171 = tpu.vector_load %arg11[%swap3A_169, %swap3A_170] {strides = array<i32>} : memref<16x128xf32, #tpu.memory_space<vmem>>, vector<1x16xf32>,
    %swap3A_172 = vector.shape_cast %swap3A_171 : vector<1x16xf32> to vector<16xf32>
    %swap3A_173 = vector.shape_cast %broadcast_in_dim3A_1 : vector<16xf32> to vector<1x16xf32>
    tpu.vector_store %arg11[%swap3A_169, %swap3A_170], %swap3A_173 {strides = array<i32>} : memref<16x128xf32, #tpu.memory_space<vmem>>, vector<1x16xf32>,
    %swap3A_174 = arith.constant 3 : i32
    %swap3A_175 = arith.index_cast %swap3A_174 : i32 to index
    %swap3A_176 = arith.constant 64 : index
    %swap3A_177 = tpu.vector_load %arg11[%swap3A_175, %swap3A_176] {strides = array<i32>} : memref<16x128xf32, #tpu.memory_space<vmem>>, vector<1x16xf32>,
    %swap3A_178 = vector.shape_cast %swap3A_177 : vector<1x16xf32> to vector<16xf32>
    %swap3A_179 = vector.shape_cast %broadcast_in_dim3A_1 : vector<16xf32> to vector<1x16xf32>
    tpu.vector_store %arg11[%swap3A_175, %swap3A_176], %swap3A_179 {strides = array<i32>} : memref<16x128xf32, #tpu.memory_space<vmem>>, vector<1x16xf32>,
    %swap3A_180 = arith.constant 3 : i32
    %swap3A_181 = arith.index_cast %swap3A_180 : i32 to index
    %swap3A_182 = arith.constant 80 : index
    %swap3A_183 = tpu.vector_load %arg11[%swap3A_181, %swap3A_182] {strides = array<i32>} : memref<16x128xf32, #tpu.memory_space<vmem>>, vector<1x16xf32>,
    %swap3A_184 = vector.shape_cast %swap3A_183 : vector<1x16xf32> to vector<16xf32>
    %swap3A_185 = vector.shape_cast %broadcast_in_dim3A_1 : vector<16xf32> to vector<1x16xf32>
    tpu.vector_store %arg11[%swap3A_181, %swap3A_182], %swap3A_185 {strides = array<i32>} : memref<16x128xf32, #tpu.memory_space<vmem>>, vector<1x16xf32>,
    %swap3A_186 = arith.constant 3 : i32
    %swap3A_187 = arith.index_cast %swap3A_186 : i32 to index
    %swap3A_188 = arith.constant 96 : index
    %swap3A_189 = tpu.vector_load %arg11[%swap3A_187, %swap3A_188] {strides = array<i32>} : memref<16x128xf32, #tpu.memory_space<vmem>>, vector<1x16xf32>,
    %swap3A_190 = vector.shape_cast %swap3A_189 : vector<1x16xf32> to vector<16xf32>
    %swap3A_191 = vector.shape_cast %broadcast_in_dim3A_1 : vector<16xf32> to vector<1x16xf32>
    tpu.vector_store %arg11[%swap3A_187, %swap3A_188], %swap3A_191 {strides = array<i32>} : memref<16x128xf32, #tpu.memory_space<vmem>>, vector<1x16xf32>,
    %swap3A_192 = arith.constant 3 : i32
    %swap3A_193 = arith.index_cast %swap3A_192 : i32 to index
    %swap3A_194 = arith.constant 112 : index
    %swap3A_195 = tpu.vector_load %arg11[%swap3A_193, %swap3A_194] {strides = array<i32>} : memref<16x128xf32, #tpu.memory_space<vmem>>, vector<1x16xf32>,
    %swap3A_196 = vector.shape_cast %swap3A_195 : vector<1x16xf32> to vector<16xf32>
    %swap3A_197 = vector.shape_cast %broadcast_in_dim3A_1 : vector<16xf32> to vector<1x16xf32>
    tpu.vector_store %arg11[%swap3A_193, %swap3A_194], %swap3A_197 {strides = array<i32>} : memref<16x128xf32, #tpu.memory_space<vmem>>, vector<1x16xf32>,
    %swap3A_198 = arith.constant 4 : i32
    %swap3A_199 = arith.index_cast %swap3A_198 : i32 to index
    %swap3A_200 = arith.constant 0 : index
    %swap3A_201 = tpu.vector_load %arg11[%swap3A_199, %swap3A_200] {strides = array<i32>} : memref<16x128xf32, #tpu.memory_space<vmem>>, vector<1x16xf32>,
    %swap3A_202 = vector.shape_cast %swap3A_201 : vector<1x16xf32> to vector<16xf32>
    %swap3A_203 = vector.shape_cast %scan3A_5#4 : vector<16xf32> to vector<1x16xf32>
    tpu.vector_store %arg11[%swap3A_199, %swap3A_200], %swap3A_203 {strides = array<i32>} : memref<16x128xf32, #tpu.memory_space<vmem>>, vector<1x16xf32>,
    %swap3A_204 = arith.constant 4 : i32
    %swap3A_205 = arith.index_cast %swap3A_204 : i32 to index
    %swap3A_206 = arith.constant 16 : index
    %swap3A_207 = tpu.vector_load %arg11[%swap3A_205, %swap3A_206] {strides = array<i32>} : memref<16x128xf32, #tpu.memory_space<vmem>>, vector<1x16xf32>,
    %swap3A_208 = vector.shape_cast %swap3A_207 : vector<1x16xf32> to vector<16xf32>
    %swap3A_209 = vector.shape_cast %broadcast_in_dim3A_1 : vector<16xf32> to vector<1x16xf32>
    tpu.vector_store %arg11[%swap3A_205, %swap3A_206], %swap3A_209 {strides = array<i32>} : memref<16x128xf32, #tpu.memory_space<vmem>>, vector<1x16xf32>,
    %swap3A_210 = arith.constant 4 : i32
    %swap3A_211 = arith.index_cast %swap3A_210 : i32 to index
    %swap3A_212 = arith.constant 32 : index
    %swap3A_213 = tpu.vector_load %arg11[%swap3A_211, %swap3A_212] {strides = array<i32>} : memref<16x128xf32, #tpu.memory_space<vmem>>, vector<1x16xf32>,
    %swap3A_214 = vector.shape_cast %swap3A_213 : vector<1x16xf32> to vector<16xf32>
    %swap3A_215 = vector.shape_cast %broadcast_in_dim3A_1 : vector<16xf32> to vector<1x16xf32>
    tpu.vector_store %arg11[%swap3A_211, %swap3A_212], %swap3A_215 {strides = array<i32>} : memref<16x128xf32, #tpu.memory_space<vmem>>, vector<1x16xf32>,
    %swap3A_216 = arith.constant 4 : i32
    %swap3A_217 = arith.index_cast %swap3A_216 : i32 to index
    %swap3A_218 = arith.constant 48 : index
    %swap3A_219 = tpu.vector_load %arg11[%swap3A_217, %swap3A_218] {strides = array<i32>} : memref<16x128xf32, #tpu.memory_space<vmem>>, vector<1x16xf32>,
    %swap3A_220 = vector.shape_cast %swap3A_219 : vector<1x16xf32> to vector<16xf32>
    %swap3A_221 = vector.shape_cast %broadcast_in_dim3A_1 : vector<16xf32> to vector<1x16xf32>
    tpu.vector_store %arg11[%swap3A_217, %swap3A_218], %swap3A_221 {strides = array<i32>} : memref<16x128xf32, #tpu.memory_space<vmem>>, vector<1x16xf32>,
    %swap3A_222 = arith.constant 4 : i32
    %swap3A_223 = arith.index_cast %swap3A_222 : i32 to index
    %swap3A_224 = arith.constant 64 : index
    %swap3A_225 = tpu.vector_load %arg11[%swap3A_223, %swap3A_224] {strides = array<i32>} : memref<16x128xf32, #tpu.memory_space<vmem>>, vector<1x16xf32>,
    %swap3A_226 = vector.shape_cast %swap3A_225 : vector<1x16xf32> to vector<16xf32>
    %swap3A_227 = vector.shape_cast %broadcast_in_dim3A_1 : vector<16xf32> to vector<1x16xf32>
    tpu.vector_store %arg11[%swap3A_223, %swap3A_224], %swap3A_227 {strides = array<i32>} : memref<16x128xf32, #tpu.memory_space<vmem>>, vector<1x16xf32>,
    %swap3A_228 = arith.constant 4 : i32
    %swap3A_229 = arith.index_cast %swap3A_228 : i32 to index
    %swap3A_230 = arith.constant 80 : index
    %swap3A_231 = tpu.vector_load %arg11[%swap3A_229, %swap3A_230] {strides = array<i32>} : memref<16x128xf32, #tpu.memory_space<vmem>>, vector<1x16xf32>,
    %swap3A_232 = vector.shape_cast %swap3A_231 : vector<1x16xf32> to vector<16xf32>
    %swap3A_233 = vector.shape_cast %broadcast_in_dim3A_1 : vector<16xf32> to vector<1x16xf32>
    tpu.vector_store %arg11[%swap3A_229, %swap3A_230], %swap3A_233 {strides = array<i32>} : memref<16x128xf32, #tpu.memory_space<vmem>>, vector<1x16xf32>,
    %swap3A_234 = arith.constant 4 : i32
    %swap3A_235 = arith.index_cast %swap3A_234 : i32 to index
    %swap3A_236 = arith.constant 96 : index
    %swap3A_237 = tpu.vector_load %arg11[%swap3A_235, %swap3A_236] {strides = array<i32>} : memref<16x128xf32, #tpu.memory_space<vmem>>, vector<1x16xf32>,
    %swap3A_238 = vector.shape_cast %swap3A_237 : vector<1x16xf32> to vector<16xf32>
    %swap3A_239 = vector.shape_cast %broadcast_in_dim3A_1 : vector<16xf32> to vector<1x16xf32>
    tpu.vector_store %arg11[%swap3A_235, %swap3A_236], %swap3A_239 {strides = array<i32>} : memref<16x128xf32, #tpu.memory_space<vmem>>, vector<1x16xf32>,
    %swap3A_240 = arith.constant 4 : i32
    %swap3A_241 = arith.index_cast %swap3A_240 : i32 to index
    %swap3A_242 = arith.constant 112 : index
    %swap3A_243 = tpu.vector_load %arg11[%swap3A_241, %swap3A_242] {strides = array<i32>} : memref<16x128xf32, #tpu.memory_space<vmem>>, vector<1x16xf32>,
    %swap3A_244 = vector.shape_cast %swap3A_243 : vector<1x16xf32> to vector<16xf32>
    %swap3A_245 = vector.shape_cast %broadcast_in_dim3A_1 : vector<16xf32> to vector<1x16xf32>
    tpu.vector_store %arg11[%swap3A_241, %swap3A_242], %swap3A_245 {strides = array<i32>} : memref<16x128xf32, #tpu.memory_space<vmem>>, vector<1x16xf32>,
    %swap3A_246 = arith.constant 5 : i32
    %swap3A_247 = arith.index_cast %swap3A_246 : i32 to index
    %swap3A_248 = arith.constant 0 : index
    %swap3A_249 = tpu.vector_load %arg11[%swap3A_247, %swap3A_248] {strides = array<i32>} : memref<16x128xf32, #tpu.memory_space<vmem>>, vector<1x16xf32>,
    %swap3A_250 = vector.shape_cast %swap3A_249 : vector<1x16xf32> to vector<16xf32>
    %swap3A_251 = vector.shape_cast %scan3A_5#5 : vector<16xf32> to vector<1x16xf32>
    tpu.vector_store %arg11[%swap3A_247, %swap3A_248], %swap3A_251 {strides = array<i32>} : memref<16x128xf32, #tpu.memory_space<vmem>>, vector<1x16xf32>,
    %swap3A_252 = arith.constant 5 : i32
    %swap3A_253 = arith.index_cast %swap3A_252 : i32 to index
    %swap3A_254 = arith.constant 16 : index
    %swap3A_255 = tpu.vector_load %arg11[%swap3A_253, %swap3A_254] {strides = array<i32>} : memref<16x128xf32, #tpu.memory_space<vmem>>, vector<1x16xf32>,
    %swap3A_256 = vector.shape_cast %swap3A_255 : vector<1x16xf32> to vector<16xf32>
    %swap3A_257 = vector.shape_cast %broadcast_in_dim3A_1 : vector<16xf32> to vector<1x16xf32>
    tpu.vector_store %arg11[%swap3A_253, %swap3A_254], %swap3A_257 {strides = array<i32>} : memref<16x128xf32, #tpu.memory_space<vmem>>, vector<1x16xf32>,
    %swap3A_258 = arith.constant 5 : i32
    %swap3A_259 = arith.index_cast %swap3A_258 : i32 to index
    %swap3A_260 = arith.constant 32 : index
    %swap3A_261 = tpu.vector_load %arg11[%swap3A_259, %swap3A_260] {strides = array<i32>} : memref<16x128xf32, #tpu.memory_space<vmem>>, vector<1x16xf32>,
    %swap3A_262 = vector.shape_cast %swap3A_261 : vector<1x16xf32> to vector<16xf32>
    %swap3A_263 = vector.shape_cast %broadcast_in_dim3A_1 : vector<16xf32> to vector<1x16xf32>
    tpu.vector_store %arg11[%swap3A_259, %swap3A_260], %swap3A_263 {strides = array<i32>} : memref<16x128xf32, #tpu.memory_space<vmem>>, vector<1x16xf32>,
    %swap3A_264 = arith.constant 5 : i32
    %swap3A_265 = arith.index_cast %swap3A_264 : i32 to index
    %swap3A_266 = arith.constant 48 : index
    %swap3A_267 = tpu.vector_load %arg11[%swap3A_265, %swap3A_266] {strides = array<i32>} : memref<16x128xf32, #tpu.memory_space<vmem>>, vector<1x16xf32>,
    %swap3A_268 = vector.shape_cast %swap3A_267 : vector<1x16xf32> to vector<16xf32>
    %swap3A_269 = vector.shape_cast %broadcast_in_dim3A_1 : vector<16xf32> to vector<1x16xf32>
    tpu.vector_store %arg11[%swap3A_265, %swap3A_266], %swap3A_269 {strides = array<i32>} : memref<16x128xf32, #tpu.memory_space<vmem>>, vector<1x16xf32>,
    %swap3A_270 = arith.constant 5 : i32
    %swap3A_271 = arith.index_cast %swap3A_270 : i32 to index
    %swap3A_272 = arith.constant 64 : index
    %swap3A_273 = tpu.vector_load %arg11[%swap3A_271, %swap3A_272] {strides = array<i32>} : memref<16x128xf32, #tpu.memory_space<vmem>>, vector<1x16xf32>,
    %swap3A_274 = vector.shape_cast %swap3A_273 : vector<1x16xf32> to vector<16xf32>
    %swap3A_275 = vector.shape_cast %broadcast_in_dim3A_1 : vector<16xf32> to vector<1x16xf32>
    tpu.vector_store %arg11[%swap3A_271, %swap3A_272], %swap3A_275 {strides = array<i32>} : memref<16x128xf32, #tpu.memory_space<vmem>>, vector<1x16xf32>,
    %swap3A_276 = arith.constant 5 : i32
    %swap3A_277 = arith.index_cast %swap3A_276 : i32 to index
    %swap3A_278 = arith.constant 80 : index
    %swap3A_279 = tpu.vector_load %arg11[%swap3A_277, %swap3A_278] {strides = array<i32>} : memref<16x128xf32, #tpu.memory_space<vmem>>, vector<1x16xf32>,
    %swap3A_280 = vector.shape_cast %swap3A_279 : vector<1x16xf32> to vector<16xf32>
    %swap3A_281 = vector.shape_cast %broadcast_in_dim3A_1 : vector<16xf32> to vector<1x16xf32>
    tpu.vector_store %arg11[%swap3A_277, %swap3A_278], %swap3A_281 {strides = array<i32>} : memref<16x128xf32, #tpu.memory_space<vmem>>, vector<1x16xf32>,
    %swap3A_282 = arith.constant 5 : i32
    %swap3A_283 = arith.index_cast %swap3A_282 : i32 to index
    %swap3A_284 = arith.constant 96 : index
    %swap3A_285 = tpu.vector_load %arg11[%swap3A_283, %swap3A_284] {strides = array<i32>} : memref<16x128xf32, #tpu.memory_space<vmem>>, vector<1x16xf32>,
    %swap3A_286 = vector.shape_cast %swap3A_285 : vector<1x16xf32> to vector<16xf32>
    %swap3A_287 = vector.shape_cast %broadcast_in_dim3A_1 : vector<16xf32> to vector<1x16xf32>
    tpu.vector_store %arg11[%swap3A_283, %swap3A_284], %swap3A_287 {strides = array<i32>} : memref<16x128xf32, #tpu.memory_space<vmem>>, vector<1x16xf32>,
    %swap3A_288 = arith.constant 5 : i32
    %swap3A_289 = arith.index_cast %swap3A_288 : i32 to index
    %swap3A_290 = arith.constant 112 : index
    %swap3A_291 = tpu.vector_load %arg11[%swap3A_289, %swap3A_290] {strides = array<i32>} : memref<16x128xf32, #tpu.memory_space<vmem>>, vector<1x16xf32>,
    %swap3A_292 = vector.shape_cast %swap3A_291 : vector<1x16xf32> to vector<16xf32>
    %swap3A_293 = vector.shape_cast %broadcast_in_dim3A_1 : vector<16xf32> to vector<1x16xf32>
    tpu.vector_store %arg11[%swap3A_289, %swap3A_290], %swap3A_293 {strides = array<i32>} : memref<16x128xf32, #tpu.memory_space<vmem>>, vector<1x16xf32>,
    %swap3A_294 = arith.constant 6 : i32
    %swap3A_295 = arith.index_cast %swap3A_294 : i32 to index
    %swap3A_296 = arith.constant 0 : index
    %swap3A_297 = tpu.vector_load %arg11[%swap3A_295, %swap3A_296] {strides = array<i32>} : memref<16x128xf32, #tpu.memory_space<vmem>>, vector<1x16xf32>,
    %swap3A_298 = vector.shape_cast %swap3A_297 : vector<1x16xf32> to vector<16xf32>
    %swap3A_299 = vector.shape_cast %scan3A_5#6 : vector<16xf32> to vector<1x16xf32>
    tpu.vector_store %arg11[%swap3A_295, %swap3A_296], %swap3A_299 {strides = array<i32>} : memref<16x128xf32, #tpu.memory_space<vmem>>, vector<1x16xf32>,
    %swap3A_300 = arith.constant 6 : i32
    %swap3A_301 = arith.index_cast %swap3A_300 : i32 to index
    %swap3A_302 = arith.constant 16 : index
    %swap3A_303 = tpu.vector_load %arg11[%swap3A_301, %swap3A_302] {strides = array<i32>} : memref<16x128xf32, #tpu.memory_space<vmem>>, vector<1x16xf32>,
    %swap3A_304 = vector.shape_cast %swap3A_303 : vector<1x16xf32> to vector<16xf32>
    %swap3A_305 = vector.shape_cast %broadcast_in_dim3A_1 : vector<16xf32> to vector<1x16xf32>
    tpu.vector_store %arg11[%swap3A_301, %swap3A_302], %swap3A_305 {strides = array<i32>} : memref<16x128xf32, #tpu.memory_space<vmem>>, vector<1x16xf32>,
    %swap3A_306 = arith.constant 6 : i32
    %swap3A_307 = arith.index_cast %swap3A_306 : i32 to index
    %swap3A_308 = arith.constant 32 : index
    %swap3A_309 = tpu.vector_load %arg11[%swap3A_307, %swap3A_308] {strides = array<i32>} : memref<16x128xf32, #tpu.memory_space<vmem>>, vector<1x16xf32>,
    %swap3A_310 = vector.shape_cast %swap3A_309 : vector<1x16xf32> to vector<16xf32>
    %swap3A_311 = vector.shape_cast %broadcast_in_dim3A_1 : vector<16xf32> to vector<1x16xf32>
    tpu.vector_store %arg11[%swap3A_307, %swap3A_308], %swap3A_311 {strides = array<i32>} : memref<16x128xf32, #tpu.memory_space<vmem>>, vector<1x16xf32>,
    %swap3A_312 = arith.constant 6 : i32
    %swap3A_313 = arith.index_cast %swap3A_312 : i32 to index
    %swap3A_314 = arith.constant 48 : index
    %swap3A_315 = tpu.vector_load %arg11[%swap3A_313, %swap3A_314] {strides = array<i32>} : memref<16x128xf32, #tpu.memory_space<vmem>>, vector<1x16xf32>,
    %swap3A_316 = vector.shape_cast %swap3A_315 : vector<1x16xf32> to vector<16xf32>
    %swap3A_317 = vector.shape_cast %broadcast_in_dim3A_1 : vector<16xf32> to vector<1x16xf32>
    tpu.vector_store %arg11[%swap3A_313, %swap3A_314], %swap3A_317 {strides = array<i32>} : memref<16x128xf32, #tpu.memory_space<vmem>>, vector<1x16xf32>,
    %swap3A_318 = arith.constant 6 : i32
    %swap3A_319 = arith.index_cast %swap3A_318 : i32 to index
    %swap3A_320 = arith.constant 64 : index
    %swap3A_321 = tpu.vector_load %arg11[%swap3A_319, %swap3A_320] {strides = array<i32>} : memref<16x128xf32, #tpu.memory_space<vmem>>, vector<1x16xf32>,
    %swap3A_322 = vector.shape_cast %swap3A_321 : vector<1x16xf32> to vector<16xf32>
    %swap3A_323 = vector.shape_cast %broadcast_in_dim3A_1 : vector<16xf32> to vector<1x16xf32>
    tpu.vector_store %arg11[%swap3A_319, %swap3A_320], %swap3A_323 {strides = array<i32>} : memref<16x128xf32, #tpu.memory_space<vmem>>, vector<1x16xf32>,
    %swap3A_324 = arith.constant 6 : i32
    %swap3A_325 = arith.index_cast %swap3A_324 : i32 to index
    %swap3A_326 = arith.constant 80 : index
    %swap3A_327 = tpu.vector_load %arg11[%swap3A_325, %swap3A_326] {strides = array<i32>} : memref<16x128xf32, #tpu.memory_space<vmem>>, vector<1x16xf32>,
    %swap3A_328 = vector.shape_cast %swap3A_327 : vector<1x16xf32> to vector<16xf32>
    %swap3A_329 = vector.shape_cast %broadcast_in_dim3A_1 : vector<16xf32> to vector<1x16xf32>
    tpu.vector_store %arg11[%swap3A_325, %swap3A_326], %swap3A_329 {strides = array<i32>} : memref<16x128xf32, #tpu.memory_space<vmem>>, vector<1x16xf32>,
    %swap3A_330 = arith.constant 6 : i32
    %swap3A_331 = arith.index_cast %swap3A_330 : i32 to index
    %swap3A_332 = arith.constant 96 : index
    %swap3A_333 = tpu.vector_load %arg11[%swap3A_331, %swap3A_332] {strides = array<i32>} : memref<16x128xf32, #tpu.memory_space<vmem>>, vector<1x16xf32>,
    %swap3A_334 = vector.shape_cast %swap3A_333 : vector<1x16xf32> to vector<16xf32>
    %swap3A_335 = vector.shape_cast %broadcast_in_dim3A_1 : vector<16xf32> to vector<1x16xf32>
    tpu.vector_store %arg11[%swap3A_331, %swap3A_332], %swap3A_335 {strides = array<i32>} : memref<16x128xf32, #tpu.memory_space<vmem>>, vector<1x16xf32>,
    %swap3A_336 = arith.constant 6 : i32
    %swap3A_337 = arith.index_cast %swap3A_336 : i32 to index
    %swap3A_338 = arith.constant 112 : index
    %swap3A_339 = tpu.vector_load %arg11[%swap3A_337, %swap3A_338] {strides = array<i32>} : memref<16x128xf32, #tpu.memory_space<vmem>>, vector<1x16xf32>,
    %swap3A_340 = vector.shape_cast %swap3A_339 : vector<1x16xf32> to vector<16xf32>
    %swap3A_341 = vector.shape_cast %broadcast_in_dim3A_1 : vector<16xf32> to vector<1x16xf32>
    tpu.vector_store %arg11[%swap3A_337, %swap3A_338], %swap3A_341 {strides = array<i32>} : memref<16x128xf32, #tpu.memory_space<vmem>>, vector<1x16xf32>,
    %swap3A_342 = arith.constant 7 : i32
    %swap3A_343 = arith.index_cast %swap3A_342 : i32 to index
    %swap3A_344 = arith.constant 0 : index
    %swap3A_345 = tpu.vector_load %arg11[%swap3A_343, %swap3A_344] {strides = array<i32>} : memref<16x128xf32, #tpu.memory_space<vmem>>, vector<1x16xf32>,
    %swap3A_346 = vector.shape_cast %swap3A_345 : vector<1x16xf32> to vector<16xf32>
    %swap3A_347 = vector.shape_cast %scan3A_5#7 : vector<16xf32> to vector<1x16xf32>
    tpu.vector_store %arg11[%swap3A_343, %swap3A_344], %swap3A_347 {strides = array<i32>} : memref<16x128xf32, #tpu.memory_space<vmem>>, vector<1x16xf32>,
    %swap3A_348 = arith.constant 7 : i32
    %swap3A_349 = arith.index_cast %swap3A_348 : i32 to index
    %swap3A_350 = arith.constant 16 : index
    %swap3A_351 = tpu.vector_load %arg11[%swap3A_349, %swap3A_350] {strides = array<i32>} : memref<16x128xf32, #tpu.memory_space<vmem>>, vector<1x16xf32>,
    %swap3A_352 = vector.shape_cast %swap3A_351 : vector<1x16xf32> to vector<16xf32>
    %swap3A_353 = vector.shape_cast %broadcast_in_dim3A_1 : vector<16xf32> to vector<1x16xf32>
    tpu.vector_store %arg11[%swap3A_349, %swap3A_350], %swap3A_353 {strides = array<i32>} : memref<16x128xf32, #tpu.memory_space<vmem>>, vector<1x16xf32>,
    %swap3A_354 = arith.constant 7 : i32
    %swap3A_355 = arith.index_cast %swap3A_354 : i32 to index
    %swap3A_356 = arith.constant 32 : index
    %swap3A_357 = tpu.vector_load %arg11[%swap3A_355, %swap3A_356] {strides = array<i32>} : memref<16x128xf32, #tpu.memory_space<vmem>>, vector<1x16xf32>,
    %swap3A_358 = vector.shape_cast %swap3A_357 : vector<1x16xf32> to vector<16xf32>
    %swap3A_359 = vector.shape_cast %broadcast_in_dim3A_1 : vector<16xf32> to vector<1x16xf32>
    tpu.vector_store %arg11[%swap3A_355, %swap3A_356], %swap3A_359 {strides = array<i32>} : memref<16x128xf32, #tpu.memory_space<vmem>>, vector<1x16xf32>,
    %swap3A_360 = arith.constant 7 : i32
    %swap3A_361 = arith.index_cast %swap3A_360 : i32 to index
    %swap3A_362 = arith.constant 48 : index
    %swap3A_363 = tpu.vector_load %arg11[%swap3A_361, %swap3A_362] {strides = array<i32>} : memref<16x128xf32, #tpu.memory_space<vmem>>, vector<1x16xf32>,
    %swap3A_364 = vector.shape_cast %swap3A_363 : vector<1x16xf32> to vector<16xf32>
    %swap3A_365 = vector.shape_cast %broadcast_in_dim3A_1 : vector<16xf32> to vector<1x16xf32>
    tpu.vector_store %arg11[%swap3A_361, %swap3A_362], %swap3A_365 {strides = array<i32>} : memref<16x128xf32, #tpu.memory_space<vmem>>, vector<1x16xf32>,
    %swap3A_366 = arith.constant 7 : i32
    %swap3A_367 = arith.index_cast %swap3A_366 : i32 to index
    %swap3A_368 = arith.constant 64 : index
    %swap3A_369 = tpu.vector_load %arg11[%swap3A_367, %swap3A_368] {strides = array<i32>} : memref<16x128xf32, #tpu.memory_space<vmem>>, vector<1x16xf32>,
    %swap3A_370 = vector.shape_cast %swap3A_369 : vector<1x16xf32> to vector<16xf32>
    %swap3A_371 = vector.shape_cast %broadcast_in_dim3A_1 : vector<16xf32> to vector<1x16xf32>
    tpu.vector_store %arg11[%swap3A_367, %swap3A_368], %swap3A_371 {strides = array<i32>} : memref<16x128xf32, #tpu.memory_space<vmem>>, vector<1x16xf32>,
    %swap3A_372 = arith.constant 7 : i32
    %swap3A_373 = arith.index_cast %swap3A_372 : i32 to index
    %swap3A_374 = arith.constant 80 : index
    %swap3A_375 = tpu.vector_load %arg11[%swap3A_373, %swap3A_374] {strides = array<i32>} : memref<16x128xf32, #tpu.memory_space<vmem>>, vector<1x16xf32>,
    %swap3A_376 = vector.shape_cast %swap3A_375 : vector<1x16xf32> to vector<16xf32>
    %swap3A_377 = vector.shape_cast %broadcast_in_dim3A_1 : vector<16xf32> to vector<1x16xf32>
    tpu.vector_store %arg11[%swap3A_373, %swap3A_374], %swap3A_377 {strides = array<i32>} : memref<16x128xf32, #tpu.memory_space<vmem>>, vector<1x16xf32>,
    %swap3A_378 = arith.constant 7 : i32
    %swap3A_379 = arith.index_cast %swap3A_378 : i32 to index
    %swap3A_380 = arith.constant 96 : index
    %swap3A_381 = tpu.vector_load %arg11[%swap3A_379, %swap3A_380] {strides = array<i32>} : memref<16x128xf32, #tpu.memory_space<vmem>>, vector<1x16xf32>,
    %swap3A_382 = vector.shape_cast %swap3A_381 : vector<1x16xf32> to vector<16xf32>
    %swap3A_383 = vector.shape_cast %broadcast_in_dim3A_1 : vector<16xf32> to vector<1x16xf32>
    tpu.vector_store %arg11[%swap3A_379, %swap3A_380], %swap3A_383 {strides = array<i32>} : memref<16x128xf32, #tpu.memory_space<vmem>>, vector<1x16xf32>,
    %swap3A_384 = arith.constant 7 : i32
    %swap3A_385 = arith.index_cast %swap3A_384 : i32 to index
    %swap3A_386 = arith.constant 112 : index
    %swap3A_387 = tpu.vector_load %arg11[%swap3A_385, %swap3A_386] {strides = array<i32>} : memref<16x128xf32, #tpu.memory_space<vmem>>, vector<1x16xf32>,
    %swap3A_388 = vector.shape_cast %swap3A_387 : vector<1x16xf32> to vector<16xf32>
    %swap3A_389 = vector.shape_cast %broadcast_in_dim3A_1 : vector<16xf32> to vector<1x16xf32>
    tpu.vector_store %arg11[%swap3A_385, %swap3A_386], %swap3A_389 {strides = array<i32>} : memref<16x128xf32, #tpu.memory_space<vmem>>, vector<1x16xf32>,
    %swap3A_390 = arith.constant 8 : i32
    %swap3A_391 = arith.index_cast %swap3A_390 : i32 to index
    %swap3A_392 = arith.constant 0 : index
    %swap3A_393 = tpu.vector_load %arg11[%swap3A_391, %swap3A_392] {strides = array<i32>} : memref<16x128xf32, #tpu.memory_space<vmem>>, vector<1x16xf32>,
    %swap3A_394 = vector.shape_cast %swap3A_393 : vector<1x16xf32> to vector<16xf32>
    %swap3A_395 = vector.shape_cast %scan3A_5#8 : vector<16xf32> to vector<1x16xf32>
    tpu.vector_store %arg11[%swap3A_391, %swap3A_392], %swap3A_395 {strides = array<i32>} : memref<16x128xf32, #tpu.memory_space<vmem>>, vector<1x16xf32>,
    %swap3A_396 = arith.constant 8 : i32
    %swap3A_397 = arith.index_cast %swap3A_396 : i32 to index
    %swap3A_398 = arith.constant 16 : index
    %swap3A_399 = tpu.vector_load %arg11[%swap3A_397, %swap3A_398] {strides = array<i32>} : memref<16x128xf32, #tpu.memory_space<vmem>>, vector<1x16xf32>,
    %swap3A_400 = vector.shape_cast %swap3A_399 : vector<1x16xf32> to vector<16xf32>
    %swap3A_401 = vector.shape_cast %broadcast_in_dim3A_1 : vector<16xf32> to vector<1x16xf32>
    tpu.vector_store %arg11[%swap3A_397, %swap3A_398], %swap3A_401 {strides = array<i32>} : memref<16x128xf32, #tpu.memory_space<vmem>>, vector<1x16xf32>,
    %swap3A_402 = arith.constant 8 : i32
    %swap3A_403 = arith.index_cast %swap3A_402 : i32 to index
    %swap3A_404 = arith.constant 32 : index
    %swap3A_405 = tpu.vector_load %arg11[%swap3A_403, %swap3A_404] {strides = array<i32>} : memref<16x128xf32, #tpu.memory_space<vmem>>, vector<1x16xf32>,
    %swap3A_406 = vector.shape_cast %swap3A_405 : vector<1x16xf32> to vector<16xf32>
    %swap3A_407 = vector.shape_cast %broadcast_in_dim3A_1 : vector<16xf32> to vector<1x16xf32>
    tpu.vector_store %arg11[%swap3A_403, %swap3A_404], %swap3A_407 {strides = array<i32>} : memref<16x128xf32, #tpu.memory_space<vmem>>, vector<1x16xf32>,
    %swap3A_408 = arith.constant 8 : i32
    %swap3A_409 = arith.index_cast %swap3A_408 : i32 to index
    %swap3A_410 = arith.constant 48 : index
    %swap3A_411 = tpu.vector_load %arg11[%swap3A_409, %swap3A_410] {strides = array<i32>} : memref<16x128xf32, #tpu.memory_space<vmem>>, vector<1x16xf32>,
    %swap3A_412 = vector.shape_cast %swap3A_411 : vector<1x16xf32> to vector<16xf32>
    %swap3A_413 = vector.shape_cast %broadcast_in_dim3A_1 : vector<16xf32> to vector<1x16xf32>
    tpu.vector_store %arg11[%swap3A_409, %swap3A_410], %swap3A_413 {strides = array<i32>} : memref<16x128xf32, #tpu.memory_space<vmem>>, vector<1x16xf32>,
    %swap3A_414 = arith.constant 8 : i32
    %swap3A_415 = arith.index_cast %swap3A_414 : i32 to index
    %swap3A_416 = arith.constant 64 : index
    %swap3A_417 = tpu.vector_load %arg11[%swap3A_415, %swap3A_416] {strides = array<i32>} : memref<16x128xf32, #tpu.memory_space<vmem>>, vector<1x16xf32>,
    %swap3A_418 = vector.shape_cast %swap3A_417 : vector<1x16xf32> to vector<16xf32>
    %swap3A_419 = vector.shape_cast %broadcast_in_dim3A_1 : vector<16xf32> to vector<1x16xf32>
    tpu.vector_store %arg11[%swap3A_415, %swap3A_416], %swap3A_419 {strides = array<i32>} : memref<16x128xf32, #tpu.memory_space<vmem>>, vector<1x16xf32>,
    %swap3A_420 = arith.constant 8 : i32
    %swap3A_421 = arith.index_cast %swap3A_420 : i32 to index
    %swap3A_422 = arith.constant 80 : index
    %swap3A_423 = tpu.vector_load %arg11[%swap3A_421, %swap3A_422] {strides = array<i32>} : memref<16x128xf32, #tpu.memory_space<vmem>>, vector<1x16xf32>,
    %swap3A_424 = vector.shape_cast %swap3A_423 : vector<1x16xf32> to vector<16xf32>
    %swap3A_425 = vector.shape_cast %broadcast_in_dim3A_1 : vector<16xf32> to vector<1x16xf32>
    tpu.vector_store %arg11[%swap3A_421, %swap3A_422], %swap3A_425 {strides = array<i32>} : memref<16x128xf32, #tpu.memory_space<vmem>>, vector<1x16xf32>,
    %swap3A_426 = arith.constant 8 : i32
    %swap3A_427 = arith.index_cast %swap3A_426 : i32 to index
    %swap3A_428 = arith.constant 96 : index
    %swap3A_429 = tpu.vector_load %arg11[%swap3A_427, %swap3A_428] {strides = array<i32>} : memref<16x128xf32, #tpu.memory_space<vmem>>, vector<1x16xf32>,
    %swap3A_430 = vector.shape_cast %swap3A_429 : vector<1x16xf32> to vector<16xf32>
    %swap3A_431 = vector.shape_cast %broadcast_in_dim3A_1 : vector<16xf32> to vector<1x16xf32>
    tpu.vector_store %arg11[%swap3A_427, %swap3A_428], %swap3A_431 {strides = array<i32>} : memref<16x128xf32, #tpu.memory_space<vmem>>, vector<1x16xf32>,
    %swap3A_432 = arith.constant 8 : i32
    %swap3A_433 = arith.index_cast %swap3A_432 : i32 to index
    %swap3A_434 = arith.constant 112 : index
    %swap3A_435 = tpu.vector_load %arg11[%swap3A_433, %swap3A_434] {strides = array<i32>} : memref<16x128xf32, #tpu.memory_space<vmem>>, vector<1x16xf32>,
    %swap3A_436 = vector.shape_cast %swap3A_435 : vector<1x16xf32> to vector<16xf32>
    %swap3A_437 = vector.shape_cast %broadcast_in_dim3A_1 : vector<16xf32> to vector<1x16xf32>
    tpu.vector_store %arg11[%swap3A_433, %swap3A_434], %swap3A_437 {strides = array<i32>} : memref<16x128xf32, #tpu.memory_space<vmem>>, vector<1x16xf32>,
    %swap3A_438 = arith.constant 9 : i32
    %swap3A_439 = arith.index_cast %swap3A_438 : i32 to index
    %swap3A_440 = arith.constant 0 : index
    %swap3A_441 = tpu.vector_load %arg11[%swap3A_439, %swap3A_440] {strides = array<i32>} : memref<16x128xf32, #tpu.memory_space<vmem>>, vector<1x16xf32>,
    %swap3A_442 = vector.shape_cast %swap3A_441 : vector<1x16xf32> to vector<16xf32>
    %swap3A_443 = vector.shape_cast %scan3A_5#9 : vector<16xf32> to vector<1x16xf32>
    tpu.vector_store %arg11[%swap3A_439, %swap3A_440], %swap3A_443 {strides = array<i32>} : memref<16x128xf32, #tpu.memory_space<vmem>>, vector<1x16xf32>,
    %swap3A_444 = arith.constant 9 : i32
    %swap3A_445 = arith.index_cast %swap3A_444 : i32 to index
    %swap3A_446 = arith.constant 16 : index
    %swap3A_447 = tpu.vector_load %arg11[%swap3A_445, %swap3A_446] {strides = array<i32>} : memref<16x128xf32, #tpu.memory_space<vmem>>, vector<1x16xf32>,
    %swap3A_448 = vector.shape_cast %swap3A_447 : vector<1x16xf32> to vector<16xf32>
    %swap3A_449 = vector.shape_cast %broadcast_in_dim3A_1 : vector<16xf32> to vector<1x16xf32>
    tpu.vector_store %arg11[%swap3A_445, %swap3A_446], %swap3A_449 {strides = array<i32>} : memref<16x128xf32, #tpu.memory_space<vmem>>, vector<1x16xf32>,
    %swap3A_450 = arith.constant 9 : i32
    %swap3A_451 = arith.index_cast %swap3A_450 : i32 to index
    %swap3A_452 = arith.constant 32 : index
    %swap3A_453 = tpu.vector_load %arg11[%swap3A_451, %swap3A_452] {strides = array<i32>} : memref<16x128xf32, #tpu.memory_space<vmem>>, vector<1x16xf32>,
    %swap3A_454 = vector.shape_cast %swap3A_453 : vector<1x16xf32> to vector<16xf32>
    %swap3A_455 = vector.shape_cast %broadcast_in_dim3A_1 : vector<16xf32> to vector<1x16xf32>
    tpu.vector_store %arg11[%swap3A_451, %swap3A_452], %swap3A_455 {strides = array<i32>} : memref<16x128xf32, #tpu.memory_space<vmem>>, vector<1x16xf32>,
    %swap3A_456 = arith.constant 9 : i32
    %swap3A_457 = arith.index_cast %swap3A_456 : i32 to index
    %swap3A_458 = arith.constant 48 : index
    %swap3A_459 = tpu.vector_load %arg11[%swap3A_457, %swap3A_458] {strides = array<i32>} : memref<16x128xf32, #tpu.memory_space<vmem>>, vector<1x16xf32>,
    %swap3A_460 = vector.shape_cast %swap3A_459 : vector<1x16xf32> to vector<16xf32>
    %swap3A_461 = vector.shape_cast %broadcast_in_dim3A_1 : vector<16xf32> to vector<1x16xf32>
    tpu.vector_store %arg11[%swap3A_457, %swap3A_458], %swap3A_461 {strides = array<i32>} : memref<16x128xf32, #tpu.memory_space<vmem>>, vector<1x16xf32>,
    %swap3A_462 = arith.constant 9 : i32
    %swap3A_463 = arith.index_cast %swap3A_462 : i32 to index
    %swap3A_464 = arith.constant 64 : index
    %swap3A_465 = tpu.vector_load %arg11[%swap3A_463, %swap3A_464] {strides = array<i32>} : memref<16x128xf32, #tpu.memory_space<vmem>>, vector<1x16xf32>,
    %swap3A_466 = vector.shape_cast %swap3A_465 : vector<1x16xf32> to vector<16xf32>
    %swap3A_467 = vector.shape_cast %broadcast_in_dim3A_1 : vector<16xf32> to vector<1x16xf32>
    tpu.vector_store %arg11[%swap3A_463, %swap3A_464], %swap3A_467 {strides = array<i32>} : memref<16x128xf32, #tpu.memory_space<vmem>>, vector<1x16xf32>,
    %swap3A_468 = arith.constant 9 : i32
    %swap3A_469 = arith.index_cast %swap3A_468 : i32 to index
    %swap3A_470 = arith.constant 80 : index
    %swap3A_471 = tpu.vector_load %arg11[%swap3A_469, %swap3A_470] {strides = array<i32>} : memref<16x128xf32, #tpu.memory_space<vmem>>, vector<1x16xf32>,
    %swap3A_472 = vector.shape_cast %swap3A_471 : vector<1x16xf32> to vector<16xf32>
    %swap3A_473 = vector.shape_cast %broadcast_in_dim3A_1 : vector<16xf32> to vector<1x16xf32>
    tpu.vector_store %arg11[%swap3A_469, %swap3A_470], %swap3A_473 {strides = array<i32>} : memref<16x128xf32, #tpu.memory_space<vmem>>, vector<1x16xf32>,
    %swap3A_474 = arith.constant 9 : i32
    %swap3A_475 = arith.index_cast %swap3A_474 : i32 to index
    %swap3A_476 = arith.constant 96 : index
    %swap3A_477 = tpu.vector_load %arg11[%swap3A_475, %swap3A_476] {strides = array<i32>} : memref<16x128xf32, #tpu.memory_space<vmem>>, vector<1x16xf32>,
    %swap3A_478 = vector.shape_cast %swap3A_477 : vector<1x16xf32> to vector<16xf32>
    %swap3A_479 = vector.shape_cast %broadcast_in_dim3A_1 : vector<16xf32> to vector<1x16xf32>
    tpu.vector_store %arg11[%swap3A_475, %swap3A_476], %swap3A_479 {strides = array<i32>} : memref<16x128xf32, #tpu.memory_space<vmem>>, vector<1x16xf32>,
    %swap3A_480 = arith.constant 9 : i32
    %swap3A_481 = arith.index_cast %swap3A_480 : i32 to index
    %swap3A_482 = arith.constant 112 : index
    %swap3A_483 = tpu.vector_load %arg11[%swap3A_481, %swap3A_482] {strides = array<i32>} : memref<16x128xf32, #tpu.memory_space<vmem>>, vector<1x16xf32>,
    %swap3A_484 = vector.shape_cast %swap3A_483 : vector<1x16xf32> to vector<16xf32>
    %swap3A_485 = vector.shape_cast %broadcast_in_dim3A_1 : vector<16xf32> to vector<1x16xf32>
    tpu.vector_store %arg11[%swap3A_481, %swap3A_482], %swap3A_485 {strides = array<i32>} : memref<16x128xf32, #tpu.memory_space<vmem>>, vector<1x16xf32>,
    %swap3A_486 = arith.constant 10 : i32
    %swap3A_487 = arith.index_cast %swap3A_486 : i32 to index
    %swap3A_488 = arith.constant 0 : index
    %swap3A_489 = tpu.vector_load %arg11[%swap3A_487, %swap3A_488] {strides = array<i32>} : memref<16x128xf32, #tpu.memory_space<vmem>>, vector<1x16xf32>,
    %swap3A_490 = vector.shape_cast %swap3A_489 : vector<1x16xf32> to vector<16xf32>
    %swap3A_491 = vector.shape_cast %scan3A_5#10 : vector<16xf32> to vector<1x16xf32>
    tpu.vector_store %arg11[%swap3A_487, %swap3A_488], %swap3A_491 {strides = array<i32>} : memref<16x128xf32, #tpu.memory_space<vmem>>, vector<1x16xf32>,
    %swap3A_492 = arith.constant 10 : i32
    %swap3A_493 = arith.index_cast %swap3A_492 : i32 to index
    %swap3A_494 = arith.constant 16 : index
    %swap3A_495 = tpu.vector_load %arg11[%swap3A_493, %swap3A_494] {strides = array<i32>} : memref<16x128xf32, #tpu.memory_space<vmem>>, vector<1x16xf32>,
    %swap3A_496 = vector.shape_cast %swap3A_495 : vector<1x16xf32> to vector<16xf32>
    %swap3A_497 = vector.shape_cast %broadcast_in_dim3A_1 : vector<16xf32> to vector<1x16xf32>
    tpu.vector_store %arg11[%swap3A_493, %swap3A_494], %swap3A_497 {strides = array<i32>} : memref<16x128xf32, #tpu.memory_space<vmem>>, vector<1x16xf32>,
    %swap3A_498 = arith.constant 10 : i32
    %swap3A_499 = arith.index_cast %swap3A_498 : i32 to index
    %swap3A_500 = arith.constant 32 : index
    %swap3A_501 = tpu.vector_load %arg11[%swap3A_499, %swap3A_500] {strides = array<i32>} : memref<16x128xf32, #tpu.memory_space<vmem>>, vector<1x16xf32>,
    %swap3A_502 = vector.shape_cast %swap3A_501 : vector<1x16xf32> to vector<16xf32>
    %swap3A_503 = vector.shape_cast %broadcast_in_dim3A_1 : vector<16xf32> to vector<1x16xf32>
    tpu.vector_store %arg11[%swap3A_499, %swap3A_500], %swap3A_503 {strides = array<i32>} : memref<16x128xf32, #tpu.memory_space<vmem>>, vector<1x16xf32>,
    %swap3A_504 = arith.constant 10 : i32
    %swap3A_505 = arith.index_cast %swap3A_504 : i32 to index
    %swap3A_506 = arith.constant 48 : index
    %swap3A_507 = tpu.vector_load %arg11[%swap3A_505, %swap3A_506] {strides = array<i32>} : memref<16x128xf32, #tpu.memory_space<vmem>>, vector<1x16xf32>,
    %swap3A_508 = vector.shape_cast %swap3A_507 : vector<1x16xf32> to vector<16xf32>
    %swap3A_509 = vector.shape_cast %broadcast_in_dim3A_1 : vector<16xf32> to vector<1x16xf32>
    tpu.vector_store %arg11[%swap3A_505, %swap3A_506], %swap3A_509 {strides = array<i32>} : memref<16x128xf32, #tpu.memory_space<vmem>>, vector<1x16xf32>,
    %swap3A_510 = arith.constant 10 : i32
    %swap3A_511 = arith.index_cast %swap3A_510 : i32 to index
    %swap3A_512 = arith.constant 64 : index
    %swap3A_513 = tpu.vector_load %arg11[%swap3A_511, %swap3A_512] {strides = array<i32>} : memref<16x128xf32, #tpu.memory_space<vmem>>, vector<1x16xf32>,
    %swap3A_514 = vector.shape_cast %swap3A_513 : vector<1x16xf32> to vector<16xf32>
    %swap3A_515 = vector.shape_cast %broadcast_in_dim3A_1 : vector<16xf32> to vector<1x16xf32>
    tpu.vector_store %arg11[%swap3A_511, %swap3A_512], %swap3A_515 {strides = array<i32>} : memref<16x128xf32, #tpu.memory_space<vmem>>, vector<1x16xf32>,
    %swap3A_516 = arith.constant 10 : i32
    %swap3A_517 = arith.index_cast %swap3A_516 : i32 to index
    %swap3A_518 = arith.constant 80 : index
    %swap3A_519 = tpu.vector_load %arg11[%swap3A_517, %swap3A_518] {strides = array<i32>} : memref<16x128xf32, #tpu.memory_space<vmem>>, vector<1x16xf32>,
    %swap3A_520 = vector.shape_cast %swap3A_519 : vector<1x16xf32> to vector<16xf32>
    %swap3A_521 = vector.shape_cast %broadcast_in_dim3A_1 : vector<16xf32> to vector<1x16xf32>
    tpu.vector_store %arg11[%swap3A_517, %swap3A_518], %swap3A_521 {strides = array<i32>} : memref<16x128xf32, #tpu.memory_space<vmem>>, vector<1x16xf32>,
    %swap3A_522 = arith.constant 10 : i32
    %swap3A_523 = arith.index_cast %swap3A_522 : i32 to index
    %swap3A_524 = arith.constant 96 : index
    %swap3A_525 = tpu.vector_load %arg11[%swap3A_523, %swap3A_524] {strides = array<i32>} : memref<16x128xf32, #tpu.memory_space<vmem>>, vector<1x16xf32>,
    %swap3A_526 = vector.shape_cast %swap3A_525 : vector<1x16xf32> to vector<16xf32>
    %swap3A_527 = vector.shape_cast %broadcast_in_dim3A_1 : vector<16xf32> to vector<1x16xf32>
    tpu.vector_store %arg11[%swap3A_523, %swap3A_524], %swap3A_527 {strides = array<i32>} : memref<16x128xf32, #tpu.memory_space<vmem>>, vector<1x16xf32>,
    %swap3A_528 = arith.constant 10 : i32
    %swap3A_529 = arith.index_cast %swap3A_528 : i32 to index
    %swap3A_530 = arith.constant 112 : index
    %swap3A_531 = tpu.vector_load %arg11[%swap3A_529, %swap3A_530] {strides = array<i32>} : memref<16x128xf32, #tpu.memory_space<vmem>>, vector<1x16xf32>,
    %swap3A_532 = vector.shape_cast %swap3A_531 : vector<1x16xf32> to vector<16xf32>
    %swap3A_533 = vector.shape_cast %broadcast_in_dim3A_1 : vector<16xf32> to vector<1x16xf32>
    tpu.vector_store %arg11[%swap3A_529, %swap3A_530], %swap3A_533 {strides = array<i32>} : memref<16x128xf32, #tpu.memory_space<vmem>>, vector<1x16xf32>,
    %swap3A_534 = arith.constant 11 : i32
    %swap3A_535 = arith.index_cast %swap3A_534 : i32 to index
    %swap3A_536 = arith.constant 0 : index
    %swap3A_537 = tpu.vector_load %arg11[%swap3A_535, %swap3A_536] {strides = array<i32>} : memref<16x128xf32, #tpu.memory_space<vmem>>, vector<1x16xf32>,
    %swap3A_538 = vector.shape_cast %swap3A_537 : vector<1x16xf32> to vector<16xf32>
    %swap3A_539 = vector.shape_cast %scan3A_5#11 : vector<16xf32> to vector<1x16xf32>
    tpu.vector_store %arg11[%swap3A_535, %swap3A_536], %swap3A_539 {strides = array<i32>} : memref<16x128xf32, #tpu.memory_space<vmem>>, vector<1x16xf32>,
    %swap3A_540 = arith.constant 11 : i32
    %swap3A_541 = arith.index_cast %swap3A_540 : i32 to index
    %swap3A_542 = arith.constant 16 : index
    %swap3A_543 = tpu.vector_load %arg11[%swap3A_541, %swap3A_542] {strides = array<i32>} : memref<16x128xf32, #tpu.memory_space<vmem>>, vector<1x16xf32>,
    %swap3A_544 = vector.shape_cast %swap3A_543 : vector<1x16xf32> to vector<16xf32>
    %swap3A_545 = vector.shape_cast %broadcast_in_dim3A_1 : vector<16xf32> to vector<1x16xf32>
    tpu.vector_store %arg11[%swap3A_541, %swap3A_542], %swap3A_545 {strides = array<i32>} : memref<16x128xf32, #tpu.memory_space<vmem>>, vector<1x16xf32>,
    %swap3A_546 = arith.constant 11 : i32
    %swap3A_547 = arith.index_cast %swap3A_546 : i32 to index
    %swap3A_548 = arith.constant 32 : index
    %swap3A_549 = tpu.vector_load %arg11[%swap3A_547, %swap3A_548] {strides = array<i32>} : memref<16x128xf32, #tpu.memory_space<vmem>>, vector<1x16xf32>,
    %swap3A_550 = vector.shape_cast %swap3A_549 : vector<1x16xf32> to vector<16xf32>
    %swap3A_551 = vector.shape_cast %broadcast_in_dim3A_1 : vector<16xf32> to vector<1x16xf32>
    tpu.vector_store %arg11[%swap3A_547, %swap3A_548], %swap3A_551 {strides = array<i32>} : memref<16x128xf32, #tpu.memory_space<vmem>>, vector<1x16xf32>,
    %swap3A_552 = arith.constant 11 : i32
    %swap3A_553 = arith.index_cast %swap3A_552 : i32 to index
    %swap3A_554 = arith.constant 48 : index
    %swap3A_555 = tpu.vector_load %arg11[%swap3A_553, %swap3A_554] {strides = array<i32>} : memref<16x128xf32, #tpu.memory_space<vmem>>, vector<1x16xf32>,
    %swap3A_556 = vector.shape_cast %swap3A_555 : vector<1x16xf32> to vector<16xf32>
    %swap3A_557 = vector.shape_cast %broadcast_in_dim3A_1 : vector<16xf32> to vector<1x16xf32>
    tpu.vector_store %arg11[%swap3A_553, %swap3A_554], %swap3A_557 {strides = array<i32>} : memref<16x128xf32, #tpu.memory_space<vmem>>, vector<1x16xf32>,
    %swap3A_558 = arith.constant 11 : i32
    %swap3A_559 = arith.index_cast %swap3A_558 : i32 to index
    %swap3A_560 = arith.constant 64 : index
    %swap3A_561 = tpu.vector_load %arg11[%swap3A_559, %swap3A_560] {strides = array<i32>} : memref<16x128xf32, #tpu.memory_space<vmem>>, vector<1x16xf32>,
    %swap3A_562 = vector.shape_cast %swap3A_561 : vector<1x16xf32> to vector<16xf32>
    %swap3A_563 = vector.shape_cast %broadcast_in_dim3A_1 : vector<16xf32> to vector<1x16xf32>
    tpu.vector_store %arg11[%swap3A_559, %swap3A_560], %swap3A_563 {strides = array<i32>} : memref<16x128xf32, #tpu.memory_space<vmem>>, vector<1x16xf32>,
    %swap3A_564 = arith.constant 11 : i32
    %swap3A_565 = arith.index_cast %swap3A_564 : i32 to index
    %swap3A_566 = arith.constant 80 : index
    %swap3A_567 = tpu.vector_load %arg11[%swap3A_565, %swap3A_566] {strides = array<i32>} : memref<16x128xf32, #tpu.memory_space<vmem>>, vector<1x16xf32>,
    %swap3A_568 = vector.shape_cast %swap3A_567 : vector<1x16xf32> to vector<16xf32>
    %swap3A_569 = vector.shape_cast %broadcast_in_dim3A_1 : vector<16xf32> to vector<1x16xf32>
    tpu.vector_store %arg11[%swap3A_565, %swap3A_566], %swap3A_569 {strides = array<i32>} : memref<16x128xf32, #tpu.memory_space<vmem>>, vector<1x16xf32>,
    %swap3A_570 = arith.constant 11 : i32
    %swap3A_571 = arith.index_cast %swap3A_570 : i32 to index
    %swap3A_572 = arith.constant 96 : index
    %swap3A_573 = tpu.vector_load %arg11[%swap3A_571, %swap3A_572] {strides = array<i32>} : memref<16x128xf32, #tpu.memory_space<vmem>>, vector<1x16xf32>,
    %swap3A_574 = vector.shape_cast %swap3A_573 : vector<1x16xf32> to vector<16xf32>
    %swap3A_575 = vector.shape_cast %broadcast_in_dim3A_1 : vector<16xf32> to vector<1x16xf32>
    tpu.vector_store %arg11[%swap3A_571, %swap3A_572], %swap3A_575 {strides = array<i32>} : memref<16x128xf32, #tpu.memory_space<vmem>>, vector<1x16xf32>,
    %swap3A_576 = arith.constant 11 : i32
    %swap3A_577 = arith.index_cast %swap3A_576 : i32 to index
    %swap3A_578 = arith.constant 112 : index
    %swap3A_579 = tpu.vector_load %arg11[%swap3A_577, %swap3A_578] {strides = array<i32>} : memref<16x128xf32, #tpu.memory_space<vmem>>, vector<1x16xf32>,
    %swap3A_580 = vector.shape_cast %swap3A_579 : vector<1x16xf32> to vector<16xf32>
    %swap3A_581 = vector.shape_cast %broadcast_in_dim3A_1 : vector<16xf32> to vector<1x16xf32>
    tpu.vector_store %arg11[%swap3A_577, %swap3A_578], %swap3A_581 {strides = array<i32>} : memref<16x128xf32, #tpu.memory_space<vmem>>, vector<1x16xf32>,
    %swap3A_582 = arith.constant 12 : i32
    %swap3A_583 = arith.index_cast %swap3A_582 : i32 to index
    %swap3A_584 = arith.constant 0 : index
    %swap3A_585 = tpu.vector_load %arg11[%swap3A_583, %swap3A_584] {strides = array<i32>} : memref<16x128xf32, #tpu.memory_space<vmem>>, vector<1x16xf32>,
    %swap3A_586 = vector.shape_cast %swap3A_585 : vector<1x16xf32> to vector<16xf32>
    %swap3A_587 = vector.shape_cast %broadcast_in_dim3A_1 : vector<16xf32> to vector<1x16xf32>
    tpu.vector_store %arg11[%swap3A_583, %swap3A_584], %swap3A_587 {strides = array<i32>} : memref<16x128xf32, #tpu.memory_space<vmem>>, vector<1x16xf32>,
    %swap3A_588 = arith.constant 12 : i32
    %swap3A_589 = arith.index_cast %swap3A_588 : i32 to index
    %swap3A_590 = arith.constant 16 : index
    %swap3A_591 = tpu.vector_load %arg11[%swap3A_589, %swap3A_590] {strides = array<i32>} : memref<16x128xf32, #tpu.memory_space<vmem>>, vector<1x16xf32>,
    %swap3A_592 = vector.shape_cast %swap3A_591 : vector<1x16xf32> to vector<16xf32>
    %swap3A_593 = vector.shape_cast %broadcast_in_dim3A_1 : vector<16xf32> to vector<1x16xf32>
    tpu.vector_store %arg11[%swap3A_589, %swap3A_590], %swap3A_593 {strides = array<i32>} : memref<16x128xf32, #tpu.memory_space<vmem>>, vector<1x16xf32>,
    %swap3A_594 = arith.constant 12 : i32
    %swap3A_595 = arith.index_cast %swap3A_594 : i32 to index
    %swap3A_596 = arith.constant 32 : index
    %swap3A_597 = tpu.vector_load %arg11[%swap3A_595, %swap3A_596] {strides = array<i32>} : memref<16x128xf32, #tpu.memory_space<vmem>>, vector<1x16xf32>,
    %swap3A_598 = vector.shape_cast %swap3A_597 : vector<1x16xf32> to vector<16xf32>
    %swap3A_599 = vector.shape_cast %broadcast_in_dim3A_1 : vector<16xf32> to vector<1x16xf32>
    tpu.vector_store %arg11[%swap3A_595, %swap3A_596], %swap3A_599 {strides = array<i32>} : memref<16x128xf32, #tpu.memory_space<vmem>>, vector<1x16xf32>,
    %swap3A_600 = arith.constant 12 : i32
    %swap3A_601 = arith.index_cast %swap3A_600 : i32 to index
    %swap3A_602 = arith.constant 48 : index
    %swap3A_603 = tpu.vector_load %arg11[%swap3A_601, %swap3A_602] {strides = array<i32>} : memref<16x128xf32, #tpu.memory_space<vmem>>, vector<1x16xf32>,
    %swap3A_604 = vector.shape_cast %swap3A_603 : vector<1x16xf32> to vector<16xf32>
    %swap3A_605 = vector.shape_cast %broadcast_in_dim3A_1 : vector<16xf32> to vector<1x16xf32>
    tpu.vector_store %arg11[%swap3A_601, %swap3A_602], %swap3A_605 {strides = array<i32>} : memref<16x128xf32, #tpu.memory_space<vmem>>, vector<1x16xf32>,
    %swap3A_606 = arith.constant 12 : i32
    %swap3A_607 = arith.index_cast %swap3A_606 : i32 to index
    %swap3A_608 = arith.constant 64 : index
    %swap3A_609 = tpu.vector_load %arg11[%swap3A_607, %swap3A_608] {strides = array<i32>} : memref<16x128xf32, #tpu.memory_space<vmem>>, vector<1x16xf32>,
    %swap3A_610 = vector.shape_cast %swap3A_609 : vector<1x16xf32> to vector<16xf32>
    %swap3A_611 = vector.shape_cast %broadcast_in_dim3A_1 : vector<16xf32> to vector<1x16xf32>
    tpu.vector_store %arg11[%swap3A_607, %swap3A_608], %swap3A_611 {strides = array<i32>} : memref<16x128xf32, #tpu.memory_space<vmem>>, vector<1x16xf32>,
    %swap3A_612 = arith.constant 12 : i32
    %swap3A_613 = arith.index_cast %swap3A_612 : i32 to index
    %swap3A_614 = arith.constant 80 : index
    %swap3A_615 = tpu.vector_load %arg11[%swap3A_613, %swap3A_614] {strides = array<i32>} : memref<16x128xf32, #tpu.memory_space<vmem>>, vector<1x16xf32>,
    %swap3A_616 = vector.shape_cast %swap3A_615 : vector<1x16xf32> to vector<16xf32>
    %swap3A_617 = vector.shape_cast %broadcast_in_dim3A_1 : vector<16xf32> to vector<1x16xf32>
    tpu.vector_store %arg11[%swap3A_613, %swap3A_614], %swap3A_617 {strides = array<i32>} : memref<16x128xf32, #tpu.memory_space<vmem>>, vector<1x16xf32>,
    %swap3A_618 = arith.constant 12 : i32
    %swap3A_619 = arith.index_cast %swap3A_618 : i32 to index
    %swap3A_620 = arith.constant 96 : index
    %swap3A_621 = tpu.vector_load %arg11[%swap3A_619, %swap3A_620] {strides = array<i32>} : memref<16x128xf32, #tpu.memory_space<vmem>>, vector<1x16xf32>,
    %swap3A_622 = vector.shape_cast %swap3A_621 : vector<1x16xf32> to vector<16xf32>
    %swap3A_623 = vector.shape_cast %broadcast_in_dim3A_1 : vector<16xf32> to vector<1x16xf32>
    tpu.vector_store %arg11[%swap3A_619, %swap3A_620], %swap3A_623 {strides = array<i32>} : memref<16x128xf32, #tpu.memory_space<vmem>>, vector<1x16xf32>,
    %swap3A_624 = arith.constant 12 : i32
    %swap3A_625 = arith.index_cast %swap3A_624 : i32 to index
    %swap3A_626 = arith.constant 112 : index
    %swap3A_627 = tpu.vector_load %arg11[%swap3A_625, %swap3A_626] {strides = array<i32>} : memref<16x128xf32, #tpu.memory_space<vmem>>, vector<1x16xf32>,
    %swap3A_628 = vector.shape_cast %swap3A_627 : vector<1x16xf32> to vector<16xf32>
    %swap3A_629 = vector.shape_cast %broadcast_in_dim3A_1 : vector<16xf32> to vector<1x16xf32>
    tpu.vector_store %arg11[%swap3A_625, %swap3A_626], %swap3A_629 {strides = array<i32>} : memref<16x128xf32, #tpu.memory_space<vmem>>, vector<1x16xf32>,
    %swap3A_630 = arith.constant 13 : i32
    %swap3A_631 = arith.index_cast %swap3A_630 : i32 to index
    %swap3A_632 = arith.constant 0 : index
    %swap3A_633 = tpu.vector_load %arg11[%swap3A_631, %swap3A_632] {strides = array<i32>} : memref<16x128xf32, #tpu.memory_space<vmem>>, vector<1x16xf32>,
    %swap3A_634 = vector.shape_cast %swap3A_633 : vector<1x16xf32> to vector<16xf32>
    %swap3A_635 = vector.shape_cast %broadcast_in_dim3A_1 : vector<16xf32> to vector<1x16xf32>
    tpu.vector_store %arg11[%swap3A_631, %swap3A_632], %swap3A_635 {strides = array<i32>} : memref<16x128xf32, #tpu.memory_space<vmem>>, vector<1x16xf32>,
    %swap3A_636 = arith.constant 13 : i32
    %swap3A_637 = arith.index_cast %swap3A_636 : i32 to index
    %swap3A_638 = arith.constant 16 : index
    %swap3A_639 = tpu.vector_load %arg11[%swap3A_637, %swap3A_638] {strides = array<i32>} : memref<16x128xf32, #tpu.memory_space<vmem>>, vector<1x16xf32>,
    %swap3A_640 = vector.shape_cast %swap3A_639 : vector<1x16xf32> to vector<16xf32>
    %swap3A_641 = vector.shape_cast %broadcast_in_dim3A_1 : vector<16xf32> to vector<1x16xf32>
    tpu.vector_store %arg11[%swap3A_637, %swap3A_638], %swap3A_641 {strides = array<i32>} : memref<16x128xf32, #tpu.memory_space<vmem>>, vector<1x16xf32>,
    %swap3A_642 = arith.constant 13 : i32
    %swap3A_643 = arith.index_cast %swap3A_642 : i32 to index
    %swap3A_644 = arith.constant 32 : index
    %swap3A_645 = tpu.vector_load %arg11[%swap3A_643, %swap3A_644] {strides = array<i32>} : memref<16x128xf32, #tpu.memory_space<vmem>>, vector<1x16xf32>,
    %swap3A_646 = vector.shape_cast %swap3A_645 : vector<1x16xf32> to vector<16xf32>
    %swap3A_647 = vector.shape_cast %broadcast_in_dim3A_1 : vector<16xf32> to vector<1x16xf32>
    tpu.vector_store %arg11[%swap3A_643, %swap3A_644], %swap3A_647 {strides = array<i32>} : memref<16x128xf32, #tpu.memory_space<vmem>>, vector<1x16xf32>,
    %swap3A_648 = arith.constant 13 : i32
    %swap3A_649 = arith.index_cast %swap3A_648 : i32 to index
    %swap3A_650 = arith.constant 48 : index
    %swap3A_651 = tpu.vector_load %arg11[%swap3A_649, %swap3A_650] {strides = array<i32>} : memref<16x128xf32, #tpu.memory_space<vmem>>, vector<1x16xf32>,
    %swap3A_652 = vector.shape_cast %swap3A_651 : vector<1x16xf32> to vector<16xf32>
    %swap3A_653 = vector.shape_cast %broadcast_in_dim3A_1 : vector<16xf32> to vector<1x16xf32>
    tpu.vector_store %arg11[%swap3A_649, %swap3A_650], %swap3A_653 {strides = array<i32>} : memref<16x128xf32, #tpu.memory_space<vmem>>, vector<1x16xf32>,
    %swap3A_654 = arith.constant 13 : i32
    %swap3A_655 = arith.index_cast %swap3A_654 : i32 to index
    %swap3A_656 = arith.constant 64 : index
    %swap3A_657 = tpu.vector_load %arg11[%swap3A_655, %swap3A_656] {strides = array<i32>} : memref<16x128xf32, #tpu.memory_space<vmem>>, vector<1x16xf32>,
    %swap3A_658 = vector.shape_cast %swap3A_657 : vector<1x16xf32> to vector<16xf32>
    %swap3A_659 = vector.shape_cast %broadcast_in_dim3A_1 : vector<16xf32> to vector<1x16xf32>
    tpu.vector_store %arg11[%swap3A_655, %swap3A_656], %swap3A_659 {strides = array<i32>} : memref<16x128xf32, #tpu.memory_space<vmem>>, vector<1x16xf32>,
    %swap3A_660 = arith.constant 13 : i32
    %swap3A_661 = arith.index_cast %swap3A_660 : i32 to index
    %swap3A_662 = arith.constant 80 : index
    %swap3A_663 = tpu.vector_load %arg11[%swap3A_661, %swap3A_662] {strides = array<i32>} : memref<16x128xf32, #tpu.memory_space<vmem>>, vector<1x16xf32>,
    %swap3A_664 = vector.shape_cast %swap3A_663 : vector<1x16xf32> to vector<16xf32>
    %swap3A_665 = vector.shape_cast %broadcast_in_dim3A_1 : vector<16xf32> to vector<1x16xf32>
    tpu.vector_store %arg11[%swap3A_661, %swap3A_662], %swap3A_665 {strides = array<i32>} : memref<16x128xf32, #tpu.memory_space<vmem>>, vector<1x16xf32>,
    %swap3A_666 = arith.constant 13 : i32
    %swap3A_667 = arith.index_cast %swap3A_666 : i32 to index
    %swap3A_668 = arith.constant 96 : index
    %swap3A_669 = tpu.vector_load %arg11[%swap3A_667, %swap3A_668] {strides = array<i32>} : memref<16x128xf32, #tpu.memory_space<vmem>>, vector<1x16xf32>,
    %swap3A_670 = vector.shape_cast %swap3A_669 : vector<1x16xf32> to vector<16xf32>
    %swap3A_671 = vector.shape_cast %broadcast_in_dim3A_1 : vector<16xf32> to vector<1x16xf32>
    tpu.vector_store %arg11[%swap3A_667, %swap3A_668], %swap3A_671 {strides = array<i32>} : memref<16x128xf32, #tpu.memory_space<vmem>>, vector<1x16xf32>,
    %swap3A_672 = arith.constant 13 : i32
    %swap3A_673 = arith.index_cast %swap3A_672 : i32 to index
    %swap3A_674 = arith.constant 112 : index
    %swap3A_675 = tpu.vector_load %arg11[%swap3A_673, %swap3A_674] {strides = array<i32>} : memref<16x128xf32, #tpu.memory_space<vmem>>, vector<1x16xf32>,
    %swap3A_676 = vector.shape_cast %swap3A_675 : vector<1x16xf32> to vector<16xf32>
    %swap3A_677 = vector.shape_cast %broadcast_in_dim3A_1 : vector<16xf32> to vector<1x16xf32>
    tpu.vector_store %arg11[%swap3A_673, %swap3A_674], %swap3A_677 {strides = array<i32>} : memref<16x128xf32, #tpu.memory_space<vmem>>, vector<1x16xf32>,
    %swap3A_678 = arith.constant 14 : i32
    %swap3A_679 = arith.index_cast %swap3A_678 : i32 to index
    %swap3A_680 = arith.constant 0 : index
    %swap3A_681 = tpu.vector_load %arg11[%swap3A_679, %swap3A_680] {strides = array<i32>} : memref<16x128xf32, #tpu.memory_space<vmem>>, vector<1x16xf32>,
    %swap3A_682 = vector.shape_cast %swap3A_681 : vector<1x16xf32> to vector<16xf32>
    %swap3A_683 = vector.shape_cast %broadcast_in_dim3A_1 : vector<16xf32> to vector<1x16xf32>
    tpu.vector_store %arg11[%swap3A_679, %swap3A_680], %swap3A_683 {strides = array<i32>} : memref<16x128xf32, #tpu.memory_space<vmem>>, vector<1x16xf32>,
    %swap3A_684 = arith.constant 14 : i32
    %swap3A_685 = arith.index_cast %swap3A_684 : i32 to index
    %swap3A_686 = arith.constant 16 : index
    %swap3A_687 = tpu.vector_load %arg11[%swap3A_685, %swap3A_686] {strides = array<i32>} : memref<16x128xf32, #tpu.memory_space<vmem>>, vector<1x16xf32>,
    %swap3A_688 = vector.shape_cast %swap3A_687 : vector<1x16xf32> to vector<16xf32>
    %swap3A_689 = vector.shape_cast %broadcast_in_dim3A_1 : vector<16xf32> to vector<1x16xf32>
    tpu.vector_store %arg11[%swap3A_685, %swap3A_686], %swap3A_689 {strides = array<i32>} : memref<16x128xf32, #tpu.memory_space<vmem>>, vector<1x16xf32>,
    %swap3A_690 = arith.constant 14 : i32
    %swap3A_691 = arith.index_cast %swap3A_690 : i32 to index
    %swap3A_692 = arith.constant 32 : index
    %swap3A_693 = tpu.vector_load %arg11[%swap3A_691, %swap3A_692] {strides = array<i32>} : memref<16x128xf32, #tpu.memory_space<vmem>>, vector<1x16xf32>,
    %swap3A_694 = vector.shape_cast %swap3A_693 : vector<1x16xf32> to vector<16xf32>
    %swap3A_695 = vector.shape_cast %broadcast_in_dim3A_1 : vector<16xf32> to vector<1x16xf32>
    tpu.vector_store %arg11[%swap3A_691, %swap3A_692], %swap3A_695 {strides = array<i32>} : memref<16x128xf32, #tpu.memory_space<vmem>>, vector<1x16xf32>,
    %swap3A_696 = arith.constant 14 : i32
    %swap3A_697 = arith.index_cast %swap3A_696 : i32 to index
    %swap3A_698 = arith.constant 48 : index
    %swap3A_699 = tpu.vector_load %arg11[%swap3A_697, %swap3A_698] {strides = array<i32>} : memref<16x128xf32, #tpu.memory_space<vmem>>, vector<1x16xf32>,
    %swap3A_700 = vector.shape_cast %swap3A_699 : vector<1x16xf32> to vector<16xf32>
    %swap3A_701 = vector.shape_cast %broadcast_in_dim3A_1 : vector<16xf32> to vector<1x16xf32>
    tpu.vector_store %arg11[%swap3A_697, %swap3A_698], %swap3A_701 {strides = array<i32>} : memref<16x128xf32, #tpu.memory_space<vmem>>, vector<1x16xf32>,
    %swap3A_702 = arith.constant 14 : i32
    %swap3A_703 = arith.index_cast %swap3A_702 : i32 to index
    %swap3A_704 = arith.constant 64 : index
    %swap3A_705 = tpu.vector_load %arg11[%swap3A_703, %swap3A_704] {strides = array<i32>} : memref<16x128xf32, #tpu.memory_space<vmem>>, vector<1x16xf32>,
    %swap3A_706 = vector.shape_cast %swap3A_705 : vector<1x16xf32> to vector<16xf32>
    %swap3A_707 = vector.shape_cast %broadcast_in_dim3A_1 : vector<16xf32> to vector<1x16xf32>
    tpu.vector_store %arg11[%swap3A_703, %swap3A_704], %swap3A_707 {strides = array<i32>} : memref<16x128xf32, #tpu.memory_space<vmem>>, vector<1x16xf32>,
    %swap3A_708 = arith.constant 14 : i32
    %swap3A_709 = arith.index_cast %swap3A_708 : i32 to index
    %swap3A_710 = arith.constant 80 : index
    %swap3A_711 = tpu.vector_load %arg11[%swap3A_709, %swap3A_710] {strides = array<i32>} : memref<16x128xf32, #tpu.memory_space<vmem>>, vector<1x16xf32>,
    %swap3A_712 = vector.shape_cast %swap3A_711 : vector<1x16xf32> to vector<16xf32>
    %swap3A_713 = vector.shape_cast %broadcast_in_dim3A_1 : vector<16xf32> to vector<1x16xf32>
    tpu.vector_store %arg11[%swap3A_709, %swap3A_710], %swap3A_713 {strides = array<i32>} : memref<16x128xf32, #tpu.memory_space<vmem>>, vector<1x16xf32>,
    %swap3A_714 = arith.constant 14 : i32
    %swap3A_715 = arith.index_cast %swap3A_714 : i32 to index
    %swap3A_716 = arith.constant 96 : index
    %swap3A_717 = tpu.vector_load %arg11[%swap3A_715, %swap3A_716] {strides = array<i32>} : memref<16x128xf32, #tpu.memory_space<vmem>>, vector<1x16xf32>,
    %swap3A_718 = vector.shape_cast %swap3A_717 : vector<1x16xf32> to vector<16xf32>
    %swap3A_719 = vector.shape_cast %broadcast_in_dim3A_1 : vector<16xf32> to vector<1x16xf32>
    tpu.vector_store %arg11[%swap3A_715, %swap3A_716], %swap3A_719 {strides = array<i32>} : memref<16x128xf32, #tpu.memory_space<vmem>>, vector<1x16xf32>,
    %swap3A_720 = arith.constant 14 : i32
    %swap3A_721 = arith.index_cast %swap3A_720 : i32 to index
    %swap3A_722 = arith.constant 112 : index
    %swap3A_723 = tpu.vector_load %arg11[%swap3A_721, %swap3A_722] {strides = array<i32>} : memref<16x128xf32, #tpu.memory_space<vmem>>, vector<1x16xf32>,
    %swap3A_724 = vector.shape_cast %swap3A_723 : vector<1x16xf32> to vector<16xf32>
    %swap3A_725 = vector.shape_cast %broadcast_in_dim3A_1 : vector<16xf32> to vector<1x16xf32>
    tpu.vector_store %arg11[%swap3A_721, %swap3A_722], %swap3A_725 {strides = array<i32>} : memref<16x128xf32, #tpu.memory_space<vmem>>, vector<1x16xf32>,
    %swap3A_726 = arith.constant 15 : i32
    %swap3A_727 = arith.index_cast %swap3A_726 : i32 to index
    %swap3A_728 = arith.constant 0 : index
    %swap3A_729 = tpu.vector_load %arg11[%swap3A_727, %swap3A_728] {strides = array<i32>} : memref<16x128xf32, #tpu.memory_space<vmem>>, vector<1x16xf32>,
    %swap3A_730 = vector.shape_cast %swap3A_729 : vector<1x16xf32> to vector<16xf32>
    %swap3A_731 = vector.shape_cast %broadcast_in_dim3A_1 : vector<16xf32> to vector<1x16xf32>
    tpu.vector_store %arg11[%swap3A_727, %swap3A_728], %swap3A_731 {strides = array<i32>} : memref<16x128xf32, #tpu.memory_space<vmem>>, vector<1x16xf32>,
    %swap3A_732 = arith.constant 15 : i32
    %swap3A_733 = arith.index_cast %swap3A_732 : i32 to index
    %swap3A_734 = arith.constant 16 : index
    %swap3A_735 = tpu.vector_load %arg11[%swap3A_733, %swap3A_734] {strides = array<i32>} : memref<16x128xf32, #tpu.memory_space<vmem>>, vector<1x16xf32>,
    %swap3A_736 = vector.shape_cast %swap3A_735 : vector<1x16xf32> to vector<16xf32>
    %swap3A_737 = vector.shape_cast %broadcast_in_dim3A_1 : vector<16xf32> to vector<1x16xf32>
    tpu.vector_store %arg11[%swap3A_733, %swap3A_734], %swap3A_737 {strides = array<i32>} : memref<16x128xf32, #tpu.memory_space<vmem>>, vector<1x16xf32>,
    %swap3A_738 = arith.constant 15 : i32
    %swap3A_739 = arith.index_cast %swap3A_738 : i32 to index
    %swap3A_740 = arith.constant 32 : index
    %swap3A_741 = tpu.vector_load %arg11[%swap3A_739, %swap3A_740] {strides = array<i32>} : memref<16x128xf32, #tpu.memory_space<vmem>>, vector<1x16xf32>,
    %swap3A_742 = vector.shape_cast %swap3A_741 : vector<1x16xf32> to vector<16xf32>
    %swap3A_743 = vector.shape_cast %broadcast_in_dim3A_1 : vector<16xf32> to vector<1x16xf32>
    tpu.vector_store %arg11[%swap3A_739, %swap3A_740], %swap3A_743 {strides = array<i32>} : memref<16x128xf32, #tpu.memory_space<vmem>>, vector<1x16xf32>,
    %swap3A_744 = arith.constant 15 : i32
    %swap3A_745 = arith.index_cast %swap3A_744 : i32 to index
    %swap3A_746 = arith.constant 48 : index
    %swap3A_747 = tpu.vector_load %arg11[%swap3A_745, %swap3A_746] {strides = array<i32>} : memref<16x128xf32, #tpu.memory_space<vmem>>, vector<1x16xf32>,
    %swap3A_748 = vector.shape_cast %swap3A_747 : vector<1x16xf32> to vector<16xf32>
    %swap3A_749 = vector.shape_cast %broadcast_in_dim3A_1 : vector<16xf32> to vector<1x16xf32>
    tpu.vector_store %arg11[%swap3A_745, %swap3A_746], %swap3A_749 {strides = array<i32>} : memref<16x128xf32, #tpu.memory_space<vmem>>, vector<1x16xf32>,
    %swap3A_750 = arith.constant 15 : i32
    %swap3A_751 = arith.index_cast %swap3A_750 : i32 to index
    %swap3A_752 = arith.constant 64 : index
    %swap3A_753 = tpu.vector_load %arg11[%swap3A_751, %swap3A_752] {strides = array<i32>} : memref<16x128xf32, #tpu.memory_space<vmem>>, vector<1x16xf32>,
    %swap3A_754 = vector.shape_cast %swap3A_753 : vector<1x16xf32> to vector<16xf32>
    %swap3A_755 = vector.shape_cast %broadcast_in_dim3A_1 : vector<16xf32> to vector<1x16xf32>
    tpu.vector_store %arg11[%swap3A_751, %swap3A_752], %swap3A_755 {strides = array<i32>} : memref<16x128xf32, #tpu.memory_space<vmem>>, vector<1x16xf32>,
    %swap3A_756 = arith.constant 15 : i32
    %swap3A_757 = arith.index_cast %swap3A_756 : i32 to index
    %swap3A_758 = arith.constant 80 : index
    %swap3A_759 = tpu.vector_load %arg11[%swap3A_757, %swap3A_758] {strides = array<i32>} : memref<16x128xf32, #tpu.memory_space<vmem>>, vector<1x16xf32>,
    %swap3A_760 = vector.shape_cast %swap3A_759 : vector<1x16xf32> to vector<16xf32>
    %swap3A_761 = vector.shape_cast %broadcast_in_dim3A_1 : vector<16xf32> to vector<1x16xf32>
    tpu.vector_store %arg11[%swap3A_757, %swap3A_758], %swap3A_761 {strides = array<i32>} : memref<16x128xf32, #tpu.memory_space<vmem>>, vector<1x16xf32>,
    %swap3A_762 = arith.constant 15 : i32
    %swap3A_763 = arith.index_cast %swap3A_762 : i32 to index
    %swap3A_764 = arith.constant 96 : index
    %swap3A_765 = tpu.vector_load %arg11[%swap3A_763, %swap3A_764] {strides = array<i32>} : memref<16x128xf32, #tpu.memory_space<vmem>>, vector<1x16xf32>,
    %swap3A_766 = vector.shape_cast %swap3A_765 : vector<1x16xf32> to vector<16xf32>
    %swap3A_767 = vector.shape_cast %broadcast_in_dim3A_1 : vector<16xf32> to vector<1x16xf32>
    tpu.vector_store %arg11[%swap3A_763, %swap3A_764], %swap3A_767 {strides = array<i32>} : memref<16x128xf32, #tpu.memory_space<vmem>>, vector<1x16xf32>,
    %swap3A_768 = arith.constant 15 : i32
    %swap3A_769 = arith.index_cast %swap3A_768 : i32 to index
    %swap3A_770 = arith.constant 112 : index
    %swap3A_771 = tpu.vector_load %arg11[%swap3A_769, %swap3A_770] {strides = array<i32>} : memref<16x128xf32, #tpu.memory_space<vmem>>, vector<1x16xf32>,
    %swap3A_772 = vector.shape_cast %swap3A_771 : vector<1x16xf32> to vector<16xf32>
    %swap3A_773 = vector.shape_cast %broadcast_in_dim3A_1 : vector<16xf32> to vector<1x16xf32>
    tpu.vector_store %arg11[%swap3A_769, %swap3A_770], %swap3A_773 {strides = array<i32>} : memref<16x128xf32, #tpu.memory_space<vmem>>, vector<1x16xf32>,
    "tpu.region"() ({
      %run_scoped3A = tpu.sem_alloc : memref<!tpu.dma_semaphore, #tpu.memory_space<semaphore_mem>>
      %dma_start3A = arith.constant 0 : i32
      %dma_start3A_774 = arith.constant 0 : i32
      %dma_start3A_775 = tpu.memref_slice %arg6[%add3A, %dma_start3A, %dma_start3A_774] : memref<32x16x128xf32, #tpu.memory_space<hbm>> -> memref<1x16x128xf32, #tpu.memory_space<hbm>>
      %dma_start3A_776 = tpu.memref_squeeze %dma_start3A_775 : memref<1x16x128xf32, #tpu.memory_space<hbm>> -> memref<16x128xf32, #tpu.memory_space<hbm>>
      %dma_start3A_777 = arith.constant 0 : i32
      %dma_start3A_778 = arith.constant 0 : i32
      %dma_start3A_779 = tpu.memref_slice %arg6[%add3A, %dma_start3A_777, %dma_start3A_778] : memref<32x16x128xf32, #tpu.memory_space<hbm>> -> memref<1x16x128xf32, #tpu.memory_space<hbm>>
      %dma_start3A_780 = tpu.memref_squeeze %dma_start3A_779 : memref<1x16x128xf32, #tpu.memory_space<hbm>> -> memref<16x128xf32, #tpu.memory_space<hbm>>
      tpu.enqueue_dma source(%arg11 : memref<16x128xf32, #tpu.memory_space<vmem>>) target(%dma_start3A_780 : memref<16x128xf32, #tpu.memory_space<hbm>>) target_semaphore(%run_scoped3A : memref<!tpu.dma_semaphore, #tpu.memory_space<semaphore_mem>>)
      %dma_wait3A = arith.constant 0 : i32
      %dma_wait3A_781 = arith.constant 0 : i32
      %dma_wait3A_782 = tpu.memref_slice %arg6[%add3A, %dma_wait3A, %dma_wait3A_781] : memref<32x16x128xf32, #tpu.memory_space<hbm>> -> memref<1x16x128xf32, #tpu.memory_space<hbm>>
      %dma_wait3A_783 = tpu.memref_squeeze %dma_wait3A_782 : memref<1x16x128xf32, #tpu.memory_space<hbm>> -> memref<16x128xf32, #tpu.memory_space<hbm>>
      %dma_wait3A_784 = arith.constant 0 : i32
      %dma_wait3A_785 = arith.constant 0 : i32
      %dma_wait3A_786 = tpu.memref_slice %arg6[%add3A, %dma_wait3A_784, %dma_wait3A_785] : memref<32x16x128xf32, #tpu.memory_space<hbm>> -> memref<1x16x128xf32, #tpu.memory_space<hbm>>
      %dma_wait3A_787 = tpu.memref_squeeze %dma_wait3A_786 : memref<1x16x128xf32, #tpu.memory_space<hbm>> -> memref<16x128xf32, #tpu.memory_space<hbm>>
      tpu.wait_dma2 semaphore(%run_scoped3A : memref<!tpu.dma_semaphore, #tpu.memory_space<semaphore_mem>>) src(%arg11 : memref<16x128xf32, #tpu.memory_space<vmem>>) dst(%dma_wait3A_787 : memref<16x128xf32, #tpu.memory_space<hbm>>)
      tpu.yield
    }) : () -> ()
    return
  }
}

#map = affine_map<(d0, d1) -> (0, 0)>
#map1 = affine_map<(d0, d1) -> (0, 0, 0)>
module attributes {stable_mosaic.version = 14 : i64} {
  func.func @_sc_gather(%arg0: i32, %arg1: i32, %arg2: memref<2048x128xf32, #tpu.memory_space<hbm>>, %arg3: memref<256x4x128xi32, #tpu.memory_space<hbm>>, %arg4: memref<8192x128xf32, #tpu.memory_space<hbm>>, %arg5: memref<8192x128xf32, #tpu.memory_space<hbm>>, %arg6: memref<32x16x128xf32, #tpu.memory_space<hbm>>, %arg7: memref<4x128xi32, #tpu.memory_space<vmem>>, %arg8: memref<512x128xf32, #tpu.memory_space<vmem>>, %arg9: memref<32x128xf32, #tpu.memory_space<vmem>>, %arg10: memref<32x128xf32, #tpu.memory_space<vmem>>, %arg11: memref<16x128xf32, #tpu.memory_space<vmem>>, %arg12: memref<!tpu.dma_semaphore, #tpu.memory_space<semaphore_mem>>) attributes {dimension_semantics = [#tpu.dimension_semantics<core_parallel>, #tpu.dimension_semantics<subcore_parallel>], iteration_bounds = array<i64: 2, 16>, scalar_prefetch = 0 : i64, scratch_operands = 6 : i64, tpu.core_type = #tpu.core_type<sc_vector_subcore>, window_params = [{transform_indices = #map}, {transform_indices = #map1}, {transform_indices = #map}, {transform_indices = #map}, {transform_indices = #map1}]} {
    %mul3A = arith.constant 2 : i32
    %mul3A_0 = arith.muli %arg1, %mul3A : i32
    %add3A = arith.addi %mul3A_0, %arg0 : i32
    %broadcast_in_dim3A = arith.constant 0.000000e+00 : f32
    %broadcast_in_dim3A_1 = vector.broadcast %broadcast_in_dim3A : f32 to vector<16xf32>
    %scan3A = arith.constant 0 : i32
    %scan3A_2 = arith.constant 8 : i32
    %scan3A_3 = arith.addi %scan3A, %scan3A_2 : i32
    %scan3A_4 = arith.constant 1 : i32
    %scan3A_5:12 = scf.for %scan3A_774 = %scan3A to %scan3A_3 step %scan3A_4 iter_args(%scan3A_775 = %broadcast_in_dim3A_1, %scan3A_776 = %broadcast_in_dim3A_1, %scan3A_777 = %broadcast_in_dim3A_1, %scan3A_778 = %broadcast_in_dim3A_1, %scan3A_779 = %broadcast_in_dim3A_1, %scan3A_780 = %broadcast_in_dim3A_1, %scan3A_781 = %broadcast_in_dim3A_1, %scan3A_782 = %broadcast_in_dim3A_1, %scan3A_783 = %broadcast_in_dim3A_1, %scan3A_784 = %broadcast_in_dim3A_1, %scan3A_785 = %broadcast_in_dim3A_1, %scan3A_786 = %broadcast_in_dim3A_1) -> (vector<16xf32>, vector<16xf32>, vector<16xf32>, vector<16xf32>, vector<16xf32>, vector<16xf32>, vector<16xf32>, vector<16xf32>, vector<16xf32>, vector<16xf32>, vector<16xf32>, vector<16xf32>)  : i32 {
      %mul3A_787 = arith.constant 256 : i32
      %mul3A_788 = arith.muli %add3A, %mul3A_787 : i32
      %mul3A_789 = arith.constant 32 : i32
      %mul3A_790 = arith.muli %scan3A_774, %mul3A_789 : i32
      %add3A_791 = arith.addi %mul3A_788, %mul3A_790 : i32
      %mul3A_792 = arith.constant 8 : i32
      %mul3A_793 = arith.muli %add3A, %mul3A_792 : i32
      %add3A_794 = arith.addi %mul3A_793, %scan3A_774 : i32
      "tpu.region"() ({
        %run_scoped3A = tpu.sem_alloc : memref<!tpu.dma_semaphore, #tpu.memory_space<semaphore_mem>>
        %dma_start3A_879 = arith.constant 0 : i32
        %dma_start3A_880 = arith.constant 0 : i32
        %dma_start3A_881 = tpu.memref_slice %arg3[%add3A_794, %dma_start3A_879, %dma_start3A_880] : memref<256x4x128xi32, #tpu.memory_space<hbm>> -> memref<1x4x128xi32, #tpu.memory_space<hbm>>
        %dma_start3A_882 = tpu.memref_squeeze %dma_start3A_881 : memref<1x4x128xi32, #tpu.memory_space<hbm>> -> memref<4x128xi32, #tpu.memory_space<hbm>>
        %dma_start3A_883 = arith.constant 0 : i32
        %dma_start3A_884 = arith.constant 0 : i32
        %dma_start3A_885 = tpu.memref_slice %arg3[%add3A_794, %dma_start3A_883, %dma_start3A_884] : memref<256x4x128xi32, #tpu.memory_space<hbm>> -> memref<1x4x128xi32, #tpu.memory_space<hbm>>
        %dma_start3A_886 = tpu.memref_squeeze %dma_start3A_885 : memref<1x4x128xi32, #tpu.memory_space<hbm>> -> memref<4x128xi32, #tpu.memory_space<hbm>>
        tpu.enqueue_dma source(%dma_start3A_886 : memref<4x128xi32, #tpu.memory_space<hbm>>) target(%arg7 : memref<4x128xi32, #tpu.memory_space<vmem>>) target_semaphore(%run_scoped3A : memref<!tpu.dma_semaphore, #tpu.memory_space<semaphore_mem>>)
        %dma_wait3A_887 = arith.constant 0 : i32
        %dma_wait3A_888 = arith.constant 0 : i32
        %dma_wait3A_889 = tpu.memref_slice %arg3[%add3A_794, %dma_wait3A_887, %dma_wait3A_888] : memref<256x4x128xi32, #tpu.memory_space<hbm>> -> memref<1x4x128xi32, #tpu.memory_space<hbm>>
        %dma_wait3A_890 = tpu.memref_squeeze %dma_wait3A_889 : memref<1x4x128xi32, #tpu.memory_space<hbm>> -> memref<4x128xi32, #tpu.memory_space<hbm>>
        %dma_wait3A_891 = arith.constant 0 : i32
        %dma_wait3A_892 = arith.constant 0 : i32
        %dma_wait3A_893 = tpu.memref_slice %arg3[%add3A_794, %dma_wait3A_891, %dma_wait3A_892] : memref<256x4x128xi32, #tpu.memory_space<hbm>> -> memref<1x4x128xi32, #tpu.memory_space<hbm>>
        %dma_wait3A_894 = tpu.memref_squeeze %dma_wait3A_893 : memref<1x4x128xi32, #tpu.memory_space<hbm>> -> memref<4x128xi32, #tpu.memory_space<hbm>>
        tpu.wait_dma2 semaphore(%run_scoped3A : memref<!tpu.dma_semaphore, #tpu.memory_space<semaphore_mem>>) src(%dma_wait3A_894 : memref<4x128xi32, #tpu.memory_space<hbm>>) dst(%arg7 : memref<4x128xi32, #tpu.memory_space<vmem>>)
        tpu.yield
      }) : () -> ()
      %dma_start3A = arith.constant 0 : i32
      %dma_start3A_795 = arith.constant 0 : i32
      %dma_start3A_796 = arith.constant 0 : i32
      %dma_start3A_797 = tpu.memref_slice %arg8[%dma_start3A_795, %dma_start3A_796] : memref<512x128xf32, #tpu.memory_space<vmem>> -> memref<128x128xf32, #tpu.memory_space<vmem>>
      %dma_start3A_798 = arith.constant 0 : i32
      %dma_start3A_799 = tpu.memref_slice %arg7[%dma_start3A, %dma_start3A_798] : memref<4x128xi32, #tpu.memory_space<vmem>> -> memref<1x128xi32, #tpu.memory_space<vmem>>
      %dma_start3A_800 = tpu.memref_squeeze %dma_start3A_799 : memref<1x128xi32, #tpu.memory_space<vmem>> -> memref<128xi32, #tpu.memory_space<vmem>>
      %dma_start3A_801 = arith.constant 0 : i32
      %dma_start3A_802 = arith.constant 0 : i32
      %dma_start3A_803 = tpu.memref_slice %arg2[%dma_start3A_801, %dma_start3A_802] : memref<2048x128xf32, #tpu.memory_space<hbm>> -> memref<2048x128xf32, #tpu.memory_space<hbm>>
      tpu.enqueue_indirect_dma source(%dma_start3A_803 : memref<2048x128xf32, #tpu.memory_space<hbm>>) target(%dma_start3A_797 : memref<128x128xf32, #tpu.memory_space<vmem>>) offsets(%dma_start3A_800 : memref<128xi32, #tpu.memory_space<vmem>>) semaphore(%arg12 : memref<!tpu.dma_semaphore, #tpu.memory_space<semaphore_mem>>)
      %dma_start3A_804 = arith.constant 1 : i32
      %dma_start3A_805 = arith.constant 128 : i32
      %dma_start3A_806 = arith.constant 0 : i32
      %dma_start3A_807 = tpu.memref_slice %arg8[%dma_start3A_805, %dma_start3A_806] : memref<512x128xf32, #tpu.memory_space<vmem>> -> memref<128x128xf32, #tpu.memory_space<vmem>>
      %dma_start3A_808 = arith.constant 0 : i32
      %dma_start3A_809 = tpu.memref_slice %arg7[%dma_start3A_804, %dma_start3A_808] : memref<4x128xi32, #tpu.memory_space<vmem>> -> memref<1x128xi32, #tpu.memory_space<vmem>>
      %dma_start3A_810 = tpu.memref_squeeze %dma_start3A_809 : memref<1x128xi32, #tpu.memory_space<vmem>> -> memref<128xi32, #tpu.memory_space<vmem>>
      %dma_start3A_811 = arith.constant 0 : i32
      %dma_start3A_812 = arith.constant 0 : i32
      %dma_start3A_813 = tpu.memref_slice %arg2[%dma_start3A_811, %dma_start3A_812] : memref<2048x128xf32, #tpu.memory_space<hbm>> -> memref<2048x128xf32, #tpu.memory_space<hbm>>
      tpu.enqueue_indirect_dma source(%dma_start3A_813 : memref<2048x128xf32, #tpu.memory_space<hbm>>) target(%dma_start3A_807 : memref<128x128xf32, #tpu.memory_space<vmem>>) offsets(%dma_start3A_810 : memref<128xi32, #tpu.memory_space<vmem>>) semaphore(%arg12 : memref<!tpu.dma_semaphore, #tpu.memory_space<semaphore_mem>>)
      %dma_start3A_814 = arith.constant 2 : i32
      %dma_start3A_815 = arith.constant 256 : i32
      %dma_start3A_816 = arith.constant 0 : i32
      %dma_start3A_817 = tpu.memref_slice %arg8[%dma_start3A_815, %dma_start3A_816] : memref<512x128xf32, #tpu.memory_space<vmem>> -> memref<128x128xf32, #tpu.memory_space<vmem>>
      %dma_start3A_818 = arith.constant 0 : i32
      %dma_start3A_819 = tpu.memref_slice %arg7[%dma_start3A_814, %dma_start3A_818] : memref<4x128xi32, #tpu.memory_space<vmem>> -> memref<1x128xi32, #tpu.memory_space<vmem>>
      %dma_start3A_820 = tpu.memref_squeeze %dma_start3A_819 : memref<1x128xi32, #tpu.memory_space<vmem>> -> memref<128xi32, #tpu.memory_space<vmem>>
      %dma_start3A_821 = arith.constant 0 : i32
      %dma_start3A_822 = arith.constant 0 : i32
      %dma_start3A_823 = tpu.memref_slice %arg2[%dma_start3A_821, %dma_start3A_822] : memref<2048x128xf32, #tpu.memory_space<hbm>> -> memref<2048x128xf32, #tpu.memory_space<hbm>>
      tpu.enqueue_indirect_dma source(%dma_start3A_823 : memref<2048x128xf32, #tpu.memory_space<hbm>>) target(%dma_start3A_817 : memref<128x128xf32, #tpu.memory_space<vmem>>) offsets(%dma_start3A_820 : memref<128xi32, #tpu.memory_space<vmem>>) semaphore(%arg12 : memref<!tpu.dma_semaphore, #tpu.memory_space<semaphore_mem>>)
      %dma_start3A_824 = arith.constant 3 : i32
      %dma_start3A_825 = arith.constant 384 : i32
      %dma_start3A_826 = arith.constant 0 : i32
      %dma_start3A_827 = tpu.memref_slice %arg8[%dma_start3A_825, %dma_start3A_826] : memref<512x128xf32, #tpu.memory_space<vmem>> -> memref<128x128xf32, #tpu.memory_space<vmem>>
      %dma_start3A_828 = arith.constant 0 : i32
      %dma_start3A_829 = tpu.memref_slice %arg7[%dma_start3A_824, %dma_start3A_828] : memref<4x128xi32, #tpu.memory_space<vmem>> -> memref<1x128xi32, #tpu.memory_space<vmem>>
      %dma_start3A_830 = tpu.memref_squeeze %dma_start3A_829 : memref<1x128xi32, #tpu.memory_space<vmem>> -> memref<128xi32, #tpu.memory_space<vmem>>
      %dma_start3A_831 = arith.constant 0 : i32
      %dma_start3A_832 = arith.constant 0 : i32
      %dma_start3A_833 = tpu.memref_slice %arg2[%dma_start3A_831, %dma_start3A_832] : memref<2048x128xf32, #tpu.memory_space<hbm>> -> memref<2048x128xf32, #tpu.memory_space<hbm>>
      tpu.enqueue_indirect_dma source(%dma_start3A_833 : memref<2048x128xf32, #tpu.memory_space<hbm>>) target(%dma_start3A_827 : memref<128x128xf32, #tpu.memory_space<vmem>>) offsets(%dma_start3A_830 : memref<128xi32, #tpu.memory_space<vmem>>) semaphore(%arg12 : memref<!tpu.dma_semaphore, #tpu.memory_space<semaphore_mem>>)
      %dma_wait3A = arith.constant 0 : i32
      %dma_wait3A_834 = arith.constant 0 : i32
      %dma_wait3A_835 = arith.constant 0 : i32
      %dma_wait3A_836 = tpu.memref_slice %arg8[%dma_wait3A_834, %dma_wait3A_835] : memref<512x128xf32, #tpu.memory_space<vmem>> -> memref<128x128xf32, #tpu.memory_space<vmem>>
      %dma_wait3A_837 = arith.constant 0 : i32
      %dma_wait3A_838 = tpu.memref_slice %arg7[%dma_wait3A, %dma_wait3A_837] : memref<4x128xi32, #tpu.memory_space<vmem>> -> memref<1x128xi32, #tpu.memory_space<vmem>>
      %dma_wait3A_839 = tpu.memref_squeeze %dma_wait3A_838 : memref<1x128xi32, #tpu.memory_space<vmem>> -> memref<128xi32, #tpu.memory_space<vmem>>
      %dma_wait3A_840 = arith.constant 0 : i32
      %dma_wait3A_841 = arith.constant 0 : i32
      %dma_wait3A_842 = tpu.memref_slice %arg2[%dma_wait3A_840, %dma_wait3A_841] : memref<2048x128xf32, #tpu.memory_space<hbm>> -> memref<2048x128xf32, #tpu.memory_space<hbm>>
      tpu.wait_indirect_dma semaphore(%arg12 : memref<!tpu.dma_semaphore, #tpu.memory_space<semaphore_mem>>) src(%dma_wait3A_842 : memref<2048x128xf32, #tpu.memory_space<hbm>>) dst(%dma_wait3A_836 : memref<128x128xf32, #tpu.memory_space<vmem>>)
      %dma_wait3A_843 = arith.constant 1 : i32
      %dma_wait3A_844 = arith.constant 128 : i32
      %dma_wait3A_845 = arith.constant 0 : i32
      %dma_wait3A_846 = tpu.memref_slice %arg8[%dma_wait3A_844, %dma_wait3A_845] : memref<512x128xf32, #tpu.memory_space<vmem>> -> memref<128x128xf32, #tpu.memory_space<vmem>>
      %dma_wait3A_847 = arith.constant 0 : i32
      %dma_wait3A_848 = tpu.memref_slice %arg7[%dma_wait3A_843, %dma_wait3A_847] : memref<4x128xi32, #tpu.memory_space<vmem>> -> memref<1x128xi32, #tpu.memory_space<vmem>>
      %dma_wait3A_849 = tpu.memref_squeeze %dma_wait3A_848 : memref<1x128xi32, #tpu.memory_space<vmem>> -> memref<128xi32, #tpu.memory_space<vmem>>
      %dma_wait3A_850 = arith.constant 0 : i32
      %dma_wait3A_851 = arith.constant 0 : i32
      %dma_wait3A_852 = tpu.memref_slice %arg2[%dma_wait3A_850, %dma_wait3A_851] : memref<2048x128xf32, #tpu.memory_space<hbm>> -> memref<2048x128xf32, #tpu.memory_space<hbm>>
      tpu.wait_indirect_dma semaphore(%arg12 : memref<!tpu.dma_semaphore, #tpu.memory_space<semaphore_mem>>) src(%dma_wait3A_852 : memref<2048x128xf32, #tpu.memory_space<hbm>>) dst(%dma_wait3A_846 : memref<128x128xf32, #tpu.memory_space<vmem>>)
      %dma_wait3A_853 = arith.constant 2 : i32
      %dma_wait3A_854 = arith.constant 256 : i32
      %dma_wait3A_855 = arith.constant 0 : i32
      %dma_wait3A_856 = tpu.memref_slice %arg8[%dma_wait3A_854, %dma_wait3A_855] : memref<512x128xf32, #tpu.memory_space<vmem>> -> memref<128x128xf32, #tpu.memory_space<vmem>>
      %dma_wait3A_857 = arith.constant 0 : i32
      %dma_wait3A_858 = tpu.memref_slice %arg7[%dma_wait3A_853, %dma_wait3A_857] : memref<4x128xi32, #tpu.memory_space<vmem>> -> memref<1x128xi32, #tpu.memory_space<vmem>>
      %dma_wait3A_859 = tpu.memref_squeeze %dma_wait3A_858 : memref<1x128xi32, #tpu.memory_space<vmem>> -> memref<128xi32, #tpu.memory_space<vmem>>
      %dma_wait3A_860 = arith.constant 0 : i32
      %dma_wait3A_861 = arith.constant 0 : i32
      %dma_wait3A_862 = tpu.memref_slice %arg2[%dma_wait3A_860, %dma_wait3A_861] : memref<2048x128xf32, #tpu.memory_space<hbm>> -> memref<2048x128xf32, #tpu.memory_space<hbm>>
      tpu.wait_indirect_dma semaphore(%arg12 : memref<!tpu.dma_semaphore, #tpu.memory_space<semaphore_mem>>) src(%dma_wait3A_862 : memref<2048x128xf32, #tpu.memory_space<hbm>>) dst(%dma_wait3A_856 : memref<128x128xf32, #tpu.memory_space<vmem>>)
      %dma_wait3A_863 = arith.constant 3 : i32
      %dma_wait3A_864 = arith.constant 384 : i32
      %dma_wait3A_865 = arith.constant 0 : i32
      %dma_wait3A_866 = tpu.memref_slice %arg8[%dma_wait3A_864, %dma_wait3A_865] : memref<512x128xf32, #tpu.memory_space<vmem>> -> memref<128x128xf32, #tpu.memory_space<vmem>>
      %dma_wait3A_867 = arith.constant 0 : i32
      %dma_wait3A_868 = tpu.memref_slice %arg7[%dma_wait3A_863, %dma_wait3A_867] : memref<4x128xi32, #tpu.memory_space<vmem>> -> memref<1x128xi32, #tpu.memory_space<vmem>>
      %dma_wait3A_869 = tpu.memref_squeeze %dma_wait3A_868 : memref<1x128xi32, #tpu.memory_space<vmem>> -> memref<128xi32, #tpu.memory_space<vmem>>
      %dma_wait3A_870 = arith.constant 0 : i32
      %dma_wait3A_871 = arith.constant 0 : i32
      %dma_wait3A_872 = tpu.memref_slice %arg2[%dma_wait3A_870, %dma_wait3A_871] : memref<2048x128xf32, #tpu.memory_space<hbm>> -> memref<2048x128xf32, #tpu.memory_space<hbm>>
      tpu.wait_indirect_dma semaphore(%arg12 : memref<!tpu.dma_semaphore, #tpu.memory_space<semaphore_mem>>) src(%dma_wait3A_872 : memref<2048x128xf32, #tpu.memory_space<hbm>>) dst(%dma_wait3A_866 : memref<128x128xf32, #tpu.memory_space<vmem>>)
      "tpu.region"() ({
        %run_scoped3A = tpu.sem_alloc : memref<!tpu.dma_semaphore, #tpu.memory_space<semaphore_mem>>
        %dma_start3A_879 = arith.constant 0 : i32
        %dma_start3A_880 = tpu.memref_slice %arg4[%add3A_791, %dma_start3A_879] : memref<8192x128xf32, #tpu.memory_space<hbm>> -> memref<32x128xf32, #tpu.memory_space<hbm>>
        %dma_start3A_881 = arith.constant 0 : i32
        %dma_start3A_882 = tpu.memref_slice %arg4[%add3A_791, %dma_start3A_881] : memref<8192x128xf32, #tpu.memory_space<hbm>> -> memref<32x128xf32, #tpu.memory_space<hbm>>
        tpu.enqueue_dma source(%dma_start3A_882 : memref<32x128xf32, #tpu.memory_space<hbm>>) target(%arg9 : memref<32x128xf32, #tpu.memory_space<vmem>>) target_semaphore(%run_scoped3A : memref<!tpu.dma_semaphore, #tpu.memory_space<semaphore_mem>>)
        %dma_wait3A_883 = arith.constant 0 : i32
        %dma_wait3A_884 = tpu.memref_slice %arg4[%add3A_791, %dma_wait3A_883] : memref<8192x128xf32, #tpu.memory_space<hbm>> -> memref<32x128xf32, #tpu.memory_space<hbm>>
        %dma_wait3A_885 = arith.constant 0 : i32
        %dma_wait3A_886 = tpu.memref_slice %arg4[%add3A_791, %dma_wait3A_885] : memref<8192x128xf32, #tpu.memory_space<hbm>> -> memref<32x128xf32, #tpu.memory_space<hbm>>
        tpu.wait_dma2 semaphore(%run_scoped3A : memref<!tpu.dma_semaphore, #tpu.memory_space<semaphore_mem>>) src(%dma_wait3A_886 : memref<32x128xf32, #tpu.memory_space<hbm>>) dst(%arg9 : memref<32x128xf32, #tpu.memory_space<vmem>>)
        tpu.yield
      }) : () -> ()
      %scan3A_873 = arith.constant 0 : i32
      %scan3A_874 = arith.constant 32 : i32
      %scan3A_875 = arith.addi %scan3A_873, %scan3A_874 : i32
      %scan3A_876 = arith.constant 1 : i32
      %scan3A_877:12 = scf.for %scan3A_879 = %scan3A_873 to %scan3A_875 step %scan3A_876 iter_args(%scan3A_880 = %scan3A_775, %scan3A_881 = %scan3A_776, %scan3A_882 = %scan3A_777, %scan3A_883 = %scan3A_778, %scan3A_884 = %scan3A_779, %scan3A_885 = %scan3A_780, %scan3A_886 = %scan3A_781, %scan3A_887 = %scan3A_782, %scan3A_888 = %scan3A_783, %scan3A_889 = %scan3A_784, %scan3A_890 = %scan3A_785, %scan3A_891 = %scan3A_786) -> (vector<16xf32>, vector<16xf32>, vector<16xf32>, vector<16xf32>, vector<16xf32>, vector<16xf32>, vector<16xf32>, vector<16xf32>, vector<16xf32>, vector<16xf32>, vector<16xf32>, vector<16xf32>)  : i32 {
        %broadcast_in_dim3A_892 = arith.constant 0xFF800000 : f32
        %broadcast_in_dim3A_893 = vector.broadcast %broadcast_in_dim3A_892 : f32 to vector<16xf32>
        %broadcast_in_dim3A_894 = arith.constant 0x7F800000 : f32
        %broadcast_in_dim3A_895 = vector.broadcast %broadcast_in_dim3A_894 : f32 to vector<16xf32>
        %mul3A_896 = arith.constant 16 : i32
        %mul3A_897 = arith.muli %scan3A_879, %mul3A_896 : i32
        %add3A_898 = arith.constant 0 : i32
        %add3A_899 = arith.addi %mul3A_897, %add3A_898 : i32
        %get3A = arith.index_cast %add3A_899 : i32 to index
        %get3A_900 = arith.constant 0 : index
        %get3A_901 = tpu.vector_load %arg8[%get3A, %get3A_900] {strides = array<i32>} : memref<512x128xf32, #tpu.memory_space<vmem>>, vector<1x16xf32>,
        %get3A_902 = vector.shape_cast %get3A_901 : vector<1x16xf32> to vector<16xf32>
        %max3A = arith.maximumf %broadcast_in_dim3A_893, %get3A_902 : vector<16xf32>
        %min3A = arith.minimumf %broadcast_in_dim3A_895, %get3A_902 : vector<16xf32>
        %add3A_903 = arith.addf %broadcast_in_dim3A_1, %get3A_902 : vector<16xf32>
        %mul3A_904 = arith.mulf %get3A_902, %get3A_902 : vector<16xf32>
        %add3A_905 = arith.addf %broadcast_in_dim3A_1, %mul3A_904 : vector<16xf32>
        %mul3A_906 = arith.constant 16 : i32
        %mul3A_907 = arith.muli %scan3A_879, %mul3A_906 : i32
        %add3A_908 = arith.constant 1 : i32
        %add3A_909 = arith.addi %mul3A_907, %add3A_908 : i32
        %get3A_910 = arith.index_cast %add3A_909 : i32 to index
        %get3A_911 = arith.constant 0 : index
        %get3A_912 = tpu.vector_load %arg8[%get3A_910, %get3A_911] {strides = array<i32>} : memref<512x128xf32, #tpu.memory_space<vmem>>, vector<1x16xf32>,
        %get3A_913 = vector.shape_cast %get3A_912 : vector<1x16xf32> to vector<16xf32>
        %max3A_914 = arith.maximumf %max3A, %get3A_913 : vector<16xf32>
        %min3A_915 = arith.minimumf %min3A, %get3A_913 : vector<16xf32>
        %add3A_916 = arith.addf %add3A_903, %get3A_913 : vector<16xf32>
        %mul3A_917 = arith.mulf %get3A_913, %get3A_913 : vector<16xf32>
        %add3A_918 = arith.addf %add3A_905, %mul3A_917 : vector<16xf32>
        %mul3A_919 = arith.constant 16 : i32
        %mul3A_920 = arith.muli %scan3A_879, %mul3A_919 : i32
        %add3A_921 = arith.constant 2 : i32
        %add3A_922 = arith.addi %mul3A_920, %add3A_921 : i32
        %get3A_923 = arith.index_cast %add3A_922 : i32 to index
        %get3A_924 = arith.constant 0 : index
        %get3A_925 = tpu.vector_load %arg8[%get3A_923, %get3A_924] {strides = array<i32>} : memref<512x128xf32, #tpu.memory_space<vmem>>, vector<1x16xf32>,
        %get3A_926 = vector.shape_cast %get3A_925 : vector<1x16xf32> to vector<16xf32>
        %max3A_927 = arith.maximumf %max3A_914, %get3A_926 : vector<16xf32>
        %min3A_928 = arith.minimumf %min3A_915, %get3A_926 : vector<16xf32>
        %add3A_929 = arith.addf %add3A_916, %get3A_926 : vector<16xf32>
        %mul3A_930 = arith.mulf %get3A_926, %get3A_926 : vector<16xf32>
        %add3A_931 = arith.addf %add3A_918, %mul3A_930 : vector<16xf32>
        %mul3A_932 = arith.constant 16 : i32
        %mul3A_933 = arith.muli %scan3A_879, %mul3A_932 : i32
        %add3A_934 = arith.constant 3 : i32
        %add3A_935 = arith.addi %mul3A_933, %add3A_934 : i32
        %get3A_936 = arith.index_cast %add3A_935 : i32 to index
        %get3A_937 = arith.constant 0 : index
        %get3A_938 = tpu.vector_load %arg8[%get3A_936, %get3A_937] {strides = array<i32>} : memref<512x128xf32, #tpu.memory_space<vmem>>, vector<1x16xf32>,
        %get3A_939 = vector.shape_cast %get3A_938 : vector<1x16xf32> to vector<16xf32>
        %max3A_940 = arith.maximumf %max3A_927, %get3A_939 : vector<16xf32>
        %min3A_941 = arith.minimumf %min3A_928, %get3A_939 : vector<16xf32>
        %add3A_942 = arith.addf %add3A_929, %get3A_939 : vector<16xf32>
        %mul3A_943 = arith.mulf %get3A_939, %get3A_939 : vector<16xf32>
        %add3A_944 = arith.addf %add3A_931, %mul3A_943 : vector<16xf32>
        %mul3A_945 = arith.constant 16 : i32
        %mul3A_946 = arith.muli %scan3A_879, %mul3A_945 : i32
        %add3A_947 = arith.constant 4 : i32
        %add3A_948 = arith.addi %mul3A_946, %add3A_947 : i32
        %get3A_949 = arith.index_cast %add3A_948 : i32 to index
        %get3A_950 = arith.constant 0 : index
        %get3A_951 = tpu.vector_load %arg8[%get3A_949, %get3A_950] {strides = array<i32>} : memref<512x128xf32, #tpu.memory_space<vmem>>, vector<1x16xf32>,
        %get3A_952 = vector.shape_cast %get3A_951 : vector<1x16xf32> to vector<16xf32>
        %max3A_953 = arith.maximumf %max3A_940, %get3A_952 : vector<16xf32>
        %min3A_954 = arith.minimumf %min3A_941, %get3A_952 : vector<16xf32>
        %add3A_955 = arith.addf %add3A_942, %get3A_952 : vector<16xf32>
        %mul3A_956 = arith.mulf %get3A_952, %get3A_952 : vector<16xf32>
        %add3A_957 = arith.addf %add3A_944, %mul3A_956 : vector<16xf32>
        %mul3A_958 = arith.constant 16 : i32
        %mul3A_959 = arith.muli %scan3A_879, %mul3A_958 : i32
        %add3A_960 = arith.constant 5 : i32
        %add3A_961 = arith.addi %mul3A_959, %add3A_960 : i32
        %get3A_962 = arith.index_cast %add3A_961 : i32 to index
        %get3A_963 = arith.constant 0 : index
        %get3A_964 = tpu.vector_load %arg8[%get3A_962, %get3A_963] {strides = array<i32>} : memref<512x128xf32, #tpu.memory_space<vmem>>, vector<1x16xf32>,
        %get3A_965 = vector.shape_cast %get3A_964 : vector<1x16xf32> to vector<16xf32>
        %max3A_966 = arith.maximumf %max3A_953, %get3A_965 : vector<16xf32>
        %min3A_967 = arith.minimumf %min3A_954, %get3A_965 : vector<16xf32>
        %add3A_968 = arith.addf %add3A_955, %get3A_965 : vector<16xf32>
        %mul3A_969 = arith.mulf %get3A_965, %get3A_965 : vector<16xf32>
        %add3A_970 = arith.addf %add3A_957, %mul3A_969 : vector<16xf32>
        %mul3A_971 = arith.constant 16 : i32
        %mul3A_972 = arith.muli %scan3A_879, %mul3A_971 : i32
        %add3A_973 = arith.constant 6 : i32
        %add3A_974 = arith.addi %mul3A_972, %add3A_973 : i32
        %get3A_975 = arith.index_cast %add3A_974 : i32 to index
        %get3A_976 = arith.constant 0 : index
        %get3A_977 = tpu.vector_load %arg8[%get3A_975, %get3A_976] {strides = array<i32>} : memref<512x128xf32, #tpu.memory_space<vmem>>, vector<1x16xf32>,
        %get3A_978 = vector.shape_cast %get3A_977 : vector<1x16xf32> to vector<16xf32>
        %max3A_979 = arith.maximumf %max3A_966, %get3A_978 : vector<16xf32>
        %min3A_980 = arith.minimumf %min3A_967, %get3A_978 : vector<16xf32>
        %add3A_981 = arith.addf %add3A_968, %get3A_978 : vector<16xf32>
        %mul3A_982 = arith.mulf %get3A_978, %get3A_978 : vector<16xf32>
        %add3A_983 = arith.addf %add3A_970, %mul3A_982 : vector<16xf32>
        %mul3A_984 = arith.constant 16 : i32
        %mul3A_985 = arith.muli %scan3A_879, %mul3A_984 : i32
        %add3A_986 = arith.constant 7 : i32
        %add3A_987 = arith.addi %mul3A_985, %add3A_986 : i32
        %get3A_988 = arith.index_cast %add3A_987 : i32 to index
        %get3A_989 = arith.constant 0 : index
        %get3A_990 = tpu.vector_load %arg8[%get3A_988, %get3A_989] {strides = array<i32>} : memref<512x128xf32, #tpu.memory_space<vmem>>, vector<1x16xf32>,
        %get3A_991 = vector.shape_cast %get3A_990 : vector<1x16xf32> to vector<16xf32>
        %max3A_992 = arith.maximumf %max3A_979, %get3A_991 : vector<16xf32>
        %min3A_993 = arith.minimumf %min3A_980, %get3A_991 : vector<16xf32>
        %add3A_994 = arith.addf %add3A_981, %get3A_991 : vector<16xf32>
        %mul3A_995 = arith.mulf %get3A_991, %get3A_991 : vector<16xf32>
        %add3A_996 = arith.addf %add3A_983, %mul3A_995 : vector<16xf32>
        %mul3A_997 = arith.constant 16 : i32
        %mul3A_998 = arith.muli %scan3A_879, %mul3A_997 : i32
        %add3A_999 = arith.constant 8 : i32
        %add3A_1000 = arith.addi %mul3A_998, %add3A_999 : i32
        %get3A_1001 = arith.index_cast %add3A_1000 : i32 to index
        %get3A_1002 = arith.constant 0 : index
        %get3A_1003 = tpu.vector_load %arg8[%get3A_1001, %get3A_1002] {strides = array<i32>} : memref<512x128xf32, #tpu.memory_space<vmem>>, vector<1x16xf32>,
        %get3A_1004 = vector.shape_cast %get3A_1003 : vector<1x16xf32> to vector<16xf32>
        %max3A_1005 = arith.maximumf %max3A_992, %get3A_1004 : vector<16xf32>
        %min3A_1006 = arith.minimumf %min3A_993, %get3A_1004 : vector<16xf32>
        %add3A_1007 = arith.addf %add3A_994, %get3A_1004 : vector<16xf32>
        %mul3A_1008 = arith.mulf %get3A_1004, %get3A_1004 : vector<16xf32>
        %add3A_1009 = arith.addf %add3A_996, %mul3A_1008 : vector<16xf32>
        %mul3A_1010 = arith.constant 16 : i32
        %mul3A_1011 = arith.muli %scan3A_879, %mul3A_1010 : i32
        %add3A_1012 = arith.constant 9 : i32
        %add3A_1013 = arith.addi %mul3A_1011, %add3A_1012 : i32
        %get3A_1014 = arith.index_cast %add3A_1013 : i32 to index
        %get3A_1015 = arith.constant 0 : index
        %get3A_1016 = tpu.vector_load %arg8[%get3A_1014, %get3A_1015] {strides = array<i32>} : memref<512x128xf32, #tpu.memory_space<vmem>>, vector<1x16xf32>,
        %get3A_1017 = vector.shape_cast %get3A_1016 : vector<1x16xf32> to vector<16xf32>
        %max3A_1018 = arith.maximumf %max3A_1005, %get3A_1017 : vector<16xf32>
        %min3A_1019 = arith.minimumf %min3A_1006, %get3A_1017 : vector<16xf32>
        %add3A_1020 = arith.addf %add3A_1007, %get3A_1017 : vector<16xf32>
        %mul3A_1021 = arith.mulf %get3A_1017, %get3A_1017 : vector<16xf32>
        %add3A_1022 = arith.addf %add3A_1009, %mul3A_1021 : vector<16xf32>
        %mul3A_1023 = arith.constant 16 : i32
        %mul3A_1024 = arith.muli %scan3A_879, %mul3A_1023 : i32
        %add3A_1025 = arith.constant 10 : i32
        %add3A_1026 = arith.addi %mul3A_1024, %add3A_1025 : i32
        %get3A_1027 = arith.index_cast %add3A_1026 : i32 to index
        %get3A_1028 = arith.constant 0 : index
        %get3A_1029 = tpu.vector_load %arg8[%get3A_1027, %get3A_1028] {strides = array<i32>} : memref<512x128xf32, #tpu.memory_space<vmem>>, vector<1x16xf32>,
        %get3A_1030 = vector.shape_cast %get3A_1029 : vector<1x16xf32> to vector<16xf32>
        %max3A_1031 = arith.maximumf %max3A_1018, %get3A_1030 : vector<16xf32>
        %min3A_1032 = arith.minimumf %min3A_1019, %get3A_1030 : vector<16xf32>
        %add3A_1033 = arith.addf %add3A_1020, %get3A_1030 : vector<16xf32>
        %mul3A_1034 = arith.mulf %get3A_1030, %get3A_1030 : vector<16xf32>
        %add3A_1035 = arith.addf %add3A_1022, %mul3A_1034 : vector<16xf32>
        %mul3A_1036 = arith.constant 16 : i32
        %mul3A_1037 = arith.muli %scan3A_879, %mul3A_1036 : i32
        %add3A_1038 = arith.constant 11 : i32
        %add3A_1039 = arith.addi %mul3A_1037, %add3A_1038 : i32
        %get3A_1040 = arith.index_cast %add3A_1039 : i32 to index
        %get3A_1041 = arith.constant 0 : index
        %get3A_1042 = tpu.vector_load %arg8[%get3A_1040, %get3A_1041] {strides = array<i32>} : memref<512x128xf32, #tpu.memory_space<vmem>>, vector<1x16xf32>,
        %get3A_1043 = vector.shape_cast %get3A_1042 : vector<1x16xf32> to vector<16xf32>
        %max3A_1044 = arith.maximumf %max3A_1031, %get3A_1043 : vector<16xf32>
        %min3A_1045 = arith.minimumf %min3A_1032, %get3A_1043 : vector<16xf32>
        %add3A_1046 = arith.addf %add3A_1033, %get3A_1043 : vector<16xf32>
        %mul3A_1047 = arith.mulf %get3A_1043, %get3A_1043 : vector<16xf32>
        %add3A_1048 = arith.addf %add3A_1035, %mul3A_1047 : vector<16xf32>
        %mul3A_1049 = arith.constant 16 : i32
        %mul3A_1050 = arith.muli %scan3A_879, %mul3A_1049 : i32
        %add3A_1051 = arith.constant 12 : i32
        %add3A_1052 = arith.addi %mul3A_1050, %add3A_1051 : i32
        %get3A_1053 = arith.index_cast %add3A_1052 : i32 to index
        %get3A_1054 = arith.constant 0 : index
        %get3A_1055 = tpu.vector_load %arg8[%get3A_1053, %get3A_1054] {strides = array<i32>} : memref<512x128xf32, #tpu.memory_space<vmem>>, vector<1x16xf32>,
        %get3A_1056 = vector.shape_cast %get3A_1055 : vector<1x16xf32> to vector<16xf32>
        %max3A_1057 = arith.maximumf %max3A_1044, %get3A_1056 : vector<16xf32>
        %min3A_1058 = arith.minimumf %min3A_1045, %get3A_1056 : vector<16xf32>
        %add3A_1059 = arith.addf %add3A_1046, %get3A_1056 : vector<16xf32>
        %mul3A_1060 = arith.mulf %get3A_1056, %get3A_1056 : vector<16xf32>
        %add3A_1061 = arith.addf %add3A_1048, %mul3A_1060 : vector<16xf32>
        %mul3A_1062 = arith.constant 16 : i32
        %mul3A_1063 = arith.muli %scan3A_879, %mul3A_1062 : i32
        %add3A_1064 = arith.constant 13 : i32
        %add3A_1065 = arith.addi %mul3A_1063, %add3A_1064 : i32
        %get3A_1066 = arith.index_cast %add3A_1065 : i32 to index
        %get3A_1067 = arith.constant 0 : index
        %get3A_1068 = tpu.vector_load %arg8[%get3A_1066, %get3A_1067] {strides = array<i32>} : memref<512x128xf32, #tpu.memory_space<vmem>>, vector<1x16xf32>,
        %get3A_1069 = vector.shape_cast %get3A_1068 : vector<1x16xf32> to vector<16xf32>
        %max3A_1070 = arith.maximumf %max3A_1057, %get3A_1069 : vector<16xf32>
        %min3A_1071 = arith.minimumf %min3A_1058, %get3A_1069 : vector<16xf32>
        %add3A_1072 = arith.addf %add3A_1059, %get3A_1069 : vector<16xf32>
        %mul3A_1073 = arith.mulf %get3A_1069, %get3A_1069 : vector<16xf32>
        %add3A_1074 = arith.addf %add3A_1061, %mul3A_1073 : vector<16xf32>
        %mul3A_1075 = arith.constant 16 : i32
        %mul3A_1076 = arith.muli %scan3A_879, %mul3A_1075 : i32
        %add3A_1077 = arith.constant 14 : i32
        %add3A_1078 = arith.addi %mul3A_1076, %add3A_1077 : i32
        %get3A_1079 = arith.index_cast %add3A_1078 : i32 to index
        %get3A_1080 = arith.constant 0 : index
        %get3A_1081 = tpu.vector_load %arg8[%get3A_1079, %get3A_1080] {strides = array<i32>} : memref<512x128xf32, #tpu.memory_space<vmem>>, vector<1x16xf32>,
        %get3A_1082 = vector.shape_cast %get3A_1081 : vector<1x16xf32> to vector<16xf32>
        %max3A_1083 = arith.maximumf %max3A_1070, %get3A_1082 : vector<16xf32>
        %min3A_1084 = arith.minimumf %min3A_1071, %get3A_1082 : vector<16xf32>
        %add3A_1085 = arith.addf %add3A_1072, %get3A_1082 : vector<16xf32>
        %mul3A_1086 = arith.mulf %get3A_1082, %get3A_1082 : vector<16xf32>
        %add3A_1087 = arith.addf %add3A_1074, %mul3A_1086 : vector<16xf32>
        %mul3A_1088 = arith.constant 16 : i32
        %mul3A_1089 = arith.muli %scan3A_879, %mul3A_1088 : i32
        %add3A_1090 = arith.constant 15 : i32
        %add3A_1091 = arith.addi %mul3A_1089, %add3A_1090 : i32
        %get3A_1092 = arith.index_cast %add3A_1091 : i32 to index
        %get3A_1093 = arith.constant 0 : index
        %get3A_1094 = tpu.vector_load %arg8[%get3A_1092, %get3A_1093] {strides = array<i32>} : memref<512x128xf32, #tpu.memory_space<vmem>>, vector<1x16xf32>,
        %get3A_1095 = vector.shape_cast %get3A_1094 : vector<1x16xf32> to vector<16xf32>
        %max3A_1096 = arith.maximumf %max3A_1083, %get3A_1095 : vector<16xf32>
        %min3A_1097 = arith.minimumf %min3A_1084, %get3A_1095 : vector<16xf32>
        %add3A_1098 = arith.addf %add3A_1085, %get3A_1095 : vector<16xf32>
        %mul3A_1099 = arith.mulf %get3A_1095, %get3A_1095 : vector<16xf32>
        %add3A_1100 = arith.addf %add3A_1087, %mul3A_1099 : vector<16xf32>
        %swap3A_1101 = arith.index_cast %scan3A_879 : i32 to index
        %swap3A_1102 = arith.constant 0 : index
        %swap3A_1103 = tpu.vector_load %arg10[%swap3A_1101, %swap3A_1102] {strides = array<i32>} : memref<32x128xf32, #tpu.memory_space<vmem>>, vector<1x16xf32>,
        %swap3A_1104 = vector.shape_cast %swap3A_1103 : vector<1x16xf32> to vector<16xf32>
        %swap3A_1105 = vector.shape_cast %max3A_1096 : vector<16xf32> to vector<1x16xf32>
        tpu.vector_store %arg10[%swap3A_1101, %swap3A_1102], %swap3A_1105 {strides = array<i32>} : memref<32x128xf32, #tpu.memory_space<vmem>>, vector<1x16xf32>,
        %swap3A_1106 = arith.index_cast %scan3A_879 : i32 to index
        %swap3A_1107 = arith.constant 64 : index
        %swap3A_1108 = tpu.vector_load %arg10[%swap3A_1106, %swap3A_1107] {strides = array<i32>} : memref<32x128xf32, #tpu.memory_space<vmem>>, vector<1x16xf32>,
        %swap3A_1109 = vector.shape_cast %swap3A_1108 : vector<1x16xf32> to vector<16xf32>
        %swap3A_1110 = vector.shape_cast %min3A_1097 : vector<16xf32> to vector<1x16xf32>
        tpu.vector_store %arg10[%swap3A_1106, %swap3A_1107], %swap3A_1110 {strides = array<i32>} : memref<32x128xf32, #tpu.memory_space<vmem>>, vector<1x16xf32>,
        %get3A_1111 = arith.index_cast %scan3A_879 : i32 to index
        %get3A_1112 = arith.constant 0 : index
        %get3A_1113 = tpu.vector_load %arg9[%get3A_1111, %get3A_1112] {strides = array<i32>} : memref<32x128xf32, #tpu.memory_space<vmem>>, vector<1x16xf32>,
        %get3A_1114 = vector.shape_cast %get3A_1113 : vector<1x16xf32> to vector<16xf32>
        %add3A_1115 = arith.addf %scan3A_880, %add3A_1098 : vector<16xf32>
        %add3A_1116 = arith.addf %scan3A_884, %add3A_1100 : vector<16xf32>
        %mul3A_1117 = arith.mulf %get3A_1114, %add3A_1098 : vector<16xf32>
        %add3A_1118 = arith.addf %scan3A_888, %mul3A_1117 : vector<16xf32>
        %broadcast_in_dim3A_1119 = arith.constant 0xFF800000 : f32
        %broadcast_in_dim3A_1120 = vector.broadcast %broadcast_in_dim3A_1119 : f32 to vector<16xf32>
        %broadcast_in_dim3A_1121 = arith.constant 0x7F800000 : f32
        %broadcast_in_dim3A_1122 = vector.broadcast %broadcast_in_dim3A_1121 : f32 to vector<16xf32>
        %mul3A_1123 = arith.constant 16 : i32
        %mul3A_1124 = arith.muli %scan3A_879, %mul3A_1123 : i32
        %add3A_1125 = arith.constant 0 : i32
        %add3A_1126 = arith.addi %mul3A_1124, %add3A_1125 : i32
        %get3A_1127 = arith.index_cast %add3A_1126 : i32 to index
        %get3A_1128 = arith.constant 16 : index
        %get3A_1129 = tpu.vector_load %arg8[%get3A_1127, %get3A_1128] {strides = array<i32>} : memref<512x128xf32, #tpu.memory_space<vmem>>, vector<1x16xf32>,
        %get3A_1130 = vector.shape_cast %get3A_1129 : vector<1x16xf32> to vector<16xf32>
        %max3A_1131 = arith.maximumf %broadcast_in_dim3A_1120, %get3A_1130 : vector<16xf32>
        %min3A_1132 = arith.minimumf %broadcast_in_dim3A_1122, %get3A_1130 : vector<16xf32>
        %add3A_1133 = arith.addf %broadcast_in_dim3A_1, %get3A_1130 : vector<16xf32>
        %mul3A_1134 = arith.mulf %get3A_1130, %get3A_1130 : vector<16xf32>
        %add3A_1135 = arith.addf %broadcast_in_dim3A_1, %mul3A_1134 : vector<16xf32>
        %mul3A_1136 = arith.constant 16 : i32
        %mul3A_1137 = arith.muli %scan3A_879, %mul3A_1136 : i32
        %add3A_1138 = arith.constant 1 : i32
        %add3A_1139 = arith.addi %mul3A_1137, %add3A_1138 : i32
        %get3A_1140 = arith.index_cast %add3A_1139 : i32 to index
        %get3A_1141 = arith.constant 16 : index
        %get3A_1142 = tpu.vector_load %arg8[%get3A_1140, %get3A_1141] {strides = array<i32>} : memref<512x128xf32, #tpu.memory_space<vmem>>, vector<1x16xf32>,
        %get3A_1143 = vector.shape_cast %get3A_1142 : vector<1x16xf32> to vector<16xf32>
        %max3A_1144 = arith.maximumf %max3A_1131, %get3A_1143 : vector<16xf32>
        %min3A_1145 = arith.minimumf %min3A_1132, %get3A_1143 : vector<16xf32>
        %add3A_1146 = arith.addf %add3A_1133, %get3A_1143 : vector<16xf32>
        %mul3A_1147 = arith.mulf %get3A_1143, %get3A_1143 : vector<16xf32>
        %add3A_1148 = arith.addf %add3A_1135, %mul3A_1147 : vector<16xf32>
        %mul3A_1149 = arith.constant 16 : i32
        %mul3A_1150 = arith.muli %scan3A_879, %mul3A_1149 : i32
        %add3A_1151 = arith.constant 2 : i32
        %add3A_1152 = arith.addi %mul3A_1150, %add3A_1151 : i32
        %get3A_1153 = arith.index_cast %add3A_1152 : i32 to index
        %get3A_1154 = arith.constant 16 : index
        %get3A_1155 = tpu.vector_load %arg8[%get3A_1153, %get3A_1154] {strides = array<i32>} : memref<512x128xf32, #tpu.memory_space<vmem>>, vector<1x16xf32>,
        %get3A_1156 = vector.shape_cast %get3A_1155 : vector<1x16xf32> to vector<16xf32>
        %max3A_1157 = arith.maximumf %max3A_1144, %get3A_1156 : vector<16xf32>
        %min3A_1158 = arith.minimumf %min3A_1145, %get3A_1156 : vector<16xf32>
        %add3A_1159 = arith.addf %add3A_1146, %get3A_1156 : vector<16xf32>
        %mul3A_1160 = arith.mulf %get3A_1156, %get3A_1156 : vector<16xf32>
        %add3A_1161 = arith.addf %add3A_1148, %mul3A_1160 : vector<16xf32>
        %mul3A_1162 = arith.constant 16 : i32
        %mul3A_1163 = arith.muli %scan3A_879, %mul3A_1162 : i32
        %add3A_1164 = arith.constant 3 : i32
        %add3A_1165 = arith.addi %mul3A_1163, %add3A_1164 : i32
        %get3A_1166 = arith.index_cast %add3A_1165 : i32 to index
        %get3A_1167 = arith.constant 16 : index
        %get3A_1168 = tpu.vector_load %arg8[%get3A_1166, %get3A_1167] {strides = array<i32>} : memref<512x128xf32, #tpu.memory_space<vmem>>, vector<1x16xf32>,
        %get3A_1169 = vector.shape_cast %get3A_1168 : vector<1x16xf32> to vector<16xf32>
        %max3A_1170 = arith.maximumf %max3A_1157, %get3A_1169 : vector<16xf32>
        %min3A_1171 = arith.minimumf %min3A_1158, %get3A_1169 : vector<16xf32>
        %add3A_1172 = arith.addf %add3A_1159, %get3A_1169 : vector<16xf32>
        %mul3A_1173 = arith.mulf %get3A_1169, %get3A_1169 : vector<16xf32>
        %add3A_1174 = arith.addf %add3A_1161, %mul3A_1173 : vector<16xf32>
        %mul3A_1175 = arith.constant 16 : i32
        %mul3A_1176 = arith.muli %scan3A_879, %mul3A_1175 : i32
        %add3A_1177 = arith.constant 4 : i32
        %add3A_1178 = arith.addi %mul3A_1176, %add3A_1177 : i32
        %get3A_1179 = arith.index_cast %add3A_1178 : i32 to index
        %get3A_1180 = arith.constant 16 : index
        %get3A_1181 = tpu.vector_load %arg8[%get3A_1179, %get3A_1180] {strides = array<i32>} : memref<512x128xf32, #tpu.memory_space<vmem>>, vector<1x16xf32>,
        %get3A_1182 = vector.shape_cast %get3A_1181 : vector<1x16xf32> to vector<16xf32>
        %max3A_1183 = arith.maximumf %max3A_1170, %get3A_1182 : vector<16xf32>
        %min3A_1184 = arith.minimumf %min3A_1171, %get3A_1182 : vector<16xf32>
        %add3A_1185 = arith.addf %add3A_1172, %get3A_1182 : vector<16xf32>
        %mul3A_1186 = arith.mulf %get3A_1182, %get3A_1182 : vector<16xf32>
        %add3A_1187 = arith.addf %add3A_1174, %mul3A_1186 : vector<16xf32>
        %mul3A_1188 = arith.constant 16 : i32
        %mul3A_1189 = arith.muli %scan3A_879, %mul3A_1188 : i32
        %add3A_1190 = arith.constant 5 : i32
        %add3A_1191 = arith.addi %mul3A_1189, %add3A_1190 : i32
        %get3A_1192 = arith.index_cast %add3A_1191 : i32 to index
        %get3A_1193 = arith.constant 16 : index
        %get3A_1194 = tpu.vector_load %arg8[%get3A_1192, %get3A_1193] {strides = array<i32>} : memref<512x128xf32, #tpu.memory_space<vmem>>, vector<1x16xf32>,
        %get3A_1195 = vector.shape_cast %get3A_1194 : vector<1x16xf32> to vector<16xf32>
        %max3A_1196 = arith.maximumf %max3A_1183, %get3A_1195 : vector<16xf32>
        %min3A_1197 = arith.minimumf %min3A_1184, %get3A_1195 : vector<16xf32>
        %add3A_1198 = arith.addf %add3A_1185, %get3A_1195 : vector<16xf32>
        %mul3A_1199 = arith.mulf %get3A_1195, %get3A_1195 : vector<16xf32>
        %add3A_1200 = arith.addf %add3A_1187, %mul3A_1199 : vector<16xf32>
        %mul3A_1201 = arith.constant 16 : i32
        %mul3A_1202 = arith.muli %scan3A_879, %mul3A_1201 : i32
        %add3A_1203 = arith.constant 6 : i32
        %add3A_1204 = arith.addi %mul3A_1202, %add3A_1203 : i32
        %get3A_1205 = arith.index_cast %add3A_1204 : i32 to index
        %get3A_1206 = arith.constant 16 : index
        %get3A_1207 = tpu.vector_load %arg8[%get3A_1205, %get3A_1206] {strides = array<i32>} : memref<512x128xf32, #tpu.memory_space<vmem>>, vector<1x16xf32>,
        %get3A_1208 = vector.shape_cast %get3A_1207 : vector<1x16xf32> to vector<16xf32>
        %max3A_1209 = arith.maximumf %max3A_1196, %get3A_1208 : vector<16xf32>
        %min3A_1210 = arith.minimumf %min3A_1197, %get3A_1208 : vector<16xf32>
        %add3A_1211 = arith.addf %add3A_1198, %get3A_1208 : vector<16xf32>
        %mul3A_1212 = arith.mulf %get3A_1208, %get3A_1208 : vector<16xf32>
        %add3A_1213 = arith.addf %add3A_1200, %mul3A_1212 : vector<16xf32>
        %mul3A_1214 = arith.constant 16 : i32
        %mul3A_1215 = arith.muli %scan3A_879, %mul3A_1214 : i32
        %add3A_1216 = arith.constant 7 : i32
        %add3A_1217 = arith.addi %mul3A_1215, %add3A_1216 : i32
        %get3A_1218 = arith.index_cast %add3A_1217 : i32 to index
        %get3A_1219 = arith.constant 16 : index
        %get3A_1220 = tpu.vector_load %arg8[%get3A_1218, %get3A_1219] {strides = array<i32>} : memref<512x128xf32, #tpu.memory_space<vmem>>, vector<1x16xf32>,
        %get3A_1221 = vector.shape_cast %get3A_1220 : vector<1x16xf32> to vector<16xf32>
        %max3A_1222 = arith.maximumf %max3A_1209, %get3A_1221 : vector<16xf32>
        %min3A_1223 = arith.minimumf %min3A_1210, %get3A_1221 : vector<16xf32>
        %add3A_1224 = arith.addf %add3A_1211, %get3A_1221 : vector<16xf32>
        %mul3A_1225 = arith.mulf %get3A_1221, %get3A_1221 : vector<16xf32>
        %add3A_1226 = arith.addf %add3A_1213, %mul3A_1225 : vector<16xf32>
        %mul3A_1227 = arith.constant 16 : i32
        %mul3A_1228 = arith.muli %scan3A_879, %mul3A_1227 : i32
        %add3A_1229 = arith.constant 8 : i32
        %add3A_1230 = arith.addi %mul3A_1228, %add3A_1229 : i32
        %get3A_1231 = arith.index_cast %add3A_1230 : i32 to index
        %get3A_1232 = arith.constant 16 : index
        %get3A_1233 = tpu.vector_load %arg8[%get3A_1231, %get3A_1232] {strides = array<i32>} : memref<512x128xf32, #tpu.memory_space<vmem>>, vector<1x16xf32>,
        %get3A_1234 = vector.shape_cast %get3A_1233 : vector<1x16xf32> to vector<16xf32>
        %max3A_1235 = arith.maximumf %max3A_1222, %get3A_1234 : vector<16xf32>
        %min3A_1236 = arith.minimumf %min3A_1223, %get3A_1234 : vector<16xf32>
        %add3A_1237 = arith.addf %add3A_1224, %get3A_1234 : vector<16xf32>
        %mul3A_1238 = arith.mulf %get3A_1234, %get3A_1234 : vector<16xf32>
        %add3A_1239 = arith.addf %add3A_1226, %mul3A_1238 : vector<16xf32>
        %mul3A_1240 = arith.constant 16 : i32
        %mul3A_1241 = arith.muli %scan3A_879, %mul3A_1240 : i32
        %add3A_1242 = arith.constant 9 : i32
        %add3A_1243 = arith.addi %mul3A_1241, %add3A_1242 : i32
        %get3A_1244 = arith.index_cast %add3A_1243 : i32 to index
        %get3A_1245 = arith.constant 16 : index
        %get3A_1246 = tpu.vector_load %arg8[%get3A_1244, %get3A_1245] {strides = array<i32>} : memref<512x128xf32, #tpu.memory_space<vmem>>, vector<1x16xf32>,
        %get3A_1247 = vector.shape_cast %get3A_1246 : vector<1x16xf32> to vector<16xf32>
        %max3A_1248 = arith.maximumf %max3A_1235, %get3A_1247 : vector<16xf32>
        %min3A_1249 = arith.minimumf %min3A_1236, %get3A_1247 : vector<16xf32>
        %add3A_1250 = arith.addf %add3A_1237, %get3A_1247 : vector<16xf32>
        %mul3A_1251 = arith.mulf %get3A_1247, %get3A_1247 : vector<16xf32>
        %add3A_1252 = arith.addf %add3A_1239, %mul3A_1251 : vector<16xf32>
        %mul3A_1253 = arith.constant 16 : i32
        %mul3A_1254 = arith.muli %scan3A_879, %mul3A_1253 : i32
        %add3A_1255 = arith.constant 10 : i32
        %add3A_1256 = arith.addi %mul3A_1254, %add3A_1255 : i32
        %get3A_1257 = arith.index_cast %add3A_1256 : i32 to index
        %get3A_1258 = arith.constant 16 : index
        %get3A_1259 = tpu.vector_load %arg8[%get3A_1257, %get3A_1258] {strides = array<i32>} : memref<512x128xf32, #tpu.memory_space<vmem>>, vector<1x16xf32>,
        %get3A_1260 = vector.shape_cast %get3A_1259 : vector<1x16xf32> to vector<16xf32>
        %max3A_1261 = arith.maximumf %max3A_1248, %get3A_1260 : vector<16xf32>
        %min3A_1262 = arith.minimumf %min3A_1249, %get3A_1260 : vector<16xf32>
        %add3A_1263 = arith.addf %add3A_1250, %get3A_1260 : vector<16xf32>
        %mul3A_1264 = arith.mulf %get3A_1260, %get3A_1260 : vector<16xf32>
        %add3A_1265 = arith.addf %add3A_1252, %mul3A_1264 : vector<16xf32>
        %mul3A_1266 = arith.constant 16 : i32
        %mul3A_1267 = arith.muli %scan3A_879, %mul3A_1266 : i32
        %add3A_1268 = arith.constant 11 : i32
        %add3A_1269 = arith.addi %mul3A_1267, %add3A_1268 : i32
        %get3A_1270 = arith.index_cast %add3A_1269 : i32 to index
        %get3A_1271 = arith.constant 16 : index
        %get3A_1272 = tpu.vector_load %arg8[%get3A_1270, %get3A_1271] {strides = array<i32>} : memref<512x128xf32, #tpu.memory_space<vmem>>, vector<1x16xf32>,
        %get3A_1273 = vector.shape_cast %get3A_1272 : vector<1x16xf32> to vector<16xf32>
        %max3A_1274 = arith.maximumf %max3A_1261, %get3A_1273 : vector<16xf32>
        %min3A_1275 = arith.minimumf %min3A_1262, %get3A_1273 : vector<16xf32>
        %add3A_1276 = arith.addf %add3A_1263, %get3A_1273 : vector<16xf32>
        %mul3A_1277 = arith.mulf %get3A_1273, %get3A_1273 : vector<16xf32>
        %add3A_1278 = arith.addf %add3A_1265, %mul3A_1277 : vector<16xf32>
        %mul3A_1279 = arith.constant 16 : i32
        %mul3A_1280 = arith.muli %scan3A_879, %mul3A_1279 : i32
        %add3A_1281 = arith.constant 12 : i32
        %add3A_1282 = arith.addi %mul3A_1280, %add3A_1281 : i32
        %get3A_1283 = arith.index_cast %add3A_1282 : i32 to index
        %get3A_1284 = arith.constant 16 : index
        %get3A_1285 = tpu.vector_load %arg8[%get3A_1283, %get3A_1284] {strides = array<i32>} : memref<512x128xf32, #tpu.memory_space<vmem>>, vector<1x16xf32>,
        %get3A_1286 = vector.shape_cast %get3A_1285 : vector<1x16xf32> to vector<16xf32>
        %max3A_1287 = arith.maximumf %max3A_1274, %get3A_1286 : vector<16xf32>
        %min3A_1288 = arith.minimumf %min3A_1275, %get3A_1286 : vector<16xf32>
        %add3A_1289 = arith.addf %add3A_1276, %get3A_1286 : vector<16xf32>
        %mul3A_1290 = arith.mulf %get3A_1286, %get3A_1286 : vector<16xf32>
        %add3A_1291 = arith.addf %add3A_1278, %mul3A_1290 : vector<16xf32>
        %mul3A_1292 = arith.constant 16 : i32
        %mul3A_1293 = arith.muli %scan3A_879, %mul3A_1292 : i32
        %add3A_1294 = arith.constant 13 : i32
        %add3A_1295 = arith.addi %mul3A_1293, %add3A_1294 : i32
        %get3A_1296 = arith.index_cast %add3A_1295 : i32 to index
        %get3A_1297 = arith.constant 16 : index
        %get3A_1298 = tpu.vector_load %arg8[%get3A_1296, %get3A_1297] {strides = array<i32>} : memref<512x128xf32, #tpu.memory_space<vmem>>, vector<1x16xf32>,
        %get3A_1299 = vector.shape_cast %get3A_1298 : vector<1x16xf32> to vector<16xf32>
        %max3A_1300 = arith.maximumf %max3A_1287, %get3A_1299 : vector<16xf32>
        %min3A_1301 = arith.minimumf %min3A_1288, %get3A_1299 : vector<16xf32>
        %add3A_1302 = arith.addf %add3A_1289, %get3A_1299 : vector<16xf32>
        %mul3A_1303 = arith.mulf %get3A_1299, %get3A_1299 : vector<16xf32>
        %add3A_1304 = arith.addf %add3A_1291, %mul3A_1303 : vector<16xf32>
        %mul3A_1305 = arith.constant 16 : i32
        %mul3A_1306 = arith.muli %scan3A_879, %mul3A_1305 : i32
        %add3A_1307 = arith.constant 14 : i32
        %add3A_1308 = arith.addi %mul3A_1306, %add3A_1307 : i32
        %get3A_1309 = arith.index_cast %add3A_1308 : i32 to index
        %get3A_1310 = arith.constant 16 : index
        %get3A_1311 = tpu.vector_load %arg8[%get3A_1309, %get3A_1310] {strides = array<i32>} : memref<512x128xf32, #tpu.memory_space<vmem>>, vector<1x16xf32>,
        %get3A_1312 = vector.shape_cast %get3A_1311 : vector<1x16xf32> to vector<16xf32>
        %max3A_1313 = arith.maximumf %max3A_1300, %get3A_1312 : vector<16xf32>
        %min3A_1314 = arith.minimumf %min3A_1301, %get3A_1312 : vector<16xf32>
        %add3A_1315 = arith.addf %add3A_1302, %get3A_1312 : vector<16xf32>
        %mul3A_1316 = arith.mulf %get3A_1312, %get3A_1312 : vector<16xf32>
        %add3A_1317 = arith.addf %add3A_1304, %mul3A_1316 : vector<16xf32>
        %mul3A_1318 = arith.constant 16 : i32
        %mul3A_1319 = arith.muli %scan3A_879, %mul3A_1318 : i32
        %add3A_1320 = arith.constant 15 : i32
        %add3A_1321 = arith.addi %mul3A_1319, %add3A_1320 : i32
        %get3A_1322 = arith.index_cast %add3A_1321 : i32 to index
        %get3A_1323 = arith.constant 16 : index
        %get3A_1324 = tpu.vector_load %arg8[%get3A_1322, %get3A_1323] {strides = array<i32>} : memref<512x128xf32, #tpu.memory_space<vmem>>, vector<1x16xf32>,
        %get3A_1325 = vector.shape_cast %get3A_1324 : vector<1x16xf32> to vector<16xf32>
        %max3A_1326 = arith.maximumf %max3A_1313, %get3A_1325 : vector<16xf32>
        %min3A_1327 = arith.minimumf %min3A_1314, %get3A_1325 : vector<16xf32>
        %add3A_1328 = arith.addf %add3A_1315, %get3A_1325 : vector<16xf32>
        %mul3A_1329 = arith.mulf %get3A_1325, %get3A_1325 : vector<16xf32>
        %add3A_1330 = arith.addf %add3A_1317, %mul3A_1329 : vector<16xf32>
        %swap3A_1331 = arith.index_cast %scan3A_879 : i32 to index
        %swap3A_1332 = arith.constant 16 : index
        %swap3A_1333 = tpu.vector_load %arg10[%swap3A_1331, %swap3A_1332] {strides = array<i32>} : memref<32x128xf32, #tpu.memory_space<vmem>>, vector<1x16xf32>,
        %swap3A_1334 = vector.shape_cast %swap3A_1333 : vector<1x16xf32> to vector<16xf32>
        %swap3A_1335 = vector.shape_cast %max3A_1326 : vector<16xf32> to vector<1x16xf32>
        tpu.vector_store %arg10[%swap3A_1331, %swap3A_1332], %swap3A_1335 {strides = array<i32>} : memref<32x128xf32, #tpu.memory_space<vmem>>, vector<1x16xf32>,
        %swap3A_1336 = arith.index_cast %scan3A_879 : i32 to index
        %swap3A_1337 = arith.constant 80 : index
        %swap3A_1338 = tpu.vector_load %arg10[%swap3A_1336, %swap3A_1337] {strides = array<i32>} : memref<32x128xf32, #tpu.memory_space<vmem>>, vector<1x16xf32>,
        %swap3A_1339 = vector.shape_cast %swap3A_1338 : vector<1x16xf32> to vector<16xf32>
        %swap3A_1340 = vector.shape_cast %min3A_1327 : vector<16xf32> to vector<1x16xf32>
        tpu.vector_store %arg10[%swap3A_1336, %swap3A_1337], %swap3A_1340 {strides = array<i32>} : memref<32x128xf32, #tpu.memory_space<vmem>>, vector<1x16xf32>,
        %get3A_1341 = arith.index_cast %scan3A_879 : i32 to index
        %get3A_1342 = arith.constant 16 : index
        %get3A_1343 = tpu.vector_load %arg9[%get3A_1341, %get3A_1342] {strides = array<i32>} : memref<32x128xf32, #tpu.memory_space<vmem>>, vector<1x16xf32>,
        %get3A_1344 = vector.shape_cast %get3A_1343 : vector<1x16xf32> to vector<16xf32>
        %add3A_1345 = arith.addf %scan3A_881, %add3A_1328 : vector<16xf32>
        %add3A_1346 = arith.addf %scan3A_885, %add3A_1330 : vector<16xf32>
        %mul3A_1347 = arith.mulf %get3A_1344, %add3A_1328 : vector<16xf32>
        %add3A_1348 = arith.addf %scan3A_889, %mul3A_1347 : vector<16xf32>
        %broadcast_in_dim3A_1349 = arith.constant 0xFF800000 : f32
        %broadcast_in_dim3A_1350 = vector.broadcast %broadcast_in_dim3A_1349 : f32 to vector<16xf32>
        %broadcast_in_dim3A_1351 = arith.constant 0x7F800000 : f32
        %broadcast_in_dim3A_1352 = vector.broadcast %broadcast_in_dim3A_1351 : f32 to vector<16xf32>
        %mul3A_1353 = arith.constant 16 : i32
        %mul3A_1354 = arith.muli %scan3A_879, %mul3A_1353 : i32
        %add3A_1355 = arith.constant 0 : i32
        %add3A_1356 = arith.addi %mul3A_1354, %add3A_1355 : i32
        %get3A_1357 = arith.index_cast %add3A_1356 : i32 to index
        %get3A_1358 = arith.constant 32 : index
        %get3A_1359 = tpu.vector_load %arg8[%get3A_1357, %get3A_1358] {strides = array<i32>} : memref<512x128xf32, #tpu.memory_space<vmem>>, vector<1x16xf32>,
        %get3A_1360 = vector.shape_cast %get3A_1359 : vector<1x16xf32> to vector<16xf32>
        %max3A_1361 = arith.maximumf %broadcast_in_dim3A_1350, %get3A_1360 : vector<16xf32>
        %min3A_1362 = arith.minimumf %broadcast_in_dim3A_1352, %get3A_1360 : vector<16xf32>
        %add3A_1363 = arith.addf %broadcast_in_dim3A_1, %get3A_1360 : vector<16xf32>
        %mul3A_1364 = arith.mulf %get3A_1360, %get3A_1360 : vector<16xf32>
        %add3A_1365 = arith.addf %broadcast_in_dim3A_1, %mul3A_1364 : vector<16xf32>
        %mul3A_1366 = arith.constant 16 : i32
        %mul3A_1367 = arith.muli %scan3A_879, %mul3A_1366 : i32
        %add3A_1368 = arith.constant 1 : i32
        %add3A_1369 = arith.addi %mul3A_1367, %add3A_1368 : i32
        %get3A_1370 = arith.index_cast %add3A_1369 : i32 to index
        %get3A_1371 = arith.constant 32 : index
        %get3A_1372 = tpu.vector_load %arg8[%get3A_1370, %get3A_1371] {strides = array<i32>} : memref<512x128xf32, #tpu.memory_space<vmem>>, vector<1x16xf32>,
        %get3A_1373 = vector.shape_cast %get3A_1372 : vector<1x16xf32> to vector<16xf32>
        %max3A_1374 = arith.maximumf %max3A_1361, %get3A_1373 : vector<16xf32>
        %min3A_1375 = arith.minimumf %min3A_1362, %get3A_1373 : vector<16xf32>
        %add3A_1376 = arith.addf %add3A_1363, %get3A_1373 : vector<16xf32>
        %mul3A_1377 = arith.mulf %get3A_1373, %get3A_1373 : vector<16xf32>
        %add3A_1378 = arith.addf %add3A_1365, %mul3A_1377 : vector<16xf32>
        %mul3A_1379 = arith.constant 16 : i32
        %mul3A_1380 = arith.muli %scan3A_879, %mul3A_1379 : i32
        %add3A_1381 = arith.constant 2 : i32
        %add3A_1382 = arith.addi %mul3A_1380, %add3A_1381 : i32
        %get3A_1383 = arith.index_cast %add3A_1382 : i32 to index
        %get3A_1384 = arith.constant 32 : index
        %get3A_1385 = tpu.vector_load %arg8[%get3A_1383, %get3A_1384] {strides = array<i32>} : memref<512x128xf32, #tpu.memory_space<vmem>>, vector<1x16xf32>,
        %get3A_1386 = vector.shape_cast %get3A_1385 : vector<1x16xf32> to vector<16xf32>
        %max3A_1387 = arith.maximumf %max3A_1374, %get3A_1386 : vector<16xf32>
        %min3A_1388 = arith.minimumf %min3A_1375, %get3A_1386 : vector<16xf32>
        %add3A_1389 = arith.addf %add3A_1376, %get3A_1386 : vector<16xf32>
        %mul3A_1390 = arith.mulf %get3A_1386, %get3A_1386 : vector<16xf32>
        %add3A_1391 = arith.addf %add3A_1378, %mul3A_1390 : vector<16xf32>
        %mul3A_1392 = arith.constant 16 : i32
        %mul3A_1393 = arith.muli %scan3A_879, %mul3A_1392 : i32
        %add3A_1394 = arith.constant 3 : i32
        %add3A_1395 = arith.addi %mul3A_1393, %add3A_1394 : i32
        %get3A_1396 = arith.index_cast %add3A_1395 : i32 to index
        %get3A_1397 = arith.constant 32 : index
        %get3A_1398 = tpu.vector_load %arg8[%get3A_1396, %get3A_1397] {strides = array<i32>} : memref<512x128xf32, #tpu.memory_space<vmem>>, vector<1x16xf32>,
        %get3A_1399 = vector.shape_cast %get3A_1398 : vector<1x16xf32> to vector<16xf32>
        %max3A_1400 = arith.maximumf %max3A_1387, %get3A_1399 : vector<16xf32>
        %min3A_1401 = arith.minimumf %min3A_1388, %get3A_1399 : vector<16xf32>
        %add3A_1402 = arith.addf %add3A_1389, %get3A_1399 : vector<16xf32>
        %mul3A_1403 = arith.mulf %get3A_1399, %get3A_1399 : vector<16xf32>
        %add3A_1404 = arith.addf %add3A_1391, %mul3A_1403 : vector<16xf32>
        %mul3A_1405 = arith.constant 16 : i32
        %mul3A_1406 = arith.muli %scan3A_879, %mul3A_1405 : i32
        %add3A_1407 = arith.constant 4 : i32
        %add3A_1408 = arith.addi %mul3A_1406, %add3A_1407 : i32
        %get3A_1409 = arith.index_cast %add3A_1408 : i32 to index
        %get3A_1410 = arith.constant 32 : index
        %get3A_1411 = tpu.vector_load %arg8[%get3A_1409, %get3A_1410] {strides = array<i32>} : memref<512x128xf32, #tpu.memory_space<vmem>>, vector<1x16xf32>,
        %get3A_1412 = vector.shape_cast %get3A_1411 : vector<1x16xf32> to vector<16xf32>
        %max3A_1413 = arith.maximumf %max3A_1400, %get3A_1412 : vector<16xf32>
        %min3A_1414 = arith.minimumf %min3A_1401, %get3A_1412 : vector<16xf32>
        %add3A_1415 = arith.addf %add3A_1402, %get3A_1412 : vector<16xf32>
        %mul3A_1416 = arith.mulf %get3A_1412, %get3A_1412 : vector<16xf32>
        %add3A_1417 = arith.addf %add3A_1404, %mul3A_1416 : vector<16xf32>
        %mul3A_1418 = arith.constant 16 : i32
        %mul3A_1419 = arith.muli %scan3A_879, %mul3A_1418 : i32
        %add3A_1420 = arith.constant 5 : i32
        %add3A_1421 = arith.addi %mul3A_1419, %add3A_1420 : i32
        %get3A_1422 = arith.index_cast %add3A_1421 : i32 to index
        %get3A_1423 = arith.constant 32 : index
        %get3A_1424 = tpu.vector_load %arg8[%get3A_1422, %get3A_1423] {strides = array<i32>} : memref<512x128xf32, #tpu.memory_space<vmem>>, vector<1x16xf32>,
        %get3A_1425 = vector.shape_cast %get3A_1424 : vector<1x16xf32> to vector<16xf32>
        %max3A_1426 = arith.maximumf %max3A_1413, %get3A_1425 : vector<16xf32>
        %min3A_1427 = arith.minimumf %min3A_1414, %get3A_1425 : vector<16xf32>
        %add3A_1428 = arith.addf %add3A_1415, %get3A_1425 : vector<16xf32>
        %mul3A_1429 = arith.mulf %get3A_1425, %get3A_1425 : vector<16xf32>
        %add3A_1430 = arith.addf %add3A_1417, %mul3A_1429 : vector<16xf32>
        %mul3A_1431 = arith.constant 16 : i32
        %mul3A_1432 = arith.muli %scan3A_879, %mul3A_1431 : i32
        %add3A_1433 = arith.constant 6 : i32
        %add3A_1434 = arith.addi %mul3A_1432, %add3A_1433 : i32
        %get3A_1435 = arith.index_cast %add3A_1434 : i32 to index
        %get3A_1436 = arith.constant 32 : index
        %get3A_1437 = tpu.vector_load %arg8[%get3A_1435, %get3A_1436] {strides = array<i32>} : memref<512x128xf32, #tpu.memory_space<vmem>>, vector<1x16xf32>,
        %get3A_1438 = vector.shape_cast %get3A_1437 : vector<1x16xf32> to vector<16xf32>
        %max3A_1439 = arith.maximumf %max3A_1426, %get3A_1438 : vector<16xf32>
        %min3A_1440 = arith.minimumf %min3A_1427, %get3A_1438 : vector<16xf32>
        %add3A_1441 = arith.addf %add3A_1428, %get3A_1438 : vector<16xf32>
        %mul3A_1442 = arith.mulf %get3A_1438, %get3A_1438 : vector<16xf32>
        %add3A_1443 = arith.addf %add3A_1430, %mul3A_1442 : vector<16xf32>
        %mul3A_1444 = arith.constant 16 : i32
        %mul3A_1445 = arith.muli %scan3A_879, %mul3A_1444 : i32
        %add3A_1446 = arith.constant 7 : i32
        %add3A_1447 = arith.addi %mul3A_1445, %add3A_1446 : i32
        %get3A_1448 = arith.index_cast %add3A_1447 : i32 to index
        %get3A_1449 = arith.constant 32 : index
        %get3A_1450 = tpu.vector_load %arg8[%get3A_1448, %get3A_1449] {strides = array<i32>} : memref<512x128xf32, #tpu.memory_space<vmem>>, vector<1x16xf32>,
        %get3A_1451 = vector.shape_cast %get3A_1450 : vector<1x16xf32> to vector<16xf32>
        %max3A_1452 = arith.maximumf %max3A_1439, %get3A_1451 : vector<16xf32>
        %min3A_1453 = arith.minimumf %min3A_1440, %get3A_1451 : vector<16xf32>
        %add3A_1454 = arith.addf %add3A_1441, %get3A_1451 : vector<16xf32>
        %mul3A_1455 = arith.mulf %get3A_1451, %get3A_1451 : vector<16xf32>
        %add3A_1456 = arith.addf %add3A_1443, %mul3A_1455 : vector<16xf32>
        %mul3A_1457 = arith.constant 16 : i32
        %mul3A_1458 = arith.muli %scan3A_879, %mul3A_1457 : i32
        %add3A_1459 = arith.constant 8 : i32
        %add3A_1460 = arith.addi %mul3A_1458, %add3A_1459 : i32
        %get3A_1461 = arith.index_cast %add3A_1460 : i32 to index
        %get3A_1462 = arith.constant 32 : index
        %get3A_1463 = tpu.vector_load %arg8[%get3A_1461, %get3A_1462] {strides = array<i32>} : memref<512x128xf32, #tpu.memory_space<vmem>>, vector<1x16xf32>,
        %get3A_1464 = vector.shape_cast %get3A_1463 : vector<1x16xf32> to vector<16xf32>
        %max3A_1465 = arith.maximumf %max3A_1452, %get3A_1464 : vector<16xf32>
        %min3A_1466 = arith.minimumf %min3A_1453, %get3A_1464 : vector<16xf32>
        %add3A_1467 = arith.addf %add3A_1454, %get3A_1464 : vector<16xf32>
        %mul3A_1468 = arith.mulf %get3A_1464, %get3A_1464 : vector<16xf32>
        %add3A_1469 = arith.addf %add3A_1456, %mul3A_1468 : vector<16xf32>
        %mul3A_1470 = arith.constant 16 : i32
        %mul3A_1471 = arith.muli %scan3A_879, %mul3A_1470 : i32
        %add3A_1472 = arith.constant 9 : i32
        %add3A_1473 = arith.addi %mul3A_1471, %add3A_1472 : i32
        %get3A_1474 = arith.index_cast %add3A_1473 : i32 to index
        %get3A_1475 = arith.constant 32 : index
        %get3A_1476 = tpu.vector_load %arg8[%get3A_1474, %get3A_1475] {strides = array<i32>} : memref<512x128xf32, #tpu.memory_space<vmem>>, vector<1x16xf32>,
        %get3A_1477 = vector.shape_cast %get3A_1476 : vector<1x16xf32> to vector<16xf32>
        %max3A_1478 = arith.maximumf %max3A_1465, %get3A_1477 : vector<16xf32>
        %min3A_1479 = arith.minimumf %min3A_1466, %get3A_1477 : vector<16xf32>
        %add3A_1480 = arith.addf %add3A_1467, %get3A_1477 : vector<16xf32>
        %mul3A_1481 = arith.mulf %get3A_1477, %get3A_1477 : vector<16xf32>
        %add3A_1482 = arith.addf %add3A_1469, %mul3A_1481 : vector<16xf32>
        %mul3A_1483 = arith.constant 16 : i32
        %mul3A_1484 = arith.muli %scan3A_879, %mul3A_1483 : i32
        %add3A_1485 = arith.constant 10 : i32
        %add3A_1486 = arith.addi %mul3A_1484, %add3A_1485 : i32
        %get3A_1487 = arith.index_cast %add3A_1486 : i32 to index
        %get3A_1488 = arith.constant 32 : index
        %get3A_1489 = tpu.vector_load %arg8[%get3A_1487, %get3A_1488] {strides = array<i32>} : memref<512x128xf32, #tpu.memory_space<vmem>>, vector<1x16xf32>,
        %get3A_1490 = vector.shape_cast %get3A_1489 : vector<1x16xf32> to vector<16xf32>
        %max3A_1491 = arith.maximumf %max3A_1478, %get3A_1490 : vector<16xf32>
        %min3A_1492 = arith.minimumf %min3A_1479, %get3A_1490 : vector<16xf32>
        %add3A_1493 = arith.addf %add3A_1480, %get3A_1490 : vector<16xf32>
        %mul3A_1494 = arith.mulf %get3A_1490, %get3A_1490 : vector<16xf32>
        %add3A_1495 = arith.addf %add3A_1482, %mul3A_1494 : vector<16xf32>
        %mul3A_1496 = arith.constant 16 : i32
        %mul3A_1497 = arith.muli %scan3A_879, %mul3A_1496 : i32
        %add3A_1498 = arith.constant 11 : i32
        %add3A_1499 = arith.addi %mul3A_1497, %add3A_1498 : i32
        %get3A_1500 = arith.index_cast %add3A_1499 : i32 to index
        %get3A_1501 = arith.constant 32 : index
        %get3A_1502 = tpu.vector_load %arg8[%get3A_1500, %get3A_1501] {strides = array<i32>} : memref<512x128xf32, #tpu.memory_space<vmem>>, vector<1x16xf32>,
        %get3A_1503 = vector.shape_cast %get3A_1502 : vector<1x16xf32> to vector<16xf32>
        %max3A_1504 = arith.maximumf %max3A_1491, %get3A_1503 : vector<16xf32>
        %min3A_1505 = arith.minimumf %min3A_1492, %get3A_1503 : vector<16xf32>
        %add3A_1506 = arith.addf %add3A_1493, %get3A_1503 : vector<16xf32>
        %mul3A_1507 = arith.mulf %get3A_1503, %get3A_1503 : vector<16xf32>
        %add3A_1508 = arith.addf %add3A_1495, %mul3A_1507 : vector<16xf32>
        %mul3A_1509 = arith.constant 16 : i32
        %mul3A_1510 = arith.muli %scan3A_879, %mul3A_1509 : i32
        %add3A_1511 = arith.constant 12 : i32
        %add3A_1512 = arith.addi %mul3A_1510, %add3A_1511 : i32
        %get3A_1513 = arith.index_cast %add3A_1512 : i32 to index
        %get3A_1514 = arith.constant 32 : index
        %get3A_1515 = tpu.vector_load %arg8[%get3A_1513, %get3A_1514] {strides = array<i32>} : memref<512x128xf32, #tpu.memory_space<vmem>>, vector<1x16xf32>,
        %get3A_1516 = vector.shape_cast %get3A_1515 : vector<1x16xf32> to vector<16xf32>
        %max3A_1517 = arith.maximumf %max3A_1504, %get3A_1516 : vector<16xf32>
        %min3A_1518 = arith.minimumf %min3A_1505, %get3A_1516 : vector<16xf32>
        %add3A_1519 = arith.addf %add3A_1506, %get3A_1516 : vector<16xf32>
        %mul3A_1520 = arith.mulf %get3A_1516, %get3A_1516 : vector<16xf32>
        %add3A_1521 = arith.addf %add3A_1508, %mul3A_1520 : vector<16xf32>
        %mul3A_1522 = arith.constant 16 : i32
        %mul3A_1523 = arith.muli %scan3A_879, %mul3A_1522 : i32
        %add3A_1524 = arith.constant 13 : i32
        %add3A_1525 = arith.addi %mul3A_1523, %add3A_1524 : i32
        %get3A_1526 = arith.index_cast %add3A_1525 : i32 to index
        %get3A_1527 = arith.constant 32 : index
        %get3A_1528 = tpu.vector_load %arg8[%get3A_1526, %get3A_1527] {strides = array<i32>} : memref<512x128xf32, #tpu.memory_space<vmem>>, vector<1x16xf32>,
        %get3A_1529 = vector.shape_cast %get3A_1528 : vector<1x16xf32> to vector<16xf32>
        %max3A_1530 = arith.maximumf %max3A_1517, %get3A_1529 : vector<16xf32>
        %min3A_1531 = arith.minimumf %min3A_1518, %get3A_1529 : vector<16xf32>
        %add3A_1532 = arith.addf %add3A_1519, %get3A_1529 : vector<16xf32>
        %mul3A_1533 = arith.mulf %get3A_1529, %get3A_1529 : vector<16xf32>
        %add3A_1534 = arith.addf %add3A_1521, %mul3A_1533 : vector<16xf32>
        %mul3A_1535 = arith.constant 16 : i32
        %mul3A_1536 = arith.muli %scan3A_879, %mul3A_1535 : i32
        %add3A_1537 = arith.constant 14 : i32
        %add3A_1538 = arith.addi %mul3A_1536, %add3A_1537 : i32
        %get3A_1539 = arith.index_cast %add3A_1538 : i32 to index
        %get3A_1540 = arith.constant 32 : index
        %get3A_1541 = tpu.vector_load %arg8[%get3A_1539, %get3A_1540] {strides = array<i32>} : memref<512x128xf32, #tpu.memory_space<vmem>>, vector<1x16xf32>,
        %get3A_1542 = vector.shape_cast %get3A_1541 : vector<1x16xf32> to vector<16xf32>
        %max3A_1543 = arith.maximumf %max3A_1530, %get3A_1542 : vector<16xf32>
        %min3A_1544 = arith.minimumf %min3A_1531, %get3A_1542 : vector<16xf32>
        %add3A_1545 = arith.addf %add3A_1532, %get3A_1542 : vector<16xf32>
        %mul3A_1546 = arith.mulf %get3A_1542, %get3A_1542 : vector<16xf32>
        %add3A_1547 = arith.addf %add3A_1534, %mul3A_1546 : vector<16xf32>
        %mul3A_1548 = arith.constant 16 : i32
        %mul3A_1549 = arith.muli %scan3A_879, %mul3A_1548 : i32
        %add3A_1550 = arith.constant 15 : i32
        %add3A_1551 = arith.addi %mul3A_1549, %add3A_1550 : i32
        %get3A_1552 = arith.index_cast %add3A_1551 : i32 to index
        %get3A_1553 = arith.constant 32 : index
        %get3A_1554 = tpu.vector_load %arg8[%get3A_1552, %get3A_1553] {strides = array<i32>} : memref<512x128xf32, #tpu.memory_space<vmem>>, vector<1x16xf32>,
        %get3A_1555 = vector.shape_cast %get3A_1554 : vector<1x16xf32> to vector<16xf32>
        %max3A_1556 = arith.maximumf %max3A_1543, %get3A_1555 : vector<16xf32>
        %min3A_1557 = arith.minimumf %min3A_1544, %get3A_1555 : vector<16xf32>
        %add3A_1558 = arith.addf %add3A_1545, %get3A_1555 : vector<16xf32>
        %mul3A_1559 = arith.mulf %get3A_1555, %get3A_1555 : vector<16xf32>
        %add3A_1560 = arith.addf %add3A_1547, %mul3A_1559 : vector<16xf32>
        %swap3A_1561 = arith.index_cast %scan3A_879 : i32 to index
        %swap3A_1562 = arith.constant 32 : index
        %swap3A_1563 = tpu.vector_load %arg10[%swap3A_1561, %swap3A_1562] {strides = array<i32>} : memref<32x128xf32, #tpu.memory_space<vmem>>, vector<1x16xf32>,
        %swap3A_1564 = vector.shape_cast %swap3A_1563 : vector<1x16xf32> to vector<16xf32>
        %swap3A_1565 = vector.shape_cast %max3A_1556 : vector<16xf32> to vector<1x16xf32>
        tpu.vector_store %arg10[%swap3A_1561, %swap3A_1562], %swap3A_1565 {strides = array<i32>} : memref<32x128xf32, #tpu.memory_space<vmem>>, vector<1x16xf32>,
        %swap3A_1566 = arith.index_cast %scan3A_879 : i32 to index
        %swap3A_1567 = arith.constant 96 : index
        %swap3A_1568 = tpu.vector_load %arg10[%swap3A_1566, %swap3A_1567] {strides = array<i32>} : memref<32x128xf32, #tpu.memory_space<vmem>>, vector<1x16xf32>,
        %swap3A_1569 = vector.shape_cast %swap3A_1568 : vector<1x16xf32> to vector<16xf32>
        %swap3A_1570 = vector.shape_cast %min3A_1557 : vector<16xf32> to vector<1x16xf32>
        tpu.vector_store %arg10[%swap3A_1566, %swap3A_1567], %swap3A_1570 {strides = array<i32>} : memref<32x128xf32, #tpu.memory_space<vmem>>, vector<1x16xf32>,
        %get3A_1571 = arith.index_cast %scan3A_879 : i32 to index
        %get3A_1572 = arith.constant 32 : index
        %get3A_1573 = tpu.vector_load %arg9[%get3A_1571, %get3A_1572] {strides = array<i32>} : memref<32x128xf32, #tpu.memory_space<vmem>>, vector<1x16xf32>,
        %get3A_1574 = vector.shape_cast %get3A_1573 : vector<1x16xf32> to vector<16xf32>
        %add3A_1575 = arith.addf %scan3A_882, %add3A_1558 : vector<16xf32>
        %add3A_1576 = arith.addf %scan3A_886, %add3A_1560 : vector<16xf32>
        %mul3A_1577 = arith.mulf %get3A_1574, %add3A_1558 : vector<16xf32>
        %add3A_1578 = arith.addf %scan3A_890, %mul3A_1577 : vector<16xf32>
        %broadcast_in_dim3A_1579 = arith.constant 0xFF800000 : f32
        %broadcast_in_dim3A_1580 = vector.broadcast %broadcast_in_dim3A_1579 : f32 to vector<16xf32>
        %broadcast_in_dim3A_1581 = arith.constant 0x7F800000 : f32
        %broadcast_in_dim3A_1582 = vector.broadcast %broadcast_in_dim3A_1581 : f32 to vector<16xf32>
        %mul3A_1583 = arith.constant 16 : i32
        %mul3A_1584 = arith.muli %scan3A_879, %mul3A_1583 : i32
        %add3A_1585 = arith.constant 0 : i32
        %add3A_1586 = arith.addi %mul3A_1584, %add3A_1585 : i32
        %get3A_1587 = arith.index_cast %add3A_1586 : i32 to index
        %get3A_1588 = arith.constant 48 : index
        %get3A_1589 = tpu.vector_load %arg8[%get3A_1587, %get3A_1588] {strides = array<i32>} : memref<512x128xf32, #tpu.memory_space<vmem>>, vector<1x16xf32>,
        %get3A_1590 = vector.shape_cast %get3A_1589 : vector<1x16xf32> to vector<16xf32>
        %max3A_1591 = arith.maximumf %broadcast_in_dim3A_1580, %get3A_1590 : vector<16xf32>
        %min3A_1592 = arith.minimumf %broadcast_in_dim3A_1582, %get3A_1590 : vector<16xf32>
        %add3A_1593 = arith.addf %broadcast_in_dim3A_1, %get3A_1590 : vector<16xf32>
        %mul3A_1594 = arith.mulf %get3A_1590, %get3A_1590 : vector<16xf32>
        %add3A_1595 = arith.addf %broadcast_in_dim3A_1, %mul3A_1594 : vector<16xf32>
        %mul3A_1596 = arith.constant 16 : i32
        %mul3A_1597 = arith.muli %scan3A_879, %mul3A_1596 : i32
        %add3A_1598 = arith.constant 1 : i32
        %add3A_1599 = arith.addi %mul3A_1597, %add3A_1598 : i32
        %get3A_1600 = arith.index_cast %add3A_1599 : i32 to index
        %get3A_1601 = arith.constant 48 : index
        %get3A_1602 = tpu.vector_load %arg8[%get3A_1600, %get3A_1601] {strides = array<i32>} : memref<512x128xf32, #tpu.memory_space<vmem>>, vector<1x16xf32>,
        %get3A_1603 = vector.shape_cast %get3A_1602 : vector<1x16xf32> to vector<16xf32>
        %max3A_1604 = arith.maximumf %max3A_1591, %get3A_1603 : vector<16xf32>
        %min3A_1605 = arith.minimumf %min3A_1592, %get3A_1603 : vector<16xf32>
        %add3A_1606 = arith.addf %add3A_1593, %get3A_1603 : vector<16xf32>
        %mul3A_1607 = arith.mulf %get3A_1603, %get3A_1603 : vector<16xf32>
        %add3A_1608 = arith.addf %add3A_1595, %mul3A_1607 : vector<16xf32>
        %mul3A_1609 = arith.constant 16 : i32
        %mul3A_1610 = arith.muli %scan3A_879, %mul3A_1609 : i32
        %add3A_1611 = arith.constant 2 : i32
        %add3A_1612 = arith.addi %mul3A_1610, %add3A_1611 : i32
        %get3A_1613 = arith.index_cast %add3A_1612 : i32 to index
        %get3A_1614 = arith.constant 48 : index
        %get3A_1615 = tpu.vector_load %arg8[%get3A_1613, %get3A_1614] {strides = array<i32>} : memref<512x128xf32, #tpu.memory_space<vmem>>, vector<1x16xf32>,
        %get3A_1616 = vector.shape_cast %get3A_1615 : vector<1x16xf32> to vector<16xf32>
        %max3A_1617 = arith.maximumf %max3A_1604, %get3A_1616 : vector<16xf32>
        %min3A_1618 = arith.minimumf %min3A_1605, %get3A_1616 : vector<16xf32>
        %add3A_1619 = arith.addf %add3A_1606, %get3A_1616 : vector<16xf32>
        %mul3A_1620 = arith.mulf %get3A_1616, %get3A_1616 : vector<16xf32>
        %add3A_1621 = arith.addf %add3A_1608, %mul3A_1620 : vector<16xf32>
        %mul3A_1622 = arith.constant 16 : i32
        %mul3A_1623 = arith.muli %scan3A_879, %mul3A_1622 : i32
        %add3A_1624 = arith.constant 3 : i32
        %add3A_1625 = arith.addi %mul3A_1623, %add3A_1624 : i32
        %get3A_1626 = arith.index_cast %add3A_1625 : i32 to index
        %get3A_1627 = arith.constant 48 : index
        %get3A_1628 = tpu.vector_load %arg8[%get3A_1626, %get3A_1627] {strides = array<i32>} : memref<512x128xf32, #tpu.memory_space<vmem>>, vector<1x16xf32>,
        %get3A_1629 = vector.shape_cast %get3A_1628 : vector<1x16xf32> to vector<16xf32>
        %max3A_1630 = arith.maximumf %max3A_1617, %get3A_1629 : vector<16xf32>
        %min3A_1631 = arith.minimumf %min3A_1618, %get3A_1629 : vector<16xf32>
        %add3A_1632 = arith.addf %add3A_1619, %get3A_1629 : vector<16xf32>
        %mul3A_1633 = arith.mulf %get3A_1629, %get3A_1629 : vector<16xf32>
        %add3A_1634 = arith.addf %add3A_1621, %mul3A_1633 : vector<16xf32>
        %mul3A_1635 = arith.constant 16 : i32
        %mul3A_1636 = arith.muli %scan3A_879, %mul3A_1635 : i32
        %add3A_1637 = arith.constant 4 : i32
        %add3A_1638 = arith.addi %mul3A_1636, %add3A_1637 : i32
        %get3A_1639 = arith.index_cast %add3A_1638 : i32 to index
        %get3A_1640 = arith.constant 48 : index
        %get3A_1641 = tpu.vector_load %arg8[%get3A_1639, %get3A_1640] {strides = array<i32>} : memref<512x128xf32, #tpu.memory_space<vmem>>, vector<1x16xf32>,
        %get3A_1642 = vector.shape_cast %get3A_1641 : vector<1x16xf32> to vector<16xf32>
        %max3A_1643 = arith.maximumf %max3A_1630, %get3A_1642 : vector<16xf32>
        %min3A_1644 = arith.minimumf %min3A_1631, %get3A_1642 : vector<16xf32>
        %add3A_1645 = arith.addf %add3A_1632, %get3A_1642 : vector<16xf32>
        %mul3A_1646 = arith.mulf %get3A_1642, %get3A_1642 : vector<16xf32>
        %add3A_1647 = arith.addf %add3A_1634, %mul3A_1646 : vector<16xf32>
        %mul3A_1648 = arith.constant 16 : i32
        %mul3A_1649 = arith.muli %scan3A_879, %mul3A_1648 : i32
        %add3A_1650 = arith.constant 5 : i32
        %add3A_1651 = arith.addi %mul3A_1649, %add3A_1650 : i32
        %get3A_1652 = arith.index_cast %add3A_1651 : i32 to index
        %get3A_1653 = arith.constant 48 : index
        %get3A_1654 = tpu.vector_load %arg8[%get3A_1652, %get3A_1653] {strides = array<i32>} : memref<512x128xf32, #tpu.memory_space<vmem>>, vector<1x16xf32>,
        %get3A_1655 = vector.shape_cast %get3A_1654 : vector<1x16xf32> to vector<16xf32>
        %max3A_1656 = arith.maximumf %max3A_1643, %get3A_1655 : vector<16xf32>
        %min3A_1657 = arith.minimumf %min3A_1644, %get3A_1655 : vector<16xf32>
        %add3A_1658 = arith.addf %add3A_1645, %get3A_1655 : vector<16xf32>
        %mul3A_1659 = arith.mulf %get3A_1655, %get3A_1655 : vector<16xf32>
        %add3A_1660 = arith.addf %add3A_1647, %mul3A_1659 : vector<16xf32>
        %mul3A_1661 = arith.constant 16 : i32
        %mul3A_1662 = arith.muli %scan3A_879, %mul3A_1661 : i32
        %add3A_1663 = arith.constant 6 : i32
        %add3A_1664 = arith.addi %mul3A_1662, %add3A_1663 : i32
        %get3A_1665 = arith.index_cast %add3A_1664 : i32 to index
        %get3A_1666 = arith.constant 48 : index
        %get3A_1667 = tpu.vector_load %arg8[%get3A_1665, %get3A_1666] {strides = array<i32>} : memref<512x128xf32, #tpu.memory_space<vmem>>, vector<1x16xf32>,
        %get3A_1668 = vector.shape_cast %get3A_1667 : vector<1x16xf32> to vector<16xf32>
        %max3A_1669 = arith.maximumf %max3A_1656, %get3A_1668 : vector<16xf32>
        %min3A_1670 = arith.minimumf %min3A_1657, %get3A_1668 : vector<16xf32>
        %add3A_1671 = arith.addf %add3A_1658, %get3A_1668 : vector<16xf32>
        %mul3A_1672 = arith.mulf %get3A_1668, %get3A_1668 : vector<16xf32>
        %add3A_1673 = arith.addf %add3A_1660, %mul3A_1672 : vector<16xf32>
        %mul3A_1674 = arith.constant 16 : i32
        %mul3A_1675 = arith.muli %scan3A_879, %mul3A_1674 : i32
        %add3A_1676 = arith.constant 7 : i32
        %add3A_1677 = arith.addi %mul3A_1675, %add3A_1676 : i32
        %get3A_1678 = arith.index_cast %add3A_1677 : i32 to index
        %get3A_1679 = arith.constant 48 : index
        %get3A_1680 = tpu.vector_load %arg8[%get3A_1678, %get3A_1679] {strides = array<i32>} : memref<512x128xf32, #tpu.memory_space<vmem>>, vector<1x16xf32>,
        %get3A_1681 = vector.shape_cast %get3A_1680 : vector<1x16xf32> to vector<16xf32>
        %max3A_1682 = arith.maximumf %max3A_1669, %get3A_1681 : vector<16xf32>
        %min3A_1683 = arith.minimumf %min3A_1670, %get3A_1681 : vector<16xf32>
        %add3A_1684 = arith.addf %add3A_1671, %get3A_1681 : vector<16xf32>
        %mul3A_1685 = arith.mulf %get3A_1681, %get3A_1681 : vector<16xf32>
        %add3A_1686 = arith.addf %add3A_1673, %mul3A_1685 : vector<16xf32>
        %mul3A_1687 = arith.constant 16 : i32
        %mul3A_1688 = arith.muli %scan3A_879, %mul3A_1687 : i32
        %add3A_1689 = arith.constant 8 : i32
        %add3A_1690 = arith.addi %mul3A_1688, %add3A_1689 : i32
        %get3A_1691 = arith.index_cast %add3A_1690 : i32 to index
        %get3A_1692 = arith.constant 48 : index
        %get3A_1693 = tpu.vector_load %arg8[%get3A_1691, %get3A_1692] {strides = array<i32>} : memref<512x128xf32, #tpu.memory_space<vmem>>, vector<1x16xf32>,
        %get3A_1694 = vector.shape_cast %get3A_1693 : vector<1x16xf32> to vector<16xf32>
        %max3A_1695 = arith.maximumf %max3A_1682, %get3A_1694 : vector<16xf32>
        %min3A_1696 = arith.minimumf %min3A_1683, %get3A_1694 : vector<16xf32>
        %add3A_1697 = arith.addf %add3A_1684, %get3A_1694 : vector<16xf32>
        %mul3A_1698 = arith.mulf %get3A_1694, %get3A_1694 : vector<16xf32>
        %add3A_1699 = arith.addf %add3A_1686, %mul3A_1698 : vector<16xf32>
        %mul3A_1700 = arith.constant 16 : i32
        %mul3A_1701 = arith.muli %scan3A_879, %mul3A_1700 : i32
        %add3A_1702 = arith.constant 9 : i32
        %add3A_1703 = arith.addi %mul3A_1701, %add3A_1702 : i32
        %get3A_1704 = arith.index_cast %add3A_1703 : i32 to index
        %get3A_1705 = arith.constant 48 : index
        %get3A_1706 = tpu.vector_load %arg8[%get3A_1704, %get3A_1705] {strides = array<i32>} : memref<512x128xf32, #tpu.memory_space<vmem>>, vector<1x16xf32>,
        %get3A_1707 = vector.shape_cast %get3A_1706 : vector<1x16xf32> to vector<16xf32>
        %max3A_1708 = arith.maximumf %max3A_1695, %get3A_1707 : vector<16xf32>
        %min3A_1709 = arith.minimumf %min3A_1696, %get3A_1707 : vector<16xf32>
        %add3A_1710 = arith.addf %add3A_1697, %get3A_1707 : vector<16xf32>
        %mul3A_1711 = arith.mulf %get3A_1707, %get3A_1707 : vector<16xf32>
        %add3A_1712 = arith.addf %add3A_1699, %mul3A_1711 : vector<16xf32>
        %mul3A_1713 = arith.constant 16 : i32
        %mul3A_1714 = arith.muli %scan3A_879, %mul3A_1713 : i32
        %add3A_1715 = arith.constant 10 : i32
        %add3A_1716 = arith.addi %mul3A_1714, %add3A_1715 : i32
        %get3A_1717 = arith.index_cast %add3A_1716 : i32 to index
        %get3A_1718 = arith.constant 48 : index
        %get3A_1719 = tpu.vector_load %arg8[%get3A_1717, %get3A_1718] {strides = array<i32>} : memref<512x128xf32, #tpu.memory_space<vmem>>, vector<1x16xf32>,
        %get3A_1720 = vector.shape_cast %get3A_1719 : vector<1x16xf32> to vector<16xf32>
        %max3A_1721 = arith.maximumf %max3A_1708, %get3A_1720 : vector<16xf32>
        %min3A_1722 = arith.minimumf %min3A_1709, %get3A_1720 : vector<16xf32>
        %add3A_1723 = arith.addf %add3A_1710, %get3A_1720 : vector<16xf32>
        %mul3A_1724 = arith.mulf %get3A_1720, %get3A_1720 : vector<16xf32>
        %add3A_1725 = arith.addf %add3A_1712, %mul3A_1724 : vector<16xf32>
        %mul3A_1726 = arith.constant 16 : i32
        %mul3A_1727 = arith.muli %scan3A_879, %mul3A_1726 : i32
        %add3A_1728 = arith.constant 11 : i32
        %add3A_1729 = arith.addi %mul3A_1727, %add3A_1728 : i32
        %get3A_1730 = arith.index_cast %add3A_1729 : i32 to index
        %get3A_1731 = arith.constant 48 : index
        %get3A_1732 = tpu.vector_load %arg8[%get3A_1730, %get3A_1731] {strides = array<i32>} : memref<512x128xf32, #tpu.memory_space<vmem>>, vector<1x16xf32>,
        %get3A_1733 = vector.shape_cast %get3A_1732 : vector<1x16xf32> to vector<16xf32>
        %max3A_1734 = arith.maximumf %max3A_1721, %get3A_1733 : vector<16xf32>
        %min3A_1735 = arith.minimumf %min3A_1722, %get3A_1733 : vector<16xf32>
        %add3A_1736 = arith.addf %add3A_1723, %get3A_1733 : vector<16xf32>
        %mul3A_1737 = arith.mulf %get3A_1733, %get3A_1733 : vector<16xf32>
        %add3A_1738 = arith.addf %add3A_1725, %mul3A_1737 : vector<16xf32>
        %mul3A_1739 = arith.constant 16 : i32
        %mul3A_1740 = arith.muli %scan3A_879, %mul3A_1739 : i32
        %add3A_1741 = arith.constant 12 : i32
        %add3A_1742 = arith.addi %mul3A_1740, %add3A_1741 : i32
        %get3A_1743 = arith.index_cast %add3A_1742 : i32 to index
        %get3A_1744 = arith.constant 48 : index
        %get3A_1745 = tpu.vector_load %arg8[%get3A_1743, %get3A_1744] {strides = array<i32>} : memref<512x128xf32, #tpu.memory_space<vmem>>, vector<1x16xf32>,
        %get3A_1746 = vector.shape_cast %get3A_1745 : vector<1x16xf32> to vector<16xf32>
        %max3A_1747 = arith.maximumf %max3A_1734, %get3A_1746 : vector<16xf32>
        %min3A_1748 = arith.minimumf %min3A_1735, %get3A_1746 : vector<16xf32>
        %add3A_1749 = arith.addf %add3A_1736, %get3A_1746 : vector<16xf32>
        %mul3A_1750 = arith.mulf %get3A_1746, %get3A_1746 : vector<16xf32>
        %add3A_1751 = arith.addf %add3A_1738, %mul3A_1750 : vector<16xf32>
        %mul3A_1752 = arith.constant 16 : i32
        %mul3A_1753 = arith.muli %scan3A_879, %mul3A_1752 : i32
        %add3A_1754 = arith.constant 13 : i32
        %add3A_1755 = arith.addi %mul3A_1753, %add3A_1754 : i32
        %get3A_1756 = arith.index_cast %add3A_1755 : i32 to index
        %get3A_1757 = arith.constant 48 : index
        %get3A_1758 = tpu.vector_load %arg8[%get3A_1756, %get3A_1757] {strides = array<i32>} : memref<512x128xf32, #tpu.memory_space<vmem>>, vector<1x16xf32>,
        %get3A_1759 = vector.shape_cast %get3A_1758 : vector<1x16xf32> to vector<16xf32>
        %max3A_1760 = arith.maximumf %max3A_1747, %get3A_1759 : vector<16xf32>
        %min3A_1761 = arith.minimumf %min3A_1748, %get3A_1759 : vector<16xf32>
        %add3A_1762 = arith.addf %add3A_1749, %get3A_1759 : vector<16xf32>
        %mul3A_1763 = arith.mulf %get3A_1759, %get3A_1759 : vector<16xf32>
        %add3A_1764 = arith.addf %add3A_1751, %mul3A_1763 : vector<16xf32>
        %mul3A_1765 = arith.constant 16 : i32
        %mul3A_1766 = arith.muli %scan3A_879, %mul3A_1765 : i32
        %add3A_1767 = arith.constant 14 : i32
        %add3A_1768 = arith.addi %mul3A_1766, %add3A_1767 : i32
        %get3A_1769 = arith.index_cast %add3A_1768 : i32 to index
        %get3A_1770 = arith.constant 48 : index
        %get3A_1771 = tpu.vector_load %arg8[%get3A_1769, %get3A_1770] {strides = array<i32>} : memref<512x128xf32, #tpu.memory_space<vmem>>, vector<1x16xf32>,
        %get3A_1772 = vector.shape_cast %get3A_1771 : vector<1x16xf32> to vector<16xf32>
        %max3A_1773 = arith.maximumf %max3A_1760, %get3A_1772 : vector<16xf32>
        %min3A_1774 = arith.minimumf %min3A_1761, %get3A_1772 : vector<16xf32>
        %add3A_1775 = arith.addf %add3A_1762, %get3A_1772 : vector<16xf32>
        %mul3A_1776 = arith.mulf %get3A_1772, %get3A_1772 : vector<16xf32>
        %add3A_1777 = arith.addf %add3A_1764, %mul3A_1776 : vector<16xf32>
        %mul3A_1778 = arith.constant 16 : i32
        %mul3A_1779 = arith.muli %scan3A_879, %mul3A_1778 : i32
        %add3A_1780 = arith.constant 15 : i32
        %add3A_1781 = arith.addi %mul3A_1779, %add3A_1780 : i32
        %get3A_1782 = arith.index_cast %add3A_1781 : i32 to index
        %get3A_1783 = arith.constant 48 : index
        %get3A_1784 = tpu.vector_load %arg8[%get3A_1782, %get3A_1783] {strides = array<i32>} : memref<512x128xf32, #tpu.memory_space<vmem>>, vector<1x16xf32>,
        %get3A_1785 = vector.shape_cast %get3A_1784 : vector<1x16xf32> to vector<16xf32>
        %max3A_1786 = arith.maximumf %max3A_1773, %get3A_1785 : vector<16xf32>
        %min3A_1787 = arith.minimumf %min3A_1774, %get3A_1785 : vector<16xf32>
        %add3A_1788 = arith.addf %add3A_1775, %get3A_1785 : vector<16xf32>
        %mul3A_1789 = arith.mulf %get3A_1785, %get3A_1785 : vector<16xf32>
        %add3A_1790 = arith.addf %add3A_1777, %mul3A_1789 : vector<16xf32>
        %swap3A_1791 = arith.index_cast %scan3A_879 : i32 to index
        %swap3A_1792 = arith.constant 48 : index
        %swap3A_1793 = tpu.vector_load %arg10[%swap3A_1791, %swap3A_1792] {strides = array<i32>} : memref<32x128xf32, #tpu.memory_space<vmem>>, vector<1x16xf32>,
        %swap3A_1794 = vector.shape_cast %swap3A_1793 : vector<1x16xf32> to vector<16xf32>
        %swap3A_1795 = vector.shape_cast %max3A_1786 : vector<16xf32> to vector<1x16xf32>
        tpu.vector_store %arg10[%swap3A_1791, %swap3A_1792], %swap3A_1795 {strides = array<i32>} : memref<32x128xf32, #tpu.memory_space<vmem>>, vector<1x16xf32>,
        %swap3A_1796 = arith.index_cast %scan3A_879 : i32 to index
        %swap3A_1797 = arith.constant 112 : index
        %swap3A_1798 = tpu.vector_load %arg10[%swap3A_1796, %swap3A_1797] {strides = array<i32>} : memref<32x128xf32, #tpu.memory_space<vmem>>, vector<1x16xf32>,
        %swap3A_1799 = vector.shape_cast %swap3A_1798 : vector<1x16xf32> to vector<16xf32>
        %swap3A_1800 = vector.shape_cast %min3A_1787 : vector<16xf32> to vector<1x16xf32>
        tpu.vector_store %arg10[%swap3A_1796, %swap3A_1797], %swap3A_1800 {strides = array<i32>} : memref<32x128xf32, #tpu.memory_space<vmem>>, vector<1x16xf32>,
        %get3A_1801 = arith.index_cast %scan3A_879 : i32 to index
        %get3A_1802 = arith.constant 48 : index
        %get3A_1803 = tpu.vector_load %arg9[%get3A_1801, %get3A_1802] {strides = array<i32>} : memref<32x128xf32, #tpu.memory_space<vmem>>, vector<1x16xf32>,
        %get3A_1804 = vector.shape_cast %get3A_1803 : vector<1x16xf32> to vector<16xf32>
        %add3A_1805 = arith.addf %scan3A_883, %add3A_1788 : vector<16xf32>
        %add3A_1806 = arith.addf %scan3A_887, %add3A_1790 : vector<16xf32>
        %mul3A_1807 = arith.mulf %get3A_1804, %add3A_1788 : vector<16xf32>
        %add3A_1808 = arith.addf %scan3A_891, %mul3A_1807 : vector<16xf32>
        scf.yield %add3A_1115, %add3A_1345, %add3A_1575, %add3A_1805, %add3A_1116, %add3A_1346, %add3A_1576, %add3A_1806, %add3A_1118, %add3A_1348, %add3A_1578, %add3A_1808 : vector<16xf32>, vector<16xf32>, vector<16xf32>, vector<16xf32>, vector<16xf32>, vector<16xf32>, vector<16xf32>, vector<16xf32>, vector<16xf32>, vector<16xf32>, vector<16xf32>, vector<16xf32>
      }
      %scan3A_878 = arith.constant 32 : i32
      "tpu.region"() ({
        %run_scoped3A = tpu.sem_alloc : memref<!tpu.dma_semaphore, #tpu.memory_space<semaphore_mem>>
        %dma_start3A_879 = arith.constant 0 : i32
        %dma_start3A_880 = tpu.memref_slice %arg5[%add3A_791, %dma_start3A_879] : memref<8192x128xf32, #tpu.memory_space<hbm>> -> memref<32x128xf32, #tpu.memory_space<hbm>>
        %dma_start3A_881 = arith.constant 0 : i32
        %dma_start3A_882 = tpu.memref_slice %arg5[%add3A_791, %dma_start3A_881] : memref<8192x128xf32, #tpu.memory_space<hbm>> -> memref<32x128xf32, #tpu.memory_space<hbm>>
        tpu.enqueue_dma source(%arg10 : memref<32x128xf32, #tpu.memory_space<vmem>>) target(%dma_start3A_882 : memref<32x128xf32, #tpu.memory_space<hbm>>) target_semaphore(%run_scoped3A : memref<!tpu.dma_semaphore, #tpu.memory_space<semaphore_mem>>)
        %dma_wait3A_883 = arith.constant 0 : i32
        %dma_wait3A_884 = tpu.memref_slice %arg5[%add3A_791, %dma_wait3A_883] : memref<8192x128xf32, #tpu.memory_space<hbm>> -> memref<32x128xf32, #tpu.memory_space<hbm>>
        %dma_wait3A_885 = arith.constant 0 : i32
        %dma_wait3A_886 = tpu.memref_slice %arg5[%add3A_791, %dma_wait3A_885] : memref<8192x128xf32, #tpu.memory_space<hbm>> -> memref<32x128xf32, #tpu.memory_space<hbm>>
        tpu.wait_dma2 semaphore(%run_scoped3A : memref<!tpu.dma_semaphore, #tpu.memory_space<semaphore_mem>>) src(%arg10 : memref<32x128xf32, #tpu.memory_space<vmem>>) dst(%dma_wait3A_886 : memref<32x128xf32, #tpu.memory_space<hbm>>)
        tpu.yield
      }) : () -> ()
      scf.yield %scan3A_877#0, %scan3A_877#1, %scan3A_877#2, %scan3A_877#3, %scan3A_877#4, %scan3A_877#5, %scan3A_877#6, %scan3A_877#7, %scan3A_877#8, %scan3A_877#9, %scan3A_877#10, %scan3A_877#11 : vector<16xf32>, vector<16xf32>, vector<16xf32>, vector<16xf32>, vector<16xf32>, vector<16xf32>, vector<16xf32>, vector<16xf32>, vector<16xf32>, vector<16xf32>, vector<16xf32>, vector<16xf32>
    }
    %scan3A_6 = arith.constant 8 : i32
    %swap3A = arith.constant 0 : i32
    %swap3A_7 = arith.index_cast %swap3A : i32 to index
    %swap3A_8 = arith.constant 0 : index
    %swap3A_9 = tpu.vector_load %arg11[%swap3A_7, %swap3A_8] {strides = array<i32>} : memref<16x128xf32, #tpu.memory_space<vmem>>, vector<1x16xf32>,
    %swap3A_10 = vector.shape_cast %swap3A_9 : vector<1x16xf32> to vector<16xf32>
    %swap3A_11 = vector.shape_cast %scan3A_5#0 : vector<16xf32> to vector<1x16xf32>
    tpu.vector_store %arg11[%swap3A_7, %swap3A_8], %swap3A_11 {strides = array<i32>} : memref<16x128xf32, #tpu.memory_space<vmem>>, vector<1x16xf32>,
    %swap3A_12 = arith.constant 0 : i32
    %swap3A_13 = arith.index_cast %swap3A_12 : i32 to index
    %swap3A_14 = arith.constant 16 : index
    %swap3A_15 = tpu.vector_load %arg11[%swap3A_13, %swap3A_14] {strides = array<i32>} : memref<16x128xf32, #tpu.memory_space<vmem>>, vector<1x16xf32>,
    %swap3A_16 = vector.shape_cast %swap3A_15 : vector<1x16xf32> to vector<16xf32>
    %swap3A_17 = vector.shape_cast %broadcast_in_dim3A_1 : vector<16xf32> to vector<1x16xf32>
    tpu.vector_store %arg11[%swap3A_13, %swap3A_14], %swap3A_17 {strides = array<i32>} : memref<16x128xf32, #tpu.memory_space<vmem>>, vector<1x16xf32>,
    %swap3A_18 = arith.constant 0 : i32
    %swap3A_19 = arith.index_cast %swap3A_18 : i32 to index
    %swap3A_20 = arith.constant 32 : index
    %swap3A_21 = tpu.vector_load %arg11[%swap3A_19, %swap3A_20] {strides = array<i32>} : memref<16x128xf32, #tpu.memory_space<vmem>>, vector<1x16xf32>,
    %swap3A_22 = vector.shape_cast %swap3A_21 : vector<1x16xf32> to vector<16xf32>
    %swap3A_23 = vector.shape_cast %broadcast_in_dim3A_1 : vector<16xf32> to vector<1x16xf32>
    tpu.vector_store %arg11[%swap3A_19, %swap3A_20], %swap3A_23 {strides = array<i32>} : memref<16x128xf32, #tpu.memory_space<vmem>>, vector<1x16xf32>,
    %swap3A_24 = arith.constant 0 : i32
    %swap3A_25 = arith.index_cast %swap3A_24 : i32 to index
    %swap3A_26 = arith.constant 48 : index
    %swap3A_27 = tpu.vector_load %arg11[%swap3A_25, %swap3A_26] {strides = array<i32>} : memref<16x128xf32, #tpu.memory_space<vmem>>, vector<1x16xf32>,
    %swap3A_28 = vector.shape_cast %swap3A_27 : vector<1x16xf32> to vector<16xf32>
    %swap3A_29 = vector.shape_cast %broadcast_in_dim3A_1 : vector<16xf32> to vector<1x16xf32>
    tpu.vector_store %arg11[%swap3A_25, %swap3A_26], %swap3A_29 {strides = array<i32>} : memref<16x128xf32, #tpu.memory_space<vmem>>, vector<1x16xf32>,
    %swap3A_30 = arith.constant 0 : i32
    %swap3A_31 = arith.index_cast %swap3A_30 : i32 to index
    %swap3A_32 = arith.constant 64 : index
    %swap3A_33 = tpu.vector_load %arg11[%swap3A_31, %swap3A_32] {strides = array<i32>} : memref<16x128xf32, #tpu.memory_space<vmem>>, vector<1x16xf32>,
    %swap3A_34 = vector.shape_cast %swap3A_33 : vector<1x16xf32> to vector<16xf32>
    %swap3A_35 = vector.shape_cast %broadcast_in_dim3A_1 : vector<16xf32> to vector<1x16xf32>
    tpu.vector_store %arg11[%swap3A_31, %swap3A_32], %swap3A_35 {strides = array<i32>} : memref<16x128xf32, #tpu.memory_space<vmem>>, vector<1x16xf32>,
    %swap3A_36 = arith.constant 0 : i32
    %swap3A_37 = arith.index_cast %swap3A_36 : i32 to index
    %swap3A_38 = arith.constant 80 : index
    %swap3A_39 = tpu.vector_load %arg11[%swap3A_37, %swap3A_38] {strides = array<i32>} : memref<16x128xf32, #tpu.memory_space<vmem>>, vector<1x16xf32>,
    %swap3A_40 = vector.shape_cast %swap3A_39 : vector<1x16xf32> to vector<16xf32>
    %swap3A_41 = vector.shape_cast %broadcast_in_dim3A_1 : vector<16xf32> to vector<1x16xf32>
    tpu.vector_store %arg11[%swap3A_37, %swap3A_38], %swap3A_41 {strides = array<i32>} : memref<16x128xf32, #tpu.memory_space<vmem>>, vector<1x16xf32>,
    %swap3A_42 = arith.constant 0 : i32
    %swap3A_43 = arith.index_cast %swap3A_42 : i32 to index
    %swap3A_44 = arith.constant 96 : index
    %swap3A_45 = tpu.vector_load %arg11[%swap3A_43, %swap3A_44] {strides = array<i32>} : memref<16x128xf32, #tpu.memory_space<vmem>>, vector<1x16xf32>,
    %swap3A_46 = vector.shape_cast %swap3A_45 : vector<1x16xf32> to vector<16xf32>
    %swap3A_47 = vector.shape_cast %broadcast_in_dim3A_1 : vector<16xf32> to vector<1x16xf32>
    tpu.vector_store %arg11[%swap3A_43, %swap3A_44], %swap3A_47 {strides = array<i32>} : memref<16x128xf32, #tpu.memory_space<vmem>>, vector<1x16xf32>,
    %swap3A_48 = arith.constant 0 : i32
    %swap3A_49 = arith.index_cast %swap3A_48 : i32 to index
    %swap3A_50 = arith.constant 112 : index
    %swap3A_51 = tpu.vector_load %arg11[%swap3A_49, %swap3A_50] {strides = array<i32>} : memref<16x128xf32, #tpu.memory_space<vmem>>, vector<1x16xf32>,
    %swap3A_52 = vector.shape_cast %swap3A_51 : vector<1x16xf32> to vector<16xf32>
    %swap3A_53 = vector.shape_cast %broadcast_in_dim3A_1 : vector<16xf32> to vector<1x16xf32>
    tpu.vector_store %arg11[%swap3A_49, %swap3A_50], %swap3A_53 {strides = array<i32>} : memref<16x128xf32, #tpu.memory_space<vmem>>, vector<1x16xf32>,
    %swap3A_54 = arith.constant 1 : i32
    %swap3A_55 = arith.index_cast %swap3A_54 : i32 to index
    %swap3A_56 = arith.constant 0 : index
    %swap3A_57 = tpu.vector_load %arg11[%swap3A_55, %swap3A_56] {strides = array<i32>} : memref<16x128xf32, #tpu.memory_space<vmem>>, vector<1x16xf32>,
    %swap3A_58 = vector.shape_cast %swap3A_57 : vector<1x16xf32> to vector<16xf32>
    %swap3A_59 = vector.shape_cast %scan3A_5#1 : vector<16xf32> to vector<1x16xf32>
    tpu.vector_store %arg11[%swap3A_55, %swap3A_56], %swap3A_59 {strides = array<i32>} : memref<16x128xf32, #tpu.memory_space<vmem>>, vector<1x16xf32>,
    %swap3A_60 = arith.constant 1 : i32
    %swap3A_61 = arith.index_cast %swap3A_60 : i32 to index
    %swap3A_62 = arith.constant 16 : index
    %swap3A_63 = tpu.vector_load %arg11[%swap3A_61, %swap3A_62] {strides = array<i32>} : memref<16x128xf32, #tpu.memory_space<vmem>>, vector<1x16xf32>,
    %swap3A_64 = vector.shape_cast %swap3A_63 : vector<1x16xf32> to vector<16xf32>
    %swap3A_65 = vector.shape_cast %broadcast_in_dim3A_1 : vector<16xf32> to vector<1x16xf32>
    tpu.vector_store %arg11[%swap3A_61, %swap3A_62], %swap3A_65 {strides = array<i32>} : memref<16x128xf32, #tpu.memory_space<vmem>>, vector<1x16xf32>,
    %swap3A_66 = arith.constant 1 : i32
    %swap3A_67 = arith.index_cast %swap3A_66 : i32 to index
    %swap3A_68 = arith.constant 32 : index
    %swap3A_69 = tpu.vector_load %arg11[%swap3A_67, %swap3A_68] {strides = array<i32>} : memref<16x128xf32, #tpu.memory_space<vmem>>, vector<1x16xf32>,
    %swap3A_70 = vector.shape_cast %swap3A_69 : vector<1x16xf32> to vector<16xf32>
    %swap3A_71 = vector.shape_cast %broadcast_in_dim3A_1 : vector<16xf32> to vector<1x16xf32>
    tpu.vector_store %arg11[%swap3A_67, %swap3A_68], %swap3A_71 {strides = array<i32>} : memref<16x128xf32, #tpu.memory_space<vmem>>, vector<1x16xf32>,
    %swap3A_72 = arith.constant 1 : i32
    %swap3A_73 = arith.index_cast %swap3A_72 : i32 to index
    %swap3A_74 = arith.constant 48 : index
    %swap3A_75 = tpu.vector_load %arg11[%swap3A_73, %swap3A_74] {strides = array<i32>} : memref<16x128xf32, #tpu.memory_space<vmem>>, vector<1x16xf32>,
    %swap3A_76 = vector.shape_cast %swap3A_75 : vector<1x16xf32> to vector<16xf32>
    %swap3A_77 = vector.shape_cast %broadcast_in_dim3A_1 : vector<16xf32> to vector<1x16xf32>
    tpu.vector_store %arg11[%swap3A_73, %swap3A_74], %swap3A_77 {strides = array<i32>} : memref<16x128xf32, #tpu.memory_space<vmem>>, vector<1x16xf32>,
    %swap3A_78 = arith.constant 1 : i32
    %swap3A_79 = arith.index_cast %swap3A_78 : i32 to index
    %swap3A_80 = arith.constant 64 : index
    %swap3A_81 = tpu.vector_load %arg11[%swap3A_79, %swap3A_80] {strides = array<i32>} : memref<16x128xf32, #tpu.memory_space<vmem>>, vector<1x16xf32>,
    %swap3A_82 = vector.shape_cast %swap3A_81 : vector<1x16xf32> to vector<16xf32>
    %swap3A_83 = vector.shape_cast %broadcast_in_dim3A_1 : vector<16xf32> to vector<1x16xf32>
    tpu.vector_store %arg11[%swap3A_79, %swap3A_80], %swap3A_83 {strides = array<i32>} : memref<16x128xf32, #tpu.memory_space<vmem>>, vector<1x16xf32>,
    %swap3A_84 = arith.constant 1 : i32
    %swap3A_85 = arith.index_cast %swap3A_84 : i32 to index
    %swap3A_86 = arith.constant 80 : index
    %swap3A_87 = tpu.vector_load %arg11[%swap3A_85, %swap3A_86] {strides = array<i32>} : memref<16x128xf32, #tpu.memory_space<vmem>>, vector<1x16xf32>,
    %swap3A_88 = vector.shape_cast %swap3A_87 : vector<1x16xf32> to vector<16xf32>
    %swap3A_89 = vector.shape_cast %broadcast_in_dim3A_1 : vector<16xf32> to vector<1x16xf32>
    tpu.vector_store %arg11[%swap3A_85, %swap3A_86], %swap3A_89 {strides = array<i32>} : memref<16x128xf32, #tpu.memory_space<vmem>>, vector<1x16xf32>,
    %swap3A_90 = arith.constant 1 : i32
    %swap3A_91 = arith.index_cast %swap3A_90 : i32 to index
    %swap3A_92 = arith.constant 96 : index
    %swap3A_93 = tpu.vector_load %arg11[%swap3A_91, %swap3A_92] {strides = array<i32>} : memref<16x128xf32, #tpu.memory_space<vmem>>, vector<1x16xf32>,
    %swap3A_94 = vector.shape_cast %swap3A_93 : vector<1x16xf32> to vector<16xf32>
    %swap3A_95 = vector.shape_cast %broadcast_in_dim3A_1 : vector<16xf32> to vector<1x16xf32>
    tpu.vector_store %arg11[%swap3A_91, %swap3A_92], %swap3A_95 {strides = array<i32>} : memref<16x128xf32, #tpu.memory_space<vmem>>, vector<1x16xf32>,
    %swap3A_96 = arith.constant 1 : i32
    %swap3A_97 = arith.index_cast %swap3A_96 : i32 to index
    %swap3A_98 = arith.constant 112 : index
    %swap3A_99 = tpu.vector_load %arg11[%swap3A_97, %swap3A_98] {strides = array<i32>} : memref<16x128xf32, #tpu.memory_space<vmem>>, vector<1x16xf32>,
    %swap3A_100 = vector.shape_cast %swap3A_99 : vector<1x16xf32> to vector<16xf32>
    %swap3A_101 = vector.shape_cast %broadcast_in_dim3A_1 : vector<16xf32> to vector<1x16xf32>
    tpu.vector_store %arg11[%swap3A_97, %swap3A_98], %swap3A_101 {strides = array<i32>} : memref<16x128xf32, #tpu.memory_space<vmem>>, vector<1x16xf32>,
    %swap3A_102 = arith.constant 2 : i32
    %swap3A_103 = arith.index_cast %swap3A_102 : i32 to index
    %swap3A_104 = arith.constant 0 : index
    %swap3A_105 = tpu.vector_load %arg11[%swap3A_103, %swap3A_104] {strides = array<i32>} : memref<16x128xf32, #tpu.memory_space<vmem>>, vector<1x16xf32>,
    %swap3A_106 = vector.shape_cast %swap3A_105 : vector<1x16xf32> to vector<16xf32>
    %swap3A_107 = vector.shape_cast %scan3A_5#2 : vector<16xf32> to vector<1x16xf32>
    tpu.vector_store %arg11[%swap3A_103, %swap3A_104], %swap3A_107 {strides = array<i32>} : memref<16x128xf32, #tpu.memory_space<vmem>>, vector<1x16xf32>,
    %swap3A_108 = arith.constant 2 : i32
    %swap3A_109 = arith.index_cast %swap3A_108 : i32 to index
    %swap3A_110 = arith.constant 16 : index
    %swap3A_111 = tpu.vector_load %arg11[%swap3A_109, %swap3A_110] {strides = array<i32>} : memref<16x128xf32, #tpu.memory_space<vmem>>, vector<1x16xf32>,
    %swap3A_112 = vector.shape_cast %swap3A_111 : vector<1x16xf32> to vector<16xf32>
    %swap3A_113 = vector.shape_cast %broadcast_in_dim3A_1 : vector<16xf32> to vector<1x16xf32>
    tpu.vector_store %arg11[%swap3A_109, %swap3A_110], %swap3A_113 {strides = array<i32>} : memref<16x128xf32, #tpu.memory_space<vmem>>, vector<1x16xf32>,
    %swap3A_114 = arith.constant 2 : i32
    %swap3A_115 = arith.index_cast %swap3A_114 : i32 to index
    %swap3A_116 = arith.constant 32 : index
    %swap3A_117 = tpu.vector_load %arg11[%swap3A_115, %swap3A_116] {strides = array<i32>} : memref<16x128xf32, #tpu.memory_space<vmem>>, vector<1x16xf32>,
    %swap3A_118 = vector.shape_cast %swap3A_117 : vector<1x16xf32> to vector<16xf32>
    %swap3A_119 = vector.shape_cast %broadcast_in_dim3A_1 : vector<16xf32> to vector<1x16xf32>
    tpu.vector_store %arg11[%swap3A_115, %swap3A_116], %swap3A_119 {strides = array<i32>} : memref<16x128xf32, #tpu.memory_space<vmem>>, vector<1x16xf32>,
    %swap3A_120 = arith.constant 2 : i32
    %swap3A_121 = arith.index_cast %swap3A_120 : i32 to index
    %swap3A_122 = arith.constant 48 : index
    %swap3A_123 = tpu.vector_load %arg11[%swap3A_121, %swap3A_122] {strides = array<i32>} : memref<16x128xf32, #tpu.memory_space<vmem>>, vector<1x16xf32>,
    %swap3A_124 = vector.shape_cast %swap3A_123 : vector<1x16xf32> to vector<16xf32>
    %swap3A_125 = vector.shape_cast %broadcast_in_dim3A_1 : vector<16xf32> to vector<1x16xf32>
    tpu.vector_store %arg11[%swap3A_121, %swap3A_122], %swap3A_125 {strides = array<i32>} : memref<16x128xf32, #tpu.memory_space<vmem>>, vector<1x16xf32>,
    %swap3A_126 = arith.constant 2 : i32
    %swap3A_127 = arith.index_cast %swap3A_126 : i32 to index
    %swap3A_128 = arith.constant 64 : index
    %swap3A_129 = tpu.vector_load %arg11[%swap3A_127, %swap3A_128] {strides = array<i32>} : memref<16x128xf32, #tpu.memory_space<vmem>>, vector<1x16xf32>,
    %swap3A_130 = vector.shape_cast %swap3A_129 : vector<1x16xf32> to vector<16xf32>
    %swap3A_131 = vector.shape_cast %broadcast_in_dim3A_1 : vector<16xf32> to vector<1x16xf32>
    tpu.vector_store %arg11[%swap3A_127, %swap3A_128], %swap3A_131 {strides = array<i32>} : memref<16x128xf32, #tpu.memory_space<vmem>>, vector<1x16xf32>,
    %swap3A_132 = arith.constant 2 : i32
    %swap3A_133 = arith.index_cast %swap3A_132 : i32 to index
    %swap3A_134 = arith.constant 80 : index
    %swap3A_135 = tpu.vector_load %arg11[%swap3A_133, %swap3A_134] {strides = array<i32>} : memref<16x128xf32, #tpu.memory_space<vmem>>, vector<1x16xf32>,
    %swap3A_136 = vector.shape_cast %swap3A_135 : vector<1x16xf32> to vector<16xf32>
    %swap3A_137 = vector.shape_cast %broadcast_in_dim3A_1 : vector<16xf32> to vector<1x16xf32>
    tpu.vector_store %arg11[%swap3A_133, %swap3A_134], %swap3A_137 {strides = array<i32>} : memref<16x128xf32, #tpu.memory_space<vmem>>, vector<1x16xf32>,
    %swap3A_138 = arith.constant 2 : i32
    %swap3A_139 = arith.index_cast %swap3A_138 : i32 to index
    %swap3A_140 = arith.constant 96 : index
    %swap3A_141 = tpu.vector_load %arg11[%swap3A_139, %swap3A_140] {strides = array<i32>} : memref<16x128xf32, #tpu.memory_space<vmem>>, vector<1x16xf32>,
    %swap3A_142 = vector.shape_cast %swap3A_141 : vector<1x16xf32> to vector<16xf32>
    %swap3A_143 = vector.shape_cast %broadcast_in_dim3A_1 : vector<16xf32> to vector<1x16xf32>
    tpu.vector_store %arg11[%swap3A_139, %swap3A_140], %swap3A_143 {strides = array<i32>} : memref<16x128xf32, #tpu.memory_space<vmem>>, vector<1x16xf32>,
    %swap3A_144 = arith.constant 2 : i32
    %swap3A_145 = arith.index_cast %swap3A_144 : i32 to index
    %swap3A_146 = arith.constant 112 : index
    %swap3A_147 = tpu.vector_load %arg11[%swap3A_145, %swap3A_146] {strides = array<i32>} : memref<16x128xf32, #tpu.memory_space<vmem>>, vector<1x16xf32>,
    %swap3A_148 = vector.shape_cast %swap3A_147 : vector<1x16xf32> to vector<16xf32>
    %swap3A_149 = vector.shape_cast %broadcast_in_dim3A_1 : vector<16xf32> to vector<1x16xf32>
    tpu.vector_store %arg11[%swap3A_145, %swap3A_146], %swap3A_149 {strides = array<i32>} : memref<16x128xf32, #tpu.memory_space<vmem>>, vector<1x16xf32>,
    %swap3A_150 = arith.constant 3 : i32
    %swap3A_151 = arith.index_cast %swap3A_150 : i32 to index
    %swap3A_152 = arith.constant 0 : index
    %swap3A_153 = tpu.vector_load %arg11[%swap3A_151, %swap3A_152] {strides = array<i32>} : memref<16x128xf32, #tpu.memory_space<vmem>>, vector<1x16xf32>,
    %swap3A_154 = vector.shape_cast %swap3A_153 : vector<1x16xf32> to vector<16xf32>
    %swap3A_155 = vector.shape_cast %scan3A_5#3 : vector<16xf32> to vector<1x16xf32>
    tpu.vector_store %arg11[%swap3A_151, %swap3A_152], %swap3A_155 {strides = array<i32>} : memref<16x128xf32, #tpu.memory_space<vmem>>, vector<1x16xf32>,
    %swap3A_156 = arith.constant 3 : i32
    %swap3A_157 = arith.index_cast %swap3A_156 : i32 to index
    %swap3A_158 = arith.constant 16 : index
    %swap3A_159 = tpu.vector_load %arg11[%swap3A_157, %swap3A_158] {strides = array<i32>} : memref<16x128xf32, #tpu.memory_space<vmem>>, vector<1x16xf32>,
    %swap3A_160 = vector.shape_cast %swap3A_159 : vector<1x16xf32> to vector<16xf32>
    %swap3A_161 = vector.shape_cast %broadcast_in_dim3A_1 : vector<16xf32> to vector<1x16xf32>
    tpu.vector_store %arg11[%swap3A_157, %swap3A_158], %swap3A_161 {strides = array<i32>} : memref<16x128xf32, #tpu.memory_space<vmem>>, vector<1x16xf32>,
    %swap3A_162 = arith.constant 3 : i32
    %swap3A_163 = arith.index_cast %swap3A_162 : i32 to index
    %swap3A_164 = arith.constant 32 : index
    %swap3A_165 = tpu.vector_load %arg11[%swap3A_163, %swap3A_164] {strides = array<i32>} : memref<16x128xf32, #tpu.memory_space<vmem>>, vector<1x16xf32>,
    %swap3A_166 = vector.shape_cast %swap3A_165 : vector<1x16xf32> to vector<16xf32>
    %swap3A_167 = vector.shape_cast %broadcast_in_dim3A_1 : vector<16xf32> to vector<1x16xf32>
    tpu.vector_store %arg11[%swap3A_163, %swap3A_164], %swap3A_167 {strides = array<i32>} : memref<16x128xf32, #tpu.memory_space<vmem>>, vector<1x16xf32>,
    %swap3A_168 = arith.constant 3 : i32
    %swap3A_169 = arith.index_cast %swap3A_168 : i32 to index
    %swap3A_170 = arith.constant 48 : index
    %swap3A_171 = tpu.vector_load %arg11[%swap3A_169, %swap3A_170] {strides = array<i32>} : memref<16x128xf32, #tpu.memory_space<vmem>>, vector<1x16xf32>,
    %swap3A_172 = vector.shape_cast %swap3A_171 : vector<1x16xf32> to vector<16xf32>
    %swap3A_173 = vector.shape_cast %broadcast_in_dim3A_1 : vector<16xf32> to vector<1x16xf32>
    tpu.vector_store %arg11[%swap3A_169, %swap3A_170], %swap3A_173 {strides = array<i32>} : memref<16x128xf32, #tpu.memory_space<vmem>>, vector<1x16xf32>,
    %swap3A_174 = arith.constant 3 : i32
    %swap3A_175 = arith.index_cast %swap3A_174 : i32 to index
    %swap3A_176 = arith.constant 64 : index
    %swap3A_177 = tpu.vector_load %arg11[%swap3A_175, %swap3A_176] {strides = array<i32>} : memref<16x128xf32, #tpu.memory_space<vmem>>, vector<1x16xf32>,
    %swap3A_178 = vector.shape_cast %swap3A_177 : vector<1x16xf32> to vector<16xf32>
    %swap3A_179 = vector.shape_cast %broadcast_in_dim3A_1 : vector<16xf32> to vector<1x16xf32>
    tpu.vector_store %arg11[%swap3A_175, %swap3A_176], %swap3A_179 {strides = array<i32>} : memref<16x128xf32, #tpu.memory_space<vmem>>, vector<1x16xf32>,
    %swap3A_180 = arith.constant 3 : i32
    %swap3A_181 = arith.index_cast %swap3A_180 : i32 to index
    %swap3A_182 = arith.constant 80 : index
    %swap3A_183 = tpu.vector_load %arg11[%swap3A_181, %swap3A_182] {strides = array<i32>} : memref<16x128xf32, #tpu.memory_space<vmem>>, vector<1x16xf32>,
    %swap3A_184 = vector.shape_cast %swap3A_183 : vector<1x16xf32> to vector<16xf32>
    %swap3A_185 = vector.shape_cast %broadcast_in_dim3A_1 : vector<16xf32> to vector<1x16xf32>
    tpu.vector_store %arg11[%swap3A_181, %swap3A_182], %swap3A_185 {strides = array<i32>} : memref<16x128xf32, #tpu.memory_space<vmem>>, vector<1x16xf32>,
    %swap3A_186 = arith.constant 3 : i32
    %swap3A_187 = arith.index_cast %swap3A_186 : i32 to index
    %swap3A_188 = arith.constant 96 : index
    %swap3A_189 = tpu.vector_load %arg11[%swap3A_187, %swap3A_188] {strides = array<i32>} : memref<16x128xf32, #tpu.memory_space<vmem>>, vector<1x16xf32>,
    %swap3A_190 = vector.shape_cast %swap3A_189 : vector<1x16xf32> to vector<16xf32>
    %swap3A_191 = vector.shape_cast %broadcast_in_dim3A_1 : vector<16xf32> to vector<1x16xf32>
    tpu.vector_store %arg11[%swap3A_187, %swap3A_188], %swap3A_191 {strides = array<i32>} : memref<16x128xf32, #tpu.memory_space<vmem>>, vector<1x16xf32>,
    %swap3A_192 = arith.constant 3 : i32
    %swap3A_193 = arith.index_cast %swap3A_192 : i32 to index
    %swap3A_194 = arith.constant 112 : index
    %swap3A_195 = tpu.vector_load %arg11[%swap3A_193, %swap3A_194] {strides = array<i32>} : memref<16x128xf32, #tpu.memory_space<vmem>>, vector<1x16xf32>,
    %swap3A_196 = vector.shape_cast %swap3A_195 : vector<1x16xf32> to vector<16xf32>
    %swap3A_197 = vector.shape_cast %broadcast_in_dim3A_1 : vector<16xf32> to vector<1x16xf32>
    tpu.vector_store %arg11[%swap3A_193, %swap3A_194], %swap3A_197 {strides = array<i32>} : memref<16x128xf32, #tpu.memory_space<vmem>>, vector<1x16xf32>,
    %swap3A_198 = arith.constant 4 : i32
    %swap3A_199 = arith.index_cast %swap3A_198 : i32 to index
    %swap3A_200 = arith.constant 0 : index
    %swap3A_201 = tpu.vector_load %arg11[%swap3A_199, %swap3A_200] {strides = array<i32>} : memref<16x128xf32, #tpu.memory_space<vmem>>, vector<1x16xf32>,
    %swap3A_202 = vector.shape_cast %swap3A_201 : vector<1x16xf32> to vector<16xf32>
    %swap3A_203 = vector.shape_cast %scan3A_5#4 : vector<16xf32> to vector<1x16xf32>
    tpu.vector_store %arg11[%swap3A_199, %swap3A_200], %swap3A_203 {strides = array<i32>} : memref<16x128xf32, #tpu.memory_space<vmem>>, vector<1x16xf32>,
    %swap3A_204 = arith.constant 4 : i32
    %swap3A_205 = arith.index_cast %swap3A_204 : i32 to index
    %swap3A_206 = arith.constant 16 : index
    %swap3A_207 = tpu.vector_load %arg11[%swap3A_205, %swap3A_206] {strides = array<i32>} : memref<16x128xf32, #tpu.memory_space<vmem>>, vector<1x16xf32>,
    %swap3A_208 = vector.shape_cast %swap3A_207 : vector<1x16xf32> to vector<16xf32>
    %swap3A_209 = vector.shape_cast %broadcast_in_dim3A_1 : vector<16xf32> to vector<1x16xf32>
    tpu.vector_store %arg11[%swap3A_205, %swap3A_206], %swap3A_209 {strides = array<i32>} : memref<16x128xf32, #tpu.memory_space<vmem>>, vector<1x16xf32>,
    %swap3A_210 = arith.constant 4 : i32
    %swap3A_211 = arith.index_cast %swap3A_210 : i32 to index
    %swap3A_212 = arith.constant 32 : index
    %swap3A_213 = tpu.vector_load %arg11[%swap3A_211, %swap3A_212] {strides = array<i32>} : memref<16x128xf32, #tpu.memory_space<vmem>>, vector<1x16xf32>,
    %swap3A_214 = vector.shape_cast %swap3A_213 : vector<1x16xf32> to vector<16xf32>
    %swap3A_215 = vector.shape_cast %broadcast_in_dim3A_1 : vector<16xf32> to vector<1x16xf32>
    tpu.vector_store %arg11[%swap3A_211, %swap3A_212], %swap3A_215 {strides = array<i32>} : memref<16x128xf32, #tpu.memory_space<vmem>>, vector<1x16xf32>,
    %swap3A_216 = arith.constant 4 : i32
    %swap3A_217 = arith.index_cast %swap3A_216 : i32 to index
    %swap3A_218 = arith.constant 48 : index
    %swap3A_219 = tpu.vector_load %arg11[%swap3A_217, %swap3A_218] {strides = array<i32>} : memref<16x128xf32, #tpu.memory_space<vmem>>, vector<1x16xf32>,
    %swap3A_220 = vector.shape_cast %swap3A_219 : vector<1x16xf32> to vector<16xf32>
    %swap3A_221 = vector.shape_cast %broadcast_in_dim3A_1 : vector<16xf32> to vector<1x16xf32>
    tpu.vector_store %arg11[%swap3A_217, %swap3A_218], %swap3A_221 {strides = array<i32>} : memref<16x128xf32, #tpu.memory_space<vmem>>, vector<1x16xf32>,
    %swap3A_222 = arith.constant 4 : i32
    %swap3A_223 = arith.index_cast %swap3A_222 : i32 to index
    %swap3A_224 = arith.constant 64 : index
    %swap3A_225 = tpu.vector_load %arg11[%swap3A_223, %swap3A_224] {strides = array<i32>} : memref<16x128xf32, #tpu.memory_space<vmem>>, vector<1x16xf32>,
    %swap3A_226 = vector.shape_cast %swap3A_225 : vector<1x16xf32> to vector<16xf32>
    %swap3A_227 = vector.shape_cast %broadcast_in_dim3A_1 : vector<16xf32> to vector<1x16xf32>
    tpu.vector_store %arg11[%swap3A_223, %swap3A_224], %swap3A_227 {strides = array<i32>} : memref<16x128xf32, #tpu.memory_space<vmem>>, vector<1x16xf32>,
    %swap3A_228 = arith.constant 4 : i32
    %swap3A_229 = arith.index_cast %swap3A_228 : i32 to index
    %swap3A_230 = arith.constant 80 : index
    %swap3A_231 = tpu.vector_load %arg11[%swap3A_229, %swap3A_230] {strides = array<i32>} : memref<16x128xf32, #tpu.memory_space<vmem>>, vector<1x16xf32>,
    %swap3A_232 = vector.shape_cast %swap3A_231 : vector<1x16xf32> to vector<16xf32>
    %swap3A_233 = vector.shape_cast %broadcast_in_dim3A_1 : vector<16xf32> to vector<1x16xf32>
    tpu.vector_store %arg11[%swap3A_229, %swap3A_230], %swap3A_233 {strides = array<i32>} : memref<16x128xf32, #tpu.memory_space<vmem>>, vector<1x16xf32>,
    %swap3A_234 = arith.constant 4 : i32
    %swap3A_235 = arith.index_cast %swap3A_234 : i32 to index
    %swap3A_236 = arith.constant 96 : index
    %swap3A_237 = tpu.vector_load %arg11[%swap3A_235, %swap3A_236] {strides = array<i32>} : memref<16x128xf32, #tpu.memory_space<vmem>>, vector<1x16xf32>,
    %swap3A_238 = vector.shape_cast %swap3A_237 : vector<1x16xf32> to vector<16xf32>
    %swap3A_239 = vector.shape_cast %broadcast_in_dim3A_1 : vector<16xf32> to vector<1x16xf32>
    tpu.vector_store %arg11[%swap3A_235, %swap3A_236], %swap3A_239 {strides = array<i32>} : memref<16x128xf32, #tpu.memory_space<vmem>>, vector<1x16xf32>,
    %swap3A_240 = arith.constant 4 : i32
    %swap3A_241 = arith.index_cast %swap3A_240 : i32 to index
    %swap3A_242 = arith.constant 112 : index
    %swap3A_243 = tpu.vector_load %arg11[%swap3A_241, %swap3A_242] {strides = array<i32>} : memref<16x128xf32, #tpu.memory_space<vmem>>, vector<1x16xf32>,
    %swap3A_244 = vector.shape_cast %swap3A_243 : vector<1x16xf32> to vector<16xf32>
    %swap3A_245 = vector.shape_cast %broadcast_in_dim3A_1 : vector<16xf32> to vector<1x16xf32>
    tpu.vector_store %arg11[%swap3A_241, %swap3A_242], %swap3A_245 {strides = array<i32>} : memref<16x128xf32, #tpu.memory_space<vmem>>, vector<1x16xf32>,
    %swap3A_246 = arith.constant 5 : i32
    %swap3A_247 = arith.index_cast %swap3A_246 : i32 to index
    %swap3A_248 = arith.constant 0 : index
    %swap3A_249 = tpu.vector_load %arg11[%swap3A_247, %swap3A_248] {strides = array<i32>} : memref<16x128xf32, #tpu.memory_space<vmem>>, vector<1x16xf32>,
    %swap3A_250 = vector.shape_cast %swap3A_249 : vector<1x16xf32> to vector<16xf32>
    %swap3A_251 = vector.shape_cast %scan3A_5#5 : vector<16xf32> to vector<1x16xf32>
    tpu.vector_store %arg11[%swap3A_247, %swap3A_248], %swap3A_251 {strides = array<i32>} : memref<16x128xf32, #tpu.memory_space<vmem>>, vector<1x16xf32>,
    %swap3A_252 = arith.constant 5 : i32
    %swap3A_253 = arith.index_cast %swap3A_252 : i32 to index
    %swap3A_254 = arith.constant 16 : index
    %swap3A_255 = tpu.vector_load %arg11[%swap3A_253, %swap3A_254] {strides = array<i32>} : memref<16x128xf32, #tpu.memory_space<vmem>>, vector<1x16xf32>,
    %swap3A_256 = vector.shape_cast %swap3A_255 : vector<1x16xf32> to vector<16xf32>
    %swap3A_257 = vector.shape_cast %broadcast_in_dim3A_1 : vector<16xf32> to vector<1x16xf32>
    tpu.vector_store %arg11[%swap3A_253, %swap3A_254], %swap3A_257 {strides = array<i32>} : memref<16x128xf32, #tpu.memory_space<vmem>>, vector<1x16xf32>,
    %swap3A_258 = arith.constant 5 : i32
    %swap3A_259 = arith.index_cast %swap3A_258 : i32 to index
    %swap3A_260 = arith.constant 32 : index
    %swap3A_261 = tpu.vector_load %arg11[%swap3A_259, %swap3A_260] {strides = array<i32>} : memref<16x128xf32, #tpu.memory_space<vmem>>, vector<1x16xf32>,
    %swap3A_262 = vector.shape_cast %swap3A_261 : vector<1x16xf32> to vector<16xf32>
    %swap3A_263 = vector.shape_cast %broadcast_in_dim3A_1 : vector<16xf32> to vector<1x16xf32>
    tpu.vector_store %arg11[%swap3A_259, %swap3A_260], %swap3A_263 {strides = array<i32>} : memref<16x128xf32, #tpu.memory_space<vmem>>, vector<1x16xf32>,
    %swap3A_264 = arith.constant 5 : i32
    %swap3A_265 = arith.index_cast %swap3A_264 : i32 to index
    %swap3A_266 = arith.constant 48 : index
    %swap3A_267 = tpu.vector_load %arg11[%swap3A_265, %swap3A_266] {strides = array<i32>} : memref<16x128xf32, #tpu.memory_space<vmem>>, vector<1x16xf32>,
    %swap3A_268 = vector.shape_cast %swap3A_267 : vector<1x16xf32> to vector<16xf32>
    %swap3A_269 = vector.shape_cast %broadcast_in_dim3A_1 : vector<16xf32> to vector<1x16xf32>
    tpu.vector_store %arg11[%swap3A_265, %swap3A_266], %swap3A_269 {strides = array<i32>} : memref<16x128xf32, #tpu.memory_space<vmem>>, vector<1x16xf32>,
    %swap3A_270 = arith.constant 5 : i32
    %swap3A_271 = arith.index_cast %swap3A_270 : i32 to index
    %swap3A_272 = arith.constant 64 : index
    %swap3A_273 = tpu.vector_load %arg11[%swap3A_271, %swap3A_272] {strides = array<i32>} : memref<16x128xf32, #tpu.memory_space<vmem>>, vector<1x16xf32>,
    %swap3A_274 = vector.shape_cast %swap3A_273 : vector<1x16xf32> to vector<16xf32>
    %swap3A_275 = vector.shape_cast %broadcast_in_dim3A_1 : vector<16xf32> to vector<1x16xf32>
    tpu.vector_store %arg11[%swap3A_271, %swap3A_272], %swap3A_275 {strides = array<i32>} : memref<16x128xf32, #tpu.memory_space<vmem>>, vector<1x16xf32>,
    %swap3A_276 = arith.constant 5 : i32
    %swap3A_277 = arith.index_cast %swap3A_276 : i32 to index
    %swap3A_278 = arith.constant 80 : index
    %swap3A_279 = tpu.vector_load %arg11[%swap3A_277, %swap3A_278] {strides = array<i32>} : memref<16x128xf32, #tpu.memory_space<vmem>>, vector<1x16xf32>,
    %swap3A_280 = vector.shape_cast %swap3A_279 : vector<1x16xf32> to vector<16xf32>
    %swap3A_281 = vector.shape_cast %broadcast_in_dim3A_1 : vector<16xf32> to vector<1x16xf32>
    tpu.vector_store %arg11[%swap3A_277, %swap3A_278], %swap3A_281 {strides = array<i32>} : memref<16x128xf32, #tpu.memory_space<vmem>>, vector<1x16xf32>,
    %swap3A_282 = arith.constant 5 : i32
    %swap3A_283 = arith.index_cast %swap3A_282 : i32 to index
    %swap3A_284 = arith.constant 96 : index
    %swap3A_285 = tpu.vector_load %arg11[%swap3A_283, %swap3A_284] {strides = array<i32>} : memref<16x128xf32, #tpu.memory_space<vmem>>, vector<1x16xf32>,
    %swap3A_286 = vector.shape_cast %swap3A_285 : vector<1x16xf32> to vector<16xf32>
    %swap3A_287 = vector.shape_cast %broadcast_in_dim3A_1 : vector<16xf32> to vector<1x16xf32>
    tpu.vector_store %arg11[%swap3A_283, %swap3A_284], %swap3A_287 {strides = array<i32>} : memref<16x128xf32, #tpu.memory_space<vmem>>, vector<1x16xf32>,
    %swap3A_288 = arith.constant 5 : i32
    %swap3A_289 = arith.index_cast %swap3A_288 : i32 to index
    %swap3A_290 = arith.constant 112 : index
    %swap3A_291 = tpu.vector_load %arg11[%swap3A_289, %swap3A_290] {strides = array<i32>} : memref<16x128xf32, #tpu.memory_space<vmem>>, vector<1x16xf32>,
    %swap3A_292 = vector.shape_cast %swap3A_291 : vector<1x16xf32> to vector<16xf32>
    %swap3A_293 = vector.shape_cast %broadcast_in_dim3A_1 : vector<16xf32> to vector<1x16xf32>
    tpu.vector_store %arg11[%swap3A_289, %swap3A_290], %swap3A_293 {strides = array<i32>} : memref<16x128xf32, #tpu.memory_space<vmem>>, vector<1x16xf32>,
    %swap3A_294 = arith.constant 6 : i32
    %swap3A_295 = arith.index_cast %swap3A_294 : i32 to index
    %swap3A_296 = arith.constant 0 : index
    %swap3A_297 = tpu.vector_load %arg11[%swap3A_295, %swap3A_296] {strides = array<i32>} : memref<16x128xf32, #tpu.memory_space<vmem>>, vector<1x16xf32>,
    %swap3A_298 = vector.shape_cast %swap3A_297 : vector<1x16xf32> to vector<16xf32>
    %swap3A_299 = vector.shape_cast %scan3A_5#6 : vector<16xf32> to vector<1x16xf32>
    tpu.vector_store %arg11[%swap3A_295, %swap3A_296], %swap3A_299 {strides = array<i32>} : memref<16x128xf32, #tpu.memory_space<vmem>>, vector<1x16xf32>,
    %swap3A_300 = arith.constant 6 : i32
    %swap3A_301 = arith.index_cast %swap3A_300 : i32 to index
    %swap3A_302 = arith.constant 16 : index
    %swap3A_303 = tpu.vector_load %arg11[%swap3A_301, %swap3A_302] {strides = array<i32>} : memref<16x128xf32, #tpu.memory_space<vmem>>, vector<1x16xf32>,
    %swap3A_304 = vector.shape_cast %swap3A_303 : vector<1x16xf32> to vector<16xf32>
    %swap3A_305 = vector.shape_cast %broadcast_in_dim3A_1 : vector<16xf32> to vector<1x16xf32>
    tpu.vector_store %arg11[%swap3A_301, %swap3A_302], %swap3A_305 {strides = array<i32>} : memref<16x128xf32, #tpu.memory_space<vmem>>, vector<1x16xf32>,
    %swap3A_306 = arith.constant 6 : i32
    %swap3A_307 = arith.index_cast %swap3A_306 : i32 to index
    %swap3A_308 = arith.constant 32 : index
    %swap3A_309 = tpu.vector_load %arg11[%swap3A_307, %swap3A_308] {strides = array<i32>} : memref<16x128xf32, #tpu.memory_space<vmem>>, vector<1x16xf32>,
    %swap3A_310 = vector.shape_cast %swap3A_309 : vector<1x16xf32> to vector<16xf32>
    %swap3A_311 = vector.shape_cast %broadcast_in_dim3A_1 : vector<16xf32> to vector<1x16xf32>
    tpu.vector_store %arg11[%swap3A_307, %swap3A_308], %swap3A_311 {strides = array<i32>} : memref<16x128xf32, #tpu.memory_space<vmem>>, vector<1x16xf32>,
    %swap3A_312 = arith.constant 6 : i32
    %swap3A_313 = arith.index_cast %swap3A_312 : i32 to index
    %swap3A_314 = arith.constant 48 : index
    %swap3A_315 = tpu.vector_load %arg11[%swap3A_313, %swap3A_314] {strides = array<i32>} : memref<16x128xf32, #tpu.memory_space<vmem>>, vector<1x16xf32>,
    %swap3A_316 = vector.shape_cast %swap3A_315 : vector<1x16xf32> to vector<16xf32>
    %swap3A_317 = vector.shape_cast %broadcast_in_dim3A_1 : vector<16xf32> to vector<1x16xf32>
    tpu.vector_store %arg11[%swap3A_313, %swap3A_314], %swap3A_317 {strides = array<i32>} : memref<16x128xf32, #tpu.memory_space<vmem>>, vector<1x16xf32>,
    %swap3A_318 = arith.constant 6 : i32
    %swap3A_319 = arith.index_cast %swap3A_318 : i32 to index
    %swap3A_320 = arith.constant 64 : index
    %swap3A_321 = tpu.vector_load %arg11[%swap3A_319, %swap3A_320] {strides = array<i32>} : memref<16x128xf32, #tpu.memory_space<vmem>>, vector<1x16xf32>,
    %swap3A_322 = vector.shape_cast %swap3A_321 : vector<1x16xf32> to vector<16xf32>
    %swap3A_323 = vector.shape_cast %broadcast_in_dim3A_1 : vector<16xf32> to vector<1x16xf32>
    tpu.vector_store %arg11[%swap3A_319, %swap3A_320], %swap3A_323 {strides = array<i32>} : memref<16x128xf32, #tpu.memory_space<vmem>>, vector<1x16xf32>,
    %swap3A_324 = arith.constant 6 : i32
    %swap3A_325 = arith.index_cast %swap3A_324 : i32 to index
    %swap3A_326 = arith.constant 80 : index
    %swap3A_327 = tpu.vector_load %arg11[%swap3A_325, %swap3A_326] {strides = array<i32>} : memref<16x128xf32, #tpu.memory_space<vmem>>, vector<1x16xf32>,
    %swap3A_328 = vector.shape_cast %swap3A_327 : vector<1x16xf32> to vector<16xf32>
    %swap3A_329 = vector.shape_cast %broadcast_in_dim3A_1 : vector<16xf32> to vector<1x16xf32>
    tpu.vector_store %arg11[%swap3A_325, %swap3A_326], %swap3A_329 {strides = array<i32>} : memref<16x128xf32, #tpu.memory_space<vmem>>, vector<1x16xf32>,
    %swap3A_330 = arith.constant 6 : i32
    %swap3A_331 = arith.index_cast %swap3A_330 : i32 to index
    %swap3A_332 = arith.constant 96 : index
    %swap3A_333 = tpu.vector_load %arg11[%swap3A_331, %swap3A_332] {strides = array<i32>} : memref<16x128xf32, #tpu.memory_space<vmem>>, vector<1x16xf32>,
    %swap3A_334 = vector.shape_cast %swap3A_333 : vector<1x16xf32> to vector<16xf32>
    %swap3A_335 = vector.shape_cast %broadcast_in_dim3A_1 : vector<16xf32> to vector<1x16xf32>
    tpu.vector_store %arg11[%swap3A_331, %swap3A_332], %swap3A_335 {strides = array<i32>} : memref<16x128xf32, #tpu.memory_space<vmem>>, vector<1x16xf32>,
    %swap3A_336 = arith.constant 6 : i32
    %swap3A_337 = arith.index_cast %swap3A_336 : i32 to index
    %swap3A_338 = arith.constant 112 : index
    %swap3A_339 = tpu.vector_load %arg11[%swap3A_337, %swap3A_338] {strides = array<i32>} : memref<16x128xf32, #tpu.memory_space<vmem>>, vector<1x16xf32>,
    %swap3A_340 = vector.shape_cast %swap3A_339 : vector<1x16xf32> to vector<16xf32>
    %swap3A_341 = vector.shape_cast %broadcast_in_dim3A_1 : vector<16xf32> to vector<1x16xf32>
    tpu.vector_store %arg11[%swap3A_337, %swap3A_338], %swap3A_341 {strides = array<i32>} : memref<16x128xf32, #tpu.memory_space<vmem>>, vector<1x16xf32>,
    %swap3A_342 = arith.constant 7 : i32
    %swap3A_343 = arith.index_cast %swap3A_342 : i32 to index
    %swap3A_344 = arith.constant 0 : index
    %swap3A_345 = tpu.vector_load %arg11[%swap3A_343, %swap3A_344] {strides = array<i32>} : memref<16x128xf32, #tpu.memory_space<vmem>>, vector<1x16xf32>,
    %swap3A_346 = vector.shape_cast %swap3A_345 : vector<1x16xf32> to vector<16xf32>
    %swap3A_347 = vector.shape_cast %scan3A_5#7 : vector<16xf32> to vector<1x16xf32>
    tpu.vector_store %arg11[%swap3A_343, %swap3A_344], %swap3A_347 {strides = array<i32>} : memref<16x128xf32, #tpu.memory_space<vmem>>, vector<1x16xf32>,
    %swap3A_348 = arith.constant 7 : i32
    %swap3A_349 = arith.index_cast %swap3A_348 : i32 to index
    %swap3A_350 = arith.constant 16 : index
    %swap3A_351 = tpu.vector_load %arg11[%swap3A_349, %swap3A_350] {strides = array<i32>} : memref<16x128xf32, #tpu.memory_space<vmem>>, vector<1x16xf32>,
    %swap3A_352 = vector.shape_cast %swap3A_351 : vector<1x16xf32> to vector<16xf32>
    %swap3A_353 = vector.shape_cast %broadcast_in_dim3A_1 : vector<16xf32> to vector<1x16xf32>
    tpu.vector_store %arg11[%swap3A_349, %swap3A_350], %swap3A_353 {strides = array<i32>} : memref<16x128xf32, #tpu.memory_space<vmem>>, vector<1x16xf32>,
    %swap3A_354 = arith.constant 7 : i32
    %swap3A_355 = arith.index_cast %swap3A_354 : i32 to index
    %swap3A_356 = arith.constant 32 : index
    %swap3A_357 = tpu.vector_load %arg11[%swap3A_355, %swap3A_356] {strides = array<i32>} : memref<16x128xf32, #tpu.memory_space<vmem>>, vector<1x16xf32>,
    %swap3A_358 = vector.shape_cast %swap3A_357 : vector<1x16xf32> to vector<16xf32>
    %swap3A_359 = vector.shape_cast %broadcast_in_dim3A_1 : vector<16xf32> to vector<1x16xf32>
    tpu.vector_store %arg11[%swap3A_355, %swap3A_356], %swap3A_359 {strides = array<i32>} : memref<16x128xf32, #tpu.memory_space<vmem>>, vector<1x16xf32>,
    %swap3A_360 = arith.constant 7 : i32
    %swap3A_361 = arith.index_cast %swap3A_360 : i32 to index
    %swap3A_362 = arith.constant 48 : index
    %swap3A_363 = tpu.vector_load %arg11[%swap3A_361, %swap3A_362] {strides = array<i32>} : memref<16x128xf32, #tpu.memory_space<vmem>>, vector<1x16xf32>,
    %swap3A_364 = vector.shape_cast %swap3A_363 : vector<1x16xf32> to vector<16xf32>
    %swap3A_365 = vector.shape_cast %broadcast_in_dim3A_1 : vector<16xf32> to vector<1x16xf32>
    tpu.vector_store %arg11[%swap3A_361, %swap3A_362], %swap3A_365 {strides = array<i32>} : memref<16x128xf32, #tpu.memory_space<vmem>>, vector<1x16xf32>,
    %swap3A_366 = arith.constant 7 : i32
    %swap3A_367 = arith.index_cast %swap3A_366 : i32 to index
    %swap3A_368 = arith.constant 64 : index
    %swap3A_369 = tpu.vector_load %arg11[%swap3A_367, %swap3A_368] {strides = array<i32>} : memref<16x128xf32, #tpu.memory_space<vmem>>, vector<1x16xf32>,
    %swap3A_370 = vector.shape_cast %swap3A_369 : vector<1x16xf32> to vector<16xf32>
    %swap3A_371 = vector.shape_cast %broadcast_in_dim3A_1 : vector<16xf32> to vector<1x16xf32>
    tpu.vector_store %arg11[%swap3A_367, %swap3A_368], %swap3A_371 {strides = array<i32>} : memref<16x128xf32, #tpu.memory_space<vmem>>, vector<1x16xf32>,
    %swap3A_372 = arith.constant 7 : i32
    %swap3A_373 = arith.index_cast %swap3A_372 : i32 to index
    %swap3A_374 = arith.constant 80 : index
    %swap3A_375 = tpu.vector_load %arg11[%swap3A_373, %swap3A_374] {strides = array<i32>} : memref<16x128xf32, #tpu.memory_space<vmem>>, vector<1x16xf32>,
    %swap3A_376 = vector.shape_cast %swap3A_375 : vector<1x16xf32> to vector<16xf32>
    %swap3A_377 = vector.shape_cast %broadcast_in_dim3A_1 : vector<16xf32> to vector<1x16xf32>
    tpu.vector_store %arg11[%swap3A_373, %swap3A_374], %swap3A_377 {strides = array<i32>} : memref<16x128xf32, #tpu.memory_space<vmem>>, vector<1x16xf32>,
    %swap3A_378 = arith.constant 7 : i32
    %swap3A_379 = arith.index_cast %swap3A_378 : i32 to index
    %swap3A_380 = arith.constant 96 : index
    %swap3A_381 = tpu.vector_load %arg11[%swap3A_379, %swap3A_380] {strides = array<i32>} : memref<16x128xf32, #tpu.memory_space<vmem>>, vector<1x16xf32>,
    %swap3A_382 = vector.shape_cast %swap3A_381 : vector<1x16xf32> to vector<16xf32>
    %swap3A_383 = vector.shape_cast %broadcast_in_dim3A_1 : vector<16xf32> to vector<1x16xf32>
    tpu.vector_store %arg11[%swap3A_379, %swap3A_380], %swap3A_383 {strides = array<i32>} : memref<16x128xf32, #tpu.memory_space<vmem>>, vector<1x16xf32>,
    %swap3A_384 = arith.constant 7 : i32
    %swap3A_385 = arith.index_cast %swap3A_384 : i32 to index
    %swap3A_386 = arith.constant 112 : index
    %swap3A_387 = tpu.vector_load %arg11[%swap3A_385, %swap3A_386] {strides = array<i32>} : memref<16x128xf32, #tpu.memory_space<vmem>>, vector<1x16xf32>,
    %swap3A_388 = vector.shape_cast %swap3A_387 : vector<1x16xf32> to vector<16xf32>
    %swap3A_389 = vector.shape_cast %broadcast_in_dim3A_1 : vector<16xf32> to vector<1x16xf32>
    tpu.vector_store %arg11[%swap3A_385, %swap3A_386], %swap3A_389 {strides = array<i32>} : memref<16x128xf32, #tpu.memory_space<vmem>>, vector<1x16xf32>,
    %swap3A_390 = arith.constant 8 : i32
    %swap3A_391 = arith.index_cast %swap3A_390 : i32 to index
    %swap3A_392 = arith.constant 0 : index
    %swap3A_393 = tpu.vector_load %arg11[%swap3A_391, %swap3A_392] {strides = array<i32>} : memref<16x128xf32, #tpu.memory_space<vmem>>, vector<1x16xf32>,
    %swap3A_394 = vector.shape_cast %swap3A_393 : vector<1x16xf32> to vector<16xf32>
    %swap3A_395 = vector.shape_cast %scan3A_5#8 : vector<16xf32> to vector<1x16xf32>
    tpu.vector_store %arg11[%swap3A_391, %swap3A_392], %swap3A_395 {strides = array<i32>} : memref<16x128xf32, #tpu.memory_space<vmem>>, vector<1x16xf32>,
    %swap3A_396 = arith.constant 8 : i32
    %swap3A_397 = arith.index_cast %swap3A_396 : i32 to index
    %swap3A_398 = arith.constant 16 : index
    %swap3A_399 = tpu.vector_load %arg11[%swap3A_397, %swap3A_398] {strides = array<i32>} : memref<16x128xf32, #tpu.memory_space<vmem>>, vector<1x16xf32>,
    %swap3A_400 = vector.shape_cast %swap3A_399 : vector<1x16xf32> to vector<16xf32>
    %swap3A_401 = vector.shape_cast %broadcast_in_dim3A_1 : vector<16xf32> to vector<1x16xf32>
    tpu.vector_store %arg11[%swap3A_397, %swap3A_398], %swap3A_401 {strides = array<i32>} : memref<16x128xf32, #tpu.memory_space<vmem>>, vector<1x16xf32>,
    %swap3A_402 = arith.constant 8 : i32
    %swap3A_403 = arith.index_cast %swap3A_402 : i32 to index
    %swap3A_404 = arith.constant 32 : index
    %swap3A_405 = tpu.vector_load %arg11[%swap3A_403, %swap3A_404] {strides = array<i32>} : memref<16x128xf32, #tpu.memory_space<vmem>>, vector<1x16xf32>,
    %swap3A_406 = vector.shape_cast %swap3A_405 : vector<1x16xf32> to vector<16xf32>
    %swap3A_407 = vector.shape_cast %broadcast_in_dim3A_1 : vector<16xf32> to vector<1x16xf32>
    tpu.vector_store %arg11[%swap3A_403, %swap3A_404], %swap3A_407 {strides = array<i32>} : memref<16x128xf32, #tpu.memory_space<vmem>>, vector<1x16xf32>,
    %swap3A_408 = arith.constant 8 : i32
    %swap3A_409 = arith.index_cast %swap3A_408 : i32 to index
    %swap3A_410 = arith.constant 48 : index
    %swap3A_411 = tpu.vector_load %arg11[%swap3A_409, %swap3A_410] {strides = array<i32>} : memref<16x128xf32, #tpu.memory_space<vmem>>, vector<1x16xf32>,
    %swap3A_412 = vector.shape_cast %swap3A_411 : vector<1x16xf32> to vector<16xf32>
    %swap3A_413 = vector.shape_cast %broadcast_in_dim3A_1 : vector<16xf32> to vector<1x16xf32>
    tpu.vector_store %arg11[%swap3A_409, %swap3A_410], %swap3A_413 {strides = array<i32>} : memref<16x128xf32, #tpu.memory_space<vmem>>, vector<1x16xf32>,
    %swap3A_414 = arith.constant 8 : i32
    %swap3A_415 = arith.index_cast %swap3A_414 : i32 to index
    %swap3A_416 = arith.constant 64 : index
    %swap3A_417 = tpu.vector_load %arg11[%swap3A_415, %swap3A_416] {strides = array<i32>} : memref<16x128xf32, #tpu.memory_space<vmem>>, vector<1x16xf32>,
    %swap3A_418 = vector.shape_cast %swap3A_417 : vector<1x16xf32> to vector<16xf32>
    %swap3A_419 = vector.shape_cast %broadcast_in_dim3A_1 : vector<16xf32> to vector<1x16xf32>
    tpu.vector_store %arg11[%swap3A_415, %swap3A_416], %swap3A_419 {strides = array<i32>} : memref<16x128xf32, #tpu.memory_space<vmem>>, vector<1x16xf32>,
    %swap3A_420 = arith.constant 8 : i32
    %swap3A_421 = arith.index_cast %swap3A_420 : i32 to index
    %swap3A_422 = arith.constant 80 : index
    %swap3A_423 = tpu.vector_load %arg11[%swap3A_421, %swap3A_422] {strides = array<i32>} : memref<16x128xf32, #tpu.memory_space<vmem>>, vector<1x16xf32>,
    %swap3A_424 = vector.shape_cast %swap3A_423 : vector<1x16xf32> to vector<16xf32>
    %swap3A_425 = vector.shape_cast %broadcast_in_dim3A_1 : vector<16xf32> to vector<1x16xf32>
    tpu.vector_store %arg11[%swap3A_421, %swap3A_422], %swap3A_425 {strides = array<i32>} : memref<16x128xf32, #tpu.memory_space<vmem>>, vector<1x16xf32>,
    %swap3A_426 = arith.constant 8 : i32
    %swap3A_427 = arith.index_cast %swap3A_426 : i32 to index
    %swap3A_428 = arith.constant 96 : index
    %swap3A_429 = tpu.vector_load %arg11[%swap3A_427, %swap3A_428] {strides = array<i32>} : memref<16x128xf32, #tpu.memory_space<vmem>>, vector<1x16xf32>,
    %swap3A_430 = vector.shape_cast %swap3A_429 : vector<1x16xf32> to vector<16xf32>
    %swap3A_431 = vector.shape_cast %broadcast_in_dim3A_1 : vector<16xf32> to vector<1x16xf32>
    tpu.vector_store %arg11[%swap3A_427, %swap3A_428], %swap3A_431 {strides = array<i32>} : memref<16x128xf32, #tpu.memory_space<vmem>>, vector<1x16xf32>,
    %swap3A_432 = arith.constant 8 : i32
    %swap3A_433 = arith.index_cast %swap3A_432 : i32 to index
    %swap3A_434 = arith.constant 112 : index
    %swap3A_435 = tpu.vector_load %arg11[%swap3A_433, %swap3A_434] {strides = array<i32>} : memref<16x128xf32, #tpu.memory_space<vmem>>, vector<1x16xf32>,
    %swap3A_436 = vector.shape_cast %swap3A_435 : vector<1x16xf32> to vector<16xf32>
    %swap3A_437 = vector.shape_cast %broadcast_in_dim3A_1 : vector<16xf32> to vector<1x16xf32>
    tpu.vector_store %arg11[%swap3A_433, %swap3A_434], %swap3A_437 {strides = array<i32>} : memref<16x128xf32, #tpu.memory_space<vmem>>, vector<1x16xf32>,
    %swap3A_438 = arith.constant 9 : i32
    %swap3A_439 = arith.index_cast %swap3A_438 : i32 to index
    %swap3A_440 = arith.constant 0 : index
    %swap3A_441 = tpu.vector_load %arg11[%swap3A_439, %swap3A_440] {strides = array<i32>} : memref<16x128xf32, #tpu.memory_space<vmem>>, vector<1x16xf32>,
    %swap3A_442 = vector.shape_cast %swap3A_441 : vector<1x16xf32> to vector<16xf32>
    %swap3A_443 = vector.shape_cast %scan3A_5#9 : vector<16xf32> to vector<1x16xf32>
    tpu.vector_store %arg11[%swap3A_439, %swap3A_440], %swap3A_443 {strides = array<i32>} : memref<16x128xf32, #tpu.memory_space<vmem>>, vector<1x16xf32>,
    %swap3A_444 = arith.constant 9 : i32
    %swap3A_445 = arith.index_cast %swap3A_444 : i32 to index
    %swap3A_446 = arith.constant 16 : index
    %swap3A_447 = tpu.vector_load %arg11[%swap3A_445, %swap3A_446] {strides = array<i32>} : memref<16x128xf32, #tpu.memory_space<vmem>>, vector<1x16xf32>,
    %swap3A_448 = vector.shape_cast %swap3A_447 : vector<1x16xf32> to vector<16xf32>
    %swap3A_449 = vector.shape_cast %broadcast_in_dim3A_1 : vector<16xf32> to vector<1x16xf32>
    tpu.vector_store %arg11[%swap3A_445, %swap3A_446], %swap3A_449 {strides = array<i32>} : memref<16x128xf32, #tpu.memory_space<vmem>>, vector<1x16xf32>,
    %swap3A_450 = arith.constant 9 : i32
    %swap3A_451 = arith.index_cast %swap3A_450 : i32 to index
    %swap3A_452 = arith.constant 32 : index
    %swap3A_453 = tpu.vector_load %arg11[%swap3A_451, %swap3A_452] {strides = array<i32>} : memref<16x128xf32, #tpu.memory_space<vmem>>, vector<1x16xf32>,
    %swap3A_454 = vector.shape_cast %swap3A_453 : vector<1x16xf32> to vector<16xf32>
    %swap3A_455 = vector.shape_cast %broadcast_in_dim3A_1 : vector<16xf32> to vector<1x16xf32>
    tpu.vector_store %arg11[%swap3A_451, %swap3A_452], %swap3A_455 {strides = array<i32>} : memref<16x128xf32, #tpu.memory_space<vmem>>, vector<1x16xf32>,
    %swap3A_456 = arith.constant 9 : i32
    %swap3A_457 = arith.index_cast %swap3A_456 : i32 to index
    %swap3A_458 = arith.constant 48 : index
    %swap3A_459 = tpu.vector_load %arg11[%swap3A_457, %swap3A_458] {strides = array<i32>} : memref<16x128xf32, #tpu.memory_space<vmem>>, vector<1x16xf32>,
    %swap3A_460 = vector.shape_cast %swap3A_459 : vector<1x16xf32> to vector<16xf32>
    %swap3A_461 = vector.shape_cast %broadcast_in_dim3A_1 : vector<16xf32> to vector<1x16xf32>
    tpu.vector_store %arg11[%swap3A_457, %swap3A_458], %swap3A_461 {strides = array<i32>} : memref<16x128xf32, #tpu.memory_space<vmem>>, vector<1x16xf32>,
    %swap3A_462 = arith.constant 9 : i32
    %swap3A_463 = arith.index_cast %swap3A_462 : i32 to index
    %swap3A_464 = arith.constant 64 : index
    %swap3A_465 = tpu.vector_load %arg11[%swap3A_463, %swap3A_464] {strides = array<i32>} : memref<16x128xf32, #tpu.memory_space<vmem>>, vector<1x16xf32>,
    %swap3A_466 = vector.shape_cast %swap3A_465 : vector<1x16xf32> to vector<16xf32>
    %swap3A_467 = vector.shape_cast %broadcast_in_dim3A_1 : vector<16xf32> to vector<1x16xf32>
    tpu.vector_store %arg11[%swap3A_463, %swap3A_464], %swap3A_467 {strides = array<i32>} : memref<16x128xf32, #tpu.memory_space<vmem>>, vector<1x16xf32>,
    %swap3A_468 = arith.constant 9 : i32
    %swap3A_469 = arith.index_cast %swap3A_468 : i32 to index
    %swap3A_470 = arith.constant 80 : index
    %swap3A_471 = tpu.vector_load %arg11[%swap3A_469, %swap3A_470] {strides = array<i32>} : memref<16x128xf32, #tpu.memory_space<vmem>>, vector<1x16xf32>,
    %swap3A_472 = vector.shape_cast %swap3A_471 : vector<1x16xf32> to vector<16xf32>
    %swap3A_473 = vector.shape_cast %broadcast_in_dim3A_1 : vector<16xf32> to vector<1x16xf32>
    tpu.vector_store %arg11[%swap3A_469, %swap3A_470], %swap3A_473 {strides = array<i32>} : memref<16x128xf32, #tpu.memory_space<vmem>>, vector<1x16xf32>,
    %swap3A_474 = arith.constant 9 : i32
    %swap3A_475 = arith.index_cast %swap3A_474 : i32 to index
    %swap3A_476 = arith.constant 96 : index
    %swap3A_477 = tpu.vector_load %arg11[%swap3A_475, %swap3A_476] {strides = array<i32>} : memref<16x128xf32, #tpu.memory_space<vmem>>, vector<1x16xf32>,
    %swap3A_478 = vector.shape_cast %swap3A_477 : vector<1x16xf32> to vector<16xf32>
    %swap3A_479 = vector.shape_cast %broadcast_in_dim3A_1 : vector<16xf32> to vector<1x16xf32>
    tpu.vector_store %arg11[%swap3A_475, %swap3A_476], %swap3A_479 {strides = array<i32>} : memref<16x128xf32, #tpu.memory_space<vmem>>, vector<1x16xf32>,
    %swap3A_480 = arith.constant 9 : i32
    %swap3A_481 = arith.index_cast %swap3A_480 : i32 to index
    %swap3A_482 = arith.constant 112 : index
    %swap3A_483 = tpu.vector_load %arg11[%swap3A_481, %swap3A_482] {strides = array<i32>} : memref<16x128xf32, #tpu.memory_space<vmem>>, vector<1x16xf32>,
    %swap3A_484 = vector.shape_cast %swap3A_483 : vector<1x16xf32> to vector<16xf32>
    %swap3A_485 = vector.shape_cast %broadcast_in_dim3A_1 : vector<16xf32> to vector<1x16xf32>
    tpu.vector_store %arg11[%swap3A_481, %swap3A_482], %swap3A_485 {strides = array<i32>} : memref<16x128xf32, #tpu.memory_space<vmem>>, vector<1x16xf32>,
    %swap3A_486 = arith.constant 10 : i32
    %swap3A_487 = arith.index_cast %swap3A_486 : i32 to index
    %swap3A_488 = arith.constant 0 : index
    %swap3A_489 = tpu.vector_load %arg11[%swap3A_487, %swap3A_488] {strides = array<i32>} : memref<16x128xf32, #tpu.memory_space<vmem>>, vector<1x16xf32>,
    %swap3A_490 = vector.shape_cast %swap3A_489 : vector<1x16xf32> to vector<16xf32>
    %swap3A_491 = vector.shape_cast %scan3A_5#10 : vector<16xf32> to vector<1x16xf32>
    tpu.vector_store %arg11[%swap3A_487, %swap3A_488], %swap3A_491 {strides = array<i32>} : memref<16x128xf32, #tpu.memory_space<vmem>>, vector<1x16xf32>,
    %swap3A_492 = arith.constant 10 : i32
    %swap3A_493 = arith.index_cast %swap3A_492 : i32 to index
    %swap3A_494 = arith.constant 16 : index
    %swap3A_495 = tpu.vector_load %arg11[%swap3A_493, %swap3A_494] {strides = array<i32>} : memref<16x128xf32, #tpu.memory_space<vmem>>, vector<1x16xf32>,
    %swap3A_496 = vector.shape_cast %swap3A_495 : vector<1x16xf32> to vector<16xf32>
    %swap3A_497 = vector.shape_cast %broadcast_in_dim3A_1 : vector<16xf32> to vector<1x16xf32>
    tpu.vector_store %arg11[%swap3A_493, %swap3A_494], %swap3A_497 {strides = array<i32>} : memref<16x128xf32, #tpu.memory_space<vmem>>, vector<1x16xf32>,
    %swap3A_498 = arith.constant 10 : i32
    %swap3A_499 = arith.index_cast %swap3A_498 : i32 to index
    %swap3A_500 = arith.constant 32 : index
    %swap3A_501 = tpu.vector_load %arg11[%swap3A_499, %swap3A_500] {strides = array<i32>} : memref<16x128xf32, #tpu.memory_space<vmem>>, vector<1x16xf32>,
    %swap3A_502 = vector.shape_cast %swap3A_501 : vector<1x16xf32> to vector<16xf32>
    %swap3A_503 = vector.shape_cast %broadcast_in_dim3A_1 : vector<16xf32> to vector<1x16xf32>
    tpu.vector_store %arg11[%swap3A_499, %swap3A_500], %swap3A_503 {strides = array<i32>} : memref<16x128xf32, #tpu.memory_space<vmem>>, vector<1x16xf32>,
    %swap3A_504 = arith.constant 10 : i32
    %swap3A_505 = arith.index_cast %swap3A_504 : i32 to index
    %swap3A_506 = arith.constant 48 : index
    %swap3A_507 = tpu.vector_load %arg11[%swap3A_505, %swap3A_506] {strides = array<i32>} : memref<16x128xf32, #tpu.memory_space<vmem>>, vector<1x16xf32>,
    %swap3A_508 = vector.shape_cast %swap3A_507 : vector<1x16xf32> to vector<16xf32>
    %swap3A_509 = vector.shape_cast %broadcast_in_dim3A_1 : vector<16xf32> to vector<1x16xf32>
    tpu.vector_store %arg11[%swap3A_505, %swap3A_506], %swap3A_509 {strides = array<i32>} : memref<16x128xf32, #tpu.memory_space<vmem>>, vector<1x16xf32>,
    %swap3A_510 = arith.constant 10 : i32
    %swap3A_511 = arith.index_cast %swap3A_510 : i32 to index
    %swap3A_512 = arith.constant 64 : index
    %swap3A_513 = tpu.vector_load %arg11[%swap3A_511, %swap3A_512] {strides = array<i32>} : memref<16x128xf32, #tpu.memory_space<vmem>>, vector<1x16xf32>,
    %swap3A_514 = vector.shape_cast %swap3A_513 : vector<1x16xf32> to vector<16xf32>
    %swap3A_515 = vector.shape_cast %broadcast_in_dim3A_1 : vector<16xf32> to vector<1x16xf32>
    tpu.vector_store %arg11[%swap3A_511, %swap3A_512], %swap3A_515 {strides = array<i32>} : memref<16x128xf32, #tpu.memory_space<vmem>>, vector<1x16xf32>,
    %swap3A_516 = arith.constant 10 : i32
    %swap3A_517 = arith.index_cast %swap3A_516 : i32 to index
    %swap3A_518 = arith.constant 80 : index
    %swap3A_519 = tpu.vector_load %arg11[%swap3A_517, %swap3A_518] {strides = array<i32>} : memref<16x128xf32, #tpu.memory_space<vmem>>, vector<1x16xf32>,
    %swap3A_520 = vector.shape_cast %swap3A_519 : vector<1x16xf32> to vector<16xf32>
    %swap3A_521 = vector.shape_cast %broadcast_in_dim3A_1 : vector<16xf32> to vector<1x16xf32>
    tpu.vector_store %arg11[%swap3A_517, %swap3A_518], %swap3A_521 {strides = array<i32>} : memref<16x128xf32, #tpu.memory_space<vmem>>, vector<1x16xf32>,
    %swap3A_522 = arith.constant 10 : i32
    %swap3A_523 = arith.index_cast %swap3A_522 : i32 to index
    %swap3A_524 = arith.constant 96 : index
    %swap3A_525 = tpu.vector_load %arg11[%swap3A_523, %swap3A_524] {strides = array<i32>} : memref<16x128xf32, #tpu.memory_space<vmem>>, vector<1x16xf32>,
    %swap3A_526 = vector.shape_cast %swap3A_525 : vector<1x16xf32> to vector<16xf32>
    %swap3A_527 = vector.shape_cast %broadcast_in_dim3A_1 : vector<16xf32> to vector<1x16xf32>
    tpu.vector_store %arg11[%swap3A_523, %swap3A_524], %swap3A_527 {strides = array<i32>} : memref<16x128xf32, #tpu.memory_space<vmem>>, vector<1x16xf32>,
    %swap3A_528 = arith.constant 10 : i32
    %swap3A_529 = arith.index_cast %swap3A_528 : i32 to index
    %swap3A_530 = arith.constant 112 : index
    %swap3A_531 = tpu.vector_load %arg11[%swap3A_529, %swap3A_530] {strides = array<i32>} : memref<16x128xf32, #tpu.memory_space<vmem>>, vector<1x16xf32>,
    %swap3A_532 = vector.shape_cast %swap3A_531 : vector<1x16xf32> to vector<16xf32>
    %swap3A_533 = vector.shape_cast %broadcast_in_dim3A_1 : vector<16xf32> to vector<1x16xf32>
    tpu.vector_store %arg11[%swap3A_529, %swap3A_530], %swap3A_533 {strides = array<i32>} : memref<16x128xf32, #tpu.memory_space<vmem>>, vector<1x16xf32>,
    %swap3A_534 = arith.constant 11 : i32
    %swap3A_535 = arith.index_cast %swap3A_534 : i32 to index
    %swap3A_536 = arith.constant 0 : index
    %swap3A_537 = tpu.vector_load %arg11[%swap3A_535, %swap3A_536] {strides = array<i32>} : memref<16x128xf32, #tpu.memory_space<vmem>>, vector<1x16xf32>,
    %swap3A_538 = vector.shape_cast %swap3A_537 : vector<1x16xf32> to vector<16xf32>
    %swap3A_539 = vector.shape_cast %scan3A_5#11 : vector<16xf32> to vector<1x16xf32>
    tpu.vector_store %arg11[%swap3A_535, %swap3A_536], %swap3A_539 {strides = array<i32>} : memref<16x128xf32, #tpu.memory_space<vmem>>, vector<1x16xf32>,
    %swap3A_540 = arith.constant 11 : i32
    %swap3A_541 = arith.index_cast %swap3A_540 : i32 to index
    %swap3A_542 = arith.constant 16 : index
    %swap3A_543 = tpu.vector_load %arg11[%swap3A_541, %swap3A_542] {strides = array<i32>} : memref<16x128xf32, #tpu.memory_space<vmem>>, vector<1x16xf32>,
    %swap3A_544 = vector.shape_cast %swap3A_543 : vector<1x16xf32> to vector<16xf32>
    %swap3A_545 = vector.shape_cast %broadcast_in_dim3A_1 : vector<16xf32> to vector<1x16xf32>
    tpu.vector_store %arg11[%swap3A_541, %swap3A_542], %swap3A_545 {strides = array<i32>} : memref<16x128xf32, #tpu.memory_space<vmem>>, vector<1x16xf32>,
    %swap3A_546 = arith.constant 11 : i32
    %swap3A_547 = arith.index_cast %swap3A_546 : i32 to index
    %swap3A_548 = arith.constant 32 : index
    %swap3A_549 = tpu.vector_load %arg11[%swap3A_547, %swap3A_548] {strides = array<i32>} : memref<16x128xf32, #tpu.memory_space<vmem>>, vector<1x16xf32>,
    %swap3A_550 = vector.shape_cast %swap3A_549 : vector<1x16xf32> to vector<16xf32>
    %swap3A_551 = vector.shape_cast %broadcast_in_dim3A_1 : vector<16xf32> to vector<1x16xf32>
    tpu.vector_store %arg11[%swap3A_547, %swap3A_548], %swap3A_551 {strides = array<i32>} : memref<16x128xf32, #tpu.memory_space<vmem>>, vector<1x16xf32>,
    %swap3A_552 = arith.constant 11 : i32
    %swap3A_553 = arith.index_cast %swap3A_552 : i32 to index
    %swap3A_554 = arith.constant 48 : index
    %swap3A_555 = tpu.vector_load %arg11[%swap3A_553, %swap3A_554] {strides = array<i32>} : memref<16x128xf32, #tpu.memory_space<vmem>>, vector<1x16xf32>,
    %swap3A_556 = vector.shape_cast %swap3A_555 : vector<1x16xf32> to vector<16xf32>
    %swap3A_557 = vector.shape_cast %broadcast_in_dim3A_1 : vector<16xf32> to vector<1x16xf32>
    tpu.vector_store %arg11[%swap3A_553, %swap3A_554], %swap3A_557 {strides = array<i32>} : memref<16x128xf32, #tpu.memory_space<vmem>>, vector<1x16xf32>,
    %swap3A_558 = arith.constant 11 : i32
    %swap3A_559 = arith.index_cast %swap3A_558 : i32 to index
    %swap3A_560 = arith.constant 64 : index
    %swap3A_561 = tpu.vector_load %arg11[%swap3A_559, %swap3A_560] {strides = array<i32>} : memref<16x128xf32, #tpu.memory_space<vmem>>, vector<1x16xf32>,
    %swap3A_562 = vector.shape_cast %swap3A_561 : vector<1x16xf32> to vector<16xf32>
    %swap3A_563 = vector.shape_cast %broadcast_in_dim3A_1 : vector<16xf32> to vector<1x16xf32>
    tpu.vector_store %arg11[%swap3A_559, %swap3A_560], %swap3A_563 {strides = array<i32>} : memref<16x128xf32, #tpu.memory_space<vmem>>, vector<1x16xf32>,
    %swap3A_564 = arith.constant 11 : i32
    %swap3A_565 = arith.index_cast %swap3A_564 : i32 to index
    %swap3A_566 = arith.constant 80 : index
    %swap3A_567 = tpu.vector_load %arg11[%swap3A_565, %swap3A_566] {strides = array<i32>} : memref<16x128xf32, #tpu.memory_space<vmem>>, vector<1x16xf32>,
    %swap3A_568 = vector.shape_cast %swap3A_567 : vector<1x16xf32> to vector<16xf32>
    %swap3A_569 = vector.shape_cast %broadcast_in_dim3A_1 : vector<16xf32> to vector<1x16xf32>
    tpu.vector_store %arg11[%swap3A_565, %swap3A_566], %swap3A_569 {strides = array<i32>} : memref<16x128xf32, #tpu.memory_space<vmem>>, vector<1x16xf32>,
    %swap3A_570 = arith.constant 11 : i32
    %swap3A_571 = arith.index_cast %swap3A_570 : i32 to index
    %swap3A_572 = arith.constant 96 : index
    %swap3A_573 = tpu.vector_load %arg11[%swap3A_571, %swap3A_572] {strides = array<i32>} : memref<16x128xf32, #tpu.memory_space<vmem>>, vector<1x16xf32>,
    %swap3A_574 = vector.shape_cast %swap3A_573 : vector<1x16xf32> to vector<16xf32>
    %swap3A_575 = vector.shape_cast %broadcast_in_dim3A_1 : vector<16xf32> to vector<1x16xf32>
    tpu.vector_store %arg11[%swap3A_571, %swap3A_572], %swap3A_575 {strides = array<i32>} : memref<16x128xf32, #tpu.memory_space<vmem>>, vector<1x16xf32>,
    %swap3A_576 = arith.constant 11 : i32
    %swap3A_577 = arith.index_cast %swap3A_576 : i32 to index
    %swap3A_578 = arith.constant 112 : index
    %swap3A_579 = tpu.vector_load %arg11[%swap3A_577, %swap3A_578] {strides = array<i32>} : memref<16x128xf32, #tpu.memory_space<vmem>>, vector<1x16xf32>,
    %swap3A_580 = vector.shape_cast %swap3A_579 : vector<1x16xf32> to vector<16xf32>
    %swap3A_581 = vector.shape_cast %broadcast_in_dim3A_1 : vector<16xf32> to vector<1x16xf32>
    tpu.vector_store %arg11[%swap3A_577, %swap3A_578], %swap3A_581 {strides = array<i32>} : memref<16x128xf32, #tpu.memory_space<vmem>>, vector<1x16xf32>,
    %swap3A_582 = arith.constant 12 : i32
    %swap3A_583 = arith.index_cast %swap3A_582 : i32 to index
    %swap3A_584 = arith.constant 0 : index
    %swap3A_585 = tpu.vector_load %arg11[%swap3A_583, %swap3A_584] {strides = array<i32>} : memref<16x128xf32, #tpu.memory_space<vmem>>, vector<1x16xf32>,
    %swap3A_586 = vector.shape_cast %swap3A_585 : vector<1x16xf32> to vector<16xf32>
    %swap3A_587 = vector.shape_cast %broadcast_in_dim3A_1 : vector<16xf32> to vector<1x16xf32>
    tpu.vector_store %arg11[%swap3A_583, %swap3A_584], %swap3A_587 {strides = array<i32>} : memref<16x128xf32, #tpu.memory_space<vmem>>, vector<1x16xf32>,
    %swap3A_588 = arith.constant 12 : i32
    %swap3A_589 = arith.index_cast %swap3A_588 : i32 to index
    %swap3A_590 = arith.constant 16 : index
    %swap3A_591 = tpu.vector_load %arg11[%swap3A_589, %swap3A_590] {strides = array<i32>} : memref<16x128xf32, #tpu.memory_space<vmem>>, vector<1x16xf32>,
    %swap3A_592 = vector.shape_cast %swap3A_591 : vector<1x16xf32> to vector<16xf32>
    %swap3A_593 = vector.shape_cast %broadcast_in_dim3A_1 : vector<16xf32> to vector<1x16xf32>
    tpu.vector_store %arg11[%swap3A_589, %swap3A_590], %swap3A_593 {strides = array<i32>} : memref<16x128xf32, #tpu.memory_space<vmem>>, vector<1x16xf32>,
    %swap3A_594 = arith.constant 12 : i32
    %swap3A_595 = arith.index_cast %swap3A_594 : i32 to index
    %swap3A_596 = arith.constant 32 : index
    %swap3A_597 = tpu.vector_load %arg11[%swap3A_595, %swap3A_596] {strides = array<i32>} : memref<16x128xf32, #tpu.memory_space<vmem>>, vector<1x16xf32>,
    %swap3A_598 = vector.shape_cast %swap3A_597 : vector<1x16xf32> to vector<16xf32>
    %swap3A_599 = vector.shape_cast %broadcast_in_dim3A_1 : vector<16xf32> to vector<1x16xf32>
    tpu.vector_store %arg11[%swap3A_595, %swap3A_596], %swap3A_599 {strides = array<i32>} : memref<16x128xf32, #tpu.memory_space<vmem>>, vector<1x16xf32>,
    %swap3A_600 = arith.constant 12 : i32
    %swap3A_601 = arith.index_cast %swap3A_600 : i32 to index
    %swap3A_602 = arith.constant 48 : index
    %swap3A_603 = tpu.vector_load %arg11[%swap3A_601, %swap3A_602] {strides = array<i32>} : memref<16x128xf32, #tpu.memory_space<vmem>>, vector<1x16xf32>,
    %swap3A_604 = vector.shape_cast %swap3A_603 : vector<1x16xf32> to vector<16xf32>
    %swap3A_605 = vector.shape_cast %broadcast_in_dim3A_1 : vector<16xf32> to vector<1x16xf32>
    tpu.vector_store %arg11[%swap3A_601, %swap3A_602], %swap3A_605 {strides = array<i32>} : memref<16x128xf32, #tpu.memory_space<vmem>>, vector<1x16xf32>,
    %swap3A_606 = arith.constant 12 : i32
    %swap3A_607 = arith.index_cast %swap3A_606 : i32 to index
    %swap3A_608 = arith.constant 64 : index
    %swap3A_609 = tpu.vector_load %arg11[%swap3A_607, %swap3A_608] {strides = array<i32>} : memref<16x128xf32, #tpu.memory_space<vmem>>, vector<1x16xf32>,
    %swap3A_610 = vector.shape_cast %swap3A_609 : vector<1x16xf32> to vector<16xf32>
    %swap3A_611 = vector.shape_cast %broadcast_in_dim3A_1 : vector<16xf32> to vector<1x16xf32>
    tpu.vector_store %arg11[%swap3A_607, %swap3A_608], %swap3A_611 {strides = array<i32>} : memref<16x128xf32, #tpu.memory_space<vmem>>, vector<1x16xf32>,
    %swap3A_612 = arith.constant 12 : i32
    %swap3A_613 = arith.index_cast %swap3A_612 : i32 to index
    %swap3A_614 = arith.constant 80 : index
    %swap3A_615 = tpu.vector_load %arg11[%swap3A_613, %swap3A_614] {strides = array<i32>} : memref<16x128xf32, #tpu.memory_space<vmem>>, vector<1x16xf32>,
    %swap3A_616 = vector.shape_cast %swap3A_615 : vector<1x16xf32> to vector<16xf32>
    %swap3A_617 = vector.shape_cast %broadcast_in_dim3A_1 : vector<16xf32> to vector<1x16xf32>
    tpu.vector_store %arg11[%swap3A_613, %swap3A_614], %swap3A_617 {strides = array<i32>} : memref<16x128xf32, #tpu.memory_space<vmem>>, vector<1x16xf32>,
    %swap3A_618 = arith.constant 12 : i32
    %swap3A_619 = arith.index_cast %swap3A_618 : i32 to index
    %swap3A_620 = arith.constant 96 : index
    %swap3A_621 = tpu.vector_load %arg11[%swap3A_619, %swap3A_620] {strides = array<i32>} : memref<16x128xf32, #tpu.memory_space<vmem>>, vector<1x16xf32>,
    %swap3A_622 = vector.shape_cast %swap3A_621 : vector<1x16xf32> to vector<16xf32>
    %swap3A_623 = vector.shape_cast %broadcast_in_dim3A_1 : vector<16xf32> to vector<1x16xf32>
    tpu.vector_store %arg11[%swap3A_619, %swap3A_620], %swap3A_623 {strides = array<i32>} : memref<16x128xf32, #tpu.memory_space<vmem>>, vector<1x16xf32>,
    %swap3A_624 = arith.constant 12 : i32
    %swap3A_625 = arith.index_cast %swap3A_624 : i32 to index
    %swap3A_626 = arith.constant 112 : index
    %swap3A_627 = tpu.vector_load %arg11[%swap3A_625, %swap3A_626] {strides = array<i32>} : memref<16x128xf32, #tpu.memory_space<vmem>>, vector<1x16xf32>,
    %swap3A_628 = vector.shape_cast %swap3A_627 : vector<1x16xf32> to vector<16xf32>
    %swap3A_629 = vector.shape_cast %broadcast_in_dim3A_1 : vector<16xf32> to vector<1x16xf32>
    tpu.vector_store %arg11[%swap3A_625, %swap3A_626], %swap3A_629 {strides = array<i32>} : memref<16x128xf32, #tpu.memory_space<vmem>>, vector<1x16xf32>,
    %swap3A_630 = arith.constant 13 : i32
    %swap3A_631 = arith.index_cast %swap3A_630 : i32 to index
    %swap3A_632 = arith.constant 0 : index
    %swap3A_633 = tpu.vector_load %arg11[%swap3A_631, %swap3A_632] {strides = array<i32>} : memref<16x128xf32, #tpu.memory_space<vmem>>, vector<1x16xf32>,
    %swap3A_634 = vector.shape_cast %swap3A_633 : vector<1x16xf32> to vector<16xf32>
    %swap3A_635 = vector.shape_cast %broadcast_in_dim3A_1 : vector<16xf32> to vector<1x16xf32>
    tpu.vector_store %arg11[%swap3A_631, %swap3A_632], %swap3A_635 {strides = array<i32>} : memref<16x128xf32, #tpu.memory_space<vmem>>, vector<1x16xf32>,
    %swap3A_636 = arith.constant 13 : i32
    %swap3A_637 = arith.index_cast %swap3A_636 : i32 to index
    %swap3A_638 = arith.constant 16 : index
    %swap3A_639 = tpu.vector_load %arg11[%swap3A_637, %swap3A_638] {strides = array<i32>} : memref<16x128xf32, #tpu.memory_space<vmem>>, vector<1x16xf32>,
    %swap3A_640 = vector.shape_cast %swap3A_639 : vector<1x16xf32> to vector<16xf32>
    %swap3A_641 = vector.shape_cast %broadcast_in_dim3A_1 : vector<16xf32> to vector<1x16xf32>
    tpu.vector_store %arg11[%swap3A_637, %swap3A_638], %swap3A_641 {strides = array<i32>} : memref<16x128xf32, #tpu.memory_space<vmem>>, vector<1x16xf32>,
    %swap3A_642 = arith.constant 13 : i32
    %swap3A_643 = arith.index_cast %swap3A_642 : i32 to index
    %swap3A_644 = arith.constant 32 : index
    %swap3A_645 = tpu.vector_load %arg11[%swap3A_643, %swap3A_644] {strides = array<i32>} : memref<16x128xf32, #tpu.memory_space<vmem>>, vector<1x16xf32>,
    %swap3A_646 = vector.shape_cast %swap3A_645 : vector<1x16xf32> to vector<16xf32>
    %swap3A_647 = vector.shape_cast %broadcast_in_dim3A_1 : vector<16xf32> to vector<1x16xf32>
    tpu.vector_store %arg11[%swap3A_643, %swap3A_644], %swap3A_647 {strides = array<i32>} : memref<16x128xf32, #tpu.memory_space<vmem>>, vector<1x16xf32>,
    %swap3A_648 = arith.constant 13 : i32
    %swap3A_649 = arith.index_cast %swap3A_648 : i32 to index
    %swap3A_650 = arith.constant 48 : index
    %swap3A_651 = tpu.vector_load %arg11[%swap3A_649, %swap3A_650] {strides = array<i32>} : memref<16x128xf32, #tpu.memory_space<vmem>>, vector<1x16xf32>,
    %swap3A_652 = vector.shape_cast %swap3A_651 : vector<1x16xf32> to vector<16xf32>
    %swap3A_653 = vector.shape_cast %broadcast_in_dim3A_1 : vector<16xf32> to vector<1x16xf32>
    tpu.vector_store %arg11[%swap3A_649, %swap3A_650], %swap3A_653 {strides = array<i32>} : memref<16x128xf32, #tpu.memory_space<vmem>>, vector<1x16xf32>,
    %swap3A_654 = arith.constant 13 : i32
    %swap3A_655 = arith.index_cast %swap3A_654 : i32 to index
    %swap3A_656 = arith.constant 64 : index
    %swap3A_657 = tpu.vector_load %arg11[%swap3A_655, %swap3A_656] {strides = array<i32>} : memref<16x128xf32, #tpu.memory_space<vmem>>, vector<1x16xf32>,
    %swap3A_658 = vector.shape_cast %swap3A_657 : vector<1x16xf32> to vector<16xf32>
    %swap3A_659 = vector.shape_cast %broadcast_in_dim3A_1 : vector<16xf32> to vector<1x16xf32>
    tpu.vector_store %arg11[%swap3A_655, %swap3A_656], %swap3A_659 {strides = array<i32>} : memref<16x128xf32, #tpu.memory_space<vmem>>, vector<1x16xf32>,
    %swap3A_660 = arith.constant 13 : i32
    %swap3A_661 = arith.index_cast %swap3A_660 : i32 to index
    %swap3A_662 = arith.constant 80 : index
    %swap3A_663 = tpu.vector_load %arg11[%swap3A_661, %swap3A_662] {strides = array<i32>} : memref<16x128xf32, #tpu.memory_space<vmem>>, vector<1x16xf32>,
    %swap3A_664 = vector.shape_cast %swap3A_663 : vector<1x16xf32> to vector<16xf32>
    %swap3A_665 = vector.shape_cast %broadcast_in_dim3A_1 : vector<16xf32> to vector<1x16xf32>
    tpu.vector_store %arg11[%swap3A_661, %swap3A_662], %swap3A_665 {strides = array<i32>} : memref<16x128xf32, #tpu.memory_space<vmem>>, vector<1x16xf32>,
    %swap3A_666 = arith.constant 13 : i32
    %swap3A_667 = arith.index_cast %swap3A_666 : i32 to index
    %swap3A_668 = arith.constant 96 : index
    %swap3A_669 = tpu.vector_load %arg11[%swap3A_667, %swap3A_668] {strides = array<i32>} : memref<16x128xf32, #tpu.memory_space<vmem>>, vector<1x16xf32>,
    %swap3A_670 = vector.shape_cast %swap3A_669 : vector<1x16xf32> to vector<16xf32>
    %swap3A_671 = vector.shape_cast %broadcast_in_dim3A_1 : vector<16xf32> to vector<1x16xf32>
    tpu.vector_store %arg11[%swap3A_667, %swap3A_668], %swap3A_671 {strides = array<i32>} : memref<16x128xf32, #tpu.memory_space<vmem>>, vector<1x16xf32>,
    %swap3A_672 = arith.constant 13 : i32
    %swap3A_673 = arith.index_cast %swap3A_672 : i32 to index
    %swap3A_674 = arith.constant 112 : index
    %swap3A_675 = tpu.vector_load %arg11[%swap3A_673, %swap3A_674] {strides = array<i32>} : memref<16x128xf32, #tpu.memory_space<vmem>>, vector<1x16xf32>,
    %swap3A_676 = vector.shape_cast %swap3A_675 : vector<1x16xf32> to vector<16xf32>
    %swap3A_677 = vector.shape_cast %broadcast_in_dim3A_1 : vector<16xf32> to vector<1x16xf32>
    tpu.vector_store %arg11[%swap3A_673, %swap3A_674], %swap3A_677 {strides = array<i32>} : memref<16x128xf32, #tpu.memory_space<vmem>>, vector<1x16xf32>,
    %swap3A_678 = arith.constant 14 : i32
    %swap3A_679 = arith.index_cast %swap3A_678 : i32 to index
    %swap3A_680 = arith.constant 0 : index
    %swap3A_681 = tpu.vector_load %arg11[%swap3A_679, %swap3A_680] {strides = array<i32>} : memref<16x128xf32, #tpu.memory_space<vmem>>, vector<1x16xf32>,
    %swap3A_682 = vector.shape_cast %swap3A_681 : vector<1x16xf32> to vector<16xf32>
    %swap3A_683 = vector.shape_cast %broadcast_in_dim3A_1 : vector<16xf32> to vector<1x16xf32>
    tpu.vector_store %arg11[%swap3A_679, %swap3A_680], %swap3A_683 {strides = array<i32>} : memref<16x128xf32, #tpu.memory_space<vmem>>, vector<1x16xf32>,
    %swap3A_684 = arith.constant 14 : i32
    %swap3A_685 = arith.index_cast %swap3A_684 : i32 to index
    %swap3A_686 = arith.constant 16 : index
    %swap3A_687 = tpu.vector_load %arg11[%swap3A_685, %swap3A_686] {strides = array<i32>} : memref<16x128xf32, #tpu.memory_space<vmem>>, vector<1x16xf32>,
    %swap3A_688 = vector.shape_cast %swap3A_687 : vector<1x16xf32> to vector<16xf32>
    %swap3A_689 = vector.shape_cast %broadcast_in_dim3A_1 : vector<16xf32> to vector<1x16xf32>
    tpu.vector_store %arg11[%swap3A_685, %swap3A_686], %swap3A_689 {strides = array<i32>} : memref<16x128xf32, #tpu.memory_space<vmem>>, vector<1x16xf32>,
    %swap3A_690 = arith.constant 14 : i32
    %swap3A_691 = arith.index_cast %swap3A_690 : i32 to index
    %swap3A_692 = arith.constant 32 : index
    %swap3A_693 = tpu.vector_load %arg11[%swap3A_691, %swap3A_692] {strides = array<i32>} : memref<16x128xf32, #tpu.memory_space<vmem>>, vector<1x16xf32>,
    %swap3A_694 = vector.shape_cast %swap3A_693 : vector<1x16xf32> to vector<16xf32>
    %swap3A_695 = vector.shape_cast %broadcast_in_dim3A_1 : vector<16xf32> to vector<1x16xf32>
    tpu.vector_store %arg11[%swap3A_691, %swap3A_692], %swap3A_695 {strides = array<i32>} : memref<16x128xf32, #tpu.memory_space<vmem>>, vector<1x16xf32>,
    %swap3A_696 = arith.constant 14 : i32
    %swap3A_697 = arith.index_cast %swap3A_696 : i32 to index
    %swap3A_698 = arith.constant 48 : index
    %swap3A_699 = tpu.vector_load %arg11[%swap3A_697, %swap3A_698] {strides = array<i32>} : memref<16x128xf32, #tpu.memory_space<vmem>>, vector<1x16xf32>,
    %swap3A_700 = vector.shape_cast %swap3A_699 : vector<1x16xf32> to vector<16xf32>
    %swap3A_701 = vector.shape_cast %broadcast_in_dim3A_1 : vector<16xf32> to vector<1x16xf32>
    tpu.vector_store %arg11[%swap3A_697, %swap3A_698], %swap3A_701 {strides = array<i32>} : memref<16x128xf32, #tpu.memory_space<vmem>>, vector<1x16xf32>,
    %swap3A_702 = arith.constant 14 : i32
    %swap3A_703 = arith.index_cast %swap3A_702 : i32 to index
    %swap3A_704 = arith.constant 64 : index
    %swap3A_705 = tpu.vector_load %arg11[%swap3A_703, %swap3A_704] {strides = array<i32>} : memref<16x128xf32, #tpu.memory_space<vmem>>, vector<1x16xf32>,
    %swap3A_706 = vector.shape_cast %swap3A_705 : vector<1x16xf32> to vector<16xf32>
    %swap3A_707 = vector.shape_cast %broadcast_in_dim3A_1 : vector<16xf32> to vector<1x16xf32>
    tpu.vector_store %arg11[%swap3A_703, %swap3A_704], %swap3A_707 {strides = array<i32>} : memref<16x128xf32, #tpu.memory_space<vmem>>, vector<1x16xf32>,
    %swap3A_708 = arith.constant 14 : i32
    %swap3A_709 = arith.index_cast %swap3A_708 : i32 to index
    %swap3A_710 = arith.constant 80 : index
    %swap3A_711 = tpu.vector_load %arg11[%swap3A_709, %swap3A_710] {strides = array<i32>} : memref<16x128xf32, #tpu.memory_space<vmem>>, vector<1x16xf32>,
    %swap3A_712 = vector.shape_cast %swap3A_711 : vector<1x16xf32> to vector<16xf32>
    %swap3A_713 = vector.shape_cast %broadcast_in_dim3A_1 : vector<16xf32> to vector<1x16xf32>
    tpu.vector_store %arg11[%swap3A_709, %swap3A_710], %swap3A_713 {strides = array<i32>} : memref<16x128xf32, #tpu.memory_space<vmem>>, vector<1x16xf32>,
    %swap3A_714 = arith.constant 14 : i32
    %swap3A_715 = arith.index_cast %swap3A_714 : i32 to index
    %swap3A_716 = arith.constant 96 : index
    %swap3A_717 = tpu.vector_load %arg11[%swap3A_715, %swap3A_716] {strides = array<i32>} : memref<16x128xf32, #tpu.memory_space<vmem>>, vector<1x16xf32>,
    %swap3A_718 = vector.shape_cast %swap3A_717 : vector<1x16xf32> to vector<16xf32>
    %swap3A_719 = vector.shape_cast %broadcast_in_dim3A_1 : vector<16xf32> to vector<1x16xf32>
    tpu.vector_store %arg11[%swap3A_715, %swap3A_716], %swap3A_719 {strides = array<i32>} : memref<16x128xf32, #tpu.memory_space<vmem>>, vector<1x16xf32>,
    %swap3A_720 = arith.constant 14 : i32
    %swap3A_721 = arith.index_cast %swap3A_720 : i32 to index
    %swap3A_722 = arith.constant 112 : index
    %swap3A_723 = tpu.vector_load %arg11[%swap3A_721, %swap3A_722] {strides = array<i32>} : memref<16x128xf32, #tpu.memory_space<vmem>>, vector<1x16xf32>,
    %swap3A_724 = vector.shape_cast %swap3A_723 : vector<1x16xf32> to vector<16xf32>
    %swap3A_725 = vector.shape_cast %broadcast_in_dim3A_1 : vector<16xf32> to vector<1x16xf32>
    tpu.vector_store %arg11[%swap3A_721, %swap3A_722], %swap3A_725 {strides = array<i32>} : memref<16x128xf32, #tpu.memory_space<vmem>>, vector<1x16xf32>,
    %swap3A_726 = arith.constant 15 : i32
    %swap3A_727 = arith.index_cast %swap3A_726 : i32 to index
    %swap3A_728 = arith.constant 0 : index
    %swap3A_729 = tpu.vector_load %arg11[%swap3A_727, %swap3A_728] {strides = array<i32>} : memref<16x128xf32, #tpu.memory_space<vmem>>, vector<1x16xf32>,
    %swap3A_730 = vector.shape_cast %swap3A_729 : vector<1x16xf32> to vector<16xf32>
    %swap3A_731 = vector.shape_cast %broadcast_in_dim3A_1 : vector<16xf32> to vector<1x16xf32>
    tpu.vector_store %arg11[%swap3A_727, %swap3A_728], %swap3A_731 {strides = array<i32>} : memref<16x128xf32, #tpu.memory_space<vmem>>, vector<1x16xf32>,
    %swap3A_732 = arith.constant 15 : i32
    %swap3A_733 = arith.index_cast %swap3A_732 : i32 to index
    %swap3A_734 = arith.constant 16 : index
    %swap3A_735 = tpu.vector_load %arg11[%swap3A_733, %swap3A_734] {strides = array<i32>} : memref<16x128xf32, #tpu.memory_space<vmem>>, vector<1x16xf32>,
    %swap3A_736 = vector.shape_cast %swap3A_735 : vector<1x16xf32> to vector<16xf32>
    %swap3A_737 = vector.shape_cast %broadcast_in_dim3A_1 : vector<16xf32> to vector<1x16xf32>
    tpu.vector_store %arg11[%swap3A_733, %swap3A_734], %swap3A_737 {strides = array<i32>} : memref<16x128xf32, #tpu.memory_space<vmem>>, vector<1x16xf32>,
    %swap3A_738 = arith.constant 15 : i32
    %swap3A_739 = arith.index_cast %swap3A_738 : i32 to index
    %swap3A_740 = arith.constant 32 : index
    %swap3A_741 = tpu.vector_load %arg11[%swap3A_739, %swap3A_740] {strides = array<i32>} : memref<16x128xf32, #tpu.memory_space<vmem>>, vector<1x16xf32>,
    %swap3A_742 = vector.shape_cast %swap3A_741 : vector<1x16xf32> to vector<16xf32>
    %swap3A_743 = vector.shape_cast %broadcast_in_dim3A_1 : vector<16xf32> to vector<1x16xf32>
    tpu.vector_store %arg11[%swap3A_739, %swap3A_740], %swap3A_743 {strides = array<i32>} : memref<16x128xf32, #tpu.memory_space<vmem>>, vector<1x16xf32>,
    %swap3A_744 = arith.constant 15 : i32
    %swap3A_745 = arith.index_cast %swap3A_744 : i32 to index
    %swap3A_746 = arith.constant 48 : index
    %swap3A_747 = tpu.vector_load %arg11[%swap3A_745, %swap3A_746] {strides = array<i32>} : memref<16x128xf32, #tpu.memory_space<vmem>>, vector<1x16xf32>,
    %swap3A_748 = vector.shape_cast %swap3A_747 : vector<1x16xf32> to vector<16xf32>
    %swap3A_749 = vector.shape_cast %broadcast_in_dim3A_1 : vector<16xf32> to vector<1x16xf32>
    tpu.vector_store %arg11[%swap3A_745, %swap3A_746], %swap3A_749 {strides = array<i32>} : memref<16x128xf32, #tpu.memory_space<vmem>>, vector<1x16xf32>,
    %swap3A_750 = arith.constant 15 : i32
    %swap3A_751 = arith.index_cast %swap3A_750 : i32 to index
    %swap3A_752 = arith.constant 64 : index
    %swap3A_753 = tpu.vector_load %arg11[%swap3A_751, %swap3A_752] {strides = array<i32>} : memref<16x128xf32, #tpu.memory_space<vmem>>, vector<1x16xf32>,
    %swap3A_754 = vector.shape_cast %swap3A_753 : vector<1x16xf32> to vector<16xf32>
    %swap3A_755 = vector.shape_cast %broadcast_in_dim3A_1 : vector<16xf32> to vector<1x16xf32>
    tpu.vector_store %arg11[%swap3A_751, %swap3A_752], %swap3A_755 {strides = array<i32>} : memref<16x128xf32, #tpu.memory_space<vmem>>, vector<1x16xf32>,
    %swap3A_756 = arith.constant 15 : i32
    %swap3A_757 = arith.index_cast %swap3A_756 : i32 to index
    %swap3A_758 = arith.constant 80 : index
    %swap3A_759 = tpu.vector_load %arg11[%swap3A_757, %swap3A_758] {strides = array<i32>} : memref<16x128xf32, #tpu.memory_space<vmem>>, vector<1x16xf32>,
    %swap3A_760 = vector.shape_cast %swap3A_759 : vector<1x16xf32> to vector<16xf32>
    %swap3A_761 = vector.shape_cast %broadcast_in_dim3A_1 : vector<16xf32> to vector<1x16xf32>
    tpu.vector_store %arg11[%swap3A_757, %swap3A_758], %swap3A_761 {strides = array<i32>} : memref<16x128xf32, #tpu.memory_space<vmem>>, vector<1x16xf32>,
    %swap3A_762 = arith.constant 15 : i32
    %swap3A_763 = arith.index_cast %swap3A_762 : i32 to index
    %swap3A_764 = arith.constant 96 : index
    %swap3A_765 = tpu.vector_load %arg11[%swap3A_763, %swap3A_764] {strides = array<i32>} : memref<16x128xf32, #tpu.memory_space<vmem>>, vector<1x16xf32>,
    %swap3A_766 = vector.shape_cast %swap3A_765 : vector<1x16xf32> to vector<16xf32>
    %swap3A_767 = vector.shape_cast %broadcast_in_dim3A_1 : vector<16xf32> to vector<1x16xf32>
    tpu.vector_store %arg11[%swap3A_763, %swap3A_764], %swap3A_767 {strides = array<i32>} : memref<16x128xf32, #tpu.memory_space<vmem>>, vector<1x16xf32>,
    %swap3A_768 = arith.constant 15 : i32
    %swap3A_769 = arith.index_cast %swap3A_768 : i32 to index
    %swap3A_770 = arith.constant 112 : index
    %swap3A_771 = tpu.vector_load %arg11[%swap3A_769, %swap3A_770] {strides = array<i32>} : memref<16x128xf32, #tpu.memory_space<vmem>>, vector<1x16xf32>,
    %swap3A_772 = vector.shape_cast %swap3A_771 : vector<1x16xf32> to vector<16xf32>
    %swap3A_773 = vector.shape_cast %broadcast_in_dim3A_1 : vector<16xf32> to vector<1x16xf32>
    tpu.vector_store %arg11[%swap3A_769, %swap3A_770], %swap3A_773 {strides = array<i32>} : memref<16x128xf32, #tpu.memory_space<vmem>>, vector<1x16xf32>,
    "tpu.region"() ({
      %run_scoped3A = tpu.sem_alloc : memref<!tpu.dma_semaphore, #tpu.memory_space<semaphore_mem>>
      %dma_start3A = arith.constant 0 : i32
      %dma_start3A_774 = arith.constant 0 : i32
      %dma_start3A_775 = tpu.memref_slice %arg6[%add3A, %dma_start3A, %dma_start3A_774] : memref<32x16x128xf32, #tpu.memory_space<hbm>> -> memref<1x16x128xf32, #tpu.memory_space<hbm>>
      %dma_start3A_776 = tpu.memref_squeeze %dma_start3A_775 : memref<1x16x128xf32, #tpu.memory_space<hbm>> -> memref<16x128xf32, #tpu.memory_space<hbm>>
      %dma_start3A_777 = arith.constant 0 : i32
      %dma_start3A_778 = arith.constant 0 : i32
      %dma_start3A_779 = tpu.memref_slice %arg6[%add3A, %dma_start3A_777, %dma_start3A_778] : memref<32x16x128xf32, #tpu.memory_space<hbm>> -> memref<1x16x128xf32, #tpu.memory_space<hbm>>
      %dma_start3A_780 = tpu.memref_squeeze %dma_start3A_779 : memref<1x16x128xf32, #tpu.memory_space<hbm>> -> memref<16x128xf32, #tpu.memory_space<hbm>>
      tpu.enqueue_dma source(%arg11 : memref<16x128xf32, #tpu.memory_space<vmem>>) target(%dma_start3A_780 : memref<16x128xf32, #tpu.memory_space<hbm>>) target_semaphore(%run_scoped3A : memref<!tpu.dma_semaphore, #tpu.memory_space<semaphore_mem>>)
      %dma_wait3A = arith.constant 0 : i32
      %dma_wait3A_781 = arith.constant 0 : i32
      %dma_wait3A_782 = tpu.memref_slice %arg6[%add3A, %dma_wait3A, %dma_wait3A_781] : memref<32x16x128xf32, #tpu.memory_space<hbm>> -> memref<1x16x128xf32, #tpu.memory_space<hbm>>
      %dma_wait3A_783 = tpu.memref_squeeze %dma_wait3A_782 : memref<1x16x128xf32, #tpu.memory_space<hbm>> -> memref<16x128xf32, #tpu.memory_space<hbm>>
      %dma_wait3A_784 = arith.constant 0 : i32
      %dma_wait3A_785 = arith.constant 0 : i32
      %dma_wait3A_786 = tpu.memref_slice %arg6[%add3A, %dma_wait3A_784, %dma_wait3A_785] : memref<32x16x128xf32, #tpu.memory_space<hbm>> -> memref<1x16x128xf32, #tpu.memory_space<hbm>>
      %dma_wait3A_787 = tpu.memref_squeeze %dma_wait3A_786 : memref<1x16x128xf32, #tpu.memory_space<hbm>> -> memref<16x128xf32, #tpu.memory_space<hbm>>
      tpu.wait_dma2 semaphore(%run_scoped3A : memref<!tpu.dma_semaphore, #tpu.memory_space<semaphore_mem>>) src(%arg11 : memref<16x128xf32, #tpu.memory_space<vmem>>) dst(%dma_wait3A_787 : memref<16x128xf32, #tpu.memory_space<hbm>>)
      tpu.yield
    }) : () -> ()
    return
  }
}

module attributes {stable_mosaic.version = 14 : i64} {
  func.func @_k0_body(%arg0: i32, %arg1: memref<1x2048x64xf32, #tpu.memory_space<vmem>>, %arg2: memref<1x2048x3xf32, #tpu.memory_space<vmem>>, %arg3: memref<64x128xf32, #tpu.memory_space<vmem>>, %arg4: memref<3x128xf32, #tpu.memory_space<vmem>>, %arg5: memref<1x2048x128xf32, #tpu.memory_space<vmem>>) attributes {dimension_semantics = [#tpu.dimension_semantics<arbitrary>], iteration_bounds = array<i64: 2>, scalar_prefetch = 0 : i64, scratch_operands = 0 : i64, tpu.core_type = #tpu.core_type<tc>, window_params = [{transform_indices = @transform_0, window_bounds = array<i64: 1, 2048, 64>}, {transform_indices = @transform_1, window_bounds = array<i64: 1, 2048, 3>}, {pipeline_mode = #tpu.pipeline_mode<synchronous>, transform_indices = @transform_2, window_bounds = array<i64: 64, 128>}, {pipeline_mode = #tpu.pipeline_mode<synchronous>, transform_indices = @transform_3, window_bounds = array<i64: 3, 128>}, {transform_indices = @transform_4, window_bounds = array<i64: 1, 2048, 128>}]} {
    %get3A = arith.constant 0 : index
    %get3A_0 = arith.constant 0 : index
    %get3A_1 = arith.constant 0 : index
    %get3A_2 = vector.load %arg1[%get3A, %get3A_0, %get3A_1] : memref<1x2048x64xf32, #tpu.memory_space<vmem>>, vector<1x2048x64xf32>
    %get3A_3 = vector.shape_cast %get3A_2 : vector<1x2048x64xf32> to vector<2048x64xf32>
    %get3A_4 = arith.constant 0 : index
    %get3A_5 = arith.constant 0 : index
    %get3A_6 = vector.load %arg3[%get3A_4, %get3A_5] : memref<64x128xf32, #tpu.memory_space<vmem>>, vector<64x128xf32>
    %dot_general3A = arith.constant dense<0.000000e+00> : vector<2048x128xf32>
    %dot_general3A_7 = tpu.matmul %get3A_3, %get3A_6, %dot_general3A {dimension_numbers = #tpu.dot_dimension_numbers<[1], [0], [0], [1], [0, 0, 1, 1], [], []>, transpose_lhs_hint = false} : vector<2048x64xf32>, vector<64x128xf32>, vector<2048x128xf32> -> vector<2048x128xf32>
    %get3A_8 = arith.constant 0 : index
    %get3A_9 = arith.constant 0 : index
    %get3A_10 = arith.constant 0 : index
    %get3A_11 = vector.load %arg2[%get3A_8, %get3A_9, %get3A_10] : memref<1x2048x3xf32, #tpu.memory_space<vmem>>, vector<1x2048x3xf32>
    %get3A_12 = vector.shape_cast %get3A_11 : vector<1x2048x3xf32> to vector<2048x3xf32>
    %get3A_13 = arith.constant 0 : index
    %get3A_14 = arith.constant 0 : index
    %get3A_15 = vector.load %arg4[%get3A_13, %get3A_14] : memref<3x128xf32, #tpu.memory_space<vmem>>, vector<3x128xf32>
    %dot_general3A_16 = arith.constant dense<0.000000e+00> : vector<2048x128xf32>
    %dot_general3A_17 = tpu.matmul %get3A_12, %get3A_15, %dot_general3A_16 {dimension_numbers = #tpu.dot_dimension_numbers<[1], [0], [0], [1], [0, 0, 1, 1], [], []>, transpose_lhs_hint = false} : vector<2048x3xf32>, vector<3x128xf32>, vector<2048x128xf32> -> vector<2048x128xf32>
    %add3A = arith.addf %dot_general3A_7, %dot_general3A_17 : vector<2048x128xf32>
    %swap3A = arith.constant 0 : index
    %swap3A_18 = arith.constant 0 : index
    %swap3A_19 = arith.constant 0 : index
    %swap3A_20 = vector.load %arg5[%swap3A, %swap3A_18, %swap3A_19] : memref<1x2048x128xf32, #tpu.memory_space<vmem>>, vector<1x2048x128xf32>
    %swap3A_21 = vector.shape_cast %swap3A_20 : vector<1x2048x128xf32> to vector<2048x128xf32>
    %swap3A_22 = vector.shape_cast %add3A : vector<2048x128xf32> to vector<1x2048x128xf32>
    tpu.vector_store %arg5[%swap3A, %swap3A_18, %swap3A_19], %swap3A_22 {strides = array<i32>} : memref<1x2048x128xf32, #tpu.memory_space<vmem>>, vector<1x2048x128xf32>,
    return
  }
  func.func @transform_0(%arg0: i32) -> (i32, i32, i32) {
    %c0_i32 = arith.constant 0 : i32
    %c0_i32_0 = arith.constant 0 : i32
    %c0_i32_1 = arith.constant 0 : i32
    return %arg0, %c0_i32, %c0_i32_0 : i32, i32, i32
  }
  func.func @transform_1(%arg0: i32) -> (i32, i32, i32) {
    %c0_i32 = arith.constant 0 : i32
    %c0_i32_0 = arith.constant 0 : i32
    %c0_i32_1 = arith.constant 0 : i32
    return %arg0, %c0_i32, %c0_i32_0 : i32, i32, i32
  }
  func.func @transform_2(%arg0: i32) -> (i32, i32) {
    %c0_i32 = arith.constant 0 : i32
    %c0_i32_0 = arith.constant 0 : i32
    %c0_i32_1 = arith.constant 0 : i32
    return %c0_i32, %c0_i32_0 : i32, i32
  }
  func.func @transform_3(%arg0: i32) -> (i32, i32) {
    %c0_i32 = arith.constant 0 : i32
    %c0_i32_0 = arith.constant 0 : i32
    %c0_i32_1 = arith.constant 0 : i32
    return %c0_i32, %c0_i32_0 : i32, i32
  }
  func.func @transform_4(%arg0: i32) -> (i32, i32, i32) {
    %c0_i32 = arith.constant 0 : i32
    %c0_i32_0 = arith.constant 0 : i32
    %c0_i32_1 = arith.constant 0 : i32
    return %arg0, %c0_i32, %c0_i32_0 : i32, i32, i32
  }
}

module attributes {stable_mosaic.version = 14 : i64} {
  func.func @_k1_body(%arg0: i32, %arg1: i32, %arg2: memref<1x512x3xf32, #tpu.memory_space<vmem>>, %arg3: memref<1x3x2048xf32, #tpu.memory_space<vmem>>, %arg4: memref<3x128xf32, #tpu.memory_space<vmem>>, %arg5: memref<1x512x16xi32, #tpu.memory_space<vmem>>, %arg6: memref<1x512x128xf32, #tpu.memory_space<vmem>>, %arg7: memref<8x64xf32, #tpu.memory_space<vmem>>) attributes {dimension_semantics = [#tpu.dimension_semantics<arbitrary>, #tpu.dimension_semantics<arbitrary>], iteration_bounds = array<i64: 1, 16>, scalar_prefetch = 0 : i64, scratch_operands = 0 : i64, tpu.core_type = #tpu.core_type<tc>, window_params = [{transform_indices = @transform_0, window_bounds = array<i64: 1, 512, 3>}, {transform_indices = @transform_1, window_bounds = array<i64: 1, 3, 2048>}, {pipeline_mode = #tpu.pipeline_mode<synchronous>, transform_indices = @transform_2, window_bounds = array<i64: 3, 128>}, {transform_indices = @transform_3, window_bounds = array<i64: 1, 512, 16>}, {transform_indices = @transform_4, window_bounds = array<i64: 1, 512, 128>}, {pipeline_mode = #tpu.pipeline_mode<synchronous>, transform_indices = @transform_5, window_bounds = array<i64: 8, 64>}]} {
    %get3A = arith.constant 0 : index
    %get3A_0 = arith.constant 0 : index
    %get3A_1 = arith.constant 0 : index
    %get3A_2 = vector.load %arg2[%get3A, %get3A_0, %get3A_1] : memref<1x512x3xf32, #tpu.memory_space<vmem>>, vector<1x512x3xf32>
    %get3A_3 = vector.shape_cast %get3A_2 : vector<1x512x3xf32> to vector<512x3xf32>
    %get3A_4 = arith.constant 0 : index
    %get3A_5 = arith.constant 0 : index
    %get3A_6 = arith.constant 0 : index
    %get3A_7 = vector.load %arg3[%get3A_4, %get3A_5, %get3A_6] : memref<1x3x2048xf32, #tpu.memory_space<vmem>>, vector<1x3x2048xf32>
    %get3A_8 = vector.shape_cast %get3A_7 : vector<1x3x2048xf32> to vector<3x2048xf32>
    %get3A_9 = arith.constant 0 : index
    %get3A_10 = arith.constant 0 : index
    %get3A_11 = vector.load %arg4[%get3A_9, %get3A_10] : memref<3x128xf32, #tpu.memory_space<vmem>>, vector<3x128xf32>
    %dot_general3A = arith.constant dense<0.000000e+00> : vector<512x128xf32>
    %dot_general3A_12 = tpu.matmul %get3A_3, %get3A_11, %dot_general3A {dimension_numbers = #tpu.dot_dimension_numbers<[1], [0], [0], [1], [0, 0, 1, 1], [], []>, transpose_lhs_hint = false} : vector<512x3xf32>, vector<3x128xf32>, vector<512x128xf32> -> vector<512x128xf32>
    %mul3A = arith.mulf %get3A_3, %get3A_3 : vector<512x3xf32>
    %reduce_sum3A = arith.constant dense<0.000000e+00> : vector<512xf32>
    %reduce_sum3A_13 = vector.multi_reduction <add>, %mul3A, %reduce_sum3A [1] : vector<512x3xf32> to vector<512xf32>
    %broadcast_in_dim3A = vector.shape_cast %reduce_sum3A_13 : vector<512xf32> to vector<512x1xf32>
    %mul3A_14 = arith.mulf %get3A_8, %get3A_8 : vector<3x2048xf32>
    %reduce_sum3A_15 = arith.constant dense<0.000000e+00> : vector<2048xf32>
    %reduce_sum3A_16 = vector.multi_reduction <add>, %mul3A_14, %reduce_sum3A_15 [0] : vector<3x2048xf32> to vector<2048xf32>
    %broadcast_in_dim3A_17 = vector.shape_cast %reduce_sum3A_16 : vector<2048xf32> to vector<1x2048xf32>
    %dot_general3A_18 = arith.constant dense<0.000000e+00> : vector<512x2048xf32>
    %dot_general3A_19 = tpu.matmul %get3A_3, %get3A_8, %dot_general3A_18 {dimension_numbers = #tpu.dot_dimension_numbers<[1], [0], [0], [1], [0, 0, 1, 1], [], []>, transpose_lhs_hint = false} : vector<512x3xf32>, vector<3x2048xf32>, vector<512x2048xf32> -> vector<512x2048xf32>
    %mul3A_20 = arith.constant 2.000000e+00 : f32
    %mul3A_21 = vector.broadcast %mul3A_20 : f32 to vector<512x2048xf32>
    %mul3A_22 = arith.mulf %mul3A_21, %dot_general3A_19 : vector<512x2048xf32>
    %sub3A = vector.broadcast %broadcast_in_dim3A : vector<512x1xf32> to vector<512x2048xf32>
    %sub3A_23 = arith.subf %sub3A, %mul3A_22 : vector<512x2048xf32>
    %add3A = vector.broadcast %broadcast_in_dim3A_17 : vector<1x2048xf32> to vector<512x2048xf32>
    %add3A_24 = arith.addf %sub3A_23, %add3A : vector<512x2048xf32>
    %iota3A = tpu.iota {dimensions = array<i32: 1>} : vector<512x2048xi32>
    %iota3A_25 = tpu.iota {dimensions = array<i32: 1>} : vector<512x16xi32>
    %mul3A_26 = arith.constant 2048 : i32
    %mul3A_27 = arith.muli %arg0, %mul3A_26 : i32
    %broadcast_in_dim3A_28 = arith.constant 0 : i32
    %broadcast_in_dim3A_29 = vector.broadcast %broadcast_in_dim3A_28 : i32 to vector<512x16xi32>
    %argmin3A = tpu.reduce_index %add3A_24 {axis = 1 : i32, kind = #tpu.reduction_kind<arg_min>} : vector<512x2048xf32> -> vector<512xi32>
    %broadcast_in_dim3A_30 = vector.shape_cast %argmin3A : vector<512xi32> to vector<512x1xi32>
    %eq3A = vector.broadcast %broadcast_in_dim3A_30 : vector<512x1xi32> to vector<512x2048xi32>
    %eq3A_31 = arith.cmpi eq, %iota3A, %eq3A : vector<512x2048xi32>
    %jit3A = arith.constant 0x7F800000 : f32
    %broadcast_in_dim3A_32 = vector.broadcast %jit3A : f32 to vector<512x2048xf32>
    %select_n3A = arith.select %eq3A_31, %broadcast_in_dim3A_32, %add3A_24 : vector<512x2048xi1>, vector<512x2048xf32>
    %eq3A_33 = arith.constant 0 : i32
    %eq3A_34 = vector.broadcast %eq3A_33 : i32 to vector<512x16xi32>
    %eq3A_35 = arith.cmpi eq, %iota3A_25, %eq3A_34 : vector<512x16xi32>
    %add3A_36 = vector.broadcast %mul3A_27 : i32 to vector<512x1xi32>
    %add3A_37 = arith.addi %broadcast_in_dim3A_30, %add3A_36 : vector<512x1xi32>
    %broadcast_in_dim3A_38 = vector.shape_cast %add3A_37 : vector<512x1xi32> to vector<512x1xi32>
    %broadcast_in_dim3A_39 = vector.broadcast %broadcast_in_dim3A_38 : vector<512x1xi32> to vector<512x16xi32>
    %select_n3A_40 = arith.select %eq3A_35, %broadcast_in_dim3A_39, %broadcast_in_dim3A_29 : vector<512x16xi1>, vector<512x16xi32>
    %argmin3A_41 = tpu.reduce_index %select_n3A {axis = 1 : i32, kind = #tpu.reduction_kind<arg_min>} : vector<512x2048xf32> -> vector<512xi32>
    %broadcast_in_dim3A_42 = vector.shape_cast %argmin3A_41 : vector<512xi32> to vector<512x1xi32>
    %eq3A_43 = vector.broadcast %broadcast_in_dim3A_42 : vector<512x1xi32> to vector<512x2048xi32>
    %eq3A_44 = arith.cmpi eq, %iota3A, %eq3A_43 : vector<512x2048xi32>
    %jit3A_45 = arith.constant 0x7F800000 : f32
    %broadcast_in_dim3A_46 = vector.broadcast %jit3A_45 : f32 to vector<512x2048xf32>
    %select_n3A_47 = arith.select %eq3A_44, %broadcast_in_dim3A_46, %select_n3A : vector<512x2048xi1>, vector<512x2048xf32>
    %eq3A_48 = arith.constant 1 : i32
    %eq3A_49 = vector.broadcast %eq3A_48 : i32 to vector<512x16xi32>
    %eq3A_50 = arith.cmpi eq, %iota3A_25, %eq3A_49 : vector<512x16xi32>
    %add3A_51 = vector.broadcast %mul3A_27 : i32 to vector<512x1xi32>
    %add3A_52 = arith.addi %broadcast_in_dim3A_42, %add3A_51 : vector<512x1xi32>
    %broadcast_in_dim3A_53 = vector.shape_cast %add3A_52 : vector<512x1xi32> to vector<512x1xi32>
    %broadcast_in_dim3A_54 = vector.broadcast %broadcast_in_dim3A_53 : vector<512x1xi32> to vector<512x16xi32>
    %select_n3A_55 = arith.select %eq3A_50, %broadcast_in_dim3A_54, %select_n3A_40 : vector<512x16xi1>, vector<512x16xi32>
    %argmin3A_56 = tpu.reduce_index %select_n3A_47 {axis = 1 : i32, kind = #tpu.reduction_kind<arg_min>} : vector<512x2048xf32> -> vector<512xi32>
    %broadcast_in_dim3A_57 = vector.shape_cast %argmin3A_56 : vector<512xi32> to vector<512x1xi32>
    %eq3A_58 = vector.broadcast %broadcast_in_dim3A_57 : vector<512x1xi32> to vector<512x2048xi32>
    %eq3A_59 = arith.cmpi eq, %iota3A, %eq3A_58 : vector<512x2048xi32>
    %jit3A_60 = arith.constant 0x7F800000 : f32
    %broadcast_in_dim3A_61 = vector.broadcast %jit3A_60 : f32 to vector<512x2048xf32>
    %select_n3A_62 = arith.select %eq3A_59, %broadcast_in_dim3A_61, %select_n3A_47 : vector<512x2048xi1>, vector<512x2048xf32>
    %eq3A_63 = arith.constant 2 : i32
    %eq3A_64 = vector.broadcast %eq3A_63 : i32 to vector<512x16xi32>
    %eq3A_65 = arith.cmpi eq, %iota3A_25, %eq3A_64 : vector<512x16xi32>
    %add3A_66 = vector.broadcast %mul3A_27 : i32 to vector<512x1xi32>
    %add3A_67 = arith.addi %broadcast_in_dim3A_57, %add3A_66 : vector<512x1xi32>
    %broadcast_in_dim3A_68 = vector.shape_cast %add3A_67 : vector<512x1xi32> to vector<512x1xi32>
    %broadcast_in_dim3A_69 = vector.broadcast %broadcast_in_dim3A_68 : vector<512x1xi32> to vector<512x16xi32>
    %select_n3A_70 = arith.select %eq3A_65, %broadcast_in_dim3A_69, %select_n3A_55 : vector<512x16xi1>, vector<512x16xi32>
    %argmin3A_71 = tpu.reduce_index %select_n3A_62 {axis = 1 : i32, kind = #tpu.reduction_kind<arg_min>} : vector<512x2048xf32> -> vector<512xi32>
    %broadcast_in_dim3A_72 = vector.shape_cast %argmin3A_71 : vector<512xi32> to vector<512x1xi32>
    %eq3A_73 = vector.broadcast %broadcast_in_dim3A_72 : vector<512x1xi32> to vector<512x2048xi32>
    %eq3A_74 = arith.cmpi eq, %iota3A, %eq3A_73 : vector<512x2048xi32>
    %jit3A_75 = arith.constant 0x7F800000 : f32
    %broadcast_in_dim3A_76 = vector.broadcast %jit3A_75 : f32 to vector<512x2048xf32>
    %select_n3A_77 = arith.select %eq3A_74, %broadcast_in_dim3A_76, %select_n3A_62 : vector<512x2048xi1>, vector<512x2048xf32>
    %eq3A_78 = arith.constant 3 : i32
    %eq3A_79 = vector.broadcast %eq3A_78 : i32 to vector<512x16xi32>
    %eq3A_80 = arith.cmpi eq, %iota3A_25, %eq3A_79 : vector<512x16xi32>
    %add3A_81 = vector.broadcast %mul3A_27 : i32 to vector<512x1xi32>
    %add3A_82 = arith.addi %broadcast_in_dim3A_72, %add3A_81 : vector<512x1xi32>
    %broadcast_in_dim3A_83 = vector.shape_cast %add3A_82 : vector<512x1xi32> to vector<512x1xi32>
    %broadcast_in_dim3A_84 = vector.broadcast %broadcast_in_dim3A_83 : vector<512x1xi32> to vector<512x16xi32>
    %select_n3A_85 = arith.select %eq3A_80, %broadcast_in_dim3A_84, %select_n3A_70 : vector<512x16xi1>, vector<512x16xi32>
    %argmin3A_86 = tpu.reduce_index %select_n3A_77 {axis = 1 : i32, kind = #tpu.reduction_kind<arg_min>} : vector<512x2048xf32> -> vector<512xi32>
    %broadcast_in_dim3A_87 = vector.shape_cast %argmin3A_86 : vector<512xi32> to vector<512x1xi32>
    %eq3A_88 = vector.broadcast %broadcast_in_dim3A_87 : vector<512x1xi32> to vector<512x2048xi32>
    %eq3A_89 = arith.cmpi eq, %iota3A, %eq3A_88 : vector<512x2048xi32>
    %jit3A_90 = arith.constant 0x7F800000 : f32
    %broadcast_in_dim3A_91 = vector.broadcast %jit3A_90 : f32 to vector<512x2048xf32>
    %select_n3A_92 = arith.select %eq3A_89, %broadcast_in_dim3A_91, %select_n3A_77 : vector<512x2048xi1>, vector<512x2048xf32>
    %eq3A_93 = arith.constant 4 : i32
    %eq3A_94 = vector.broadcast %eq3A_93 : i32 to vector<512x16xi32>
    %eq3A_95 = arith.cmpi eq, %iota3A_25, %eq3A_94 : vector<512x16xi32>
    %add3A_96 = vector.broadcast %mul3A_27 : i32 to vector<512x1xi32>
    %add3A_97 = arith.addi %broadcast_in_dim3A_87, %add3A_96 : vector<512x1xi32>
    %broadcast_in_dim3A_98 = vector.shape_cast %add3A_97 : vector<512x1xi32> to vector<512x1xi32>
    %broadcast_in_dim3A_99 = vector.broadcast %broadcast_in_dim3A_98 : vector<512x1xi32> to vector<512x16xi32>
    %select_n3A_100 = arith.select %eq3A_95, %broadcast_in_dim3A_99, %select_n3A_85 : vector<512x16xi1>, vector<512x16xi32>
    %argmin3A_101 = tpu.reduce_index %select_n3A_92 {axis = 1 : i32, kind = #tpu.reduction_kind<arg_min>} : vector<512x2048xf32> -> vector<512xi32>
    %broadcast_in_dim3A_102 = vector.shape_cast %argmin3A_101 : vector<512xi32> to vector<512x1xi32>
    %eq3A_103 = vector.broadcast %broadcast_in_dim3A_102 : vector<512x1xi32> to vector<512x2048xi32>
    %eq3A_104 = arith.cmpi eq, %iota3A, %eq3A_103 : vector<512x2048xi32>
    %jit3A_105 = arith.constant 0x7F800000 : f32
    %broadcast_in_dim3A_106 = vector.broadcast %jit3A_105 : f32 to vector<512x2048xf32>
    %select_n3A_107 = arith.select %eq3A_104, %broadcast_in_dim3A_106, %select_n3A_92 : vector<512x2048xi1>, vector<512x2048xf32>
    %eq3A_108 = arith.constant 5 : i32
    %eq3A_109 = vector.broadcast %eq3A_108 : i32 to vector<512x16xi32>
    %eq3A_110 = arith.cmpi eq, %iota3A_25, %eq3A_109 : vector<512x16xi32>
    %add3A_111 = vector.broadcast %mul3A_27 : i32 to vector<512x1xi32>
    %add3A_112 = arith.addi %broadcast_in_dim3A_102, %add3A_111 : vector<512x1xi32>
    %broadcast_in_dim3A_113 = vector.shape_cast %add3A_112 : vector<512x1xi32> to vector<512x1xi32>
    %broadcast_in_dim3A_114 = vector.broadcast %broadcast_in_dim3A_113 : vector<512x1xi32> to vector<512x16xi32>
    %select_n3A_115 = arith.select %eq3A_110, %broadcast_in_dim3A_114, %select_n3A_100 : vector<512x16xi1>, vector<512x16xi32>
    %argmin3A_116 = tpu.reduce_index %select_n3A_107 {axis = 1 : i32, kind = #tpu.reduction_kind<arg_min>} : vector<512x2048xf32> -> vector<512xi32>
    %broadcast_in_dim3A_117 = vector.shape_cast %argmin3A_116 : vector<512xi32> to vector<512x1xi32>
    %eq3A_118 = vector.broadcast %broadcast_in_dim3A_117 : vector<512x1xi32> to vector<512x2048xi32>
    %eq3A_119 = arith.cmpi eq, %iota3A, %eq3A_118 : vector<512x2048xi32>
    %jit3A_120 = arith.constant 0x7F800000 : f32
    %broadcast_in_dim3A_121 = vector.broadcast %jit3A_120 : f32 to vector<512x2048xf32>
    %select_n3A_122 = arith.select %eq3A_119, %broadcast_in_dim3A_121, %select_n3A_107 : vector<512x2048xi1>, vector<512x2048xf32>
    %eq3A_123 = arith.constant 6 : i32
    %eq3A_124 = vector.broadcast %eq3A_123 : i32 to vector<512x16xi32>
    %eq3A_125 = arith.cmpi eq, %iota3A_25, %eq3A_124 : vector<512x16xi32>
    %add3A_126 = vector.broadcast %mul3A_27 : i32 to vector<512x1xi32>
    %add3A_127 = arith.addi %broadcast_in_dim3A_117, %add3A_126 : vector<512x1xi32>
    %broadcast_in_dim3A_128 = vector.shape_cast %add3A_127 : vector<512x1xi32> to vector<512x1xi32>
    %broadcast_in_dim3A_129 = vector.broadcast %broadcast_in_dim3A_128 : vector<512x1xi32> to vector<512x16xi32>
    %select_n3A_130 = arith.select %eq3A_125, %broadcast_in_dim3A_129, %select_n3A_115 : vector<512x16xi1>, vector<512x16xi32>
    %argmin3A_131 = tpu.reduce_index %select_n3A_122 {axis = 1 : i32, kind = #tpu.reduction_kind<arg_min>} : vector<512x2048xf32> -> vector<512xi32>
    %broadcast_in_dim3A_132 = vector.shape_cast %argmin3A_131 : vector<512xi32> to vector<512x1xi32>
    %eq3A_133 = vector.broadcast %broadcast_in_dim3A_132 : vector<512x1xi32> to vector<512x2048xi32>
    %eq3A_134 = arith.cmpi eq, %iota3A, %eq3A_133 : vector<512x2048xi32>
    %jit3A_135 = arith.constant 0x7F800000 : f32
    %broadcast_in_dim3A_136 = vector.broadcast %jit3A_135 : f32 to vector<512x2048xf32>
    %select_n3A_137 = arith.select %eq3A_134, %broadcast_in_dim3A_136, %select_n3A_122 : vector<512x2048xi1>, vector<512x2048xf32>
    %eq3A_138 = arith.constant 7 : i32
    %eq3A_139 = vector.broadcast %eq3A_138 : i32 to vector<512x16xi32>
    %eq3A_140 = arith.cmpi eq, %iota3A_25, %eq3A_139 : vector<512x16xi32>
    %add3A_141 = vector.broadcast %mul3A_27 : i32 to vector<512x1xi32>
    %add3A_142 = arith.addi %broadcast_in_dim3A_132, %add3A_141 : vector<512x1xi32>
    %broadcast_in_dim3A_143 = vector.shape_cast %add3A_142 : vector<512x1xi32> to vector<512x1xi32>
    %broadcast_in_dim3A_144 = vector.broadcast %broadcast_in_dim3A_143 : vector<512x1xi32> to vector<512x16xi32>
    %select_n3A_145 = arith.select %eq3A_140, %broadcast_in_dim3A_144, %select_n3A_130 : vector<512x16xi1>, vector<512x16xi32>
    %argmin3A_146 = tpu.reduce_index %select_n3A_137 {axis = 1 : i32, kind = #tpu.reduction_kind<arg_min>} : vector<512x2048xf32> -> vector<512xi32>
    %broadcast_in_dim3A_147 = vector.shape_cast %argmin3A_146 : vector<512xi32> to vector<512x1xi32>
    %eq3A_148 = vector.broadcast %broadcast_in_dim3A_147 : vector<512x1xi32> to vector<512x2048xi32>
    %eq3A_149 = arith.cmpi eq, %iota3A, %eq3A_148 : vector<512x2048xi32>
    %jit3A_150 = arith.constant 0x7F800000 : f32
    %broadcast_in_dim3A_151 = vector.broadcast %jit3A_150 : f32 to vector<512x2048xf32>
    %select_n3A_152 = arith.select %eq3A_149, %broadcast_in_dim3A_151, %select_n3A_137 : vector<512x2048xi1>, vector<512x2048xf32>
    %eq3A_153 = arith.constant 8 : i32
    %eq3A_154 = vector.broadcast %eq3A_153 : i32 to vector<512x16xi32>
    %eq3A_155 = arith.cmpi eq, %iota3A_25, %eq3A_154 : vector<512x16xi32>
    %add3A_156 = vector.broadcast %mul3A_27 : i32 to vector<512x1xi32>
    %add3A_157 = arith.addi %broadcast_in_dim3A_147, %add3A_156 : vector<512x1xi32>
    %broadcast_in_dim3A_158 = vector.shape_cast %add3A_157 : vector<512x1xi32> to vector<512x1xi32>
    %broadcast_in_dim3A_159 = vector.broadcast %broadcast_in_dim3A_158 : vector<512x1xi32> to vector<512x16xi32>
    %select_n3A_160 = arith.select %eq3A_155, %broadcast_in_dim3A_159, %select_n3A_145 : vector<512x16xi1>, vector<512x16xi32>
    %argmin3A_161 = tpu.reduce_index %select_n3A_152 {axis = 1 : i32, kind = #tpu.reduction_kind<arg_min>} : vector<512x2048xf32> -> vector<512xi32>
    %broadcast_in_dim3A_162 = vector.shape_cast %argmin3A_161 : vector<512xi32> to vector<512x1xi32>
    %eq3A_163 = vector.broadcast %broadcast_in_dim3A_162 : vector<512x1xi32> to vector<512x2048xi32>
    %eq3A_164 = arith.cmpi eq, %iota3A, %eq3A_163 : vector<512x2048xi32>
    %jit3A_165 = arith.constant 0x7F800000 : f32
    %broadcast_in_dim3A_166 = vector.broadcast %jit3A_165 : f32 to vector<512x2048xf32>
    %select_n3A_167 = arith.select %eq3A_164, %broadcast_in_dim3A_166, %select_n3A_152 : vector<512x2048xi1>, vector<512x2048xf32>
    %eq3A_168 = arith.constant 9 : i32
    %eq3A_169 = vector.broadcast %eq3A_168 : i32 to vector<512x16xi32>
    %eq3A_170 = arith.cmpi eq, %iota3A_25, %eq3A_169 : vector<512x16xi32>
    %add3A_171 = vector.broadcast %mul3A_27 : i32 to vector<512x1xi32>
    %add3A_172 = arith.addi %broadcast_in_dim3A_162, %add3A_171 : vector<512x1xi32>
    %broadcast_in_dim3A_173 = vector.shape_cast %add3A_172 : vector<512x1xi32> to vector<512x1xi32>
    %broadcast_in_dim3A_174 = vector.broadcast %broadcast_in_dim3A_173 : vector<512x1xi32> to vector<512x16xi32>
    %select_n3A_175 = arith.select %eq3A_170, %broadcast_in_dim3A_174, %select_n3A_160 : vector<512x16xi1>, vector<512x16xi32>
    %argmin3A_176 = tpu.reduce_index %select_n3A_167 {axis = 1 : i32, kind = #tpu.reduction_kind<arg_min>} : vector<512x2048xf32> -> vector<512xi32>
    %broadcast_in_dim3A_177 = vector.shape_cast %argmin3A_176 : vector<512xi32> to vector<512x1xi32>
    %eq3A_178 = vector.broadcast %broadcast_in_dim3A_177 : vector<512x1xi32> to vector<512x2048xi32>
    %eq3A_179 = arith.cmpi eq, %iota3A, %eq3A_178 : vector<512x2048xi32>
    %jit3A_180 = arith.constant 0x7F800000 : f32
    %broadcast_in_dim3A_181 = vector.broadcast %jit3A_180 : f32 to vector<512x2048xf32>
    %select_n3A_182 = arith.select %eq3A_179, %broadcast_in_dim3A_181, %select_n3A_167 : vector<512x2048xi1>, vector<512x2048xf32>
    %eq3A_183 = arith.constant 10 : i32
    %eq3A_184 = vector.broadcast %eq3A_183 : i32 to vector<512x16xi32>
    %eq3A_185 = arith.cmpi eq, %iota3A_25, %eq3A_184 : vector<512x16xi32>
    %add3A_186 = vector.broadcast %mul3A_27 : i32 to vector<512x1xi32>
    %add3A_187 = arith.addi %broadcast_in_dim3A_177, %add3A_186 : vector<512x1xi32>
    %broadcast_in_dim3A_188 = vector.shape_cast %add3A_187 : vector<512x1xi32> to vector<512x1xi32>
    %broadcast_in_dim3A_189 = vector.broadcast %broadcast_in_dim3A_188 : vector<512x1xi32> to vector<512x16xi32>
    %select_n3A_190 = arith.select %eq3A_185, %broadcast_in_dim3A_189, %select_n3A_175 : vector<512x16xi1>, vector<512x16xi32>
    %argmin3A_191 = tpu.reduce_index %select_n3A_182 {axis = 1 : i32, kind = #tpu.reduction_kind<arg_min>} : vector<512x2048xf32> -> vector<512xi32>
    %broadcast_in_dim3A_192 = vector.shape_cast %argmin3A_191 : vector<512xi32> to vector<512x1xi32>
    %eq3A_193 = vector.broadcast %broadcast_in_dim3A_192 : vector<512x1xi32> to vector<512x2048xi32>
    %eq3A_194 = arith.cmpi eq, %iota3A, %eq3A_193 : vector<512x2048xi32>
    %jit3A_195 = arith.constant 0x7F800000 : f32
    %broadcast_in_dim3A_196 = vector.broadcast %jit3A_195 : f32 to vector<512x2048xf32>
    %select_n3A_197 = arith.select %eq3A_194, %broadcast_in_dim3A_196, %select_n3A_182 : vector<512x2048xi1>, vector<512x2048xf32>
    %eq3A_198 = arith.constant 11 : i32
    %eq3A_199 = vector.broadcast %eq3A_198 : i32 to vector<512x16xi32>
    %eq3A_200 = arith.cmpi eq, %iota3A_25, %eq3A_199 : vector<512x16xi32>
    %add3A_201 = vector.broadcast %mul3A_27 : i32 to vector<512x1xi32>
    %add3A_202 = arith.addi %broadcast_in_dim3A_192, %add3A_201 : vector<512x1xi32>
    %broadcast_in_dim3A_203 = vector.shape_cast %add3A_202 : vector<512x1xi32> to vector<512x1xi32>
    %broadcast_in_dim3A_204 = vector.broadcast %broadcast_in_dim3A_203 : vector<512x1xi32> to vector<512x16xi32>
    %select_n3A_205 = arith.select %eq3A_200, %broadcast_in_dim3A_204, %select_n3A_190 : vector<512x16xi1>, vector<512x16xi32>
    %argmin3A_206 = tpu.reduce_index %select_n3A_197 {axis = 1 : i32, kind = #tpu.reduction_kind<arg_min>} : vector<512x2048xf32> -> vector<512xi32>
    %broadcast_in_dim3A_207 = vector.shape_cast %argmin3A_206 : vector<512xi32> to vector<512x1xi32>
    %eq3A_208 = vector.broadcast %broadcast_in_dim3A_207 : vector<512x1xi32> to vector<512x2048xi32>
    %eq3A_209 = arith.cmpi eq, %iota3A, %eq3A_208 : vector<512x2048xi32>
    %jit3A_210 = arith.constant 0x7F800000 : f32
    %broadcast_in_dim3A_211 = vector.broadcast %jit3A_210 : f32 to vector<512x2048xf32>
    %select_n3A_212 = arith.select %eq3A_209, %broadcast_in_dim3A_211, %select_n3A_197 : vector<512x2048xi1>, vector<512x2048xf32>
    %eq3A_213 = arith.constant 12 : i32
    %eq3A_214 = vector.broadcast %eq3A_213 : i32 to vector<512x16xi32>
    %eq3A_215 = arith.cmpi eq, %iota3A_25, %eq3A_214 : vector<512x16xi32>
    %add3A_216 = vector.broadcast %mul3A_27 : i32 to vector<512x1xi32>
    %add3A_217 = arith.addi %broadcast_in_dim3A_207, %add3A_216 : vector<512x1xi32>
    %broadcast_in_dim3A_218 = vector.shape_cast %add3A_217 : vector<512x1xi32> to vector<512x1xi32>
    %broadcast_in_dim3A_219 = vector.broadcast %broadcast_in_dim3A_218 : vector<512x1xi32> to vector<512x16xi32>
    %select_n3A_220 = arith.select %eq3A_215, %broadcast_in_dim3A_219, %select_n3A_205 : vector<512x16xi1>, vector<512x16xi32>
    %argmin3A_221 = tpu.reduce_index %select_n3A_212 {axis = 1 : i32, kind = #tpu.reduction_kind<arg_min>} : vector<512x2048xf32> -> vector<512xi32>
    %broadcast_in_dim3A_222 = vector.shape_cast %argmin3A_221 : vector<512xi32> to vector<512x1xi32>
    %eq3A_223 = vector.broadcast %broadcast_in_dim3A_222 : vector<512x1xi32> to vector<512x2048xi32>
    %eq3A_224 = arith.cmpi eq, %iota3A, %eq3A_223 : vector<512x2048xi32>
    %jit3A_225 = arith.constant 0x7F800000 : f32
    %broadcast_in_dim3A_226 = vector.broadcast %jit3A_225 : f32 to vector<512x2048xf32>
    %select_n3A_227 = arith.select %eq3A_224, %broadcast_in_dim3A_226, %select_n3A_212 : vector<512x2048xi1>, vector<512x2048xf32>
    %eq3A_228 = arith.constant 13 : i32
    %eq3A_229 = vector.broadcast %eq3A_228 : i32 to vector<512x16xi32>
    %eq3A_230 = arith.cmpi eq, %iota3A_25, %eq3A_229 : vector<512x16xi32>
    %add3A_231 = vector.broadcast %mul3A_27 : i32 to vector<512x1xi32>
    %add3A_232 = arith.addi %broadcast_in_dim3A_222, %add3A_231 : vector<512x1xi32>
    %broadcast_in_dim3A_233 = vector.shape_cast %add3A_232 : vector<512x1xi32> to vector<512x1xi32>
    %broadcast_in_dim3A_234 = vector.broadcast %broadcast_in_dim3A_233 : vector<512x1xi32> to vector<512x16xi32>
    %select_n3A_235 = arith.select %eq3A_230, %broadcast_in_dim3A_234, %select_n3A_220 : vector<512x16xi1>, vector<512x16xi32>
    %argmin3A_236 = tpu.reduce_index %select_n3A_227 {axis = 1 : i32, kind = #tpu.reduction_kind<arg_min>} : vector<512x2048xf32> -> vector<512xi32>
    %broadcast_in_dim3A_237 = vector.shape_cast %argmin3A_236 : vector<512xi32> to vector<512x1xi32>
    %eq3A_238 = vector.broadcast %broadcast_in_dim3A_237 : vector<512x1xi32> to vector<512x2048xi32>
    %eq3A_239 = arith.cmpi eq, %iota3A, %eq3A_238 : vector<512x2048xi32>
    %jit3A_240 = arith.constant 0x7F800000 : f32
    %broadcast_in_dim3A_241 = vector.broadcast %jit3A_240 : f32 to vector<512x2048xf32>
    %select_n3A_242 = arith.select %eq3A_239, %broadcast_in_dim3A_241, %select_n3A_227 : vector<512x2048xi1>, vector<512x2048xf32>
    %eq3A_243 = arith.constant 14 : i32
    %eq3A_244 = vector.broadcast %eq3A_243 : i32 to vector<512x16xi32>
    %eq3A_245 = arith.cmpi eq, %iota3A_25, %eq3A_244 : vector<512x16xi32>
    %add3A_246 = vector.broadcast %mul3A_27 : i32 to vector<512x1xi32>
    %add3A_247 = arith.addi %broadcast_in_dim3A_237, %add3A_246 : vector<512x1xi32>
    %broadcast_in_dim3A_248 = vector.shape_cast %add3A_247 : vector<512x1xi32> to vector<512x1xi32>
    %broadcast_in_dim3A_249 = vector.broadcast %broadcast_in_dim3A_248 : vector<512x1xi32> to vector<512x16xi32>
    %select_n3A_250 = arith.select %eq3A_245, %broadcast_in_dim3A_249, %select_n3A_235 : vector<512x16xi1>, vector<512x16xi32>
    %argmin3A_251 = tpu.reduce_index %select_n3A_242 {axis = 1 : i32, kind = #tpu.reduction_kind<arg_min>} : vector<512x2048xf32> -> vector<512xi32>
    %broadcast_in_dim3A_252 = vector.shape_cast %argmin3A_251 : vector<512xi32> to vector<512x1xi32>
    %eq3A_253 = arith.constant 15 : i32
    %eq3A_254 = vector.broadcast %eq3A_253 : i32 to vector<512x16xi32>
    %eq3A_255 = arith.cmpi eq, %iota3A_25, %eq3A_254 : vector<512x16xi32>
    %add3A_256 = vector.broadcast %mul3A_27 : i32 to vector<512x1xi32>
    %add3A_257 = arith.addi %broadcast_in_dim3A_252, %add3A_256 : vector<512x1xi32>
    %broadcast_in_dim3A_258 = vector.shape_cast %add3A_257 : vector<512x1xi32> to vector<512x1xi32>
    %broadcast_in_dim3A_259 = vector.broadcast %broadcast_in_dim3A_258 : vector<512x1xi32> to vector<512x16xi32>
    %select_n3A_260 = arith.select %eq3A_255, %broadcast_in_dim3A_259, %select_n3A_250 : vector<512x16xi1>, vector<512x16xi32>
    %swap3A = arith.constant 0 : index
    %swap3A_261 = arith.constant 0 : index
    %swap3A_262 = arith.constant 0 : index
    %swap3A_263 = vector.load %arg5[%swap3A, %swap3A_261, %swap3A_262] : memref<1x512x16xi32, #tpu.memory_space<vmem>>, vector<1x512x16xi32>
    %swap3A_264 = vector.shape_cast %swap3A_263 : vector<1x512x16xi32> to vector<512x16xi32>
    %swap3A_265 = vector.shape_cast %select_n3A_260 : vector<512x16xi32> to vector<1x512x16xi32>
    tpu.vector_store %arg5[%swap3A, %swap3A_261, %swap3A_262], %swap3A_265 {strides = array<i32>} : memref<1x512x16xi32, #tpu.memory_space<vmem>>, vector<1x512x16xi32>,
    %swap3A_266 = arith.constant 0 : index
    %swap3A_267 = arith.constant 0 : index
    %swap3A_268 = arith.constant 0 : index
    %swap3A_269 = vector.load %arg6[%swap3A_266, %swap3A_267, %swap3A_268] : memref<1x512x128xf32, #tpu.memory_space<vmem>>, vector<1x512x128xf32>
    %swap3A_270 = vector.shape_cast %swap3A_269 : vector<1x512x128xf32> to vector<512x128xf32>
    %swap3A_271 = vector.shape_cast %dot_general3A_12 : vector<512x128xf32> to vector<1x512x128xf32>
    tpu.vector_store %arg6[%swap3A_266, %swap3A_267, %swap3A_268], %swap3A_271 {strides = array<i32>} : memref<1x512x128xf32, #tpu.memory_space<vmem>>, vector<1x512x128xf32>,
    %slice3A = vector.extract_strided_slice %dot_general3A_12 {offsets = [0, 0], sizes = [512, 64], strides = [1, 1]} : vector<512x128xf32> to vector<512x64xf32>
    %reduce_sum3A_272 = arith.constant dense<0.000000e+00> : vector<64xf32>
    %reduce_sum3A_273 = vector.multi_reduction <add>, %slice3A, %reduce_sum3A_272 [0] : vector<512x64xf32> to vector<64xf32>
    %broadcast_in_dim3A_274 = vector.shape_cast %reduce_sum3A_273 : vector<64xf32> to vector<1x64xf32>
    %mul3A_275 = arith.mulf %slice3A, %slice3A : vector<512x64xf32>
    %reduce_sum3A_276 = arith.constant dense<0.000000e+00> : vector<64xf32>
    %reduce_sum3A_277 = vector.multi_reduction <add>, %mul3A_275, %reduce_sum3A_276 [0] : vector<512x64xf32> to vector<64xf32>
    %broadcast_in_dim3A_278 = vector.shape_cast %reduce_sum3A_277 : vector<64xf32> to vector<1x64xf32>
    %broadcast_in_dim3A_279 = arith.constant 0.000000e+00 : f32
    %broadcast_in_dim3A_280 = vector.broadcast %broadcast_in_dim3A_279 : f32 to vector<6x64xf32>
    %concatenate3A = tpu.concatenate %broadcast_in_dim3A_274, %broadcast_in_dim3A_278, %broadcast_in_dim3A_280 in 0 : vector<1x64xf32>, vector<1x64xf32>, vector<6x64xf32> -> vector<8x64xf32>
    %eq3A_281 = arith.constant 0 : i32
    %eq3A_282 = arith.cmpi eq, %arg0, %eq3A_281 : i32
    %eq3A_283 = arith.constant 0 : i32
    %eq3A_284 = arith.cmpi eq, %arg1, %eq3A_283 : i32
    %and3A = arith.andi %eq3A_282, %eq3A_284 : i1
    %convert_element_type3A = arith.extui %and3A : i1 to i32
    %cond3A = arith.constant 0 : i32
    %cond3A_285 = arith.cmpi ne, %convert_element_type3A, %cond3A : i32
    scf.if %cond3A_285 {
      %broadcast_in_dim3A_293 = arith.constant 0.000000e+00 : f32
      %broadcast_in_dim3A_294 = vector.broadcast %broadcast_in_dim3A_293 : f32 to vector<8x64xf32>
      %swap3A_295 = arith.constant 0 : index
      %swap3A_296 = arith.constant 0 : index
      %swap3A_297 = vector.load %arg7[%swap3A_295, %swap3A_296] : memref<8x64xf32, #tpu.memory_space<vmem>>, vector<8x64xf32>
      tpu.vector_store %arg7[%swap3A_295, %swap3A_296], %broadcast_in_dim3A_294 {strides = array<i32>} : memref<8x64xf32, #tpu.memory_space<vmem>>, vector<8x64xf32>,
    } else {
    }
    %get3A_286 = arith.constant 0 : index
    %get3A_287 = arith.constant 0 : index
    %get3A_288 = vector.load %arg7[%get3A_286, %get3A_287] : memref<8x64xf32, #tpu.memory_space<vmem>>, vector<8x64xf32>
    %add3A_289 = arith.addf %get3A_288, %concatenate3A : vector<8x64xf32>
    %swap3A_290 = arith.constant 0 : index
    %swap3A_291 = arith.constant 0 : index
    %swap3A_292 = vector.load %arg7[%swap3A_290, %swap3A_291] : memref<8x64xf32, #tpu.memory_space<vmem>>, vector<8x64xf32>
    tpu.vector_store %arg7[%swap3A_290, %swap3A_291], %add3A_289 {strides = array<i32>} : memref<8x64xf32, #tpu.memory_space<vmem>>, vector<8x64xf32>,
    return
  }
  func.func @transform_0(%arg0: i32, %arg1: i32) -> (i32, i32, i32) {
    %c0_i32 = arith.constant 0 : i32
    %c0_i32_0 = arith.constant 0 : i32
    return %arg0, %arg1, %c0_i32 : i32, i32, i32
  }
  func.func @transform_1(%arg0: i32, %arg1: i32) -> (i32, i32, i32) {
    %c0_i32 = arith.constant 0 : i32
    %c0_i32_0 = arith.constant 0 : i32
    %c0_i32_1 = arith.constant 0 : i32
    return %arg0, %c0_i32, %c0_i32_0 : i32, i32, i32
  }
  func.func @transform_2(%arg0: i32, %arg1: i32) -> (i32, i32) {
    %c0_i32 = arith.constant 0 : i32
    %c0_i32_0 = arith.constant 0 : i32
    %c0_i32_1 = arith.constant 0 : i32
    return %c0_i32, %c0_i32_0 : i32, i32
  }
  func.func @transform_3(%arg0: i32, %arg1: i32) -> (i32, i32, i32) {
    %c0_i32 = arith.constant 0 : i32
    %c0_i32_0 = arith.constant 0 : i32
    return %arg0, %arg1, %c0_i32 : i32, i32, i32
  }
  func.func @transform_4(%arg0: i32, %arg1: i32) -> (i32, i32, i32) {
    %c0_i32 = arith.constant 0 : i32
    %c0_i32_0 = arith.constant 0 : i32
    return %arg0, %arg1, %c0_i32 : i32, i32, i32
  }
  func.func @transform_5(%arg0: i32, %arg1: i32) -> (i32, i32) {
    %c0_i32 = arith.constant 0 : i32
    %c0_i32_0 = arith.constant 0 : i32
    %c0_i32_1 = arith.constant 0 : i32
    return %c0_i32, %c0_i32_0 : i32, i32
  }
}

module attributes {stable_mosaic.version = 14 : i64} {
  func.func @_k2_body(%arg0: i32, %arg1: i32, %arg2: memref<1x512x128xf32, #tpu.memory_space<vmem>>, %arg3: memref<1x512x128xf32, #tpu.memory_space<vmem>>, %arg4: memref<1x512x64xf32, #tpu.memory_space<vmem>>, %arg5: memref<2x8x64xf32, #tpu.memory_space<vmem>>, %arg6: memref<64x8x64xf32, #tpu.memory_space<vmem>>, %arg7: memref<1x64xf32, #tpu.memory_space<vmem>>, %arg8: memref<1x64xf32, #tpu.memory_space<vmem>>, %arg9: memref<128x128xf32, #tpu.memory_space<vmem>>, %arg10: memref<8x128xf32, #tpu.memory_space<vmem>>) attributes {dimension_semantics = [#tpu.dimension_semantics<arbitrary>, #tpu.dimension_semantics<arbitrary>], iteration_bounds = array<i64: 1, 16>, scalar_prefetch = 0 : i64, scratch_operands = 0 : i64, tpu.core_type = #tpu.core_type<tc>, window_params = [{transform_indices = @transform_0, window_bounds = array<i64: 1, 512, 128>}, {transform_indices = @transform_1, window_bounds = array<i64: 1, 512, 128>}, {transform_indices = @transform_2, window_bounds = array<i64: 1, 512, 64>}, {pipeline_mode = #tpu.pipeline_mode<synchronous>, transform_indices = @transform_3, window_bounds = array<i64: 2, 8, 64>}, {pipeline_mode = #tpu.pipeline_mode<synchronous>, transform_indices = @transform_4, window_bounds = array<i64: 64, 8, 64>}, {pipeline_mode = #tpu.pipeline_mode<synchronous>, transform_indices = @transform_5, window_bounds = array<i64: 1, 64>}, {pipeline_mode = #tpu.pipeline_mode<synchronous>, transform_indices = @transform_6, window_bounds = array<i64: 1, 64>}, {pipeline_mode = #tpu.pipeline_mode<synchronous>, transform_indices = @transform_7, window_bounds = array<i64: 128, 128>}, {pipeline_mode = #tpu.pipeline_mode<synchronous>, transform_indices = @transform_8, window_bounds = array<i64: 8, 128>}]} {
    %get3A = arith.constant 0 : index
    %get3A_0 = arith.constant 0 : index
    %get3A_1 = arith.constant 0 : index
    %get3A_2 = vector.load %arg5[%get3A, %get3A_0, %get3A_1] : memref<2x8x64xf32, #tpu.memory_space<vmem>>, vector<2x8x64xf32>
    %reduce_sum3A = arith.constant dense<0.000000e+00> : vector<8x64xf32>
    %reduce_sum3A_3 = vector.multi_reduction <add>, %get3A_2, %reduce_sum3A [0] : vector<2x8x64xf32> to vector<8x64xf32>
    %get3A_4 = arith.constant 0 : index
    %get3A_5 = arith.constant 0 : index
    %get3A_6 = arith.constant 0 : index
    %get3A_7 = vector.load %arg6[%get3A_4, %get3A_5, %get3A_6] : memref<64x8x64xf32, #tpu.memory_space<vmem>>, vector<64x8x64xf32>
    %reduce_sum3A_8 = arith.constant dense<0.000000e+00> : vector<8x64xf32>
    %reduce_sum3A_9 = vector.multi_reduction <add>, %get3A_7, %reduce_sum3A_8 [0] : vector<64x8x64xf32> to vector<8x64xf32>
    %slice3A = vector.extract_strided_slice %reduce_sum3A_9 {offsets = [0, 0], sizes = [1, 64], strides = [1, 1]} : vector<8x64xf32> to vector<1x64xf32>
    %slice3A_10 = vector.extract_strided_slice %reduce_sum3A_9 {offsets = [1, 0], sizes = [1, 64], strides = [1, 1]} : vector<8x64xf32> to vector<1x64xf32>
    %slice3A_11 = vector.extract_strided_slice %reduce_sum3A_9 {offsets = [2, 0], sizes = [1, 64], strides = [1, 1]} : vector<8x64xf32> to vector<1x64xf32>
    %slice3A_12 = vector.extract_strided_slice %reduce_sum3A_3 {offsets = [0, 0], sizes = [1, 64], strides = [1, 1]} : vector<8x64xf32> to vector<1x64xf32>
    %slice3A_13 = vector.extract_strided_slice %reduce_sum3A_3 {offsets = [1, 0], sizes = [1, 64], strides = [1, 1]} : vector<8x64xf32> to vector<1x64xf32>
    %mul3A = arith.constant 1.600000e+01 : f32
    %mul3A_14 = vector.broadcast %mul3A : f32 to vector<1x64xf32>
    %mul3A_15 = arith.mulf %mul3A_14, %slice3A_12 : vector<1x64xf32>
    %sub3A = arith.subf %slice3A, %mul3A_15 : vector<1x64xf32>
    %div3A = arith.constant 2.621440e+05 : f32
    %div3A_16 = vector.broadcast %div3A : f32 to vector<1x64xf32>
    %div3A_17 = arith.divf %sub3A, %div3A_16 : vector<1x64xf32>
    %mul3A_18 = arith.constant 2.000000e+00 : f32
    %mul3A_19 = vector.broadcast %mul3A_18 : f32 to vector<1x64xf32>
    %mul3A_20 = arith.mulf %mul3A_19, %slice3A_11 : vector<1x64xf32>
    %sub3A_21 = arith.subf %slice3A_10, %mul3A_20 : vector<1x64xf32>
    %mul3A_22 = arith.constant 1.600000e+01 : f32
    %mul3A_23 = vector.broadcast %mul3A_22 : f32 to vector<1x64xf32>
    %mul3A_24 = arith.mulf %mul3A_23, %slice3A_13 : vector<1x64xf32>
    %add3A = arith.addf %sub3A_21, %mul3A_24 : vector<1x64xf32>
    %div3A_25 = arith.constant 2.621440e+05 : f32
    %div3A_26 = vector.broadcast %div3A_25 : f32 to vector<1x64xf32>
    %div3A_27 = arith.divf %add3A, %div3A_26 : vector<1x64xf32>
    %mul3A_28 = arith.mulf %div3A_17, %div3A_17 : vector<1x64xf32>
    %sub3A_29 = arith.subf %div3A_27, %mul3A_28 : vector<1x64xf32>
    %get3A_30 = arith.constant 0 : index
    %get3A_31 = arith.constant 0 : index
    %get3A_32 = vector.load %arg7[%get3A_30, %get3A_31] : memref<1x64xf32, #tpu.memory_space<vmem>>, vector<1x64xf32>
    %add3A_33 = arith.constant 9.99999974E-6 : f32
    %add3A_34 = vector.broadcast %add3A_33 : f32 to vector<1x64xf32>
    %add3A_35 = arith.addf %sub3A_29, %add3A_34 : vector<1x64xf32>
    %rsqrt3A = math.rsqrt %add3A_35 : vector<1x64xf32>
    %mul3A_36 = arith.mulf %get3A_32, %rsqrt3A : vector<1x64xf32>
    %get3A_37 = arith.constant 0 : index
    %get3A_38 = arith.constant 0 : index
    %get3A_39 = vector.load %arg8[%get3A_37, %get3A_38] : memref<1x64xf32, #tpu.memory_space<vmem>>, vector<1x64xf32>
    %mul3A_40 = arith.mulf %mul3A_36, %div3A_17 : vector<1x64xf32>
    %sub3A_41 = arith.subf %get3A_39, %mul3A_40 : vector<1x64xf32>
    %get3A_42 = arith.constant 0 : index
    %get3A_43 = arith.constant 0 : index
    %get3A_44 = arith.constant 0 : index
    %get3A_45 = vector.load %arg2[%get3A_42, %get3A_43, %get3A_44] : memref<1x512x128xf32, #tpu.memory_space<vmem>>, vector<1x512x128xf32>
    %get3A_46 = vector.shape_cast %get3A_45 : vector<1x512x128xf32> to vector<512x128xf32>
    %ge3A = arith.constant 0.000000e+00 : f32
    %ge3A_47 = vector.broadcast %ge3A : f32 to vector<1x64xf32>
    %ge3A_48 = arith.cmpf oge, %mul3A_36, %ge3A_47 : vector<1x64xf32>
    %slice3A_49 = vector.extract_strided_slice %get3A_46 {offsets = [0, 0], sizes = [512, 64], strides = [1, 1]} : vector<512x128xf32> to vector<512x64xf32>
    %slice3A_50 = vector.extract_strided_slice %get3A_46 {offsets = [0, 64], sizes = [512, 64], strides = [1, 1]} : vector<512x128xf32> to vector<512x64xf32>
    %broadcast_in_dim3A = vector.shape_cast %ge3A_48 : vector<1x64xi1> to vector<1x64xi1>
    %broadcast_in_dim3A_51 = vector.broadcast %broadcast_in_dim3A : vector<1x64xi1> to vector<512x64xi1>
    %select_n3A = arith.select %broadcast_in_dim3A_51, %slice3A_49, %slice3A_50 : vector<512x64xi1>, vector<512x64xf32>
    %get3A_52 = arith.constant 0 : index
    %get3A_53 = arith.constant 0 : index
    %get3A_54 = arith.constant 0 : index
    %get3A_55 = vector.load %arg3[%get3A_52, %get3A_53, %get3A_54] : memref<1x512x128xf32, #tpu.memory_space<vmem>>, vector<1x512x128xf32>
    %get3A_56 = vector.shape_cast %get3A_55 : vector<1x512x128xf32> to vector<512x128xf32>
    %slice3A_57 = vector.extract_strided_slice %get3A_56 {offsets = [0, 0], sizes = [512, 64], strides = [1, 1]} : vector<512x128xf32> to vector<512x64xf32>
    %sub3A_58 = arith.subf %select_n3A, %slice3A_57 : vector<512x64xf32>
    %mul3A_59 = vector.broadcast %mul3A_36 : vector<1x64xf32> to vector<512x64xf32>
    %mul3A_60 = arith.mulf %mul3A_59, %sub3A_58 : vector<512x64xf32>
    %add3A_61 = vector.broadcast %sub3A_41 : vector<1x64xf32> to vector<512x64xf32>
    %add3A_62 = arith.addf %mul3A_60, %add3A_61 : vector<512x64xf32>
    %max3A = arith.constant 0.000000e+00 : f32
    %max3A_63 = vector.broadcast %max3A : f32 to vector<512x64xf32>
    %max3A_64 = arith.maximumf %add3A_62, %max3A_63 : vector<512x64xf32>
    %get3A_65 = arith.constant 0 : index
    %get3A_66 = arith.constant 0 : index
    %get3A_67 = arith.constant 0 : index
    %get3A_68 = vector.load %arg4[%get3A_65, %get3A_66, %get3A_67] : memref<1x512x64xf32, #tpu.memory_space<vmem>>, vector<1x512x64xf32>
    %get3A_69 = vector.shape_cast %get3A_68 : vector<1x512x64xf32> to vector<512x64xf32>
    %concatenate3A = tpu.concatenate %max3A_64, %get3A_69 in 1 : vector<512x64xf32>, vector<512x64xf32> -> vector<512x128xf32>
    %dot_general3A = arith.constant dense<0.000000e+00> : vector<128x128xf32>
    %dot_general3A_70 = tpu.matmul %concatenate3A, %concatenate3A, %dot_general3A {dimension_numbers = #tpu.dot_dimension_numbers<[0], [0], [1], [1], [0, 1, 1, 1], [], []>, precision = #tpu.contract_precision<fp32>, transpose_lhs_hint = false} : vector<512x128xf32>, vector<512x128xf32>, vector<128x128xf32> -> vector<128x128xf32>
    %reduce_sum3A_71 = arith.constant dense<0.000000e+00> : vector<128xf32>
    %reduce_sum3A_72 = vector.multi_reduction <add>, %concatenate3A, %reduce_sum3A_71 [0] : vector<512x128xf32> to vector<128xf32>
    %broadcast_in_dim3A_73 = vector.shape_cast %reduce_sum3A_72 : vector<128xf32> to vector<1x128xf32>
    %eq3A = arith.constant 0 : i32
    %eq3A_74 = arith.cmpi eq, %arg0, %eq3A : i32
    %eq3A_75 = arith.constant 0 : i32
    %eq3A_76 = arith.cmpi eq, %arg1, %eq3A_75 : i32
    %and3A = arith.andi %eq3A_74, %eq3A_76 : i1
    %convert_element_type3A = arith.extui %and3A : i1 to i32
    %cond3A = arith.constant 0 : i32
    %cond3A_77 = arith.cmpi ne, %convert_element_type3A, %cond3A : i32
    scf.if %cond3A_77 {
      %broadcast_in_dim3A_94 = arith.constant 0.000000e+00 : f32
      %broadcast_in_dim3A_95 = vector.broadcast %broadcast_in_dim3A_94 : f32 to vector<128x128xf32>
      %swap3A_96 = arith.constant 0 : index
      %swap3A_97 = arith.constant 0 : index
      %swap3A_98 = vector.load %arg9[%swap3A_96, %swap3A_97] : memref<128x128xf32, #tpu.memory_space<vmem>>, vector<128x128xf32>
      tpu.vector_store %arg9[%swap3A_96, %swap3A_97], %broadcast_in_dim3A_95 {strides = array<i32>} : memref<128x128xf32, #tpu.memory_space<vmem>>, vector<128x128xf32>,
      %broadcast_in_dim3A_99 = arith.constant 0.000000e+00 : f32
      %broadcast_in_dim3A_100 = vector.broadcast %broadcast_in_dim3A_99 : f32 to vector<8x128xf32>
      %swap3A_101 = arith.constant 0 : index
      %swap3A_102 = arith.constant 0 : index
      %swap3A_103 = vector.load %arg10[%swap3A_101, %swap3A_102] : memref<8x128xf32, #tpu.memory_space<vmem>>, vector<8x128xf32>
      tpu.vector_store %arg10[%swap3A_101, %swap3A_102], %broadcast_in_dim3A_100 {strides = array<i32>} : memref<8x128xf32, #tpu.memory_space<vmem>>, vector<8x128xf32>,
    } else {
    }
    %get3A_78 = arith.constant 0 : index
    %get3A_79 = arith.constant 0 : index
    %get3A_80 = vector.load %arg9[%get3A_78, %get3A_79] : memref<128x128xf32, #tpu.memory_space<vmem>>, vector<128x128xf32>
    %add3A_81 = arith.addf %get3A_80, %dot_general3A_70 : vector<128x128xf32>
    %swap3A = arith.constant 0 : index
    %swap3A_82 = arith.constant 0 : index
    %swap3A_83 = vector.load %arg9[%swap3A, %swap3A_82] : memref<128x128xf32, #tpu.memory_space<vmem>>, vector<128x128xf32>
    tpu.vector_store %arg9[%swap3A, %swap3A_82], %add3A_81 {strides = array<i32>} : memref<128x128xf32, #tpu.memory_space<vmem>>, vector<128x128xf32>,
    %get3A_84 = arith.constant 0 : index
    %get3A_85 = arith.constant 0 : index
    %get3A_86 = vector.load %arg10[%get3A_84, %get3A_85] : memref<8x128xf32, #tpu.memory_space<vmem>>, vector<8x128xf32>
    %broadcast_in_dim3A_87 = arith.constant 0.000000e+00 : f32
    %broadcast_in_dim3A_88 = vector.broadcast %broadcast_in_dim3A_87 : f32 to vector<7x128xf32>
    %concatenate3A_89 = tpu.concatenate %broadcast_in_dim3A_73, %broadcast_in_dim3A_88 in 0 : vector<1x128xf32>, vector<7x128xf32> -> vector<8x128xf32>
    %add3A_90 = arith.addf %get3A_86, %concatenate3A_89 : vector<8x128xf32>
    %swap3A_91 = arith.constant 0 : index
    %swap3A_92 = arith.constant 0 : index
    %swap3A_93 = vector.load %arg10[%swap3A_91, %swap3A_92] : memref<8x128xf32, #tpu.memory_space<vmem>>, vector<8x128xf32>
    tpu.vector_store %arg10[%swap3A_91, %swap3A_92], %add3A_90 {strides = array<i32>} : memref<8x128xf32, #tpu.memory_space<vmem>>, vector<8x128xf32>,
    return
  }
  func.func @transform_0(%arg0: i32, %arg1: i32) -> (i32, i32, i32) {
    %c0_i32 = arith.constant 0 : i32
    %c0_i32_0 = arith.constant 0 : i32
    return %arg0, %arg1, %c0_i32 : i32, i32, i32
  }
  func.func @transform_1(%arg0: i32, %arg1: i32) -> (i32, i32, i32) {
    %c0_i32 = arith.constant 0 : i32
    %c0_i32_0 = arith.constant 0 : i32
    return %arg0, %arg1, %c0_i32 : i32, i32, i32
  }
  func.func @transform_2(%arg0: i32, %arg1: i32) -> (i32, i32, i32) {
    %c0_i32 = arith.constant 0 : i32
    %c0_i32_0 = arith.constant 0 : i32
    return %arg0, %arg1, %c0_i32 : i32, i32, i32
  }
  func.func @transform_3(%arg0: i32, %arg1: i32) -> (i32, i32, i32) {
    %c0_i32 = arith.constant 0 : i32
    %c0_i32_0 = arith.constant 0 : i32
    %c0_i32_1 = arith.constant 0 : i32
    %c0_i32_2 = arith.constant 0 : i32
    return %c0_i32, %c0_i32_0, %c0_i32_1 : i32, i32, i32
  }
  func.func @transform_4(%arg0: i32, %arg1: i32) -> (i32, i32, i32) {
    %c0_i32 = arith.constant 0 : i32
    %c0_i32_0 = arith.constant 0 : i32
    %c0_i32_1 = arith.constant 0 : i32
    %c0_i32_2 = arith.constant 0 : i32
    return %c0_i32, %c0_i32_0, %c0_i32_1 : i32, i32, i32
  }
  func.func @transform_5(%arg0: i32, %arg1: i32) -> (i32, i32) {
    %c0_i32 = arith.constant 0 : i32
    %c0_i32_0 = arith.constant 0 : i32
    %c0_i32_1 = arith.constant 0 : i32
    return %c0_i32, %c0_i32_0 : i32, i32
  }
  func.func @transform_6(%arg0: i32, %arg1: i32) -> (i32, i32) {
    %c0_i32 = arith.constant 0 : i32
    %c0_i32_0 = arith.constant 0 : i32
    %c0_i32_1 = arith.constant 0 : i32
    return %c0_i32, %c0_i32_0 : i32, i32
  }
  func.func @transform_7(%arg0: i32, %arg1: i32) -> (i32, i32) {
    %c0_i32 = arith.constant 0 : i32
    %c0_i32_0 = arith.constant 0 : i32
    %c0_i32_1 = arith.constant 0 : i32
    return %c0_i32, %c0_i32_0 : i32, i32
  }
  func.func @transform_8(%arg0: i32, %arg1: i32) -> (i32, i32) {
    %c0_i32 = arith.constant 0 : i32
    %c0_i32_0 = arith.constant 0 : i32
    %c0_i32_1 = arith.constant 0 : i32
    return %c0_i32, %c0_i32_0 : i32, i32
  }
}

module attributes {stable_mosaic.version = 14 : i64} {
  func.func @_k3_body(%arg0: i32, %arg1: i32, %arg2: memref<1x512x128xf32, #tpu.memory_space<vmem>>, %arg3: memref<1x512x128xf32, #tpu.memory_space<vmem>>, %arg4: memref<1x512x64xf32, #tpu.memory_space<vmem>>, %arg5: memref<2x8x64xf32, #tpu.memory_space<vmem>>, %arg6: memref<64x8x64xf32, #tpu.memory_space<vmem>>, %arg7: memref<1x64xf32, #tpu.memory_space<vmem>>, %arg8: memref<1x64xf32, #tpu.memory_space<vmem>>, %arg9: memref<2x128x128xf32, #tpu.memory_space<vmem>>, %arg10: memref<2x8x128xf32, #tpu.memory_space<vmem>>, %arg11: memref<128x128xf32, #tpu.memory_space<vmem>>, %arg12: memref<1x128xf32, #tpu.memory_space<vmem>>, %arg13: memref<1x128xf32, #tpu.memory_space<vmem>>, %arg14: memref<1x128x512xf32, #tpu.memory_space<vmem>>) attributes {dimension_semantics = [#tpu.dimension_semantics<arbitrary>, #tpu.dimension_semantics<arbitrary>], iteration_bounds = array<i64: 1, 16>, scalar_prefetch = 0 : i64, scratch_operands = 0 : i64, tpu.core_type = #tpu.core_type<tc>, window_params = [{transform_indices = @transform_0, window_bounds = array<i64: 1, 512, 128>}, {transform_indices = @transform_1, window_bounds = array<i64: 1, 512, 128>}, {transform_indices = @transform_2, window_bounds = array<i64: 1, 512, 64>}, {pipeline_mode = #tpu.pipeline_mode<synchronous>, transform_indices = @transform_3, window_bounds = array<i64: 2, 8, 64>}, {pipeline_mode = #tpu.pipeline_mode<synchronous>, transform_indices = @transform_4, window_bounds = array<i64: 64, 8, 64>}, {pipeline_mode = #tpu.pipeline_mode<synchronous>, transform_indices = @transform_5, window_bounds = array<i64: 1, 64>}, {pipeline_mode = #tpu.pipeline_mode<synchronous>, transform_indices = @transform_6, window_bounds = array<i64: 1, 64>}, {pipeline_mode = #tpu.pipeline_mode<synchronous>, transform_indices = @transform_7, window_bounds = array<i64: 2, 128, 128>}, {pipeline_mode = #tpu.pipeline_mode<synchronous>, transform_indices = @transform_8, window_bounds = array<i64: 2, 8, 128>}, {pipeline_mode = #tpu.pipeline_mode<synchronous>, transform_indices = @transform_9, window_bounds = array<i64: 128, 128>}, {pipeline_mode = #tpu.pipeline_mode<synchronous>, transform_indices = @transform_10, window_bounds = array<i64: 1, 128>}, {pipeline_mode = #tpu.pipeline_mode<synchronous>, transform_indices = @transform_11, window_bounds = array<i64: 1, 128>}, {transform_indices = @transform_12, window_bounds = array<i64: 1, 128, 512>}]} {
    %get3A = arith.constant 0 : index
    %get3A_0 = arith.constant 0 : index
    %get3A_1 = arith.constant 0 : index
    %get3A_2 = vector.load %arg5[%get3A, %get3A_0, %get3A_1] : memref<2x8x64xf32, #tpu.memory_space<vmem>>, vector<2x8x64xf32>
    %reduce_sum3A = arith.constant dense<0.000000e+00> : vector<8x64xf32>
    %reduce_sum3A_3 = vector.multi_reduction <add>, %get3A_2, %reduce_sum3A [0] : vector<2x8x64xf32> to vector<8x64xf32>
    %get3A_4 = arith.constant 0 : index
    %get3A_5 = arith.constant 0 : index
    %get3A_6 = arith.constant 0 : index
    %get3A_7 = vector.load %arg6[%get3A_4, %get3A_5, %get3A_6] : memref<64x8x64xf32, #tpu.memory_space<vmem>>, vector<64x8x64xf32>
    %reduce_sum3A_8 = arith.constant dense<0.000000e+00> : vector<8x64xf32>
    %reduce_sum3A_9 = vector.multi_reduction <add>, %get3A_7, %reduce_sum3A_8 [0] : vector<64x8x64xf32> to vector<8x64xf32>
    %slice3A = vector.extract_strided_slice %reduce_sum3A_9 {offsets = [0, 0], sizes = [1, 64], strides = [1, 1]} : vector<8x64xf32> to vector<1x64xf32>
    %slice3A_10 = vector.extract_strided_slice %reduce_sum3A_9 {offsets = [1, 0], sizes = [1, 64], strides = [1, 1]} : vector<8x64xf32> to vector<1x64xf32>
    %slice3A_11 = vector.extract_strided_slice %reduce_sum3A_9 {offsets = [2, 0], sizes = [1, 64], strides = [1, 1]} : vector<8x64xf32> to vector<1x64xf32>
    %slice3A_12 = vector.extract_strided_slice %reduce_sum3A_3 {offsets = [0, 0], sizes = [1, 64], strides = [1, 1]} : vector<8x64xf32> to vector<1x64xf32>
    %slice3A_13 = vector.extract_strided_slice %reduce_sum3A_3 {offsets = [1, 0], sizes = [1, 64], strides = [1, 1]} : vector<8x64xf32> to vector<1x64xf32>
    %mul3A = arith.constant 1.600000e+01 : f32
    %mul3A_14 = vector.broadcast %mul3A : f32 to vector<1x64xf32>
    %mul3A_15 = arith.mulf %mul3A_14, %slice3A_12 : vector<1x64xf32>
    %sub3A = arith.subf %slice3A, %mul3A_15 : vector<1x64xf32>
    %div3A = arith.constant 2.621440e+05 : f32
    %div3A_16 = vector.broadcast %div3A : f32 to vector<1x64xf32>
    %div3A_17 = arith.divf %sub3A, %div3A_16 : vector<1x64xf32>
    %mul3A_18 = arith.constant 2.000000e+00 : f32
    %mul3A_19 = vector.broadcast %mul3A_18 : f32 to vector<1x64xf32>
    %mul3A_20 = arith.mulf %mul3A_19, %slice3A_11 : vector<1x64xf32>
    %sub3A_21 = arith.subf %slice3A_10, %mul3A_20 : vector<1x64xf32>
    %mul3A_22 = arith.constant 1.600000e+01 : f32
    %mul3A_23 = vector.broadcast %mul3A_22 : f32 to vector<1x64xf32>
    %mul3A_24 = arith.mulf %mul3A_23, %slice3A_13 : vector<1x64xf32>
    %add3A = arith.addf %sub3A_21, %mul3A_24 : vector<1x64xf32>
    %div3A_25 = arith.constant 2.621440e+05 : f32
    %div3A_26 = vector.broadcast %div3A_25 : f32 to vector<1x64xf32>
    %div3A_27 = arith.divf %add3A, %div3A_26 : vector<1x64xf32>
    %mul3A_28 = arith.mulf %div3A_17, %div3A_17 : vector<1x64xf32>
    %sub3A_29 = arith.subf %div3A_27, %mul3A_28 : vector<1x64xf32>
    %get3A_30 = arith.constant 0 : index
    %get3A_31 = arith.constant 0 : index
    %get3A_32 = vector.load %arg7[%get3A_30, %get3A_31] : memref<1x64xf32, #tpu.memory_space<vmem>>, vector<1x64xf32>
    %add3A_33 = arith.constant 9.99999974E-6 : f32
    %add3A_34 = vector.broadcast %add3A_33 : f32 to vector<1x64xf32>
    %add3A_35 = arith.addf %sub3A_29, %add3A_34 : vector<1x64xf32>
    %rsqrt3A = math.rsqrt %add3A_35 : vector<1x64xf32>
    %mul3A_36 = arith.mulf %get3A_32, %rsqrt3A : vector<1x64xf32>
    %get3A_37 = arith.constant 0 : index
    %get3A_38 = arith.constant 0 : index
    %get3A_39 = vector.load %arg8[%get3A_37, %get3A_38] : memref<1x64xf32, #tpu.memory_space<vmem>>, vector<1x64xf32>
    %mul3A_40 = arith.mulf %mul3A_36, %div3A_17 : vector<1x64xf32>
    %sub3A_41 = arith.subf %get3A_39, %mul3A_40 : vector<1x64xf32>
    %get3A_42 = arith.constant 0 : index
    %get3A_43 = arith.constant 0 : index
    %get3A_44 = arith.constant 0 : index
    %get3A_45 = vector.load %arg2[%get3A_42, %get3A_43, %get3A_44] : memref<1x512x128xf32, #tpu.memory_space<vmem>>, vector<1x512x128xf32>
    %get3A_46 = vector.shape_cast %get3A_45 : vector<1x512x128xf32> to vector<512x128xf32>
    %ge3A = arith.constant 0.000000e+00 : f32
    %ge3A_47 = vector.broadcast %ge3A : f32 to vector<1x64xf32>
    %ge3A_48 = arith.cmpf oge, %mul3A_36, %ge3A_47 : vector<1x64xf32>
    %slice3A_49 = vector.extract_strided_slice %get3A_46 {offsets = [0, 0], sizes = [512, 64], strides = [1, 1]} : vector<512x128xf32> to vector<512x64xf32>
    %slice3A_50 = vector.extract_strided_slice %get3A_46 {offsets = [0, 64], sizes = [512, 64], strides = [1, 1]} : vector<512x128xf32> to vector<512x64xf32>
    %broadcast_in_dim3A = vector.shape_cast %ge3A_48 : vector<1x64xi1> to vector<1x64xi1>
    %broadcast_in_dim3A_51 = vector.broadcast %broadcast_in_dim3A : vector<1x64xi1> to vector<512x64xi1>
    %select_n3A = arith.select %broadcast_in_dim3A_51, %slice3A_49, %slice3A_50 : vector<512x64xi1>, vector<512x64xf32>
    %get3A_52 = arith.constant 0 : index
    %get3A_53 = arith.constant 0 : index
    %get3A_54 = arith.constant 0 : index
    %get3A_55 = vector.load %arg3[%get3A_52, %get3A_53, %get3A_54] : memref<1x512x128xf32, #tpu.memory_space<vmem>>, vector<1x512x128xf32>
    %get3A_56 = vector.shape_cast %get3A_55 : vector<1x512x128xf32> to vector<512x128xf32>
    %slice3A_57 = vector.extract_strided_slice %get3A_56 {offsets = [0, 0], sizes = [512, 64], strides = [1, 1]} : vector<512x128xf32> to vector<512x64xf32>
    %sub3A_58 = arith.subf %select_n3A, %slice3A_57 : vector<512x64xf32>
    %mul3A_59 = vector.broadcast %mul3A_36 : vector<1x64xf32> to vector<512x64xf32>
    %mul3A_60 = arith.mulf %mul3A_59, %sub3A_58 : vector<512x64xf32>
    %add3A_61 = vector.broadcast %sub3A_41 : vector<1x64xf32> to vector<512x64xf32>
    %add3A_62 = arith.addf %mul3A_60, %add3A_61 : vector<512x64xf32>
    %max3A = arith.constant 0.000000e+00 : f32
    %max3A_63 = vector.broadcast %max3A : f32 to vector<512x64xf32>
    %max3A_64 = arith.maximumf %add3A_62, %max3A_63 : vector<512x64xf32>
    %get3A_65 = arith.constant 0 : index
    %get3A_66 = arith.constant 0 : index
    %get3A_67 = arith.constant 0 : index
    %get3A_68 = vector.load %arg4[%get3A_65, %get3A_66, %get3A_67] : memref<1x512x64xf32, #tpu.memory_space<vmem>>, vector<1x512x64xf32>
    %get3A_69 = vector.shape_cast %get3A_68 : vector<1x512x64xf32> to vector<512x64xf32>
    %concatenate3A = tpu.concatenate %max3A_64, %get3A_69 in 1 : vector<512x64xf32>, vector<512x64xf32> -> vector<512x128xf32>
    %get3A_70 = arith.constant 0 : index
    %get3A_71 = arith.constant 0 : index
    %get3A_72 = arith.constant 0 : index
    %get3A_73 = vector.load %arg9[%get3A_70, %get3A_71, %get3A_72] : memref<2x128x128xf32, #tpu.memory_space<vmem>>, vector<2x128x128xf32>
    %reduce_sum3A_74 = arith.constant dense<0.000000e+00> : vector<128x128xf32>
    %reduce_sum3A_75 = vector.multi_reduction <add>, %get3A_73, %reduce_sum3A_74 [0] : vector<2x128x128xf32> to vector<128x128xf32>
    %get3A_76 = arith.constant 0 : index
    %get3A_77 = arith.constant 0 : index
    %get3A_78 = arith.constant 0 : index
    %get3A_79 = vector.load %arg10[%get3A_76, %get3A_77, %get3A_78] : memref<2x8x128xf32, #tpu.memory_space<vmem>>, vector<2x8x128xf32>
    %reduce_sum3A_80 = arith.constant dense<0.000000e+00> : vector<8x128xf32>
    %reduce_sum3A_81 = vector.multi_reduction <add>, %get3A_79, %reduce_sum3A_80 [0] : vector<2x8x128xf32> to vector<8x128xf32>
    %slice3A_82 = vector.extract_strided_slice %reduce_sum3A_81 {offsets = [0, 0], sizes = [1, 128], strides = [1, 1]} : vector<8x128xf32> to vector<1x128xf32>
    %div3A_83 = arith.constant 1.638400e+04 : f32
    %div3A_84 = vector.broadcast %div3A_83 : f32 to vector<1x128xf32>
    %div3A_85 = arith.divf %slice3A_82, %div3A_84 : vector<1x128xf32>
    %get3A_86 = arith.constant 0 : index
    %get3A_87 = arith.constant 0 : index
    %get3A_88 = vector.load %arg11[%get3A_86, %get3A_87] : memref<128x128xf32, #tpu.memory_space<vmem>>, vector<128x128xf32>
    %dot_general3A = arith.constant dense<0.000000e+00> : vector<1x128xf32>
    %dot_general3A_89 = tpu.matmul %div3A_85, %get3A_88, %dot_general3A {dimension_numbers = #tpu.dot_dimension_numbers<[1], [0], [0], [1], [0, 0, 1, 1], [], []>, precision = #tpu.contract_precision<fp32>, transpose_lhs_hint = false} : vector<1x128xf32>, vector<128x128xf32>, vector<1x128xf32> -> vector<1x128xf32>
    %get3A_90 = arith.constant 0 : index
    %get3A_91 = arith.constant 0 : index
    %get3A_92 = vector.load %arg11[%get3A_90, %get3A_91] : memref<128x128xf32, #tpu.memory_space<vmem>>, vector<128x128xf32>
    %dot_general3A_93 = arith.constant dense<0.000000e+00> : vector<128x128xf32>
    %dot_general3A_94 = tpu.matmul %reduce_sum3A_75, %get3A_92, %dot_general3A_93 {dimension_numbers = #tpu.dot_dimension_numbers<[1], [0], [0], [1], [0, 0, 1, 1], [], []>, precision = #tpu.contract_precision<fp32>, transpose_lhs_hint = false} : vector<128x128xf32>, vector<128x128xf32>, vector<128x128xf32> -> vector<128x128xf32>
    %get3A_95 = arith.constant 0 : index
    %get3A_96 = arith.constant 0 : index
    %get3A_97 = vector.load %arg11[%get3A_95, %get3A_96] : memref<128x128xf32, #tpu.memory_space<vmem>>, vector<128x128xf32>
    %mul3A_98 = arith.mulf %get3A_97, %dot_general3A_94 : vector<128x128xf32>
    %reduce_sum3A_99 = arith.constant dense<0.000000e+00> : vector<128xf32>
    %reduce_sum3A_100 = vector.multi_reduction <add>, %mul3A_98, %reduce_sum3A_99 [0] : vector<128x128xf32> to vector<128xf32>
    %broadcast_in_dim3A_101 = vector.shape_cast %reduce_sum3A_100 : vector<128xf32> to vector<1x128xf32>
    %div3A_102 = arith.constant 1.638400e+04 : f32
    %div3A_103 = vector.broadcast %div3A_102 : f32 to vector<1x128xf32>
    %div3A_104 = arith.divf %broadcast_in_dim3A_101, %div3A_103 : vector<1x128xf32>
    %mul3A_105 = arith.mulf %dot_general3A_89, %dot_general3A_89 : vector<1x128xf32>
    %sub3A_106 = arith.subf %div3A_104, %mul3A_105 : vector<1x128xf32>
    %add3A_107 = arith.constant 9.99999974E-6 : f32
    %add3A_108 = vector.broadcast %add3A_107 : f32 to vector<1x128xf32>
    %add3A_109 = arith.addf %sub3A_106, %add3A_108 : vector<1x128xf32>
    %rsqrt3A_110 = math.rsqrt %add3A_109 : vector<1x128xf32>
    %get3A_111 = arith.constant 0 : index
    %get3A_112 = arith.constant 0 : index
    %get3A_113 = vector.load %arg12[%get3A_111, %get3A_112] : memref<1x128xf32, #tpu.memory_space<vmem>>, vector<1x128xf32>
    %mul3A_114 = arith.mulf %get3A_113, %rsqrt3A_110 : vector<1x128xf32>
    %get3A_115 = arith.constant 0 : index
    %get3A_116 = arith.constant 0 : index
    %get3A_117 = vector.load %arg13[%get3A_115, %get3A_116] : memref<1x128xf32, #tpu.memory_space<vmem>>, vector<1x128xf32>
    %mul3A_118 = arith.mulf %dot_general3A_89, %mul3A_114 : vector<1x128xf32>
    %sub3A_119 = arith.subf %get3A_117, %mul3A_118 : vector<1x128xf32>
    %get3A_120 = arith.constant 0 : index
    %get3A_121 = arith.constant 0 : index
    %get3A_122 = vector.load %arg11[%get3A_120, %get3A_121] : memref<128x128xf32, #tpu.memory_space<vmem>>, vector<128x128xf32>
    %dot_general3A_123 = arith.constant dense<0.000000e+00> : vector<512x128xf32>
    %dot_general3A_124 = tpu.matmul %concatenate3A, %get3A_122, %dot_general3A_123 {dimension_numbers = #tpu.dot_dimension_numbers<[1], [0], [0], [1], [0, 0, 1, 1], [], []>, transpose_lhs_hint = false} : vector<512x128xf32>, vector<128x128xf32>, vector<512x128xf32> -> vector<512x128xf32>
    %mul3A_125 = vector.broadcast %mul3A_114 : vector<1x128xf32> to vector<512x128xf32>
    %mul3A_126 = arith.mulf %dot_general3A_124, %mul3A_125 : vector<512x128xf32>
    %add3A_127 = vector.broadcast %sub3A_119 : vector<1x128xf32> to vector<512x128xf32>
    %add3A_128 = arith.addf %mul3A_126, %add3A_127 : vector<512x128xf32>
    %max3A_129 = arith.constant 0.000000e+00 : f32
    %max3A_130 = vector.broadcast %max3A_129 : f32 to vector<512x128xf32>
    %max3A_131 = arith.maximumf %add3A_128, %max3A_130 : vector<512x128xf32>
    %transpose3A = tpu.transpose %max3A_131, [1, 0] : vector<512x128xf32> -> vector<128x512xf32>
    %swap3A = arith.constant 0 : index
    %swap3A_132 = arith.constant 0 : index
    %swap3A_133 = arith.constant 0 : index
    %swap3A_134 = vector.load %arg14[%swap3A, %swap3A_132, %swap3A_133] : memref<1x128x512xf32, #tpu.memory_space<vmem>>, vector<1x128x512xf32>
    %swap3A_135 = vector.shape_cast %swap3A_134 : vector<1x128x512xf32> to vector<128x512xf32>
    %swap3A_136 = vector.shape_cast %transpose3A : vector<128x512xf32> to vector<1x128x512xf32>
    tpu.vector_store %arg14[%swap3A, %swap3A_132, %swap3A_133], %swap3A_136 {strides = array<i32>} : memref<1x128x512xf32, #tpu.memory_space<vmem>>, vector<1x128x512xf32>,
    return
  }
  func.func @transform_0(%arg0: i32, %arg1: i32) -> (i32, i32, i32) {
    %c0_i32 = arith.constant 0 : i32
    %c0_i32_0 = arith.constant 0 : i32
    return %arg0, %arg1, %c0_i32 : i32, i32, i32
  }
  func.func @transform_1(%arg0: i32, %arg1: i32) -> (i32, i32, i32) {
    %c0_i32 = arith.constant 0 : i32
    %c0_i32_0 = arith.constant 0 : i32
    return %arg0, %arg1, %c0_i32 : i32, i32, i32
  }
  func.func @transform_2(%arg0: i32, %arg1: i32) -> (i32, i32, i32) {
    %c0_i32 = arith.constant 0 : i32
    %c0_i32_0 = arith.constant 0 : i32
    return %arg0, %arg1, %c0_i32 : i32, i32, i32
  }
  func.func @transform_3(%arg0: i32, %arg1: i32) -> (i32, i32, i32) {
    %c0_i32 = arith.constant 0 : i32
    %c0_i32_0 = arith.constant 0 : i32
    %c0_i32_1 = arith.constant 0 : i32
    %c0_i32_2 = arith.constant 0 : i32
    return %c0_i32, %c0_i32_0, %c0_i32_1 : i32, i32, i32
  }
  func.func @transform_4(%arg0: i32, %arg1: i32) -> (i32, i32, i32) {
    %c0_i32 = arith.constant 0 : i32
    %c0_i32_0 = arith.constant 0 : i32
    %c0_i32_1 = arith.constant 0 : i32
    %c0_i32_2 = arith.constant 0 : i32
    return %c0_i32, %c0_i32_0, %c0_i32_1 : i32, i32, i32
  }
  func.func @transform_5(%arg0: i32, %arg1: i32) -> (i32, i32) {
    %c0_i32 = arith.constant 0 : i32
    %c0_i32_0 = arith.constant 0 : i32
    %c0_i32_1 = arith.constant 0 : i32
    return %c0_i32, %c0_i32_0 : i32, i32
  }
  func.func @transform_6(%arg0: i32, %arg1: i32) -> (i32, i32) {
    %c0_i32 = arith.constant 0 : i32
    %c0_i32_0 = arith.constant 0 : i32
    %c0_i32_1 = arith.constant 0 : i32
    return %c0_i32, %c0_i32_0 : i32, i32
  }
  func.func @transform_7(%arg0: i32, %arg1: i32) -> (i32, i32, i32) {
    %c0_i32 = arith.constant 0 : i32
    %c0_i32_0 = arith.constant 0 : i32
    %c0_i32_1 = arith.constant 0 : i32
    %c0_i32_2 = arith.constant 0 : i32
    return %c0_i32, %c0_i32_0, %c0_i32_1 : i32, i32, i32
  }
  func.func @transform_8(%arg0: i32, %arg1: i32) -> (i32, i32, i32) {
    %c0_i32 = arith.constant 0 : i32
    %c0_i32_0 = arith.constant 0 : i32
    %c0_i32_1 = arith.constant 0 : i32
    %c0_i32_2 = arith.constant 0 : i32
    return %c0_i32, %c0_i32_0, %c0_i32_1 : i32, i32, i32
  }
  func.func @transform_9(%arg0: i32, %arg1: i32) -> (i32, i32) {
    %c0_i32 = arith.constant 0 : i32
    %c0_i32_0 = arith.constant 0 : i32
    %c0_i32_1 = arith.constant 0 : i32
    return %c0_i32, %c0_i32_0 : i32, i32
  }
  func.func @transform_10(%arg0: i32, %arg1: i32) -> (i32, i32) {
    %c0_i32 = arith.constant 0 : i32
    %c0_i32_0 = arith.constant 0 : i32
    %c0_i32_1 = arith.constant 0 : i32
    return %c0_i32, %c0_i32_0 : i32, i32
  }
  func.func @transform_11(%arg0: i32, %arg1: i32) -> (i32, i32) {
    %c0_i32 = arith.constant 0 : i32
    %c0_i32_0 = arith.constant 0 : i32
    %c0_i32_1 = arith.constant 0 : i32
    return %c0_i32, %c0_i32_0 : i32, i32
  }
  func.func @transform_12(%arg0: i32, %arg1: i32) -> (i32, i32, i32) {
    %c0_i32 = arith.constant 0 : i32
    %c0_i32_0 = arith.constant 0 : i32
    return %arg0, %c0_i32, %arg1 : i32, i32, i32
  }
}

</mosaic_0001>

<sc_bundles>
// kernel: kernel.11.cloned.1.call-start
scs
__scs_entry_jumppad:
0x0: {  	(pc) =	sbr.rel $0x88, $3  }
0x1: {  	(tag) =	ssettag $0x0;
	lr =	simm.s32 $0x1  }
0x2: {  	[smem:$0x3F97] =	sst lr;
	_ =	strace $0xD0000000  }
0x3: {  	_ = 	snop  }
0x4: {  	_ = 	snop  }
0x5: {  	_ = 	snop  }
0x6: {  	_ = 	snop  }
0x7: {  	_ = 	snop  }
__scs_overlays_trampoline_lowered:
0x8: {  	[smem:$0x3FA6] =	sst s0  }
0x9: {  	[smem:$0x3FA7] =	sst s1  }
0xa: {  	[smem:$0x3FA8] =	sst s2  }
0xb: {  	[smem:$0x3FA9] =	sst s3  }
0xc: {  	[smem:$0x3FAA] =	sst s4  }
0xd: {  	[smem:$0x3FAB] =	sst s5  }
0xe: {  	[smem:$0x3FAC] =	sst s6  }
0xf: {  	[smem:$0x3FAD] =	sst s7  }
0x10: {  	[smem:$0x3FAE] =	sst s8  }
0x11: {  	[smem:$0x3FAF] =	sst s9;
	s0 =	simm.s32 @!p0 $0x0  }
0x12: {  	s1 =	sld [smem:$0x3F95];
	s0 =	simm.s32 @p0 $0x1  }
0x13: {  	[smem:$0x3FB0] =	sst s0;
	s0 =	simm.s32 @!p1 $0x0  }
0x14: {  	s2 =	sld [smem:$0x3F94];
	s0 =	simm.s32 @p1 $0x1  }
0x15: {  	[smem:$0x3FB1] =	sst s0;
	s0 =	simm.s32 @!p2 $0x0  }
0x16: {  	s3 =	sld [smem:$0x3FDB];
	s0 =	simm.s32 @p2 $0x1  }
0x17: {  	s4 =	simm.s32 $0x1BF5;
	[smem:$0x3FB3] =	sst s0  }
0x18: {  	s0 =	sld [smem:$0x3F96];
	_ =	swait.ge [sflag:s4], $0x0  }
0x19: {  	s7 =	sld [smem:$0x3F97]  }
0x1a: {  	s8 =	sadd.s32 $0xFFFFE003, lr  }
0x1b: {  	s9 =	sadd.s32 $0xFFFFFEF7, lr;
	s5 =	simm.s32 $0xFFFFFFFF;
	p2 =	slt.u32 s8, $0xFFFFF086  }
0x1c: {  	p1 =	slt.u32 s9, $0xF7A;
	s5 =	simm.s32 @!p2 $0x0  }
0x1d: {  	s5 =	simm.s32 @p1 $0x1;
	p0 =	seq.s32 s7, s2  }
0x1e: {  	s7 =	smul.u32 @!p0 $0xF7A, s2;
	p2 =	seq.s32 @!p0 s5, $0x0  }
0x1f: {  	s9 =	smul.u32 $0xF7A, s1;
	s8 =	simm.s32 @!p0 $0x1BF5;
	p2 =	por !p2, p0  }
0x20: {  	[sflag:s8] =	ssyncset.s32 @!p0 $0xFFFFF086;
	s6 =	sadd.s32 @!p0 s3, s7;
	s7 =	simm.s32 @!p0 $0x108  }
0x21: {  	s3 =	sadd.s32 s3, s9;
	s6 =	sadd.s32 @!p0 $0x88, s6;
	s7 =	simm.s32 @p2 $0x1082  }
0x22: {  	[simem:s7], [sflag:s8] =	dma.local @!p0 [hbm:s6], $0xF7A  }
0x23: {  	s9 =	sor.u32 $0xD0000000, s2;
	s6 =	simm.s32 $0x108;
	_ =	swait.ge @!p0 [sflag:s8], $0x0  }
0x24: {  	s3 =	sadd.s32 $0x88, s3;
	s6 =	simm.s32 @!p1 $0x1082;
	[sflag:s4] =	ssyncset.s32 $0xFFFFF086  }
0x25: {  	[simem:s6], [sflag:s4] =	dma.local [hbm:s3], $0xF7A  }
0x26: {  	[smem:$0x3F97] =	sst s1;
	(tag) =	ssettag s2;
	_ =	strace s9  }
0x27: {  	s1 =	sld [smem:$0x3FA7]  }
0x28: {  	s2 =	sld [smem:$0x3FA8]  }
0x29: {  	s4 =	sld [smem:$0x3FAA]  }
0x2a: {  	p0 =	seq.s32 s5, $0x0;
	s5 =	sld [smem:$0x3FAB]  }
0x2b: {  	s6 =	sld [smem:$0x3FAC]  }
0x2c: {  	s7 =	sld [smem:$0x3FAD]  }
0x2d: {  	s3 =	simm.s32 $0x108;
	s8 =	sld [smem:$0x3FAE]  }
0x2e: {  	s3 =	simm.s32 @!p0 $0x1082;
	s9 =	sld [smem:$0x3FAF]  }
0x2f: {  	lr =	sadd.s32 s0, s3;
	s0 =	sld [smem:$0x3FA6]  }
0x30: {  	s3 =	sld [smem:$0x3FA9]  }
0x31: {  	[smem:$0x3FB2] =	sst s10  }
0x32: {  	s10 =	sld [smem:$0x3FB0];
	_ =	sdelay $0x3  }
0x33: {  	p0 =	seq.s32 s10, $0x1;
	s10 =	sld [smem:$0x3FB2];
	_ =	sdelay $0x3  }
0x34: {  	[smem:$0x3FB2] =	sst s10  }
0x35: {  	s10 =	sld [smem:$0x3FB1];
	_ =	sdelay $0x3  }
0x36: {  	p1 =	seq.s32 s10, $0x1;
	s10 =	sld [smem:$0x3FB2];
	_ =	sdelay $0x3  }
0x37: {  	[smem:$0x3FB2] =	sst s10  }
0x38: {  	s10 =	sld [smem:$0x3FB3]  }
0x39: {  	_ = 	snop;
	(pc) =	sbr.ind lr, $3  }
0x3a: {  	_ = 	snop  }
0x3b: {  	_ = 	snop  }
0x3c: {  	p2 =	seq.s32 s10, $0x1;
	s10 =	sld [smem:$0x3FB2]  }
0x3d: {  	_ =	shalt  }
0x3e: {  	_ =	shalt  }
0x3f: {  	_ =	shalt  }
0x40: {  	_ =	shalt  }
0x41: {  	_ =	shalt  }
0x42: {  	_ =	shalt  }
0x43: {  	_ =	shalt  }
0x44: {  	_ =	shalt  }
0x45: {  	_ =	shalt  }
0x46: {  	_ =	shalt  }
0x47: {  	_ =	shalt  }
0x48: {  	_ =	shalt  }
0x49: {  	_ =	shalt  }
0x4a: {  	_ =	shalt  }
0x4b: {  	_ =	shalt  }
0x4c: {  	_ =	shalt  }
0x4d: {  	_ =	shalt  }
0x4e: {  	_ =	shalt  }
0x4f: {  	_ =	shalt  }
0x50: {  	_ =	shalt  }
0x51: {  	_ =	shalt  }
0x52: {  	_ =	shalt  }
0x53: {  	_ =	shalt  }
0x54: {  	_ =	shalt  }
0x55: {  	_ =	shalt  }
0x56: {  	_ =	shalt  }
0x57: {  	_ =	shalt  }
0x58: {  	_ =	shalt  }
0x59: {  	_ =	shalt  }
0x5a: {  	_ =	shalt  }
0x5b: {  	_ =	shalt  }
0x5c: {  	_ =	shalt  }
0x5d: {  	_ =	shalt  }
0x5e: {  	_ =	shalt  }
0x5f: {  	_ =	shalt  }
0x60: {  	_ =	shalt  }
0x61: {  	_ =	shalt  }
0x62: {  	_ =	shalt  }
0x63: {  	_ =	shalt  }
0x64: {  	_ =	shalt  }
0x65: {  	_ =	shalt  }
0x66: {  	_ =	shalt  }
0x67: {  	_ =	shalt  }
0x68: {  	_ =	shalt  }
0x69: {  	_ =	shalt  }
0x6a: {  	_ =	shalt  }
0x6b: {  	_ =	shalt  }
0x6c: {  	_ =	shalt  }
0x6d: {  	_ =	shalt  }
0x6e: {  	_ =	shalt  }
0x6f: {  	_ =	shalt  }
0x70: {  	_ =	shalt  }
0x71: {  	_ =	shalt  }
0x72: {  	_ =	shalt  }
0x73: {  	_ =	shalt  }
0x74: {  	_ =	shalt  }
0x75: {  	_ =	shalt  }
0x76: {  	_ =	shalt  }
0x77: {  	_ =	shalt  }
0x78: {  	_ =	shalt  }
0x79: {  	_ =	shalt  }
0x7a: {  	_ =	shalt  }
0x7b: {  	_ =	shalt  }
0x7c: {  	_ =	shalt  }
0x7d: {  	_ =	shalt  }
0x7e: {  	_ =	shalt  }
0x7f: {  	_ =	shalt  }
0x80: {  	_ =	shalt  }
0x81: {  	_ =	shalt  }
0x82: {  	_ =	shalt  }
0x83: {  	_ =	shalt  }
0x84: {  	_ =	shalt  }
0x85: {  	_ =	shalt  }
0x86: {  	_ =	shalt  }
0x87: {  	_ =	shalt  }
.Lfunc_end0:
.L_simem_size_0:
called_computation_lowered:
.L_overlay_start_0:
0x88: {  	s2 =	sld [smem:$0x3FD9]  }
0x89: {  	s3 =	sld [smem:$0x3FFE];
	_ =	sdelay $0x1  }
0x8a: {  	s1 =	srdreg.scid  }
0x8b: {  	s0 =	sand.u32 $0x1, s1  }
0x8c: {  	s17 =	sshll.u32 s0, $0xA;
	s2 =	sadd.s32 s3, s2  }
0x8d: {  	s2 =	sadd.s32 s2, s17  }
0x8e: {  	[smem:$0x3FBE] =	sst s2  }
0x8f: {  	_ = 	snop  }
0x90: {  	(tm) =	ssettm $0x1  }
0x91: {  	s18 =	sld [smem:$0x3FFB];
	_ =	sdelay $0x3  }
0x92: {  	_ =	strace s18  }
0x93: {  	s2 =	sld [smem:$0x3FFC];
	_ =	sdelay $0x3  }
0x94: {  	_ =	strace s2  }
0x95: {  	s2 =	sld [smem:$0x3FFD];
	_ =	sdelay $0x3  }
0x96: {  	_ =	strace s2  }
0x97: {  	_ =	strace $0x8FFFFFFF  }
0x98: {  	s19 =	sld [smem:$0x3FDB];
	_ =	sdelay $0x1  }
0x99: {  	s20 =	simm.s32 $_scs_section_size  }
0x9a: {  	s4 =	simm.s32 $_size__tile_overlayer_lowered;
	s5 =	simm.s32 $_tile_overlayer_lowered  }
0x9b: {  	s6 =	simm.s32 $0x1BFF;
	s21 =	sshll.u32 s5, $0x1;
	s3 =	sadd.s32 s20, s19  }
0x9c: {  	s22 =	simm.s32 $0x0;
	s4 =	sshll.u32 s4, $0x1;
	s5 =	sadd.s32 s21, s3  }
0x9d: {  	[timem:s22], [sflag:s6] =	dma.local [hbm:s5], s4  }
0x9e: {  	_ =	swait.ge [sflag:s6], s4  }
0x9f: {  	s4 =	ssub.s32 $0x0, s4;
	[sflag:s6] =	ssyncset.done $0x0  }
0xa0: {  	[sflag:s6] =	ssyncadd.s32 s4;
	_ =	sdelay $0x1  }
0xa1: {  	s23 =	simm.s32 $0x1B8B  }
0xa2: {  	_ =	swait.ge [sflag:s23], $0x1  }
0xa3: {  	[sflag:s23] =	ssyncset.done $0x0  }
0xa4: {  	[sflag:s23] =	ssyncadd.s32 $0xFFFFFFFF  }
0xa5: {  	s4 =	sld [smem:$0x0]  }
0xa6: {  	s5 =	sand.u32 $0xFFFFFFFE, s1  }
0xa7: {  	p0 =	sne.s32 s1, s5  }
0xa8: {  	s5 =	sshll.u32 @p0 s5, $0xE  }
0xa9: {  	s5 =	sadd.s32 @p0 $0x11B8D, s5;
	s6 =	sshll.u32 @p0 s4, $0x11  }
0xaa: {  	s5 =	sor.u32 @p0 s6, s5  }
0xab: {  	[sflag:s5] =	ssyncadd.remote.s32 @p0 $0x1;
	_ =	sdelay $0x1  }
0xac: {  	s5 =	simm.s32 @p0 $0x1B8D  }
0xad: {  	_ =	swait.eq @p0 [sflag:s5], $0x1  }
0xae: {  	[sflag:s5] =	ssyncadd.s32 @p0 $0xFFFFFFFF  }
0xaf: {  	s6 =	sshll.u32 @!p0 s1, $0xE  }
0xb0: {  	s6 =	sor.u32 @!p0 $0x4000, s6;
	s5 =	simm.s32 @!p0 $0x1B8D  }
0xb1: {  	s4 =	sshll.u32 @!p0 s4, $0x11;
	s6 =	sadd.s32 @!p0 $0x11B8D, s6;
	_ =	swait.eq @!p0 [sflag:s5], $0x1  }
0xb2: {  	s4 =	sor.u32 @!p0 s4, s6;
	[sflag:s5] =	ssyncadd.s32 @!p0 $0xFFFFFFFF  }
0xb3: {  	s25 =	simm.s32 $0x1B8E;
	s24 =	sld [smem:$0x3FFE];
	[sflag:s4] =	ssyncadd.remote.s32 @!p0 $0x1  }
0xb4: {  	s26 =	simm.s32 $execute0_lowered;
	[smem:$0x3FD2] =	sst s25  }
0xb5: {  	s5 =	sshll.u32 s26, $0x1;
	_ =	strace $0x80000049;
	[dreg:$0x1] =	wrdreg $0xFFFFFFFF  }
0xb6: {  	s28 =	simm.s32 $_size_execute0_lowered;
	s3 =	sadd.s32 s3, s5;
	[dreg:$0x0] =	wrdreg $0x0  }
0xb7: {  	s5 =	sshll.u32 s28, $0x1;
	[dreg:$0x2] =	wrdreg s3  }
0xb8: {  	[dreg:$0x3] =	wrdreg s5  }
0xb9: {  	[dreg:$0x4] =	wrdreg $0xC0  }
0xba: {  	_ =	task [dreg:s22], $0x5FFFF  }
0xbb: {  	[dreg:$0x1] =	wrdreg $0xFFFFFFFF  }
0xbc: {  	[dreg:$0x0] =	wrdreg $0x60  }
0xbd: {  	[dreg:$0x2] =	wrdreg s24  }
0xbe: {  	[dreg:$0x3] =	wrdreg $0x9  }
0xbf: {  	_ =	task.clear_ibuf [dreg:s22], $0x4FFFF;
	_ =	strace $0x90000049  }
0xc0: {  	s29 =	simm.s32 $0x9;
	_ =	strace $0x8000004B  }
0xc1: {  	_ =	swait.ge [sflag:s29], $0x1  }
0xc2: {  	[sflag:s29] =	ssyncadd.s32 $0xFFFFFFFF  }
0xc3: {  	_ =	strace $0x9000004B  }
0xc4: {  	_ =	sfence  }
0xc5: {  	s30 =	sld [smem:$0x0];
	_ =	sdelay $0x2  }
0xc6: {  	s31 =	sshll.u32 s1, $0xD;
	s1 =	sshrl.u32 s1, $0x2  }
0xc7: {  	s4 =	sand.u32 $0x4000, s31;
	s1 =	sadd.s32 s1, s30  }
0xc8: {  	s0 =	sor.u32 s4, s0;
	s1 =	sshll.u32 s1, $0x11  }
0xc9: {  	s0 =	sor.u32 s1, s0  }
0xca: {  	s0 =	sadd.s32 $0x8F2B, s0  }
0xcb: {  	[sflag:s0] =	ssyncadd.remote.s32 $0x1  }
0xcc: {  	_ =	sfence.sel $0xFFFF  }
0xcd: {  	[dreg:$0x0] =	wrdreg $0xFFFFFFFF;
	(pc) =	sbr.abs _section_cstart, $3  }
0xce: {  	[dreg:$0x1] =	wrdreg $0xFFFFFFFF  }
0xcf: {  	_ =	task.clear_ibuf [dreg:s22], $0x2FFFF;
	_ =	strace $0x9FFFFFFF  }
0xd0: {  	(tm) =	ssettm $0x7FFFFFFF  }
0xd1: {  	_ =	shalt  }
tec
execute0_lowered:
.L_overlay_start_1:
0x0: {  	(tag) =	ssettag $0x1  }
0x1: {  	s1 =	srdreg.scid  }
0x2: {  	s0 =	stileid.u32;
	s6 =	rddreg [dreg:$0x0];
	s2 =	simm.s32 $0x0  }
0x3: {  	s11 =	simm.s32 $0x80;
	s12 =	simm.s32 $0x200;
	s13 =	simm.s32 $0x4200  }
0x4: {  	s14 =	simm.s32 $0x100;
	s15 =	simm.s32 $0x8200;
	s16 =	simm.s32 $0x180  }
0x5: {  	s17 =	simm.s32 $0xC200;
	s18 =	simm.s32 $0x1;
	s19 =	simm.s32 $0x10200  }
0x6: {  	s20 =	simm.s32 $0x11200;
	s21 =	simm.s32 $0x12200;
	s22 =	simm.s32 $0x0  }
0x7: {  	s5 =	sand.u32 $0x1, s1;
	s3 =	sshll.u32 s0, $0x1;
	[smem:$0x7FF] =	sst s2  }
0x8: {  	s1 =	rddreg [dreg:$0x1];
	s7 =	sor.u32 s5, s3;
	_ =	strace $0x8000004A  }
0x9: {  	s3 =	sadd.s32 $0xBE00, s6;
	s10 =	ssub.s32 $0x2, s5;
	s5 =	sadd.s32 $0x5FE00, s6  }
0xa: {  	s4 =	sshll.u32 s7, $0x9;
	s9 =	sshll.u32 s7, $0x8;
	s31 =	sshrl.u32 s10, $0x1  }
0xb: {  	s8 =	sadd.s32 s4, s6;
	s4 =	sadd.s32 $0x39E00, s6;
	s9 =	sadd.s32 s9, s6  }
0xc: {  	s10 =	ssub.s32 s10, s31;
	s6 =	sshll.u32 s7, $0xC;
	s7 =	sadd.s32 $0x59E00, s8  }
0xd: {  	v0 =	vimm.f32 $0.0e+00;
	s8 =	sadd.s32 $0x5DE00, s9;
	s9 =	smax.u32 s10, $0x1;
	s10 =	simm.s32 $0x2  }
.LBB2_1:
0xe: {  	v1 =	vimm.f32 $0.0e+00;
	v2 =	vimm.f32 $0.0e+00;
	v3 =	vimm.f32 $0.0e+00  }
0xf: {  	v4 =	vimm.f32 $0.0e+00;
	v5 =	vimm.f32 $0.0e+00;
	v6 =	vimm.f32 $0.0e+00  }
0x10: {  	v7 =	vimm.f32 $0.0e+00;
	v8 =	vimm.f32 $0.0e+00;
	v9 =	vimm.f32 $0.0e+00  }
0x11: {  	v10 =	vimm.f32 $0.0e+00;
	v11 =	vimm.f32 $0.0e+00;
	v12 =	vimm.f32 $0.0e+00;
	s23 =	simm.s32 $0x0  }
.LBB2_2:
0x12: {  	s24 =	sshll.u32 s23, $0x6  }
0x13: {  	s25 =	simm.s32 $0x0;
	s24 =	sadd.s32 s24, s7  }
0x14: {  	[tilespmem:s25], [sflag:$0x2] =	stream.linear.gather [hbm4b:s24+s25], $0x200, $0x38;
	[tilespmem:$0x12A00] =	vst v63  }
0x15: {  	_ =	swait.ge [sflag:s10], $0x200  }
0x16: {  	[sflag:s10] =	ssyncset.done $0x0  }
0x17: {  	[sflag:s10] =	ssyncadd.s32 $0xFFFFFE00  }
0x18: {  	[tilespmem:s12], [sflag:$0x1] =	stream.indirect.gather [hbm4b:s3+s11], $0x80, s25, s11, $0xb8;
	[tilespmem:$0x12A00] =	vst v63  }
0x19: {  	_ = 	snop  }
0x1a: {  	[tilespmem:s13], [sflag:$0x1] =	stream.indirect.gather [hbm4b:s3+s11], $0x80, s11, s11, $0xb8;
	[tilespmem:$0x12A00] =	vst v63  }
0x1b: {  	_ = 	snop  }
0x1c: {  	[tilespmem:s15], [sflag:$0x1] =	stream.indirect.gather [hbm4b:s3+s11], $0x80, s14, s11, $0xb8;
	[tilespmem:$0x12A00] =	vst v63  }
0x1d: {  	_ = 	snop  }
0x1e: {  	[tilespmem:s17], [sflag:$0x1] =	stream.indirect.gather [hbm4b:s3+s11], $0x80, s16, s11, $0xb8;
	[tilespmem:$0x12A00] =	vst v63  }
0x1f: {  	_ =	swait.ge [sflag:s18], $0x4000  }
0x20: {  	[sflag:s18] =	ssyncset.done $0x0  }
0x21: {  	[sflag:s18] =	ssyncadd.s32 $0xFFFFC000  }
0x22: {  	_ =	swait.ge [sflag:s18], $0x4000  }
0x23: {  	[sflag:s18] =	ssyncset.done $0x0  }
0x24: {  	[sflag:s18] =	ssyncadd.s32 $0xFFFFC000  }
0x25: {  	_ =	swait.ge [sflag:s18], $0x4000  }
0x26: {  	[sflag:s18] =	ssyncset.done $0x0  }
0x27: {  	[sflag:s18] =	ssyncadd.s32 $0xFFFFC000  }
0x28: {  	s29 =	sshll.u32 s23, $0x9;
	_ =	swait.ge [sflag:s18], $0x4000  }
0x29: {  	s24 =	sadd.s32 s6, s29;
	[sflag:s18] =	ssyncset.done $0x0  }
0x2a: {  	s26 =	sadd.s32 s4, s24;
	[sflag:s18] =	ssyncadd.s32 $0xFFFFC000  }
0x2b: {  	[tilespmem:s19], [sflag:$0x2] =	stream.linear.gather [hbm4b:s26+s25], $0x1000, $0x38;
	[tilespmem:$0x12A00] =	vst v63  }
0x2c: {  	_ =	swait.ge [sflag:s10], $0x1000  }
0x2d: {  	[sflag:s10] =	ssyncset.done $0x0  }
0x2e: {  	s30 =	simm.s32 $0x600;
	[sflag:s10] =	ssyncadd.s32 $0xFFFFF000  }
0x2f: {  	v13 =	vld [tilespmem:s30+$0xFFFFFC00]  }
0x30: {  	v14 =	vld [tilespmem:s30+$0xFFFFFD80]  }
0x31: {  	v16 =	vld [tilespmem:s30+$0xFFFFFD00]  }
0x32: {  	v17 =	vld [tilespmem:s30+$0xFFFFFC80];
	_ =	sdelay $0x2  }
0x33: {  	v15 =	vld [tilespmem:s30+$0xFFFFFE00]  }
0x34: {  	v21 =	vld [tilespmem:s30+$0xFFFFFE80];
	v18 =	vmul.f32 v14, v14;
	v19 =	vadd.f32 $0.0e+00, v13  }
0x35: {  	v22 =	vld [tilespmem:s30+$0xFFFFFF00];
	v20 =	vmul.f32 v13, v13;
	v23 =	vmul.f32 v16, v16;
	v25 =	vmin.f32 v13, v17  }
0x36: {  	v26 =	vld [tilespmem:s30+$0xFFFFFF80];
	v13 =	vmax.f32 v13, v17;
	v25 =	vmin.f32 v25, v16;
	v19 =	vadd.f32 v17, v19  }
0x37: {  	v27 =	vld [tilespmem:s30+$0x0];
	v13 =	vmax.f32 v13, v16;
	v17 =	vmul.f32 v17, v17;
	v25 =	vmin.f32 v25, v14  }
0x38: {  	v13 =	vmax.f32 v13, v14;
	v16 =	vadd.f32 v16, v19;
	v19 =	vmin.f32 v25, v15;
	v25 =	vld [tilespmem:s30+$0x80]  }
0x39: {  	v13 =	vmax.f32 v13, v15;
	v17 =	vadd.f32 v17, v20;
	v20 =	vld [tilespmem:s30+$0x100];
	v19 =	vmin.f32 v19, v21  }
0x3a: {  	v29 =	vld [tilespmem:s30+$0x180];
	v24 =	vmul.f32 v15, v15;
	v13 =	vmax.f32 v13, v21;
	v19 =	vmin.f32 v19, v22  }
0x3b: {  	v13 =	vmax.f32 v13, v22;
	v17 =	vadd.f32 v23, v17;
	v23 =	vld [tilespmem:s30+$0x200];
	v19 =	vmin.f32 v19, v26  }
0x3c: {  	v16 =	vadd.f32 v14, v16;
	v13 =	vmax.f32 v13, v26;
	v14 =	vmin.f32 v19, v27;
	v19 =	vld [tilespmem:s30+$0x280]  }
0x3d: {  	v13 =	vmax.f32 v13, v27;
	v17 =	vadd.f32 v18, v17;
	v18 =	vmin.f32 v14, v25;
	v14 =	vld [tilespmem:s30+$0x300]  }
0x3e: {  	v15 =	vadd.f32 v15, v16;
	v16 =	vmax.f32 v13, v25;
	v13 =	vld [tilespmem:s30+$0x380];
	v18 =	vmin.f32 v18, v20  }
0x3f: {  	v28 =	vmul.f32 v22, v22;
	v16 =	vmax.f32 v16, v20;
	v18 =	vmin.f32 v18, v29  }
0x40: {  	v17 =	vadd.f32 v24, v17;
	v16 =	vmax.f32 v16, v29;
	v18 =	vmin.f32 v18, v23  }
0x41: {  	v24 =	vmul.f32 v21, v21;
	v16 =	vmax.f32 v16, v23;
	v18 =	vmin.f32 v18, v19  }
0x42: {  	v15 =	vadd.f32 v21, v15;
	v16 =	vmax.f32 v16, v19;
	v18 =	vmin.f32 v18, v14  }
0x43: {  	s31 =	simm.s32 $0x0;
	v17 =	vadd.f32 v24, v17;
	v16 =	vmax.f32 v16, v14;
	v18 =	vmin.f32 v18, v13  }
0x44: {  	v15 =	vadd.f32 v22, v15;
	v16 =	vmax.f32 v16, v13;
	[tilespmem:s31+$0x11240] =	vst v18  }
0x45: {  	v21 =	vmul.f32 v26, v26;
	v17 =	vadd.f32 v28, v17;
	[tilespmem:s31+$0x11200] =	vst v16  }
0x46: {  	v15 =	vadd.f32 v26, v15;
	v18 =	vld [tilespmem:s30+$0xFFFFFC10]  }
0x47: {  	v16 =	vadd.f32 v21, v17;
	v17 =	vmul.f32 v27, v27;
	v21 =	vld [tilespmem:s30+$0xFFFFFD10]  }
0x48: {  	v15 =	vadd.f32 v27, v15;
	v22 =	vld [tilespmem:s30+$0xFFFFFC90]  }
0x49: {  	v31 =	vld [tilespmem:s30+$0xFFFFFE90];
	v16 =	vadd.f32 v17, v16;
	v17 =	vmul.f32 v25, v25  }
0x4a: {  	v48 =	vmul.f32 v23, v23;
	v24 =	vmul.f32 v19, v19;
	v15 =	vadd.f32 v25, v15  }
0x4b: {  	v26 =	vld [tilespmem:s30+$0xFFFFFD90];
	v25 =	vmul.f32 v14, v14;
	v16 =	vadd.f32 v17, v16;
	v17 =	vmul.f32 v20, v20  }
0x4c: {  	v27 =	vld [tilespmem:s30+$0xFFFFFE10];
	v15 =	vadd.f32 v20, v15;
	v20 =	vmul.f32 v29, v29;
	v30 =	vadd.f32 $0.0e+00, v18  }
0x4d: {  	v16 =	vadd.f32 v17, v16;
	v17 =	vmul.f32 v18, v18;
	v32 =	vmul.f32 v21, v21  }
0x4e: {  	v34 =	vld [tilespmem:s30+$0xFFFFFF10];
	v33 =	vmax.f32 v18, v22;
	v18 =	vmin.f32 v18, v22;
	v50 =	vmul.f32 v31, v31  }
0x4f: {  	v49 =	vld [tilespmem:s30+$0xFFFFFF90];
	v18 =	vmin.f32 v18, v21;
	v16 =	vadd.f32 v20, v16;
	v20 =	vmax.f32 v33, v21  }
0x50: {  	v35 =	vld [tilespmem:s30+$0x10];
	v30 =	vadd.f32 v22, v30;
	v22 =	vmul.f32 v22, v22;
	v20 =	vmax.f32 v20, v26  }
0x51: {  	v36 =	vld [tilespmem:s30+$0x90];
	v18 =	vmin.f32 v18, v26;
	v28 =	vadd.f32 v48, v16;
	v16 =	vmax.f32 v20, v27  }
0x52: {  	v18 =	vmin.f32 v18, v27;
	v20 =	vadd.f32 v21, v30;
	v21 =	vld [tilespmem:s30+$0x110];
	v16 =	vmax.f32 v16, v31  }
0x53: {  	v18 =	vmin.f32 v18, v31;
	v17 =	vadd.f32 v22, v17;
	v22 =	vld [tilespmem:s30+$0x190];
	v16 =	vmax.f32 v16, v34  }
0x54: {  	v37 =	vld [tilespmem:s30+$0x210];
	v15 =	vadd.f32 v29, v15;
	v18 =	vmin.f32 v18, v34;
	v16 =	vmax.f32 v16, v49  }
0x55: {  	v39 =	vld [tilespmem:s30+$0x290];
	v18 =	vmin.f32 v18, v49;
	v38 =	vadd.f32 v26, v20;
	v16 =	vmax.f32 v16, v35  }
0x56: {  	v17 =	vadd.f32 v32, v17;
	v20 =	vld [tilespmem:s30+$0x310];
	v18 =	vmin.f32 v18, v35;
	v16 =	vmax.f32 v16, v36  }
0x57: {  	v26 =	vmul.f32 v26, v26;
	v18 =	vmin.f32 v18, v36;
	v51 =	vmax.f32 v16, v21;
	v16 =	vld [tilespmem:s30+$0x390]  }
0x58: {  	v38 =	vadd.f32 v27, v38;
	v18 =	vmin.f32 v18, v21;
	v32 =	vmax.f32 v51, v22  }
0x59: {  	v17 =	vadd.f32 v26, v17;
	v18 =	vmin.f32 v18, v22;
	v26 =	vmax.f32 v32, v37  }
0x5a: {  	v27 =	vmul.f32 v27, v27;
	v18 =	vmin.f32 v18, v37;
	v26 =	vmax.f32 v26, v39  }
0x5b: {  	v31 =	vadd.f32 v31, v38;
	v18 =	vmin.f32 v18, v39;
	v26 =	vmax.f32 v26, v20  }
0x5c: {  	v24 =	vadd.f32 v24, v28;
	v18 =	vmin.f32 v18, v20;
	v26 =	vmax.f32 v26, v16  }
0x5d: {  	v17 =	vadd.f32 v27, v17;
	v27 =	vadd.f32 v34, v31;
	v18 =	vmin.f32 v18, v16;
	[tilespmem:s31+$0x11210] =	vst v26  }
0x5e: {  	v15 =	vadd.f32 v23, v15;
	[tilespmem:s31+$0x11250] =	vst v18  }
0x5f: {  	v52 =	vmul.f32 v49, v49;
	v24 =	vadd.f32 v25, v24;
	v25 =	vadd.f32 v49, v27;
	v27 =	vld [tilespmem:s30+$0xFFFFFC20]  }
0x60: {  	v15 =	vadd.f32 v19, v15;
	v17 =	vadd.f32 v50, v17;
	v26 =	vmul.f32 v34, v34;
	v23 =	vld [tilespmem:s30+$0xFFFFFCA0]  }
0x61: {  	v19 =	vmul.f32 v35, v35;
	v18 =	vmul.f32 v13, v13;
	v53 =	vld [tilespmem:s30+$0xFFFFFDA0]  }
0x62: {  	v14 =	vadd.f32 v14, v15;
	v54 =	vmul.f32 v21, v21;
	v56 =	vld [tilespmem:s30+$0xFFFFFE20];
	v17 =	vadd.f32 v26, v17  }
0x63: {  	v55 =	vmul.f32 v22, v22;
	v58 =	vld [tilespmem:s30+$0xFFFFFEA0];
	v24 =	vadd.f32 v18, v24;
	v18 =	vadd.f32 v35, v25  }
0x64: {  	v51 =	vmul.f32 v20, v20;
	v50 =	vmul.f32 v39, v39;
	v59 =	vld [tilespmem:s30+$0xFFFFFF20];
	v17 =	vadd.f32 v52, v17  }
0x65: {  	v26 =	vmul.f32 v36, v36;
	v25 =	vld [tilespmem:s30+$0xFFFFFD20];
	v18 =	vadd.f32 v36, v18;
	v8 =	vadd.f32 v24, v8  }
0x66: {  	v24 =	vmul.f32 v37, v37;
	v15 =	vadd.f32 $0.0e+00, v27;
	v57 =	vmul.f32 v27, v27  }
0x67: {  	v17 =	vadd.f32 v19, v17;
	v19 =	vmax.f32 v27, v23;
	v60 =	vmul.f32 v23, v23  }
0x68: {  	v27 =	vmin.f32 v27, v23;
	v40 =	vmul.f32 v53, v53;
	v43 =	vmul.f32 v58, v58  }
0x69: {  	v21 =	vadd.f32 v21, v18;
	v47 =	vmul.f32 v59, v59;
	v31 =	vmul.f32 v56, v56  }
0x6a: {  	v19 =	vmax.f32 v19, v25;
	v27 =	vmin.f32 v27, v25;
	v26 =	vadd.f32 v26, v17  }
0x6b: {  	v61 =	vld [tilespmem:s30+$0xFFFFFFA0];
	v17 =	vmax.f32 v19, v53;
	v19 =	vmin.f32 v27, v53;
	v15 =	vadd.f32 v23, v15  }
0x6c: {  	v27 =	vld [tilespmem:s30+$0x20];
	v32 =	vadd.f32 v60, v57;
	v17 =	vmax.f32 v17, v56;
	v18 =	vmin.f32 v19, v56  }
0x6d: {  	v62 =	vld [tilespmem:s30+$0xA0];
	v21 =	vadd.f32 v22, v21;
	v17 =	vmax.f32 v17, v58;
	v18 =	vmin.f32 v18, v58  }
0x6e: {  	v23 =	vld [tilespmem:s30+$0x120];
	v63 =	vadd.f32 v25, v15;
	v25 =	vmul.f32 v25, v25;
	v26 =	vadd.f32 v54, v26  }
0x6f: {  	v41 =	vld [tilespmem:s30+$0x1A0];
	v21 =	vadd.f32 v37, v21;
	v17 =	vmax.f32 v17, v59;
	v18 =	vmin.f32 v18, v59  }
0x70: {  	v19 =	vld [tilespmem:s30+$0x220];
	v17 =	vmax.f32 v17, v61;
	v18 =	vmin.f32 v18, v61;
	v28 =	vadd.f32 v53, v63  }
0x71: {  	v26 =	vadd.f32 v55, v26;
	v15 =	vmax.f32 v17, v27;
	v17 =	vmin.f32 v18, v27;
	v18 =	vld [tilespmem:s30+$0x2A0]  }
0x72: {  	v25 =	vadd.f32 v25, v32;
	v15 =	vmax.f32 v15, v62;
	v42 =	vmin.f32 v17, v62;
	v17 =	vld [tilespmem:s30+$0x320]  }
0x73: {  	v21 =	vadd.f32 v39, v21;
	v28 =	vadd.f32 v56, v28;
	v45 =	vmax.f32 v15, v23;
	v15 =	vld [tilespmem:s30+$0x3A0]  }
0x74: {  	v25 =	vadd.f32 v40, v25;
	v42 =	vmin.f32 v42, v23;
	v29 =	vmax.f32 v45, v41  }
0x75: {  	v42 =	vmin.f32 v42, v41;
	v28 =	vadd.f32 v58, v28;
	v29 =	vmax.f32 v29, v19  }
0x76: {  	v24 =	vadd.f32 v24, v26;
	v46 =	vmin.f32 v42, v19;
	v29 =	vmax.f32 v29, v18  }
0x77: {  	v35 =	vmin.f32 v46, v18;
	v28 =	vadd.f32 v59, v28;
	v29 =	vmax.f32 v29, v17  }
0x78: {  	v24 =	vadd.f32 v50, v24;
	v48 =	vmin.f32 v35, v17;
	v29 =	vmax.f32 v29, v15  }
0x79: {  	v25 =	vadd.f32 v31, v25;
	v22 =	vmin.f32 v48, v15;
	v28 =	vadd.f32 v61, v28;
	[tilespmem:s31+$0x11220] =	vst v29  }
0x7a: {  	v52 =	vld [tilespmem:s31+$0x10210];
	v20 =	vadd.f32 v20, v21;
	v21 =	vmul.f32 v16, v16;
	v24 =	vadd.f32 v51, v24;
	[tilespmem:s31+$0x11260] =	vst v22  }
0x7b: {  	v26 =	vmul.f32 v27, v27;
	v22 =	vadd.f32 v43, v25;
	v25 =	vadd.f32 v27, v28;
	v27 =	vld [tilespmem:s30+$0xFFFFFD30]  }
0x7c: {  	v16 =	vadd.f32 v16, v20;
	v20 =	vadd.f32 v21, v24;
	v55 =	vld [tilespmem:s30+$0xFFFFFC30]  }
0x7d: {  	v49 =	vmul.f32 v61, v61;
	v33 =	vmul.f32 v41, v41;
	v21 =	vld [tilespmem:s30+$0xFFFFFCB0];
	v22 =	vadd.f32 v47, v22  }
0x7e: {  	v53 =	vmul.f32 v62, v62;
	v54 =	vmul.f32 v23, v23;
	v7 =	vadd.f32 v20, v7;
	v20 =	vld [tilespmem:s30+$0xFFFFFE30]  }
0x7f: {  	v30 =	vmul.f32 v19, v19;
	v63 =	vld [tilespmem:s30+$0xFFFFFF30];
	v25 =	vadd.f32 v62, v25;
	v22 =	vadd.f32 v49, v22  }
0x80: {  	v11 =	vadd.f32 v16, v11;
	v16 =	vmul.f32 v52, v16;
	v39 =	vmul.f32 v18, v18  }
0x81: {  	v34 =	vmul.f32 v17, v17;
	v47 =	vld [tilespmem:s30+$0xFFFFFFB0];
	v23 =	vadd.f32 v23, v25;
	v22 =	vadd.f32 v26, v22  }
0x82: {  	v25 =	vld [tilespmem:s30+$0xFFFFFDB0];
	v26 =	vmul.f32 v15, v15;
	v56 =	vmul.f32 v27, v27;
	v57 =	vadd.f32 $0.0e+00, v55  }
0x83: {  	v59 =	vmul.f32 v55, v55;
	v60 =	vmul.f32 v21, v21;
	v62 =	vmin.f32 v55, v21  }
0x84: {  	v46 =	vmul.f32 v20, v20;
	v52 =	vmul.f32 v63, v63;
	v35 =	vadd.f32 v21, v57  }
0x85: {  	v58 =	vld [tilespmem:s30+$0xFFFFFEB0];
	v23 =	vadd.f32 v41, v23;
	v45 =	vmin.f32 v62, v27;
	v32 =	vadd.f32 v60, v59  }
0x86: {  	v22 =	vadd.f32 v53, v22;
	v21 =	vmax.f32 v55, v21;
	v35 =	vadd.f32 v27, v35  }
0x87: {  	v53 =	vmul.f32 v47, v47;
	v61 =	vmul.f32 v25, v25;
	v48 =	vadd.f32 v56, v32  }
0x88: {  	v21 =	vmax.f32 v21, v27;
	v19 =	vadd.f32 v19, v23;
	v49 =	vadd.f32 v25, v35  }
0x89: {  	v50 =	vld [tilespmem:s30+$0x30];
	v21 =	vmax.f32 v21, v25;
	v25 =	vmin.f32 v45, v25;
	v28 =	vadd.f32 v61, v48  }
0x8a: {  	v51 =	vld [tilespmem:s30+$0xB0];
	v27 =	vmul.f32 v58, v58;
	v25 =	vmin.f32 v25, v20;
	v29 =	vadd.f32 v20, v49  }
0x8b: {  	v24 =	vld [tilespmem:s30+$0x130];
	v20 =	vmax.f32 v21, v20;
	v21 =	vmin.f32 v25, v58;
	v25 =	vadd.f32 v46, v28  }
0x8c: {  	v55 =	vld [tilespmem:s30+$0x230];
	v22 =	vadd.f32 v54, v22;
	v21 =	vmin.f32 v21, v63;
	v29 =	vadd.f32 v58, v29  }
0x8d: {  	v54 =	vld [tilespmem:s30+$0x1B0];
	v18 =	vadd.f32 v18, v19;
	v21 =	vmin.f32 v21, v47;
	v25 =	vadd.f32 v27, v25  }
0x8e: {  	v20 =	vmax.f32 v20, v58;
	v21 =	vmin.f32 v21, v50;
	v29 =	vadd.f32 v63, v29  }
0x8f: {  	v57 =	vmax.f32 v20, v63;
	v20 =	vmin.f32 v21, v51;
	v21 =	vadd.f32 v52, v25  }
0x90: {  	v38 =	vmul.f32 v24, v24;
	v22 =	vadd.f32 v33, v22;
	v29 =	vadd.f32 v47, v29  }
0x91: {  	v56 =	vld [tilespmem:s30+$0x2B0];
	v62 =	vmul.f32 v55, v55;
	v27 =	vmul.f32 v50, v50;
	v21 =	vadd.f32 v53, v21  }
0x92: {  	v22 =	vadd.f32 v30, v22;
	v61 =	vmul.f32 v54, v54;
	v29 =	vadd.f32 v50, v29  }
0x93: {  	v41 =	vmax.f32 v57, v47;
	v25 =	vmul.f32 v51, v51;
	v21 =	vadd.f32 v27, v21  }
0x94: {  	v22 =	vadd.f32 v39, v22;
	v59 =	vmax.f32 v41, v50;
	v29 =	vadd.f32 v51, v29  }
0x95: {  	v58 =	vmin.f32 v20, v24;
	v20 =	vld [tilespmem:s30+$0x330];
	v28 =	vmax.f32 v59, v51;
	v25 =	vadd.f32 v25, v21  }
0x96: {  	v63 =	vmul.f32 v56, v56;
	v27 =	vmax.f32 v28, v24;
	v21 =	vld [tilespmem:s30+$0x3B0];
	v24 =	vadd.f32 v24, v29  }
0x97: {  	v35 =	vmin.f32 v58, v54;
	v27 =	vmax.f32 v27, v54;
	v25 =	vadd.f32 v38, v25  }
0x98: {  	v35 =	vmin.f32 v35, v55;
	v27 =	vmax.f32 v27, v55;
	v23 =	vadd.f32 v54, v24  }
0x99: {  	v60 =	vmin.f32 v35, v56;
	v27 =	vmax.f32 v27, v56;
	v24 =	vadd.f32 v61, v25  }
0x9a: {  	v31 =	vmin.f32 v60, v20;
	v25 =	vmax.f32 v27, v20;
	v23 =	vadd.f32 v55, v23  }
0x9b: {  	v19 =	vld [tilespmem:s31+$0x10220];
	v27 =	vadd.f32 v34, v22;
	v25 =	vmax.f32 v25, v21;
	v28 =	vadd.f32 v62, v24  }
0x9c: {  	v22 =	vadd.f32 v17, v18;
	v17 =	vld [tilespmem:s31+$0x10230];
	v24 =	vmin.f32 v31, v21;
	[tilespmem:s31+$0x11230] =	vst v25;
	v23 =	vadd.f32 v56, v23  }
0x9d: {  	s25 =	simm.s32 $0x200;
	s26 =	simm.s32 $0xE00;
	v18 =	vld [tilespmem:s31+$0x10200];
	[tilespmem:s31+$0x11270] =	vst v24;
	v24 =	vadd.f32 v26, v27;
	v26 =	vmul.f32 v20, v20;
	v25 =	vadd.f32 v63, v28  }
.LBB2_3:
0x9e: {  	v27 =	vld [tilespmem:s26+$0xFFFFFC00];
	p0 =	sne.s32 s25, $0x3E00;
	v15 =	vadd.f32 v15, v22;
	v20 =	vadd.f32 v20, v23;
	s28 =	smov.u32 s25;
	s25 =	sadd.s32 $0x200, s25  }
0x9f: {  	v22 =	vld [tilespmem:s26+$0xFFFFFD80];
	v6 =	vadd.f32 v24, v6;
	v23 =	vadd.f32 v26, v25;
	v24 =	vmul.f32 v21, v21  }
0xa0: {  	v13 =	vadd.f32 v13, v14;
	v25 =	vld [tilespmem:s26+$0xFFFFFE00];
	v14 =	vmul.f32 v19, v15;
	v19 =	vadd.f32 v21, v20  }
0xa1: {  	v3 =	vadd.f32 v16, v3;
	v20 =	vld [tilespmem:s26+$0xFFFFFD00];
	v16 =	vadd.f32 v24, v23  }
0xa2: {  	v12 =	vadd.f32 v13, v12;
	v21 =	vld [tilespmem:s26+$0xFFFFFC80];
	v9 =	vadd.f32 v19, v9;
	v17 =	vmul.f32 v17, v19  }
0xa3: {  	v10 =	vadd.f32 v15, v10;
	v13 =	vmul.f32 v18, v13;
	v19 =	vld [tilespmem:s26+$0xFFFFFF00];
	v5 =	vadd.f32 v16, v5  }
0xa4: {  	v2 =	vadd.f32 v14, v2;
	v16 =	vmul.f32 v22, v22;
	v23 =	vld [tilespmem:s26+$0xFFFFFF80];
	v1 =	vadd.f32 v17, v1  }
0xa5: {  	v14 =	vadd.f32 $0.0e+00, v27;
	v15 =	vmul.f32 v27, v27;
	v4 =	vadd.f32 v13, v4  }
0xa6: {  	v24 =	vmul.f32 v25, v25;
	v13 =	vmul.f32 v20, v20;
	v26 =	vld [tilespmem:s26+$0xFFFFFE80]  }
0xa7: {  	v17 =	vmax.f32 v27, v21;
	v18 =	vmin.f32 v27, v21;
	v14 =	vadd.f32 v21, v14  }
0xa8: {  	v21 =	vmul.f32 v21, v21;
	v17 =	vmax.f32 v17, v20;
	v18 =	vmin.f32 v18, v20  }
0xa9: {  	v14 =	vadd.f32 v20, v14;
	v17 =	vmax.f32 v17, v22;
	v18 =	vmin.f32 v18, v22;
	v20 =	vld [tilespmem:s26+$0x0]  }
0xaa: {  	v15 =	vadd.f32 v21, v15;
	v17 =	vmax.f32 v17, v25;
	v18 =	vmin.f32 v18, v25;
	v21 =	vld [tilespmem:s26+$0x80]  }
0xab: {  	v27 =	vmul.f32 v19, v19;
	v17 =	vmax.f32 v17, v26;
	v18 =	vmin.f32 v18, v26;
	v28 =	vld [tilespmem:s26+$0x100]  }
0xac: {  	v14 =	vadd.f32 v22, v14;
	v17 =	vmax.f32 v17, v19;
	v22 =	vmin.f32 v18, v19;
	v18 =	vld [tilespmem:s26+$0x180]  }
0xad: {  	v13 =	vadd.f32 v13, v15;
	v15 =	vmax.f32 v17, v23;
	v22 =	vmin.f32 v22, v23;
	v17 =	vld [tilespmem:s26+$0x200]  }
0xae: {  	v25 =	vadd.f32 v25, v14;
	v14 =	vmax.f32 v15, v20;
	v22 =	vmin.f32 v22, v20;
	v15 =	vld [tilespmem:s26+$0x280]  }
0xaf: {  	v16 =	vadd.f32 v16, v13;
	v13 =	vmax.f32 v14, v21;
	v22 =	vmin.f32 v22, v21;
	v14 =	vld [tilespmem:s26+$0x300]  }
0xb0: {  	v25 =	vadd.f32 v26, v25;
	v29 =	vmax.f32 v13, v28;
	v22 =	vmin.f32 v22, v28;
	v13 =	vld [tilespmem:s26+$0x380]  }
0xb1: {  	v16 =	vadd.f32 v24, v16;
	v24 =	vmax.f32 v29, v18;
	v22 =	vmin.f32 v22, v18  }
0xb2: {  	v26 =	vmul.f32 v26, v26;
	v24 =	vmax.f32 v24, v17;
	v22 =	vmin.f32 v22, v17  }
0xb3: {  	v19 =	vadd.f32 v19, v25;
	v24 =	vmax.f32 v24, v15;
	v22 =	vmin.f32 v22, v15  }
0xb4: {  	v16 =	vadd.f32 v26, v16;
	v24 =	vmax.f32 v24, v14;
	v22 =	vmin.f32 v22, v14  }
0xb5: {  	s28 =	sshra.s32 s28, $0x2;
	v19 =	vadd.f32 v23, v19;
	v24 =	vmax.f32 v24, v13;
	v22 =	vmin.f32 v22, v13  }
0xb6: {  	v16 =	vadd.f32 v27, v16;
	v23 =	vmul.f32 v23, v23;
	[tilespmem:s28+$0x11240] =	vst v22  }
0xb7: {  	v19 =	vadd.f32 v20, v19;
	[tilespmem:s28+$0x11200] =	vst v24  }
0xb8: {  	v16 =	vadd.f32 v23, v16;
	v20 =	vmul.f32 v20, v20;
	v22 =	vld [tilespmem:s26+$0xFFFFFC10]  }
0xb9: {  	v19 =	vadd.f32 v21, v19;
	v23 =	vld [tilespmem:s26+$0xFFFFFD10]  }
0xba: {  	v16 =	vadd.f32 v20, v16;
	v20 =	vmul.f32 v21, v21;
	v21 =	vld [tilespmem:s26+$0xFFFFFC90]  }
0xbb: {  	v25 =	vmul.f32 v13, v13;
	v24 =	vmul.f32 v15, v15;
	v19 =	vadd.f32 v28, v19;
	v26 =	vld [tilespmem:s26+$0xFFFFFE10]  }
0xbc: {  	v27 =	vmul.f32 v14, v14;
	v16 =	vadd.f32 v20, v16;
	v20 =	vmul.f32 v28, v28;
	v28 =	vld [tilespmem:s26+$0xFFFFFD90]  }
0xbd: {  	v29 =	vmul.f32 v18, v18;
	v30 =	vmul.f32 v17, v17;
	v31 =	vadd.f32 $0.0e+00, v22  }
0xbe: {  	v16 =	vadd.f32 v20, v16;
	v20 =	vmul.f32 v22, v22;
	v32 =	vmul.f32 v23, v23;
	v33 =	vld [tilespmem:s26+$0xFFFFFE90]  }
0xbf: {  	v34 =	vmax.f32 v22, v21;
	v22 =	vmin.f32 v22, v21;
	v31 =	vadd.f32 v21, v31;
	v35 =	vld [tilespmem:s26+$0xFFFFFF10]  }
0xc0: {  	v16 =	vadd.f32 v29, v16;
	v29 =	vmax.f32 v34, v23;
	v22 =	vmin.f32 v22, v23;
	v34 =	vld [tilespmem:s26+$0xFFFFFF90]  }
0xc1: {  	v21 =	vmul.f32 v21, v21;
	v29 =	vmax.f32 v29, v28;
	v22 =	vmin.f32 v22, v28;
	v36 =	vld [tilespmem:s26+$0x10]  }
0xc2: {  	v30 =	vadd.f32 v30, v16;
	v16 =	vmax.f32 v29, v26;
	v22 =	vmin.f32 v22, v26;
	v29 =	vld [tilespmem:s26+$0x90]  }
0xc3: {  	v31 =	vadd.f32 v23, v31;
	v16 =	vmax.f32 v16, v33;
	v22 =	vmin.f32 v22, v33;
	v37 =	vld [tilespmem:s26+$0x110]  }
0xc4: {  	v20 =	vadd.f32 v21, v20;
	v16 =	vmax.f32 v16, v35;
	v21 =	vmin.f32 v22, v35;
	v23 =	vld [tilespmem:s26+$0x190]  }
0xc5: {  	v38 =	vmul.f32 v33, v33;
	v16 =	vmax.f32 v16, v34;
	v21 =	vmin.f32 v21, v34;
	v22 =	vld [tilespmem:s26+$0x210]  }
0xc6: {  	v31 =	vadd.f32 v28, v31;
	v16 =	vmax.f32 v16, v36;
	v39 =	vmin.f32 v21, v36;
	v21 =	vld [tilespmem:s26+$0x290]  }
0xc7: {  	v32 =	vadd.f32 v32, v20;
	v16 =	vmax.f32 v16, v29;
	v39 =	vmin.f32 v39, v29;
	v20 =	vld [tilespmem:s26+$0x310]  }
0xc8: {  	v28 =	vmul.f32 v28, v28;
	v40 =	vmax.f32 v16, v37;
	v39 =	vmin.f32 v39, v37;
	v16 =	vld [tilespmem:s26+$0x390]  }
0xc9: {  	v31 =	vadd.f32 v26, v31;
	v40 =	vmax.f32 v40, v23;
	v39 =	vmin.f32 v39, v23  }
0xca: {  	v28 =	vadd.f32 v28, v32;
	v32 =	vmax.f32 v40, v22;
	v39 =	vmin.f32 v39, v22  }
0xcb: {  	v26 =	vmul.f32 v26, v26;
	v32 =	vmax.f32 v32, v21;
	v39 =	vmin.f32 v39, v21  }
0xcc: {  	v31 =	vadd.f32 v33, v31;
	v32 =	vmax.f32 v32, v20;
	v33 =	vmin.f32 v39, v20  }
0xcd: {  	v26 =	vadd.f32 v26, v28;
	v28 =	vmax.f32 v32, v16;
	v32 =	vmin.f32 v33, v16  }
0xce: {  	v24 =	vadd.f32 v24, v30;
	v30 =	vadd.f32 v35, v31;
	v31 =	vmul.f32 v35, v35;
	[tilespmem:s28+$0x11210] =	vst v28  }
0xcf: {  	v18 =	vadd.f32 v18, v19;
	v19 =	vadd.f32 v38, v26;
	v26 =	vmul.f32 v34, v34;
	[tilespmem:s28+$0x11250] =	vst v32  }
0xd0: {  	v24 =	vadd.f32 v27, v24;
	v27 =	vadd.f32 v34, v30;
	v28 =	vmul.f32 v29, v29;
	v30 =	vld [tilespmem:s26+$0xFFFFFC20]  }
0xd1: {  	v17 =	vadd.f32 v17, v18;
	v18 =	vadd.f32 v31, v19;
	v19 =	vld [tilespmem:s26+$0xFFFFFCA0]  }
0xd2: {  	v24 =	vadd.f32 v25, v24;
	v25 =	vadd.f32 v36, v27;
	v27 =	vld [tilespmem:s26+$0xFFFFFD20]  }
0xd3: {  	v15 =	vadd.f32 v15, v17;
	v17 =	vadd.f32 v26, v18;
	v18 =	vmul.f32 v36, v36;
	v26 =	vld [tilespmem:s26+$0xFFFFFDA0]  }
0xd4: {  	v31 =	vmul.f32 v23, v23;
	v25 =	vadd.f32 v29, v25;
	v29 =	vmul.f32 v37, v37;
	v32 =	vld [tilespmem:s26+$0xFFFFFE20]  }
0xd5: {  	v14 =	vadd.f32 v14, v15;
	v15 =	vadd.f32 $0.0e+00, v30;
	v33 =	vmul.f32 v30, v30;
	v34 =	vld [tilespmem:s26+$0xFFFFFEA0]  }
0xd6: {  	v17 =	vadd.f32 v18, v17;
	v18 =	vmax.f32 v30, v19;
	v30 =	vmin.f32 v30, v19;
	v35 =	vld [tilespmem:s26+$0xFFFFFF20]  }
0xd7: {  	v36 =	vmul.f32 v19, v19;
	v18 =	vmax.f32 v18, v27;
	v30 =	vmin.f32 v30, v27;
	v38 =	vld [tilespmem:s26+$0xFFFFFFA0]  }
0xd8: {  	v28 =	vadd.f32 v28, v17;
	v17 =	vmax.f32 v18, v26;
	v18 =	vmin.f32 v30, v26;
	v30 =	vld [tilespmem:s26+$0x20]  }
0xd9: {  	v25 =	vadd.f32 v37, v25;
	v17 =	vmax.f32 v17, v32;
	v18 =	vmin.f32 v18, v32;
	v37 =	vld [tilespmem:s26+$0xA0]  }
0xda: {  	v15 =	vadd.f32 v19, v15;
	v17 =	vmax.f32 v17, v34;
	v18 =	vmin.f32 v18, v34;
	v39 =	vld [tilespmem:s26+$0x120]  }
0xdb: {  	v40 =	vmul.f32 v26, v26;
	v17 =	vmax.f32 v17, v35;
	v18 =	vmin.f32 v18, v35;
	v41 =	vld [tilespmem:s26+$0x1A0]  }
0xdc: {  	v33 =	vadd.f32 v36, v33;
	v17 =	vmax.f32 v17, v38;
	v18 =	vmin.f32 v18, v38;
	v19 =	vld [tilespmem:s26+$0x220]  }
0xdd: {  	v36 =	vadd.f32 v27, v15;
	v15 =	vmax.f32 v17, v30;
	v17 =	vmin.f32 v18, v30;
	v18 =	vld [tilespmem:s26+$0x2A0]  }
0xde: {  	v27 =	vmul.f32 v27, v27;
	v15 =	vmax.f32 v15, v37;
	v42 =	vmin.f32 v17, v37;
	v17 =	vld [tilespmem:s26+$0x320]  }
0xdf: {  	v28 =	vadd.f32 v29, v28;
	v29 =	vmax.f32 v15, v39;
	v42 =	vmin.f32 v42, v39;
	v15 =	vld [tilespmem:s26+$0x3A0]  }
0xe0: {  	v43 =	vmul.f32 v34, v34;
	v29 =	vmax.f32 v29, v41;
	v42 =	vmin.f32 v42, v41  }
0xe1: {  	v26 =	vadd.f32 v26, v36;
	v29 =	vmax.f32 v29, v19;
	v36 =	vmin.f32 v42, v19  }
0xe2: {  	v42 =	vmul.f32 v35, v35;
	v29 =	vmax.f32 v29, v18;
	v36 =	vmin.f32 v36, v18  }
0xe3: {  	v28 =	vadd.f32 v31, v28;
	v29 =	vmax.f32 v29, v17;
	v31 =	vmin.f32 v36, v17  }
0xe4: {  	v26 =	vadd.f32 v32, v26;
	v29 =	vmax.f32 v29, v15;
	v31 =	vmin.f32 v31, v15  }
0xe5: {  	v23 =	vadd.f32 v23, v25;
	v25 =	vadd.f32 v27, v33;
	v27 =	vmul.f32 v38, v38;
	[tilespmem:s28+$0x11220] =	vst v29  }
0xe6: {  	v8 =	vadd.f32 v24, v8;
	v24 =	vmul.f32 v22, v22;
	v26 =	vadd.f32 v34, v26  }
0xe7: {  	v25 =	vadd.f32 v40, v25;
	v29 =	vmul.f32 v32, v32;
	v32 =	vmul.f32 v30, v30  }
0xe8: {  	v22 =	vadd.f32 v22, v23;
	v23 =	vmul.f32 v21, v21;
	v26 =	vadd.f32 v35, v26  }
0xe9: {  	v24 =	vadd.f32 v24, v28;
	v25 =	vadd.f32 v29, v25;
	v29 =	vmul.f32 v37, v37;
	v28 =	vld [tilespmem:s28+$0x10210];
	[tilespmem:s28+$0x11260] =	vst v31  }
0xea: {  	v21 =	vadd.f32 v21, v22;
	v22 =	vmul.f32 v20, v20;
	v26 =	vadd.f32 v38, v26;
	v31 =	vld [tilespmem:s26+$0xFFFFFEB0]  }
0xeb: {  	v23 =	vadd.f32 v23, v24;
	v24 =	vadd.f32 v43, v25;
	v25 =	vmul.f32 v39, v39;
	v33 =	vld [tilespmem:s26+$0xFFFFFE30]  }
0xec: {  	v20 =	vadd.f32 v20, v21;
	v21 =	vmul.f32 v16, v16;
	v26 =	vadd.f32 v30, v26;
	v30 =	vld [tilespmem:s26+$0xFFFFFDB0]  }
0xed: {  	v22 =	vadd.f32 v22, v23;
	v23 =	vadd.f32 v42, v24;
	v24 =	vmul.f32 v41, v41;
	v34 =	vld [tilespmem:s26+$0xFFFFFD30]  }
0xee: {  	v16 =	vadd.f32 v16, v20;
	v20 =	vadd.f32 v37, v26;
	v26 =	vld [tilespmem:s26+$0x130]  }
0xef: {  	v21 =	vadd.f32 v21, v22;
	v22 =	vadd.f32 v27, v23;
	v23 =	vmul.f32 v19, v19;
	v27 =	vld [tilespmem:s26+$0xFFFFFC30]  }
0xf0: {  	v11 =	vadd.f32 v16, v11;
	v20 =	vadd.f32 v39, v20;
	v16 =	vmul.f32 v28, v16;
	v28 =	vld [tilespmem:s26+$0xFFFFFCB0]  }
0xf1: {  	v7 =	vadd.f32 v21, v7;
	v21 =	vadd.f32 v32, v22;
	v22 =	vld [tilespmem:s26+$0xB0]  }
0xf2: {  	v35 =	vmul.f32 v15, v15;
	v32 =	vadd.f32 v41, v20;
	v20 =	vmul.f32 v34, v34;
	v36 =	vld [tilespmem:s26+$0xFFFFFFB0]  }
0xf3: {  	v21 =	vadd.f32 v29, v21;
	v29 =	vmul.f32 v17, v17;
	v37 =	vld [tilespmem:s26+$0x30];
	v38 =	vmul.f32 v26, v26  }
0xf4: {  	v39 =	vmul.f32 v18, v18;
	v41 =	vmul.f32 v30, v30;
	v40 =	vadd.f32 $0.0e+00, v27  }
0xf5: {  	v42 =	vmul.f32 v27, v27;
	v43 =	vmin.f32 v27, v28;
	v44 =	vmul.f32 v28, v28;
	v45 =	vld [tilespmem:s26+$0xFFFFFF30]  }
0xf6: {  	v46 =	vmul.f32 v33, v33;
	v40 =	vadd.f32 v28, v40;
	v43 =	vmin.f32 v43, v34  }
0xf7: {  	v25 =	vadd.f32 v25, v21;
	v21 =	vmax.f32 v27, v28;
	v27 =	vadd.f32 v44, v42  }
0xf8: {  	v21 =	vmax.f32 v21, v34;
	v28 =	vadd.f32 v34, v40;
	v34 =	vmul.f32 v31, v31  }
0xf9: {  	v21 =	vmax.f32 v21, v30;
	v20 =	vadd.f32 v20, v27;
	v27 =	vmin.f32 v43, v30  }
0xfa: {  	v28 =	vadd.f32 v30, v28;
	v27 =	vmin.f32 v27, v33;
	v30 =	vmul.f32 v45, v45  }
0xfb: {  	v21 =	vmax.f32 v21, v33;
	v20 =	vadd.f32 v41, v20;
	v27 =	vmin.f32 v27, v31  }
0xfc: {  	v28 =	vadd.f32 v33, v28;
	v27 =	vmin.f32 v27, v45;
	v33 =	vmul.f32 v36, v36;
	v40 =	vld [tilespmem:s26+$0x1B0]  }
0xfd: {  	v21 =	vmax.f32 v21, v31;
	v20 =	vadd.f32 v46, v20;
	v27 =	vmin.f32 v27, v36;
	v41 =	vld [tilespmem:s26+$0x230]  }
0xfe: {  	v28 =	vadd.f32 v31, v28;
	v27 =	vmin.f32 v27, v37;
	v31 =	vmul.f32 v37, v37;
	v42 =	vld [tilespmem:s26+$0x2B0]  }
0xff: {  	v21 =	vmax.f32 v21, v45;
	v34 =	vadd.f32 v34, v20;
	v20 =	vmin.f32 v27, v22  }
0x100: {  	v27 =	vadd.f32 v45, v28;
	v28 =	vmul.f32 v22, v22;
	v43 =	vmin.f32 v20, v26;
	v20 =	vld [tilespmem:s26+$0x330]  }
0x101: {  	v21 =	vmax.f32 v21, v36;
	v30 =	vadd.f32 v30, v34;
	v34 =	vmin.f32 v43, v40  }
0x102: {  	v21 =	vmax.f32 v21, v37;
	v27 =	vadd.f32 v36, v27;
	v34 =	vmin.f32 v34, v41  }
0x103: {  	v21 =	vmax.f32 v21, v22;
	v30 =	vadd.f32 v33, v30;
	v33 =	vmin.f32 v34, v42  }
0x104: {  	v36 =	vmul.f32 v40, v40;
	v34 =	vmax.f32 v21, v26;
	v27 =	vadd.f32 v37, v27;
	v21 =	vld [tilespmem:s26+$0x3B0]  }
0x105: {  	v30 =	vadd.f32 v31, v30;
	v31 =	vmax.f32 v34, v40;
	v33 =	vmin.f32 v33, v20  }
0x106: {  	v22 =	vadd.f32 v22, v27;
	v27 =	vmax.f32 v31, v41;
	v31 =	vmul.f32 v41, v41  }
0x107: {  	v24 =	vadd.f32 v24, v25;
	v25 =	vadd.f32 v28, v30;
	v27 =	vmax.f32 v27, v42  }
0x108: {  	v22 =	vadd.f32 v26, v22;
	v26 =	vmul.f32 v42, v42;
	v27 =	vmax.f32 v27, v20  }
0x109: {  	v23 =	vadd.f32 v23, v24;
	v24 =	vadd.f32 v38, v25;
	v25 =	vmax.f32 v27, v21  }
0x10a: {  	v19 =	vadd.f32 v19, v32;
	v27 =	vmin.f32 v33, v21;
	v22 =	vadd.f32 v40, v22;
	[tilespmem:s28+$0x11230] =	vst v25  }
.Ltmp0:
0x10b: {  	v23 =	vadd.f32 v39, v23;
	v24 =	vadd.f32 v36, v24;
	[tilespmem:s28+$0x11270] =	vst v27;
	(pc) =	sbr.rel @p0 .LBB2_3-.Ltmp0, $4  }
0x10c: {  	v18 =	vadd.f32 v18, v19;
	v25 =	vadd.f32 v41, v22  }
0x10d: {  	v27 =	vadd.f32 v29, v23;
	v19 =	vld [tilespmem:s28+$0x10220];
	v28 =	vadd.f32 v31, v24  }
0x10e: {  	v22 =	vadd.f32 v17, v18;
	v23 =	vadd.f32 v42, v25;
	v17 =	vld [tilespmem:s28+$0x10230]  }
0x10f: {  	s26 =	sadd.s32 $0x800, s26;
	v24 =	vadd.f32 v35, v27;
	v18 =	vld [tilespmem:s28+$0x10200];
	v25 =	vadd.f32 v26, v28;
	v26 =	vmul.f32 v20, v20  }
0x110: {  	v15 =	vadd.f32 v15, v22;
	v20 =	vadd.f32 v20, v23  }
0x111: {  	v13 =	vadd.f32 v13, v14;
	v3 =	vadd.f32 v16, v3;
	s23 =	sadd.s32 $0x1, s23  }
0x112: {  	v62 =	vmul.f32 v21, v21;
	v6 =	vadd.f32 v24, v6;
	v61 =	vadd.f32 v26, v25;
	p0 =	sne.s32 s23, $0x8  }
.Ltmp1:
0x113: {  	s24 =	sadd.s32 s5, s24;
	v14 =	vadd.f32 v21, v20;
	v12 =	vadd.f32 v13, v12;
	(pc) =	sbr.rel @p0 .LBB2_2-.Ltmp1, $4  }
0x114: {  	[hbm4b:s24+s2] =	stream.linear.scatter [tilespmem:s20], [sflag:$0x2], $0x1000, $0x38;
	v19 =	vmul.f32 v19, v15;
	v10 =	vadd.f32 v15, v10;
	v63 =	vadd.f32 v62, v61;
	[tilespmem:$0x12A00] =	vst v63  }
0x115: {  	_ =	swait.ge [sflag:s10], $0x1000;
	v9 =	vadd.f32 v14, v9;
	v14 =	vmul.f32 v17, v14;
	v13 =	vmul.f32 v18, v13  }
0x116: {  	[sflag:s10] =	ssyncset.done $0x0;
	v2 =	vadd.f32 v19, v2;
	v5 =	vadd.f32 v63, v5  }
0x117: {  	[sflag:s10] =	ssyncadd.s32 $0xFFFFF000;
	v1 =	vadd.f32 v14, v1;
	v4 =	vadd.f32 v13, v4  }
0x118: {  	[tilespmem:$0x12200] =	vst v12  }
0x119: {  	[tilespmem:$0x12210] =	vst v0  }
0x11a: {  	[tilespmem:$0x12220] =	vst v0  }
0x11b: {  	[tilespmem:$0x12230] =	vst v0  }
0x11c: {  	[tilespmem:$0x12240] =	vst v0  }
0x11d: {  	[tilespmem:$0x12250] =	vst v0  }
0x11e: {  	[tilespmem:$0x12260] =	vst v0  }
0x11f: {  	[tilespmem:$0x12270] =	vst v0  }
0x120: {  	[tilespmem:$0x12280] =	vst v11  }
0x121: {  	[tilespmem:$0x12290] =	vst v0  }
0x122: {  	[tilespmem:$0x122A0] =	vst v0  }
0x123: {  	[tilespmem:$0x122B0] =	vst v0  }
0x124: {  	[tilespmem:$0x122C0] =	vst v0  }
0x125: {  	[tilespmem:$0x122D0] =	vst v0  }
0x126: {  	[tilespmem:$0x122E0] =	vst v0  }
0x127: {  	[tilespmem:$0x122F0] =	vst v0  }
0x128: {  	[tilespmem:$0x12300] =	vst v10  }
0x129: {  	[tilespmem:$0x12310] =	vst v0  }
0x12a: {  	[tilespmem:$0x12320] =	vst v0  }
0x12b: {  	[tilespmem:$0x12330] =	vst v0  }
0x12c: {  	[tilespmem:$0x12340] =	vst v0  }
0x12d: {  	[tilespmem:$0x12350] =	vst v0  }
0x12e: {  	[tilespmem:$0x12360] =	vst v0  }
0x12f: {  	[tilespmem:$0x12370] =	vst v0  }
0x130: {  	[tilespmem:$0x12380] =	vst v9  }
0x131: {  	[tilespmem:$0x12390] =	vst v0  }
0x132: {  	[tilespmem:$0x123A0] =	vst v0  }
0x133: {  	[tilespmem:$0x123B0] =	vst v0  }
0x134: {  	[tilespmem:$0x123C0] =	vst v0  }
0x135: {  	[tilespmem:$0x123D0] =	vst v0  }
0x136: {  	[tilespmem:$0x123E0] =	vst v0  }
0x137: {  	[tilespmem:$0x123F0] =	vst v0  }
0x138: {  	[tilespmem:$0x12400] =	vst v8  }
0x139: {  	[tilespmem:$0x12410] =	vst v0  }
0x13a: {  	[tilespmem:$0x12420] =	vst v0  }
0x13b: {  	[tilespmem:$0x12430] =	vst v0  }
0x13c: {  	[tilespmem:$0x12440] =	vst v0  }
0x13d: {  	[tilespmem:$0x12450] =	vst v0  }
0x13e: {  	[tilespmem:$0x12460] =	vst v0  }
0x13f: {  	[tilespmem:$0x12470] =	vst v0  }
0x140: {  	[tilespmem:$0x12480] =	vst v7  }
0x141: {  	[tilespmem:$0x12490] =	vst v0  }
0x142: {  	[tilespmem:$0x124A0] =	vst v0  }
0x143: {  	[tilespmem:$0x124B0] =	vst v0  }
0x144: {  	[tilespmem:$0x124C0] =	vst v0  }
0x145: {  	[tilespmem:$0x124D0] =	vst v0  }
0x146: {  	[tilespmem:$0x124E0] =	vst v0  }
0x147: {  	[tilespmem:$0x124F0] =	vst v0  }
0x148: {  	[tilespmem:$0x12500] =	vst v6  }
0x149: {  	[tilespmem:$0x12510] =	vst v0  }
0x14a: {  	[tilespmem:$0x12520] =	vst v0  }
0x14b: {  	[tilespmem:$0x12530] =	vst v0  }
0x14c: {  	[tilespmem:$0x12540] =	vst v0  }
0x14d: {  	[tilespmem:$0x12550] =	vst v0  }
0x14e: {  	[tilespmem:$0x12560] =	vst v0  }
0x14f: {  	[tilespmem:$0x12570] =	vst v0  }
0x150: {  	[tilespmem:$0x12580] =	vst v5  }
0x151: {  	[tilespmem:$0x12590] =	vst v0  }
0x152: {  	[tilespmem:$0x125A0] =	vst v0  }
0x153: {  	[tilespmem:$0x125B0] =	vst v0  }
0x154: {  	[tilespmem:$0x125C0] =	vst v0  }
0x155: {  	[tilespmem:$0x125D0] =	vst v0  }
0x156: {  	[tilespmem:$0x125E0] =	vst v0  }
0x157: {  	[tilespmem:$0x125F0] =	vst v0  }
0x158: {  	[tilespmem:$0x12610] =	vst v0  }
0x159: {  	[tilespmem:$0x12620] =	vst v0  }
0x15a: {  	[tilespmem:$0x12630] =	vst v0  }
0x15b: {  	[tilespmem:$0x12640] =	vst v0  }
0x15c: {  	[tilespmem:$0x12650] =	vst v0  }
0x15d: {  	[tilespmem:$0x12660] =	vst v0  }
0x15e: {  	[tilespmem:$0x12670] =	vst v0  }
0x15f: {  	[tilespmem:$0x12680] =	vst v3  }
0x160: {  	[tilespmem:$0x12690] =	vst v0  }
0x161: {  	[tilespmem:$0x126A0] =	vst v0  }
0x162: {  	[tilespmem:$0x126B0] =	vst v0  }
0x163: {  	[tilespmem:$0x126C0] =	vst v0  }
0x164: {  	[tilespmem:$0x126D0] =	vst v0  }
0x165: {  	[tilespmem:$0x126E0] =	vst v0  }
0x166: {  	[tilespmem:$0x126F0] =	vst v0  }
0x167: {  	[tilespmem:$0x12700] =	vst v2  }
0x168: {  	[tilespmem:$0x12710] =	vst v0  }
0x169: {  	[tilespmem:$0x12720] =	vst v0  }
0x16a: {  	[tilespmem:$0x12730] =	vst v0  }
0x16b: {  	[tilespmem:$0x12740] =	vst v0  }
0x16c: {  	[tilespmem:$0x12750] =	vst v0  }
0x16d: {  	[tilespmem:$0x12760] =	vst v0  }
0x16e: {  	[tilespmem:$0x12770] =	vst v0  }
0x16f: {  	[tilespmem:$0x12790] =	vst v0  }
0x170: {  	[tilespmem:$0x127A0] =	vst v0  }
0x171: {  	[tilespmem:$0x127B0] =	vst v0  }
0x172: {  	[tilespmem:$0x127C0] =	vst v0  }
0x173: {  	[tilespmem:$0x127D0] =	vst v0  }
0x174: {  	[tilespmem:$0x127E0] =	vst v0  }
0x175: {  	[tilespmem:$0x127F0] =	vst v0  }
0x176: {  	[tilespmem:$0x12800] =	vst v0  }
0x177: {  	[tilespmem:$0x12810] =	vst v0  }
0x178: {  	[tilespmem:$0x12820] =	vst v0  }
0x179: {  	[tilespmem:$0x12830] =	vst v0  }
0x17a: {  	[tilespmem:$0x12840] =	vst v0  }
0x17b: {  	[tilespmem:$0x12850] =	vst v0  }
0x17c: {  	[tilespmem:$0x12860] =	vst v0  }
0x17d: {  	[tilespmem:$0x12870] =	vst v0  }
0x17e: {  	[tilespmem:$0x12880] =	vst v0  }
0x17f: {  	[tilespmem:$0x12890] =	vst v0  }
0x180: {  	[tilespmem:$0x128A0] =	vst v0  }
0x181: {  	[tilespmem:$0x128B0] =	vst v0  }
0x182: {  	[tilespmem:$0x128C0] =	vst v0  }
0x183: {  	[tilespmem:$0x128D0] =	vst v0  }
0x184: {  	[tilespmem:$0x128E0] =	vst v0  }
0x185: {  	[tilespmem:$0x128F0] =	vst v0  }
0x186: {  	[tilespmem:$0x12900] =	vst v0  }
0x187: {  	[tilespmem:$0x12910] =	vst v0  }
0x188: {  	[tilespmem:$0x12920] =	vst v0  }
0x189: {  	[tilespmem:$0x12930] =	vst v0  }
0x18a: {  	[tilespmem:$0x12940] =	vst v0  }
0x18b: {  	[tilespmem:$0x12950] =	vst v0  }
0x18c: {  	[tilespmem:$0x12960] =	vst v0  }
0x18d: {  	[tilespmem:$0x12970] =	vst v0  }
0x18e: {  	[tilespmem:$0x12980] =	vst v0  }
0x18f: {  	[tilespmem:$0x12990] =	vst v0  }
0x190: {  	[tilespmem:$0x129A0] =	vst v0  }
0x191: {  	[tilespmem:$0x129B0] =	vst v0  }
0x192: {  	[tilespmem:$0x129C0] =	vst v0  }
0x193: {  	[tilespmem:$0x129D0] =	vst v0  }
0x194: {  	[tilespmem:$0x129E0] =	vst v0  }
0x195: {  	[tilespmem:$0x129F0] =	vst v0;
	s22 =	sadd.s32 $0x1, s22  }
0x196: {  	[tilespmem:$0x12600] =	vst v4;
	p0 =	sne.s32 s22, s9  }
.Ltmp2:
0x197: {  	[tilespmem:$0x12780] =	vst v1;
	(pc) =	sbr.rel @p0 .LBB2_1-.Ltmp2, $4  }
0x198: {  	[hbm4b:s8+s2] =	stream.linear.scatter [tilespmem:s21], [sflag:$0x2], $0x800, $0x38;
	[tilespmem:$0x12A00] =	vst v63  }
0x199: {  	_ =	swait.ge [sflag:s10], $0x800  }
0x19a: {  	[sflag:s10] =	ssyncset.done $0x0  }
0x19b: {  	[sflag:s10] =	ssyncadd.s32 $0xFFFFF800  }
0x19c: {  	_ =	sfence.sel $0x180000  }
0x19d: {  	[bflag:$0x0] =	sbarrier.arrive $0xFFFF  }
0x19e: {  	p0 =	sne.s32 s0, $0x0;
	_ =	strace $0x9000004A  }
0x19f: {  	s0 =	sadd.s32 @!p0 $0x100000, s1;
	[bflag:$0x2] =	sbarrier.arrive $0xFFFF  }
0x1a0: {  	[sflag:s0] =	ssyncadd.tile.s32 @!p0 $0x1;
	_ =	shalt  }
.Lfunc_end2:
_tile_overlayer_lowered:
.L_overlay_start_2:
0x1a1: {  	(tag) =	ssettag $0x2  }
0x1a2: {  	s0 =	rddreg [dreg:$0x0];
	s2 =	stileid.u32  }
0x1a3: {  	s1 =	rddreg [dreg:$0x1];
	p0 =	sne.s32 s2, $0x0  }
0x1a4: {  	s3 =	rddreg [dreg:$0x2];
	[bflag:$0x3] =	sbarrier.arrive $0xFFFF;
	s2 =	simm.s32 @!p0 $0x1C02  }
0x1a5: {  	[timem:s3], [sflag:s2] =	dma.local @!p0 [hbm:s0], s1  }
0x1a6: {  	s0 =	simm.s32 @!p0 $0x2  }
0x1a7: {  	_ =	swait.ge @!p0 [sflag:s0], s1  }
0x1a8: {  	s1 =	ssub.s32 @!p0 $0x0, s1;
	[sflag:s0] =	ssyncset.done @!p0 $0x0  }
0x1a9: {  	[sflag:s0] =	ssyncadd.s32 @!p0 s1  }
0x1aa: {  	[bflag:$0x3] =	sbarrier.arrive $0xFFFF  }
0x1ab: {  	_ =	shalt  }

// kernel: kernel.14.cloned.1.call-start
scs
__scs_entry_jumppad:
0x0: {  	(pc) =	sbr.rel $0x88, $3  }
0x1: {  	(tag) =	ssettag $0x0;
	lr =	simm.s32 $0x1  }
0x2: {  	[smem:$0x3F97] =	sst lr;
	_ =	strace $0xD0000000  }
0x3: {  	_ = 	snop  }
0x4: {  	_ = 	snop  }
0x5: {  	_ = 	snop  }
0x6: {  	_ = 	snop  }
0x7: {  	_ = 	snop  }
__scs_overlays_trampoline_lowered:
0x8: {  	[smem:$0x3FA6] =	sst s0  }
0x9: {  	[smem:$0x3FA7] =	sst s1  }
0xa: {  	[smem:$0x3FA8] =	sst s2  }
0xb: {  	[smem:$0x3FA9] =	sst s3  }
0xc: {  	[smem:$0x3FAA] =	sst s4  }
0xd: {  	[smem:$0x3FAB] =	sst s5  }
0xe: {  	[smem:$0x3FAC] =	sst s6  }
0xf: {  	[smem:$0x3FAD] =	sst s7  }
0x10: {  	[smem:$0x3FAE] =	sst s8  }
0x11: {  	[smem:$0x3FAF] =	sst s9;
	s0 =	simm.s32 @!p0 $0x0  }
0x12: {  	s1 =	sld [smem:$0x3F95];
	s0 =	simm.s32 @p0 $0x1  }
0x13: {  	[smem:$0x3FB0] =	sst s0;
	s0 =	simm.s32 @!p1 $0x0  }
0x14: {  	s2 =	sld [smem:$0x3F94];
	s0 =	simm.s32 @p1 $0x1  }
0x15: {  	[smem:$0x3FB1] =	sst s0;
	s0 =	simm.s32 @!p2 $0x0  }
0x16: {  	s3 =	sld [smem:$0x3FDB];
	s0 =	simm.s32 @p2 $0x1  }
0x17: {  	s4 =	simm.s32 $0x1BF5;
	[smem:$0x3FB3] =	sst s0  }
0x18: {  	s0 =	sld [smem:$0x3F96];
	_ =	swait.ge [sflag:s4], $0x0  }
0x19: {  	s7 =	sld [smem:$0x3F97]  }
0x1a: {  	s8 =	sadd.s32 $0xFFFFE003, lr  }
0x1b: {  	s9 =	sadd.s32 $0xFFFFFEF7, lr;
	s5 =	simm.s32 $0xFFFFFFFF;
	p2 =	slt.u32 s8, $0xFFFFF086  }
0x1c: {  	p1 =	slt.u32 s9, $0xF7A;
	s5 =	simm.s32 @!p2 $0x0  }
0x1d: {  	s5 =	simm.s32 @p1 $0x1;
	p0 =	seq.s32 s7, s2  }
0x1e: {  	s7 =	smul.u32 @!p0 $0xF7A, s2;
	p2 =	seq.s32 @!p0 s5, $0x0  }
0x1f: {  	s9 =	smul.u32 $0xF7A, s1;
	s8 =	simm.s32 @!p0 $0x1BF5;
	p2 =	por !p2, p0  }
0x20: {  	[sflag:s8] =	ssyncset.s32 @!p0 $0xFFFFF086;
	s6 =	sadd.s32 @!p0 s3, s7;
	s7 =	simm.s32 @!p0 $0x108  }
0x21: {  	s3 =	sadd.s32 s3, s9;
	s6 =	sadd.s32 @!p0 $0x88, s6;
	s7 =	simm.s32 @p2 $0x1082  }
0x22: {  	[simem:s7], [sflag:s8] =	dma.local @!p0 [hbm:s6], $0xF7A  }
0x23: {  	s9 =	sor.u32 $0xD0000000, s2;
	s6 =	simm.s32 $0x108;
	_ =	swait.ge @!p0 [sflag:s8], $0x0  }
0x24: {  	s3 =	sadd.s32 $0x88, s3;
	s6 =	simm.s32 @!p1 $0x1082;
	[sflag:s4] =	ssyncset.s32 $0xFFFFF086  }
0x25: {  	[simem:s6], [sflag:s4] =	dma.local [hbm:s3], $0xF7A  }
0x26: {  	[smem:$0x3F97] =	sst s1;
	(tag) =	ssettag s2;
	_ =	strace s9  }
0x27: {  	s1 =	sld [smem:$0x3FA7]  }
0x28: {  	s2 =	sld [smem:$0x3FA8]  }
0x29: {  	s4 =	sld [smem:$0x3FAA]  }
0x2a: {  	p0 =	seq.s32 s5, $0x0;
	s5 =	sld [smem:$0x3FAB]  }
0x2b: {  	s6 =	sld [smem:$0x3FAC]  }
0x2c: {  	s7 =	sld [smem:$0x3FAD]  }
0x2d: {  	s3 =	simm.s32 $0x108;
	s8 =	sld [smem:$0x3FAE]  }
0x2e: {  	s3 =	simm.s32 @!p0 $0x1082;
	s9 =	sld [smem:$0x3FAF]  }
0x2f: {  	lr =	sadd.s32 s0, s3;
	s0 =	sld [smem:$0x3FA6]  }
0x30: {  	s3 =	sld [smem:$0x3FA9]  }
0x31: {  	[smem:$0x3FB2] =	sst s10  }
0x32: {  	s10 =	sld [smem:$0x3FB0];
	_ =	sdelay $0x3  }
0x33: {  	p0 =	seq.s32 s10, $0x1;
	s10 =	sld [smem:$0x3FB2];
	_ =	sdelay $0x3  }
0x34: {  	[smem:$0x3FB2] =	sst s10  }
0x35: {  	s10 =	sld [smem:$0x3FB1];
	_ =	sdelay $0x3  }
0x36: {  	p1 =	seq.s32 s10, $0x1;
	s10 =	sld [smem:$0x3FB2];
	_ =	sdelay $0x3  }
0x37: {  	[smem:$0x3FB2] =	sst s10  }
0x38: {  	s10 =	sld [smem:$0x3FB3]  }
0x39: {  	_ = 	snop;
	(pc) =	sbr.ind lr, $3  }
0x3a: {  	_ = 	snop  }
0x3b: {  	_ = 	snop  }
0x3c: {  	p2 =	seq.s32 s10, $0x1;
	s10 =	sld [smem:$0x3FB2]  }
0x3d: {  	_ =	shalt  }
0x3e: {  	_ =	shalt  }
0x3f: {  	_ =	shalt  }
0x40: {  	_ =	shalt  }
0x41: {  	_ =	shalt  }
0x42: {  	_ =	shalt  }
0x43: {  	_ =	shalt  }
0x44: {  	_ =	shalt  }
0x45: {  	_ =	shalt  }
0x46: {  	_ =	shalt  }
0x47: {  	_ =	shalt  }
0x48: {  	_ =	shalt  }
0x49: {  	_ =	shalt  }
0x4a: {  	_ =	shalt  }
0x4b: {  	_ =	shalt  }
0x4c: {  	_ =	shalt  }
0x4d: {  	_ =	shalt  }
0x4e: {  	_ =	shalt  }
0x4f: {  	_ =	shalt  }
0x50: {  	_ =	shalt  }
0x51: {  	_ =	shalt  }
0x52: {  	_ =	shalt  }
0x53: {  	_ =	shalt  }
0x54: {  	_ =	shalt  }
0x55: {  	_ =	shalt  }
0x56: {  	_ =	shalt  }
0x57: {  	_ =	shalt  }
0x58: {  	_ =	shalt  }
0x59: {  	_ =	shalt  }
0x5a: {  	_ =	shalt  }
0x5b: {  	_ =	shalt  }
0x5c: {  	_ =	shalt  }
0x5d: {  	_ =	shalt  }
0x5e: {  	_ =	shalt  }
0x5f: {  	_ =	shalt  }
0x60: {  	_ =	shalt  }
0x61: {  	_ =	shalt  }
0x62: {  	_ =	shalt  }
0x63: {  	_ =	shalt  }
0x64: {  	_ =	shalt  }
0x65: {  	_ =	shalt  }
0x66: {  	_ =	shalt  }
0x67: {  	_ =	shalt  }
0x68: {  	_ =	shalt  }
0x69: {  	_ =	shalt  }
0x6a: {  	_ =	shalt  }
0x6b: {  	_ =	shalt  }
0x6c: {  	_ =	shalt  }
0x6d: {  	_ =	shalt  }
0x6e: {  	_ =	shalt  }
0x6f: {  	_ =	shalt  }
0x70: {  	_ =	shalt  }
0x71: {  	_ =	shalt  }
0x72: {  	_ =	shalt  }
0x73: {  	_ =	shalt  }
0x74: {  	_ =	shalt  }
0x75: {  	_ =	shalt  }
0x76: {  	_ =	shalt  }
0x77: {  	_ =	shalt  }
0x78: {  	_ =	shalt  }
0x79: {  	_ =	shalt  }
0x7a: {  	_ =	shalt  }
0x7b: {  	_ =	shalt  }
0x7c: {  	_ =	shalt  }
0x7d: {  	_ =	shalt  }
0x7e: {  	_ =	shalt  }
0x7f: {  	_ =	shalt  }
0x80: {  	_ =	shalt  }
0x81: {  	_ =	shalt  }
0x82: {  	_ =	shalt  }
0x83: {  	_ =	shalt  }
0x84: {  	_ =	shalt  }
0x85: {  	_ =	shalt  }
0x86: {  	_ =	shalt  }
0x87: {  	_ =	shalt  }
.Lfunc_end0:
.L_simem_size_0:
called_computation.1_lowered:
.L_overlay_start_0:
0x88: {  	s2 =	sld [smem:$0x3FD9]  }
0x89: {  	s3 =	sld [smem:$0x3FFE];
	_ =	sdelay $0x1  }
0x8a: {  	s1 =	srdreg.scid  }
0x8b: {  	s0 =	sand.u32 $0x1, s1  }
0x8c: {  	s17 =	sshll.u32 s0, $0xA;
	s2 =	sadd.s32 s3, s2  }
0x8d: {  	s2 =	sadd.s32 s2, s17  }
0x8e: {  	[smem:$0x3FBE] =	sst s2  }
0x8f: {  	_ = 	snop  }
0x90: {  	s2 =	sld [smem:$0x3FD0];
	(tm) =	ssettm $0x1  }
0x91: {  	s18 =	sld [smem:$0x3FFB];
	_ =	sdelay $0x3  }
0x92: {  	_ =	strace s18  }
0x93: {  	s3 =	sld [smem:$0x3FFC];
	_ =	sdelay $0x3  }
0x94: {  	_ =	strace s3  }
0x95: {  	s3 =	sld [smem:$0x3FFD];
	_ =	sdelay $0x3  }
0x96: {  	_ =	strace s3  }
0x97: {  	_ =	strace $0x8FFFFFFF  }
0x98: {  	s19 =	sld [smem:$0x3FDB];
	_ =	sdelay $0x1  }
0x99: {  	s4 =	simm.s32 $_scs_section_size  }
0x9a: {  	s5 =	simm.s32 $_size__tile_overlayer_lowered;
	s6 =	simm.s32 $_tile_overlayer_lowered  }
0x9b: {  	s22 =	simm.s32 $0x1BFF;
	s21 =	sshll.u32 s6, $0x1;
	s3 =	sadd.s32 s4, s19  }
0x9c: {  	s7 =	simm.s32 $0x0;
	s20 =	sshll.u32 s5, $0x1;
	s5 =	sadd.s32 s21, s3  }
0x9d: {  	[timem:s7], [sflag:s22] =	dma.local [hbm:s5], s20  }
0x9e: {  	_ =	swait.ge [sflag:s22], s20  }
0x9f: {  	s4 =	ssub.s32 $0x0, s20;
	[sflag:s22] =	ssyncset.done $0x0  }
0xa0: {  	[sflag:s22] =	ssyncadd.s32 s4;
	_ =	sdelay $0x1  }
0xa1: {  	s23 =	simm.s32 $0x1B8B  }
0xa2: {  	_ =	swait.ge [sflag:s23], $0x1  }
0xa3: {  	[sflag:s23] =	ssyncset.done $0x0  }
0xa4: {  	s25 =	simm.s32 $0x1B8E;
	s24 =	sld [smem:$0x3FFE];
	[sflag:s23] =	ssyncadd.s32 $0xFFFFFFFF  }
0xa5: {  	s26 =	simm.s32 $execute0_lowered;
	[smem:$0x3FD2] =	sst s25  }
0xa6: {  	s5 =	sshll.u32 s26, $0x1;
	_ =	strace $0x80000046;
	[dreg:$0x1] =	wrdreg $0xFFFFFFFF  }
0xa7: {  	s28 =	simm.s32 $_size_execute0_lowered;
	s3 =	sadd.s32 s3, s5;
	[dreg:$0x0] =	wrdreg $0x0  }
0xa8: {  	s5 =	sshll.u32 s28, $0x1;
	[dreg:$0x2] =	wrdreg s3  }
0xa9: {  	[dreg:$0x3] =	wrdreg s5  }
0xaa: {  	[dreg:$0x4] =	wrdreg $0xC0  }
0xab: {  	_ =	task [dreg:s7], $0x5FFFF  }
0xac: {  	[dreg:$0x1] =	wrdreg $0xFFFFFFFF  }
0xad: {  	[dreg:$0x0] =	wrdreg $0x60  }
0xae: {  	[dreg:$0x2] =	wrdreg s24  }
0xaf: {  	[dreg:$0x3] =	wrdreg s2  }
0xb0: {  	[dreg:$0x4] =	wrdreg $0xA  }
0xb1: {  	_ =	task.clear_ibuf [dreg:s7], $0x5FFFF;
	_ =	strace $0x90000046  }
0xb2: {  	s29 =	simm.s32 $0xA;
	_ =	strace $0x80000048  }
0xb3: {  	_ =	swait.ge [sflag:s29], $0x1  }
0xb4: {  	[sflag:s29] =	ssyncadd.s32 $0xFFFFFFFF  }
0xb5: {  	_ =	strace $0x90000048  }
0xb6: {  	_ =	sfence  }
0xb7: {  	s30 =	sld [smem:$0x0];
	_ =	sdelay $0x2  }
0xb8: {  	s31 =	sshll.u32 s1, $0xD;
	s1 =	sshrl.u32 s1, $0x2  }
0xb9: {  	s3 =	sand.u32 $0x4000, s31;
	s1 =	sadd.s32 s1, s30  }
0xba: {  	s0 =	sor.u32 s3, s0;
	s1 =	sshll.u32 s1, $0x11  }
0xbb: {  	s0 =	sor.u32 s1, s0  }
0xbc: {  	s0 =	sadd.s32 $0x8F2B, s0  }
0xbd: {  	[sflag:s0] =	ssyncadd.remote.s32 $0x1  }
0xbe: {  	_ =	sfence.sel $0xFFFF  }
0xbf: {  	[dreg:$0x0] =	wrdreg $0xFFFFFFFF;
	(pc) =	sbr.abs _section_cstart, $3  }
0xc0: {  	[dreg:$0x1] =	wrdreg $0xFFFFFFFF  }
0xc1: {  	_ =	task.clear_ibuf [dreg:s7], $0x2FFFF;
	_ =	strace $0x9FFFFFFF  }
0xc2: {  	(tm) =	ssettm $0x7FFFFFFF  }
0xc3: {  	_ =	shalt  }
tec
execute0_lowered:
.L_overlay_start_1:
0x0: {  	(tag) =	ssettag $0x1  }
0x1: {  	s6 =	rddreg [dreg:$0x0]  }
0x2: {  	s2 =	rddreg [dreg:$0x1]  }
0x3: {  	s0 =	rddreg [dreg:$0x2];
	s4 =	srdreg.scid  }
0x4: {  	s1 =	stileid.u32;
	s3 =	simm.s32 $0x0;
	s11 =	simm.s32 $0x80  }
0x5: {  	s12 =	simm.s32 $0x200;
	s13 =	simm.s32 $0x4200;
	s14 =	simm.s32 $0x100  }
0x6: {  	s15 =	simm.s32 $0x8200;
	s16 =	simm.s32 $0x180;
	s17 =	simm.s32 $0xC200  }
0x7: {  	s18 =	simm.s32 $0x1;
	s19 =	simm.s32 $0x10200;
	s20 =	simm.s32 $0x11200  }
0x8: {  	s21 =	simm.s32 $0x12200;
	s22 =	simm.s32 $0x0;
	s5 =	sand.u32 $0x1, s4  }
0x9: {  	s30 =	sshll.u32 s1, $0x1;
	[smem:$0x7FF] =	sst s3;
	s4 =	sadd.s32 $0x3E00, s6  }
0xa: {  	s7 =	sor.u32 s5, s30;
	_ =	strace $0x80000047;
	s10 =	ssub.s32 $0x2, s5  }
0xb: {  	s5 =	sadd.s32 $0x19E00, s6;
	s8 =	sshll.u32 s7, $0x9;
	s9 =	sshll.u32 s7, $0x8  }
0xc: {  	s31 =	sshrl.u32 s10, $0x1;
	s8 =	sadd.s32 s8, s6;
	s9 =	sadd.s32 s9, s6  }
0xd: {  	s10 =	ssub.s32 s10, s31;
	s6 =	sshll.u32 s7, $0xC;
	s7 =	sadd.s32 $0x13E00, s8  }
0xe: {  	v0 =	vimm.f32 $0.0e+00;
	s8 =	sadd.s32 $0x17E00, s9;
	s9 =	smax.u32 s10, $0x1;
	s10 =	simm.s32 $0x2  }
.LBB2_1:
0xf: {  	v1 =	vimm.f32 $0.0e+00;
	v2 =	vimm.f32 $0.0e+00;
	v3 =	vimm.f32 $0.0e+00  }
0x10: {  	v4 =	vimm.f32 $0.0e+00;
	v5 =	vimm.f32 $0.0e+00;
	v6 =	vimm.f32 $0.0e+00  }
0x11: {  	v7 =	vimm.f32 $0.0e+00;
	v8 =	vimm.f32 $0.0e+00;
	v9 =	vimm.f32 $0.0e+00  }
0x12: {  	v10 =	vimm.f32 $0.0e+00;
	v11 =	vimm.f32 $0.0e+00;
	v12 =	vimm.f32 $0.0e+00;
	s23 =	simm.s32 $0x0  }
.LBB2_2:
0x13: {  	s24 =	sshll.u32 s23, $0x6  }
0x14: {  	s25 =	simm.s32 $0x0;
	s24 =	sadd.s32 s24, s7  }
0x15: {  	[tilespmem:s25], [sflag:$0x2] =	stream.linear.gather [hbm4b:s24+s25], $0x200, $0x38;
	[tilespmem:$0x12A00] =	vst v63  }
0x16: {  	_ =	swait.ge [sflag:s10], $0x200  }
0x17: {  	[sflag:s10] =	ssyncset.done $0x0  }
0x18: {  	[sflag:s10] =	ssyncadd.s32 $0xFFFFFE00  }
0x19: {  	[tilespmem:s12], [sflag:$0x1] =	stream.indirect.gather [hbm4b:s4+s11], $0x80, s25, s11, $0xb8;
	[tilespmem:$0x12A00] =	vst v63  }
0x1a: {  	_ = 	snop  }
0x1b: {  	[tilespmem:s13], [sflag:$0x1] =	stream.indirect.gather [hbm4b:s4+s11], $0x80, s11, s11, $0xb8;
	[tilespmem:$0x12A00] =	vst v63  }
0x1c: {  	_ = 	snop  }
0x1d: {  	[tilespmem:s15], [sflag:$0x1] =	stream.indirect.gather [hbm4b:s4+s11], $0x80, s14, s11, $0xb8;
	[tilespmem:$0x12A00] =	vst v63  }
0x1e: {  	_ = 	snop  }
0x1f: {  	[tilespmem:s17], [sflag:$0x1] =	stream.indirect.gather [hbm4b:s4+s11], $0x80, s16, s11, $0xb8;
	[tilespmem:$0x12A00] =	vst v63  }
0x20: {  	_ =	swait.ge [sflag:s18], $0x4000  }
0x21: {  	[sflag:s18] =	ssyncset.done $0x0  }
0x22: {  	[sflag:s18] =	ssyncadd.s32 $0xFFFFC000  }
0x23: {  	_ =	swait.ge [sflag:s18], $0x4000  }
0x24: {  	[sflag:s18] =	ssyncset.done $0x0  }
0x25: {  	[sflag:s18] =	ssyncadd.s32 $0xFFFFC000  }
0x26: {  	_ =	swait.ge [sflag:s18], $0x4000  }
0x27: {  	[sflag:s18] =	ssyncset.done $0x0  }
0x28: {  	[sflag:s18] =	ssyncadd.s32 $0xFFFFC000  }
0x29: {  	s29 =	sshll.u32 s23, $0x9;
	_ =	swait.ge [sflag:s18], $0x4000  }
0x2a: {  	s24 =	sadd.s32 s6, s29;
	[sflag:s18] =	ssyncset.done $0x0  }
0x2b: {  	s26 =	sadd.s32 s2, s24;
	[sflag:s18] =	ssyncadd.s32 $0xFFFFC000  }
0x2c: {  	[tilespmem:s19], [sflag:$0x2] =	stream.linear.gather [hbm4b:s26+s25], $0x1000, $0x38;
	[tilespmem:$0x12A00] =	vst v63  }
0x2d: {  	_ =	swait.ge [sflag:s10], $0x1000  }
0x2e: {  	[sflag:s10] =	ssyncset.done $0x0  }
0x2f: {  	s30 =	simm.s32 $0x600;
	[sflag:s10] =	ssyncadd.s32 $0xFFFFF000  }
0x30: {  	v13 =	vld [tilespmem:s30+$0xFFFFFC00]  }
0x31: {  	v14 =	vld [tilespmem:s30+$0xFFFFFD80]  }
0x32: {  	v16 =	vld [tilespmem:s30+$0xFFFFFD00]  }
0x33: {  	v17 =	vld [tilespmem:s30+$0xFFFFFC80];
	_ =	sdelay $0x2  }
0x34: {  	v15 =	vld [tilespmem:s30+$0xFFFFFE00]  }
0x35: {  	v21 =	vld [tilespmem:s30+$0xFFFFFE80];
	v18 =	vmul.f32 v14, v14;
	v19 =	vadd.f32 $0.0e+00, v13  }
0x36: {  	v22 =	vld [tilespmem:s30+$0xFFFFFF00];
	v20 =	vmul.f32 v13, v13;
	v23 =	vmul.f32 v16, v16;
	v25 =	vmin.f32 v13, v17  }
0x37: {  	v26 =	vld [tilespmem:s30+$0xFFFFFF80];
	v13 =	vmax.f32 v13, v17;
	v25 =	vmin.f32 v25, v16;
	v19 =	vadd.f32 v17, v19  }
0x38: {  	v27 =	vld [tilespmem:s30+$0x0];
	v13 =	vmax.f32 v13, v16;
	v17 =	vmul.f32 v17, v17;
	v25 =	vmin.f32 v25, v14  }
0x39: {  	v13 =	vmax.f32 v13, v14;
	v16 =	vadd.f32 v16, v19;
	v19 =	vmin.f32 v25, v15;
	v25 =	vld [tilespmem:s30+$0x80]  }
0x3a: {  	v13 =	vmax.f32 v13, v15;
	v17 =	vadd.f32 v17, v20;
	v20 =	vld [tilespmem:s30+$0x100];
	v19 =	vmin.f32 v19, v21  }
0x3b: {  	v29 =	vld [tilespmem:s30+$0x180];
	v24 =	vmul.f32 v15, v15;
	v13 =	vmax.f32 v13, v21;
	v19 =	vmin.f32 v19, v22  }
0x3c: {  	v13 =	vmax.f32 v13, v22;
	v17 =	vadd.f32 v23, v17;
	v23 =	vld [tilespmem:s30+$0x200];
	v19 =	vmin.f32 v19, v26  }
0x3d: {  	v16 =	vadd.f32 v14, v16;
	v13 =	vmax.f32 v13, v26;
	v14 =	vmin.f32 v19, v27;
	v19 =	vld [tilespmem:s30+$0x280]  }
0x3e: {  	v13 =	vmax.f32 v13, v27;
	v17 =	vadd.f32 v18, v17;
	v18 =	vmin.f32 v14, v25;
	v14 =	vld [tilespmem:s30+$0x300]  }
0x3f: {  	v15 =	vadd.f32 v15, v16;
	v16 =	vmax.f32 v13, v25;
	v13 =	vld [tilespmem:s30+$0x380];
	v18 =	vmin.f32 v18, v20  }
0x40: {  	v28 =	vmul.f32 v22, v22;
	v16 =	vmax.f32 v16, v20;
	v18 =	vmin.f32 v18, v29  }
0x41: {  	v17 =	vadd.f32 v24, v17;
	v16 =	vmax.f32 v16, v29;
	v18 =	vmin.f32 v18, v23  }
0x42: {  	v24 =	vmul.f32 v21, v21;
	v16 =	vmax.f32 v16, v23;
	v18 =	vmin.f32 v18, v19  }
0x43: {  	v15 =	vadd.f32 v21, v15;
	v16 =	vmax.f32 v16, v19;
	v18 =	vmin.f32 v18, v14  }
0x44: {  	s31 =	simm.s32 $0x0;
	v17 =	vadd.f32 v24, v17;
	v16 =	vmax.f32 v16, v14;
	v18 =	vmin.f32 v18, v13  }
0x45: {  	v15 =	vadd.f32 v22, v15;
	v16 =	vmax.f32 v16, v13;
	[tilespmem:s31+$0x11240] =	vst v18  }
0x46: {  	v21 =	vmul.f32 v26, v26;
	v17 =	vadd.f32 v28, v17;
	[tilespmem:s31+$0x11200] =	vst v16  }
0x47: {  	v15 =	vadd.f32 v26, v15;
	v18 =	vld [tilespmem:s30+$0xFFFFFC10]  }
0x48: {  	v16 =	vadd.f32 v21, v17;
	v17 =	vmul.f32 v27, v27;
	v21 =	vld [tilespmem:s30+$0xFFFFFD10]  }
0x49: {  	v15 =	vadd.f32 v27, v15;
	v22 =	vld [tilespmem:s30+$0xFFFFFC90]  }
0x4a: {  	v31 =	vld [tilespmem:s30+$0xFFFFFE90];
	v16 =	vadd.f32 v17, v16;
	v17 =	vmul.f32 v25, v25  }
0x4b: {  	v48 =	vmul.f32 v23, v23;
	v24 =	vmul.f32 v19, v19;
	v15 =	vadd.f32 v25, v15  }
0x4c: {  	v26 =	vld [tilespmem:s30+$0xFFFFFD90];
	v25 =	vmul.f32 v14, v14;
	v16 =	vadd.f32 v17, v16;
	v17 =	vmul.f32 v20, v20  }
0x4d: {  	v27 =	vld [tilespmem:s30+$0xFFFFFE10];
	v15 =	vadd.f32 v20, v15;
	v20 =	vmul.f32 v29, v29;
	v30 =	vadd.f32 $0.0e+00, v18  }
0x4e: {  	v16 =	vadd.f32 v17, v16;
	v17 =	vmul.f32 v18, v18;
	v32 =	vmul.f32 v21, v21  }
0x4f: {  	v34 =	vld [tilespmem:s30+$0xFFFFFF10];
	v33 =	vmax.f32 v18, v22;
	v18 =	vmin.f32 v18, v22;
	v50 =	vmul.f32 v31, v31  }
0x50: {  	v49 =	vld [tilespmem:s30+$0xFFFFFF90];
	v18 =	vmin.f32 v18, v21;
	v16 =	vadd.f32 v20, v16;
	v20 =	vmax.f32 v33, v21  }
0x51: {  	v35 =	vld [tilespmem:s30+$0x10];
	v30 =	vadd.f32 v22, v30;
	v22 =	vmul.f32 v22, v22;
	v20 =	vmax.f32 v20, v26  }
0x52: {  	v36 =	vld [tilespmem:s30+$0x90];
	v18 =	vmin.f32 v18, v26;
	v28 =	vadd.f32 v48, v16;
	v16 =	vmax.f32 v20, v27  }
0x53: {  	v18 =	vmin.f32 v18, v27;
	v20 =	vadd.f32 v21, v30;
	v21 =	vld [tilespmem:s30+$0x110];
	v16 =	vmax.f32 v16, v31  }
0x54: {  	v18 =	vmin.f32 v18, v31;
	v17 =	vadd.f32 v22, v17;
	v22 =	vld [tilespmem:s30+$0x190];
	v16 =	vmax.f32 v16, v34  }
0x55: {  	v37 =	vld [tilespmem:s30+$0x210];
	v15 =	vadd.f32 v29, v15;
	v18 =	vmin.f32 v18, v34;
	v16 =	vmax.f32 v16, v49  }
0x56: {  	v39 =	vld [tilespmem:s30+$0x290];
	v18 =	vmin.f32 v18, v49;
	v38 =	vadd.f32 v26, v20;
	v16 =	vmax.f32 v16, v35  }
0x57: {  	v17 =	vadd.f32 v32, v17;
	v20 =	vld [tilespmem:s30+$0x310];
	v18 =	vmin.f32 v18, v35;
	v16 =	vmax.f32 v16, v36  }
0x58: {  	v26 =	vmul.f32 v26, v26;
	v18 =	vmin.f32 v18, v36;
	v51 =	vmax.f32 v16, v21;
	v16 =	vld [tilespmem:s30+$0x390]  }
0x59: {  	v38 =	vadd.f32 v27, v38;
	v18 =	vmin.f32 v18, v21;
	v32 =	vmax.f32 v51, v22  }
0x5a: {  	v17 =	vadd.f32 v26, v17;
	v18 =	vmin.f32 v18, v22;
	v26 =	vmax.f32 v32, v37  }
0x5b: {  	v27 =	vmul.f32 v27, v27;
	v18 =	vmin.f32 v18, v37;
	v26 =	vmax.f32 v26, v39  }
0x5c: {  	v31 =	vadd.f32 v31, v38;
	v18 =	vmin.f32 v18, v39;
	v26 =	vmax.f32 v26, v20  }
0x5d: {  	v24 =	vadd.f32 v24, v28;
	v18 =	vmin.f32 v18, v20;
	v26 =	vmax.f32 v26, v16  }
0x5e: {  	v17 =	vadd.f32 v27, v17;
	v27 =	vadd.f32 v34, v31;
	v18 =	vmin.f32 v18, v16;
	[tilespmem:s31+$0x11210] =	vst v26  }
0x5f: {  	v15 =	vadd.f32 v23, v15;
	[tilespmem:s31+$0x11250] =	vst v18  }
0x60: {  	v52 =	vmul.f32 v49, v49;
	v24 =	vadd.f32 v25, v24;
	v25 =	vadd.f32 v49, v27;
	v27 =	vld [tilespmem:s30+$0xFFFFFC20]  }
0x61: {  	v15 =	vadd.f32 v19, v15;
	v17 =	vadd.f32 v50, v17;
	v26 =	vmul.f32 v34, v34;
	v23 =	vld [tilespmem:s30+$0xFFFFFCA0]  }
0x62: {  	v19 =	vmul.f32 v35, v35;
	v18 =	vmul.f32 v13, v13;
	v53 =	vld [tilespmem:s30+$0xFFFFFDA0]  }
0x63: {  	v14 =	vadd.f32 v14, v15;
	v54 =	vmul.f32 v21, v21;
	v56 =	vld [tilespmem:s30+$0xFFFFFE20];
	v17 =	vadd.f32 v26, v17  }
0x64: {  	v55 =	vmul.f32 v22, v22;
	v58 =	vld [tilespmem:s30+$0xFFFFFEA0];
	v24 =	vadd.f32 v18, v24;
	v18 =	vadd.f32 v35, v25  }
0x65: {  	v51 =	vmul.f32 v20, v20;
	v50 =	vmul.f32 v39, v39;
	v59 =	vld [tilespmem:s30+$0xFFFFFF20];
	v17 =	vadd.f32 v52, v17  }
0x66: {  	v26 =	vmul.f32 v36, v36;
	v25 =	vld [tilespmem:s30+$0xFFFFFD20];
	v18 =	vadd.f32 v36, v18;
	v8 =	vadd.f32 v24, v8  }
0x67: {  	v24 =	vmul.f32 v37, v37;
	v15 =	vadd.f32 $0.0e+00, v27;
	v57 =	vmul.f32 v27, v27  }
0x68: {  	v17 =	vadd.f32 v19, v17;
	v19 =	vmax.f32 v27, v23;
	v60 =	vmul.f32 v23, v23  }
0x69: {  	v27 =	vmin.f32 v27, v23;
	v40 =	vmul.f32 v53, v53;
	v43 =	vmul.f32 v58, v58  }
0x6a: {  	v21 =	vadd.f32 v21, v18;
	v47 =	vmul.f32 v59, v59;
	v31 =	vmul.f32 v56, v56  }
0x6b: {  	v19 =	vmax.f32 v19, v25;
	v27 =	vmin.f32 v27, v25;
	v26 =	vadd.f32 v26, v17  }
0x6c: {  	v61 =	vld [tilespmem:s30+$0xFFFFFFA0];
	v17 =	vmax.f32 v19, v53;
	v19 =	vmin.f32 v27, v53;
	v15 =	vadd.f32 v23, v15  }
0x6d: {  	v27 =	vld [tilespmem:s30+$0x20];
	v32 =	vadd.f32 v60, v57;
	v17 =	vmax.f32 v17, v56;
	v18 =	vmin.f32 v19, v56  }
0x6e: {  	v62 =	vld [tilespmem:s30+$0xA0];
	v21 =	vadd.f32 v22, v21;
	v17 =	vmax.f32 v17, v58;
	v18 =	vmin.f32 v18, v58  }
0x6f: {  	v23 =	vld [tilespmem:s30+$0x120];
	v63 =	vadd.f32 v25, v15;
	v25 =	vmul.f32 v25, v25;
	v26 =	vadd.f32 v54, v26  }
0x70: {  	v41 =	vld [tilespmem:s30+$0x1A0];
	v21 =	vadd.f32 v37, v21;
	v17 =	vmax.f32 v17, v59;
	v18 =	vmin.f32 v18, v59  }
0x71: {  	v19 =	vld [tilespmem:s30+$0x220];
	v17 =	vmax.f32 v17, v61;
	v18 =	vmin.f32 v18, v61;
	v28 =	vadd.f32 v53, v63  }
0x72: {  	v26 =	vadd.f32 v55, v26;
	v15 =	vmax.f32 v17, v27;
	v17 =	vmin.f32 v18, v27;
	v18 =	vld [tilespmem:s30+$0x2A0]  }
0x73: {  	v25 =	vadd.f32 v25, v32;
	v15 =	vmax.f32 v15, v62;
	v42 =	vmin.f32 v17, v62;
	v17 =	vld [tilespmem:s30+$0x320]  }
0x74: {  	v21 =	vadd.f32 v39, v21;
	v28 =	vadd.f32 v56, v28;
	v45 =	vmax.f32 v15, v23;
	v15 =	vld [tilespmem:s30+$0x3A0]  }
0x75: {  	v25 =	vadd.f32 v40, v25;
	v42 =	vmin.f32 v42, v23;
	v29 =	vmax.f32 v45, v41  }
0x76: {  	v42 =	vmin.f32 v42, v41;
	v28 =	vadd.f32 v58, v28;
	v29 =	vmax.f32 v29, v19  }
0x77: {  	v24 =	vadd.f32 v24, v26;
	v46 =	vmin.f32 v42, v19;
	v29 =	vmax.f32 v29, v18  }
0x78: {  	v35 =	vmin.f32 v46, v18;
	v28 =	vadd.f32 v59, v28;
	v29 =	vmax.f32 v29, v17  }
0x79: {  	v24 =	vadd.f32 v50, v24;
	v48 =	vmin.f32 v35, v17;
	v29 =	vmax.f32 v29, v15  }
0x7a: {  	v25 =	vadd.f32 v31, v25;
	v22 =	vmin.f32 v48, v15;
	v28 =	vadd.f32 v61, v28;
	[tilespmem:s31+$0x11220] =	vst v29  }
0x7b: {  	v52 =	vld [tilespmem:s31+$0x10210];
	v20 =	vadd.f32 v20, v21;
	v21 =	vmul.f32 v16, v16;
	v24 =	vadd.f32 v51, v24;
	[tilespmem:s31+$0x11260] =	vst v22  }
0x7c: {  	v26 =	vmul.f32 v27, v27;
	v22 =	vadd.f32 v43, v25;
	v25 =	vadd.f32 v27, v28;
	v27 =	vld [tilespmem:s30+$0xFFFFFD30]  }
0x7d: {  	v16 =	vadd.f32 v16, v20;
	v20 =	vadd.f32 v21, v24;
	v55 =	vld [tilespmem:s30+$0xFFFFFC30]  }
0x7e: {  	v49 =	vmul.f32 v61, v61;
	v33 =	vmul.f32 v41, v41;
	v21 =	vld [tilespmem:s30+$0xFFFFFCB0];
	v22 =	vadd.f32 v47, v22  }
0x7f: {  	v53 =	vmul.f32 v62, v62;
	v54 =	vmul.f32 v23, v23;
	v7 =	vadd.f32 v20, v7;
	v20 =	vld [tilespmem:s30+$0xFFFFFE30]  }
0x80: {  	v30 =	vmul.f32 v19, v19;
	v63 =	vld [tilespmem:s30+$0xFFFFFF30];
	v25 =	vadd.f32 v62, v25;
	v22 =	vadd.f32 v49, v22  }
0x81: {  	v11 =	vadd.f32 v16, v11;
	v16 =	vmul.f32 v52, v16;
	v39 =	vmul.f32 v18, v18  }
0x82: {  	v34 =	vmul.f32 v17, v17;
	v47 =	vld [tilespmem:s30+$0xFFFFFFB0];
	v23 =	vadd.f32 v23, v25;
	v22 =	vadd.f32 v26, v22  }
0x83: {  	v25 =	vld [tilespmem:s30+$0xFFFFFDB0];
	v26 =	vmul.f32 v15, v15;
	v56 =	vmul.f32 v27, v27;
	v57 =	vadd.f32 $0.0e+00, v55  }
0x84: {  	v59 =	vmul.f32 v55, v55;
	v60 =	vmul.f32 v21, v21;
	v62 =	vmin.f32 v55, v21  }
0x85: {  	v46 =	vmul.f32 v20, v20;
	v52 =	vmul.f32 v63, v63;
	v35 =	vadd.f32 v21, v57  }
0x86: {  	v58 =	vld [tilespmem:s30+$0xFFFFFEB0];
	v23 =	vadd.f32 v41, v23;
	v45 =	vmin.f32 v62, v27;
	v32 =	vadd.f32 v60, v59  }
0x87: {  	v22 =	vadd.f32 v53, v22;
	v21 =	vmax.f32 v55, v21;
	v35 =	vadd.f32 v27, v35  }
0x88: {  	v53 =	vmul.f32 v47, v47;
	v61 =	vmul.f32 v25, v25;
	v48 =	vadd.f32 v56, v32  }
0x89: {  	v21 =	vmax.f32 v21, v27;
	v19 =	vadd.f32 v19, v23;
	v49 =	vadd.f32 v25, v35  }
0x8a: {  	v50 =	vld [tilespmem:s30+$0x30];
	v21 =	vmax.f32 v21, v25;
	v25 =	vmin.f32 v45, v25;
	v28 =	vadd.f32 v61, v48  }
0x8b: {  	v51 =	vld [tilespmem:s30+$0xB0];
	v27 =	vmul.f32 v58, v58;
	v25 =	vmin.f32 v25, v20;
	v29 =	vadd.f32 v20, v49  }
0x8c: {  	v24 =	vld [tilespmem:s30+$0x130];
	v20 =	vmax.f32 v21, v20;
	v21 =	vmin.f32 v25, v58;
	v25 =	vadd.f32 v46, v28  }
0x8d: {  	v55 =	vld [tilespmem:s30+$0x230];
	v22 =	vadd.f32 v54, v22;
	v21 =	vmin.f32 v21, v63;
	v29 =	vadd.f32 v58, v29  }
0x8e: {  	v54 =	vld [tilespmem:s30+$0x1B0];
	v18 =	vadd.f32 v18, v19;
	v21 =	vmin.f32 v21, v47;
	v25 =	vadd.f32 v27, v25  }
0x8f: {  	v20 =	vmax.f32 v20, v58;
	v21 =	vmin.f32 v21, v50;
	v29 =	vadd.f32 v63, v29  }
0x90: {  	v57 =	vmax.f32 v20, v63;
	v20 =	vmin.f32 v21, v51;
	v21 =	vadd.f32 v52, v25  }
0x91: {  	v38 =	vmul.f32 v24, v24;
	v22 =	vadd.f32 v33, v22;
	v29 =	vadd.f32 v47, v29  }
0x92: {  	v56 =	vld [tilespmem:s30+$0x2B0];
	v62 =	vmul.f32 v55, v55;
	v27 =	vmul.f32 v50, v50;
	v21 =	vadd.f32 v53, v21  }
0x93: {  	v22 =	vadd.f32 v30, v22;
	v61 =	vmul.f32 v54, v54;
	v29 =	vadd.f32 v50, v29  }
0x94: {  	v41 =	vmax.f32 v57, v47;
	v25 =	vmul.f32 v51, v51;
	v21 =	vadd.f32 v27, v21  }
0x95: {  	v22 =	vadd.f32 v39, v22;
	v59 =	vmax.f32 v41, v50;
	v29 =	vadd.f32 v51, v29  }
0x96: {  	v58 =	vmin.f32 v20, v24;
	v20 =	vld [tilespmem:s30+$0x330];
	v28 =	vmax.f32 v59, v51;
	v25 =	vadd.f32 v25, v21  }
0x97: {  	v63 =	vmul.f32 v56, v56;
	v27 =	vmax.f32 v28, v24;
	v21 =	vld [tilespmem:s30+$0x3B0];
	v24 =	vadd.f32 v24, v29  }
0x98: {  	v35 =	vmin.f32 v58, v54;
	v27 =	vmax.f32 v27, v54;
	v25 =	vadd.f32 v38, v25  }
0x99: {  	v35 =	vmin.f32 v35, v55;
	v27 =	vmax.f32 v27, v55;
	v23 =	vadd.f32 v54, v24  }
0x9a: {  	v60 =	vmin.f32 v35, v56;
	v27 =	vmax.f32 v27, v56;
	v24 =	vadd.f32 v61, v25  }
0x9b: {  	v31 =	vmin.f32 v60, v20;
	v25 =	vmax.f32 v27, v20;
	v23 =	vadd.f32 v55, v23  }
0x9c: {  	v19 =	vld [tilespmem:s31+$0x10220];
	v27 =	vadd.f32 v34, v22;
	v25 =	vmax.f32 v25, v21;
	v28 =	vadd.f32 v62, v24  }
0x9d: {  	v22 =	vadd.f32 v17, v18;
	v17 =	vld [tilespmem:s31+$0x10230];
	v24 =	vmin.f32 v31, v21;
	[tilespmem:s31+$0x11230] =	vst v25;
	v23 =	vadd.f32 v56, v23  }
0x9e: {  	s25 =	simm.s32 $0x200;
	s26 =	simm.s32 $0xE00;
	v18 =	vld [tilespmem:s31+$0x10200];
	[tilespmem:s31+$0x11270] =	vst v24;
	v24 =	vadd.f32 v26, v27;
	v26 =	vmul.f32 v20, v20;
	v25 =	vadd.f32 v63, v28  }
.LBB2_3:
0x9f: {  	v27 =	vld [tilespmem:s26+$0xFFFFFC00];
	p0 =	sne.s32 s25, $0x3E00;
	v15 =	vadd.f32 v15, v22;
	v20 =	vadd.f32 v20, v23;
	s28 =	smov.u32 s25;
	s25 =	sadd.s32 $0x200, s25  }
0xa0: {  	v22 =	vld [tilespmem:s26+$0xFFFFFD80];
	v6 =	vadd.f32 v24, v6;
	v23 =	vadd.f32 v26, v25;
	v24 =	vmul.f32 v21, v21  }
0xa1: {  	v13 =	vadd.f32 v13, v14;
	v25 =	vld [tilespmem:s26+$0xFFFFFE00];
	v14 =	vmul.f32 v19, v15;
	v19 =	vadd.f32 v21, v20  }
0xa2: {  	v3 =	vadd.f32 v16, v3;
	v20 =	vld [tilespmem:s26+$0xFFFFFD00];
	v16 =	vadd.f32 v24, v23  }
0xa3: {  	v12 =	vadd.f32 v13, v12;
	v21 =	vld [tilespmem:s26+$0xFFFFFC80];
	v9 =	vadd.f32 v19, v9;
	v17 =	vmul.f32 v17, v19  }
0xa4: {  	v10 =	vadd.f32 v15, v10;
	v13 =	vmul.f32 v18, v13;
	v19 =	vld [tilespmem:s26+$0xFFFFFF00];
	v5 =	vadd.f32 v16, v5  }
0xa5: {  	v2 =	vadd.f32 v14, v2;
	v16 =	vmul.f32 v22, v22;
	v23 =	vld [tilespmem:s26+$0xFFFFFF80];
	v1 =	vadd.f32 v17, v1  }
0xa6: {  	v14 =	vadd.f32 $0.0e+00, v27;
	v15 =	vmul.f32 v27, v27;
	v4 =	vadd.f32 v13, v4  }
0xa7: {  	v24 =	vmul.f32 v25, v25;
	v13 =	vmul.f32 v20, v20;
	v26 =	vld [tilespmem:s26+$0xFFFFFE80]  }
0xa8: {  	v17 =	vmax.f32 v27, v21;
	v18 =	vmin.f32 v27, v21;
	v14 =	vadd.f32 v21, v14  }
0xa9: {  	v21 =	vmul.f32 v21, v21;
	v17 =	vmax.f32 v17, v20;
	v18 =	vmin.f32 v18, v20  }
0xaa: {  	v14 =	vadd.f32 v20, v14;
	v17 =	vmax.f32 v17, v22;
	v18 =	vmin.f32 v18, v22;
	v20 =	vld [tilespmem:s26+$0x0]  }
0xab: {  	v15 =	vadd.f32 v21, v15;
	v17 =	vmax.f32 v17, v25;
	v18 =	vmin.f32 v18, v25;
	v21 =	vld [tilespmem:s26+$0x80]  }
0xac: {  	v27 =	vmul.f32 v19, v19;
	v17 =	vmax.f32 v17, v26;
	v18 =	vmin.f32 v18, v26;
	v28 =	vld [tilespmem:s26+$0x100]  }
0xad: {  	v14 =	vadd.f32 v22, v14;
	v17 =	vmax.f32 v17, v19;
	v22 =	vmin.f32 v18, v19;
	v18 =	vld [tilespmem:s26+$0x180]  }
0xae: {  	v13 =	vadd.f32 v13, v15;
	v15 =	vmax.f32 v17, v23;
	v22 =	vmin.f32 v22, v23;
	v17 =	vld [tilespmem:s26+$0x200]  }
0xaf: {  	v25 =	vadd.f32 v25, v14;
	v14 =	vmax.f32 v15, v20;
	v22 =	vmin.f32 v22, v20;
	v15 =	vld [tilespmem:s26+$0x280]  }
0xb0: {  	v16 =	vadd.f32 v16, v13;
	v13 =	vmax.f32 v14, v21;
	v22 =	vmin.f32 v22, v21;
	v14 =	vld [tilespmem:s26+$0x300]  }
0xb1: {  	v25 =	vadd.f32 v26, v25;
	v29 =	vmax.f32 v13, v28;
	v22 =	vmin.f32 v22, v28;
	v13 =	vld [tilespmem:s26+$0x380]  }
0xb2: {  	v16 =	vadd.f32 v24, v16;
	v24 =	vmax.f32 v29, v18;
	v22 =	vmin.f32 v22, v18  }
0xb3: {  	v26 =	vmul.f32 v26, v26;
	v24 =	vmax.f32 v24, v17;
	v22 =	vmin.f32 v22, v17  }
0xb4: {  	v19 =	vadd.f32 v19, v25;
	v24 =	vmax.f32 v24, v15;
	v22 =	vmin.f32 v22, v15  }
0xb5: {  	v16 =	vadd.f32 v26, v16;
	v24 =	vmax.f32 v24, v14;
	v22 =	vmin.f32 v22, v14  }
0xb6: {  	s28 =	sshra.s32 s28, $0x2;
	v19 =	vadd.f32 v23, v19;
	v24 =	vmax.f32 v24, v13;
	v22 =	vmin.f32 v22, v13  }
0xb7: {  	v16 =	vadd.f32 v27, v16;
	v23 =	vmul.f32 v23, v23;
	[tilespmem:s28+$0x11240] =	vst v22  }
0xb8: {  	v19 =	vadd.f32 v20, v19;
	[tilespmem:s28+$0x11200] =	vst v24  }
0xb9: {  	v16 =	vadd.f32 v23, v16;
	v20 =	vmul.f32 v20, v20;
	v22 =	vld [tilespmem:s26+$0xFFFFFC10]  }
0xba: {  	v19 =	vadd.f32 v21, v19;
	v23 =	vld [tilespmem:s26+$0xFFFFFD10]  }
0xbb: {  	v16 =	vadd.f32 v20, v16;
	v20 =	vmul.f32 v21, v21;
	v21 =	vld [tilespmem:s26+$0xFFFFFC90]  }
0xbc: {  	v25 =	vmul.f32 v13, v13;
	v24 =	vmul.f32 v15, v15;
	v19 =	vadd.f32 v28, v19;
	v26 =	vld [tilespmem:s26+$0xFFFFFE10]  }
0xbd: {  	v27 =	vmul.f32 v14, v14;
	v16 =	vadd.f32 v20, v16;
	v20 =	vmul.f32 v28, v28;
	v28 =	vld [tilespmem:s26+$0xFFFFFD90]  }
0xbe: {  	v29 =	vmul.f32 v18, v18;
	v30 =	vmul.f32 v17, v17;
	v31 =	vadd.f32 $0.0e+00, v22  }
0xbf: {  	v16 =	vadd.f32 v20, v16;
	v20 =	vmul.f32 v22, v22;
	v32 =	vmul.f32 v23, v23;
	v33 =	vld [tilespmem:s26+$0xFFFFFE90]  }
0xc0: {  	v34 =	vmax.f32 v22, v21;
	v22 =	vmin.f32 v22, v21;
	v31 =	vadd.f32 v21, v31;
	v35 =	vld [tilespmem:s26+$0xFFFFFF10]  }
0xc1: {  	v16 =	vadd.f32 v29, v16;
	v29 =	vmax.f32 v34, v23;
	v22 =	vmin.f32 v22, v23;
	v34 =	vld [tilespmem:s26+$0xFFFFFF90]  }
0xc2: {  	v21 =	vmul.f32 v21, v21;
	v29 =	vmax.f32 v29, v28;
	v22 =	vmin.f32 v22, v28;
	v36 =	vld [tilespmem:s26+$0x10]  }
0xc3: {  	v30 =	vadd.f32 v30, v16;
	v16 =	vmax.f32 v29, v26;
	v22 =	vmin.f32 v22, v26;
	v29 =	vld [tilespmem:s26+$0x90]  }
0xc4: {  	v31 =	vadd.f32 v23, v31;
	v16 =	vmax.f32 v16, v33;
	v22 =	vmin.f32 v22, v33;
	v37 =	vld [tilespmem:s26+$0x110]  }
0xc5: {  	v20 =	vadd.f32 v21, v20;
	v16 =	vmax.f32 v16, v35;
	v21 =	vmin.f32 v22, v35;
	v23 =	vld [tilespmem:s26+$0x190]  }
0xc6: {  	v38 =	vmul.f32 v33, v33;
	v16 =	vmax.f32 v16, v34;
	v21 =	vmin.f32 v21, v34;
	v22 =	vld [tilespmem:s26+$0x210]  }
0xc7: {  	v31 =	vadd.f32 v28, v31;
	v16 =	vmax.f32 v16, v36;
	v39 =	vmin.f32 v21, v36;
	v21 =	vld [tilespmem:s26+$0x290]  }
0xc8: {  	v32 =	vadd.f32 v32, v20;
	v16 =	vmax.f32 v16, v29;
	v39 =	vmin.f32 v39, v29;
	v20 =	vld [tilespmem:s26+$0x310]  }
0xc9: {  	v28 =	vmul.f32 v28, v28;
	v40 =	vmax.f32 v16, v37;
	v39 =	vmin.f32 v39, v37;
	v16 =	vld [tilespmem:s26+$0x390]  }
0xca: {  	v31 =	vadd.f32 v26, v31;
	v40 =	vmax.f32 v40, v23;
	v39 =	vmin.f32 v39, v23  }
0xcb: {  	v28 =	vadd.f32 v28, v32;
	v32 =	vmax.f32 v40, v22;
	v39 =	vmin.f32 v39, v22  }
0xcc: {  	v26 =	vmul.f32 v26, v26;
	v32 =	vmax.f32 v32, v21;
	v39 =	vmin.f32 v39, v21  }
0xcd: {  	v31 =	vadd.f32 v33, v31;
	v32 =	vmax.f32 v32, v20;
	v33 =	vmin.f32 v39, v20  }
0xce: {  	v26 =	vadd.f32 v26, v28;
	v28 =	vmax.f32 v32, v16;
	v32 =	vmin.f32 v33, v16  }
0xcf: {  	v24 =	vadd.f32 v24, v30;
	v30 =	vadd.f32 v35, v31;
	v31 =	vmul.f32 v35, v35;
	[tilespmem:s28+$0x11210] =	vst v28  }
0xd0: {  	v18 =	vadd.f32 v18, v19;
	v19 =	vadd.f32 v38, v26;
	v26 =	vmul.f32 v34, v34;
	[tilespmem:s28+$0x11250] =	vst v32  }
0xd1: {  	v24 =	vadd.f32 v27, v24;
	v27 =	vadd.f32 v34, v30;
	v28 =	vmul.f32 v29, v29;
	v30 =	vld [tilespmem:s26+$0xFFFFFC20]  }
0xd2: {  	v17 =	vadd.f32 v17, v18;
	v18 =	vadd.f32 v31, v19;
	v19 =	vld [tilespmem:s26+$0xFFFFFCA0]  }
0xd3: {  	v24 =	vadd.f32 v25, v24;
	v25 =	vadd.f32 v36, v27;
	v27 =	vld [tilespmem:s26+$0xFFFFFD20]  }
0xd4: {  	v15 =	vadd.f32 v15, v17;
	v17 =	vadd.f32 v26, v18;
	v18 =	vmul.f32 v36, v36;
	v26 =	vld [tilespmem:s26+$0xFFFFFDA0]  }
0xd5: {  	v31 =	vmul.f32 v23, v23;
	v25 =	vadd.f32 v29, v25;
	v29 =	vmul.f32 v37, v37;
	v32 =	vld [tilespmem:s26+$0xFFFFFE20]  }
0xd6: {  	v14 =	vadd.f32 v14, v15;
	v15 =	vadd.f32 $0.0e+00, v30;
	v33 =	vmul.f32 v30, v30;
	v34 =	vld [tilespmem:s26+$0xFFFFFEA0]  }
0xd7: {  	v17 =	vadd.f32 v18, v17;
	v18 =	vmax.f32 v30, v19;
	v30 =	vmin.f32 v30, v19;
	v35 =	vld [tilespmem:s26+$0xFFFFFF20]  }
0xd8: {  	v36 =	vmul.f32 v19, v19;
	v18 =	vmax.f32 v18, v27;
	v30 =	vmin.f32 v30, v27;
	v38 =	vld [tilespmem:s26+$0xFFFFFFA0]  }
0xd9: {  	v28 =	vadd.f32 v28, v17;
	v17 =	vmax.f32 v18, v26;
	v18 =	vmin.f32 v30, v26;
	v30 =	vld [tilespmem:s26+$0x20]  }
0xda: {  	v25 =	vadd.f32 v37, v25;
	v17 =	vmax.f32 v17, v32;
	v18 =	vmin.f32 v18, v32;
	v37 =	vld [tilespmem:s26+$0xA0]  }
0xdb: {  	v15 =	vadd.f32 v19, v15;
	v17 =	vmax.f32 v17, v34;
	v18 =	vmin.f32 v18, v34;
	v39 =	vld [tilespmem:s26+$0x120]  }
0xdc: {  	v40 =	vmul.f32 v26, v26;
	v17 =	vmax.f32 v17, v35;
	v18 =	vmin.f32 v18, v35;
	v41 =	vld [tilespmem:s26+$0x1A0]  }
0xdd: {  	v33 =	vadd.f32 v36, v33;
	v17 =	vmax.f32 v17, v38;
	v18 =	vmin.f32 v18, v38;
	v19 =	vld [tilespmem:s26+$0x220]  }
0xde: {  	v36 =	vadd.f32 v27, v15;
	v15 =	vmax.f32 v17, v30;
	v17 =	vmin.f32 v18, v30;
	v18 =	vld [tilespmem:s26+$0x2A0]  }
0xdf: {  	v27 =	vmul.f32 v27, v27;
	v15 =	vmax.f32 v15, v37;
	v42 =	vmin.f32 v17, v37;
	v17 =	vld [tilespmem:s26+$0x320]  }
0xe0: {  	v28 =	vadd.f32 v29, v28;
	v29 =	vmax.f32 v15, v39;
	v42 =	vmin.f32 v42, v39;
	v15 =	vld [tilespmem:s26+$0x3A0]  }
0xe1: {  	v43 =	vmul.f32 v34, v34;
	v29 =	vmax.f32 v29, v41;
	v42 =	vmin.f32 v42, v41  }
0xe2: {  	v26 =	vadd.f32 v26, v36;
	v29 =	vmax.f32 v29, v19;
	v36 =	vmin.f32 v42, v19  }
0xe3: {  	v42 =	vmul.f32 v35, v35;
	v29 =	vmax.f32 v29, v18;
	v36 =	vmin.f32 v36, v18  }
0xe4: {  	v28 =	vadd.f32 v31, v28;
	v29 =	vmax.f32 v29, v17;
	v31 =	vmin.f32 v36, v17  }
0xe5: {  	v26 =	vadd.f32 v32, v26;
	v29 =	vmax.f32 v29, v15;
	v31 =	vmin.f32 v31, v15  }
0xe6: {  	v23 =	vadd.f32 v23, v25;
	v25 =	vadd.f32 v27, v33;
	v27 =	vmul.f32 v38, v38;
	[tilespmem:s28+$0x11220] =	vst v29  }
0xe7: {  	v8 =	vadd.f32 v24, v8;
	v24 =	vmul.f32 v22, v22;
	v26 =	vadd.f32 v34, v26  }
0xe8: {  	v25 =	vadd.f32 v40, v25;
	v29 =	vmul.f32 v32, v32;
	v32 =	vmul.f32 v30, v30  }
0xe9: {  	v22 =	vadd.f32 v22, v23;
	v23 =	vmul.f32 v21, v21;
	v26 =	vadd.f32 v35, v26  }
0xea: {  	v24 =	vadd.f32 v24, v28;
	v25 =	vadd.f32 v29, v25;
	v29 =	vmul.f32 v37, v37;
	v28 =	vld [tilespmem:s28+$0x10210];
	[tilespmem:s28+$0x11260] =	vst v31  }
0xeb: {  	v21 =	vadd.f32 v21, v22;
	v22 =	vmul.f32 v20, v20;
	v26 =	vadd.f32 v38, v26;
	v31 =	vld [tilespmem:s26+$0xFFFFFEB0]  }
0xec: {  	v23 =	vadd.f32 v23, v24;
	v24 =	vadd.f32 v43, v25;
	v25 =	vmul.f32 v39, v39;
	v33 =	vld [tilespmem:s26+$0xFFFFFE30]  }
0xed: {  	v20 =	vadd.f32 v20, v21;
	v21 =	vmul.f32 v16, v16;
	v26 =	vadd.f32 v30, v26;
	v30 =	vld [tilespmem:s26+$0xFFFFFDB0]  }
0xee: {  	v22 =	vadd.f32 v22, v23;
	v23 =	vadd.f32 v42, v24;
	v24 =	vmul.f32 v41, v41;
	v34 =	vld [tilespmem:s26+$0xFFFFFD30]  }
0xef: {  	v16 =	vadd.f32 v16, v20;
	v20 =	vadd.f32 v37, v26;
	v26 =	vld [tilespmem:s26+$0x130]  }
0xf0: {  	v21 =	vadd.f32 v21, v22;
	v22 =	vadd.f32 v27, v23;
	v23 =	vmul.f32 v19, v19;
	v27 =	vld [tilespmem:s26+$0xFFFFFC30]  }
0xf1: {  	v11 =	vadd.f32 v16, v11;
	v20 =	vadd.f32 v39, v20;
	v16 =	vmul.f32 v28, v16;
	v28 =	vld [tilespmem:s26+$0xFFFFFCB0]  }
0xf2: {  	v7 =	vadd.f32 v21, v7;
	v21 =	vadd.f32 v32, v22;
	v22 =	vld [tilespmem:s26+$0xB0]  }
0xf3: {  	v35 =	vmul.f32 v15, v15;
	v32 =	vadd.f32 v41, v20;
	v20 =	vmul.f32 v34, v34;
	v36 =	vld [tilespmem:s26+$0xFFFFFFB0]  }
0xf4: {  	v21 =	vadd.f32 v29, v21;
	v29 =	vmul.f32 v17, v17;
	v37 =	vld [tilespmem:s26+$0x30];
	v38 =	vmul.f32 v26, v26  }
0xf5: {  	v39 =	vmul.f32 v18, v18;
	v41 =	vmul.f32 v30, v30;
	v40 =	vadd.f32 $0.0e+00, v27  }
0xf6: {  	v42 =	vmul.f32 v27, v27;
	v43 =	vmin.f32 v27, v28;
	v44 =	vmul.f32 v28, v28;
	v45 =	vld [tilespmem:s26+$0xFFFFFF30]  }
0xf7: {  	v46 =	vmul.f32 v33, v33;
	v40 =	vadd.f32 v28, v40;
	v43 =	vmin.f32 v43, v34  }
0xf8: {  	v25 =	vadd.f32 v25, v21;
	v21 =	vmax.f32 v27, v28;
	v27 =	vadd.f32 v44, v42  }
0xf9: {  	v21 =	vmax.f32 v21, v34;
	v28 =	vadd.f32 v34, v40;
	v34 =	vmul.f32 v31, v31  }
0xfa: {  	v21 =	vmax.f32 v21, v30;
	v20 =	vadd.f32 v20, v27;
	v27 =	vmin.f32 v43, v30  }
0xfb: {  	v28 =	vadd.f32 v30, v28;
	v27 =	vmin.f32 v27, v33;
	v30 =	vmul.f32 v45, v45  }
0xfc: {  	v21 =	vmax.f32 v21, v33;
	v20 =	vadd.f32 v41, v20;
	v27 =	vmin.f32 v27, v31  }
0xfd: {  	v28 =	vadd.f32 v33, v28;
	v27 =	vmin.f32 v27, v45;
	v33 =	vmul.f32 v36, v36;
	v40 =	vld [tilespmem:s26+$0x1B0]  }
0xfe: {  	v21 =	vmax.f32 v21, v31;
	v20 =	vadd.f32 v46, v20;
	v27 =	vmin.f32 v27, v36;
	v41 =	vld [tilespmem:s26+$0x230]  }
0xff: {  	v28 =	vadd.f32 v31, v28;
	v27 =	vmin.f32 v27, v37;
	v31 =	vmul.f32 v37, v37;
	v42 =	vld [tilespmem:s26+$0x2B0]  }
0x100: {  	v21 =	vmax.f32 v21, v45;
	v34 =	vadd.f32 v34, v20;
	v20 =	vmin.f32 v27, v22  }
0x101: {  	v27 =	vadd.f32 v45, v28;
	v28 =	vmul.f32 v22, v22;
	v43 =	vmin.f32 v20, v26;
	v20 =	vld [tilespmem:s26+$0x330]  }
0x102: {  	v21 =	vmax.f32 v21, v36;
	v30 =	vadd.f32 v30, v34;
	v34 =	vmin.f32 v43, v40  }
0x103: {  	v21 =	vmax.f32 v21, v37;
	v27 =	vadd.f32 v36, v27;
	v34 =	vmin.f32 v34, v41  }
0x104: {  	v21 =	vmax.f32 v21, v22;
	v30 =	vadd.f32 v33, v30;
	v33 =	vmin.f32 v34, v42  }
0x105: {  	v36 =	vmul.f32 v40, v40;
	v34 =	vmax.f32 v21, v26;
	v27 =	vadd.f32 v37, v27;
	v21 =	vld [tilespmem:s26+$0x3B0]  }
0x106: {  	v30 =	vadd.f32 v31, v30;
	v31 =	vmax.f32 v34, v40;
	v33 =	vmin.f32 v33, v20  }
0x107: {  	v22 =	vadd.f32 v22, v27;
	v27 =	vmax.f32 v31, v41;
	v31 =	vmul.f32 v41, v41  }
0x108: {  	v24 =	vadd.f32 v24, v25;
	v25 =	vadd.f32 v28, v30;
	v27 =	vmax.f32 v27, v42  }
0x109: {  	v22 =	vadd.f32 v26, v22;
	v26 =	vmul.f32 v42, v42;
	v27 =	vmax.f32 v27, v20  }
0x10a: {  	v23 =	vadd.f32 v23, v24;
	v24 =	vadd.f32 v38, v25;
	v25 =	vmax.f32 v27, v21  }
0x10b: {  	v19 =	vadd.f32 v19, v32;
	v27 =	vmin.f32 v33, v21;
	v22 =	vadd.f32 v40, v22;
	[tilespmem:s28+$0x11230] =	vst v25  }
.Ltmp0:
0x10c: {  	v23 =	vadd.f32 v39, v23;
	v24 =	vadd.f32 v36, v24;
	[tilespmem:s28+$0x11270] =	vst v27;
	(pc) =	sbr.rel @p0 .LBB2_3-.Ltmp0, $4  }
0x10d: {  	v18 =	vadd.f32 v18, v19;
	v25 =	vadd.f32 v41, v22  }
0x10e: {  	v27 =	vadd.f32 v29, v23;
	v19 =	vld [tilespmem:s28+$0x10220];
	v28 =	vadd.f32 v31, v24  }
0x10f: {  	v22 =	vadd.f32 v17, v18;
	v23 =	vadd.f32 v42, v25;
	v17 =	vld [tilespmem:s28+$0x10230]  }
0x110: {  	s26 =	sadd.s32 $0x800, s26;
	v24 =	vadd.f32 v35, v27;
	v18 =	vld [tilespmem:s28+$0x10200];
	v25 =	vadd.f32 v26, v28;
	v26 =	vmul.f32 v20, v20  }
0x111: {  	v15 =	vadd.f32 v15, v22;
	v20 =	vadd.f32 v20, v23  }
0x112: {  	v13 =	vadd.f32 v13, v14;
	v3 =	vadd.f32 v16, v3;
	s23 =	sadd.s32 $0x1, s23  }
0x113: {  	v62 =	vmul.f32 v21, v21;
	v6 =	vadd.f32 v24, v6;
	v61 =	vadd.f32 v26, v25;
	p0 =	sne.s32 s23, $0x8  }
.Ltmp1:
0x114: {  	s24 =	sadd.s32 s5, s24;
	v14 =	vadd.f32 v21, v20;
	v12 =	vadd.f32 v13, v12;
	(pc) =	sbr.rel @p0 .LBB2_2-.Ltmp1, $4  }
0x115: {  	[hbm4b:s24+s3] =	stream.linear.scatter [tilespmem:s20], [sflag:$0x2], $0x1000, $0x38;
	v19 =	vmul.f32 v19, v15;
	v10 =	vadd.f32 v15, v10;
	v63 =	vadd.f32 v62, v61;
	[tilespmem:$0x12A00] =	vst v63  }
0x116: {  	_ =	swait.ge [sflag:s10], $0x1000;
	v9 =	vadd.f32 v14, v9;
	v14 =	vmul.f32 v17, v14;
	v13 =	vmul.f32 v18, v13  }
0x117: {  	[sflag:s10] =	ssyncset.done $0x0;
	v2 =	vadd.f32 v19, v2;
	v5 =	vadd.f32 v63, v5  }
0x118: {  	[sflag:s10] =	ssyncadd.s32 $0xFFFFF000;
	v1 =	vadd.f32 v14, v1;
	v4 =	vadd.f32 v13, v4  }
0x119: {  	[tilespmem:$0x12200] =	vst v12  }
0x11a: {  	[tilespmem:$0x12210] =	vst v0  }
0x11b: {  	[tilespmem:$0x12220] =	vst v0  }
0x11c: {  	[tilespmem:$0x12230] =	vst v0  }
0x11d: {  	[tilespmem:$0x12240] =	vst v0  }
0x11e: {  	[tilespmem:$0x12250] =	vst v0  }
0x11f: {  	[tilespmem:$0x12260] =	vst v0  }
0x120: {  	[tilespmem:$0x12270] =	vst v0  }
0x121: {  	[tilespmem:$0x12280] =	vst v11  }
0x122: {  	[tilespmem:$0x12290] =	vst v0  }
0x123: {  	[tilespmem:$0x122A0] =	vst v0  }
0x124: {  	[tilespmem:$0x122B0] =	vst v0  }
0x125: {  	[tilespmem:$0x122C0] =	vst v0  }
0x126: {  	[tilespmem:$0x122D0] =	vst v0  }
0x127: {  	[tilespmem:$0x122E0] =	vst v0  }
0x128: {  	[tilespmem:$0x122F0] =	vst v0  }
0x129: {  	[tilespmem:$0x12300] =	vst v10  }
0x12a: {  	[tilespmem:$0x12310] =	vst v0  }
0x12b: {  	[tilespmem:$0x12320] =	vst v0  }
0x12c: {  	[tilespmem:$0x12330] =	vst v0  }
0x12d: {  	[tilespmem:$0x12340] =	vst v0  }
0x12e: {  	[tilespmem:$0x12350] =	vst v0  }
0x12f: {  	[tilespmem:$0x12360] =	vst v0  }
0x130: {  	[tilespmem:$0x12370] =	vst v0  }
0x131: {  	[tilespmem:$0x12380] =	vst v9  }
0x132: {  	[tilespmem:$0x12390] =	vst v0  }
0x133: {  	[tilespmem:$0x123A0] =	vst v0  }
0x134: {  	[tilespmem:$0x123B0] =	vst v0  }
0x135: {  	[tilespmem:$0x123C0] =	vst v0  }
0x136: {  	[tilespmem:$0x123D0] =	vst v0  }
0x137: {  	[tilespmem:$0x123E0] =	vst v0  }
0x138: {  	[tilespmem:$0x123F0] =	vst v0  }
0x139: {  	[tilespmem:$0x12400] =	vst v8  }
0x13a: {  	[tilespmem:$0x12410] =	vst v0  }
0x13b: {  	[tilespmem:$0x12420] =	vst v0  }
0x13c: {  	[tilespmem:$0x12430] =	vst v0  }
0x13d: {  	[tilespmem:$0x12440] =	vst v0  }
0x13e: {  	[tilespmem:$0x12450] =	vst v0  }
0x13f: {  	[tilespmem:$0x12460] =	vst v0  }
0x140: {  	[tilespmem:$0x12470] =	vst v0  }
0x141: {  	[tilespmem:$0x12480] =	vst v7  }
0x142: {  	[tilespmem:$0x12490] =	vst v0  }
0x143: {  	[tilespmem:$0x124A0] =	vst v0  }
0x144: {  	[tilespmem:$0x124B0] =	vst v0  }
0x145: {  	[tilespmem:$0x124C0] =	vst v0  }
0x146: {  	[tilespmem:$0x124D0] =	vst v0  }
0x147: {  	[tilespmem:$0x124E0] =	vst v0  }
0x148: {  	[tilespmem:$0x124F0] =	vst v0  }
0x149: {  	[tilespmem:$0x12500] =	vst v6  }
0x14a: {  	[tilespmem:$0x12510] =	vst v0  }
0x14b: {  	[tilespmem:$0x12520] =	vst v0  }
0x14c: {  	[tilespmem:$0x12530] =	vst v0  }
0x14d: {  	[tilespmem:$0x12540] =	vst v0  }
0x14e: {  	[tilespmem:$0x12550] =	vst v0  }
0x14f: {  	[tilespmem:$0x12560] =	vst v0  }
0x150: {  	[tilespmem:$0x12570] =	vst v0  }
0x151: {  	[tilespmem:$0x12580] =	vst v5  }
0x152: {  	[tilespmem:$0x12590] =	vst v0  }
0x153: {  	[tilespmem:$0x125A0] =	vst v0  }
0x154: {  	[tilespmem:$0x125B0] =	vst v0  }
0x155: {  	[tilespmem:$0x125C0] =	vst v0  }
0x156: {  	[tilespmem:$0x125D0] =	vst v0  }
0x157: {  	[tilespmem:$0x125E0] =	vst v0  }
0x158: {  	[tilespmem:$0x125F0] =	vst v0  }
0x159: {  	[tilespmem:$0x12610] =	vst v0  }
0x15a: {  	[tilespmem:$0x12620] =	vst v0  }
0x15b: {  	[tilespmem:$0x12630] =	vst v0  }
0x15c: {  	[tilespmem:$0x12640] =	vst v0  }
0x15d: {  	[tilespmem:$0x12650] =	vst v0  }
0x15e: {  	[tilespmem:$0x12660] =	vst v0  }
0x15f: {  	[tilespmem:$0x12670] =	vst v0  }
0x160: {  	[tilespmem:$0x12680] =	vst v3  }
0x161: {  	[tilespmem:$0x12690] =	vst v0  }
0x162: {  	[tilespmem:$0x126A0] =	vst v0  }
0x163: {  	[tilespmem:$0x126B0] =	vst v0  }
0x164: {  	[tilespmem:$0x126C0] =	vst v0  }
0x165: {  	[tilespmem:$0x126D0] =	vst v0  }
0x166: {  	[tilespmem:$0x126E0] =	vst v0  }
0x167: {  	[tilespmem:$0x126F0] =	vst v0  }
0x168: {  	[tilespmem:$0x12700] =	vst v2  }
0x169: {  	[tilespmem:$0x12710] =	vst v0  }
0x16a: {  	[tilespmem:$0x12720] =	vst v0  }
0x16b: {  	[tilespmem:$0x12730] =	vst v0  }
0x16c: {  	[tilespmem:$0x12740] =	vst v0  }
0x16d: {  	[tilespmem:$0x12750] =	vst v0  }
0x16e: {  	[tilespmem:$0x12760] =	vst v0  }
0x16f: {  	[tilespmem:$0x12770] =	vst v0  }
0x170: {  	[tilespmem:$0x12790] =	vst v0  }
0x171: {  	[tilespmem:$0x127A0] =	vst v0  }
0x172: {  	[tilespmem:$0x127B0] =	vst v0  }
0x173: {  	[tilespmem:$0x127C0] =	vst v0  }
0x174: {  	[tilespmem:$0x127D0] =	vst v0  }
0x175: {  	[tilespmem:$0x127E0] =	vst v0  }
0x176: {  	[tilespmem:$0x127F0] =	vst v0  }
0x177: {  	[tilespmem:$0x12800] =	vst v0  }
0x178: {  	[tilespmem:$0x12810] =	vst v0  }
0x179: {  	[tilespmem:$0x12820] =	vst v0  }
0x17a: {  	[tilespmem:$0x12830] =	vst v0  }
0x17b: {  	[tilespmem:$0x12840] =	vst v0  }
0x17c: {  	[tilespmem:$0x12850] =	vst v0  }
0x17d: {  	[tilespmem:$0x12860] =	vst v0  }
0x17e: {  	[tilespmem:$0x12870] =	vst v0  }
0x17f: {  	[tilespmem:$0x12880] =	vst v0  }
0x180: {  	[tilespmem:$0x12890] =	vst v0  }
0x181: {  	[tilespmem:$0x128A0] =	vst v0  }
0x182: {  	[tilespmem:$0x128B0] =	vst v0  }
0x183: {  	[tilespmem:$0x128C0] =	vst v0  }
0x184: {  	[tilespmem:$0x128D0] =	vst v0  }
0x185: {  	[tilespmem:$0x128E0] =	vst v0  }
0x186: {  	[tilespmem:$0x128F0] =	vst v0  }
0x187: {  	[tilespmem:$0x12900] =	vst v0  }
0x188: {  	[tilespmem:$0x12910] =	vst v0  }
0x189: {  	[tilespmem:$0x12920] =	vst v0  }
0x18a: {  	[tilespmem:$0x12930] =	vst v0  }
0x18b: {  	[tilespmem:$0x12940] =	vst v0  }
0x18c: {  	[tilespmem:$0x12950] =	vst v0  }
0x18d: {  	[tilespmem:$0x12960] =	vst v0  }
0x18e: {  	[tilespmem:$0x12970] =	vst v0  }
0x18f: {  	[tilespmem:$0x12980] =	vst v0  }
0x190: {  	[tilespmem:$0x12990] =	vst v0  }
0x191: {  	[tilespmem:$0x129A0] =	vst v0  }
0x192: {  	[tilespmem:$0x129B0] =	vst v0  }
0x193: {  	[tilespmem:$0x129C0] =	vst v0  }
0x194: {  	[tilespmem:$0x129D0] =	vst v0  }
0x195: {  	[tilespmem:$0x129E0] =	vst v0  }
0x196: {  	[tilespmem:$0x129F0] =	vst v0;
	s22 =	sadd.s32 $0x1, s22  }
0x197: {  	[tilespmem:$0x12600] =	vst v4;
	p0 =	sne.s32 s22, s9  }
.Ltmp2:
0x198: {  	[tilespmem:$0x12780] =	vst v1;
	(pc) =	sbr.rel @p0 .LBB2_1-.Ltmp2, $4  }
0x199: {  	[hbm4b:s8+s3] =	stream.linear.scatter [tilespmem:s21], [sflag:$0x2], $0x800, $0x38;
	[tilespmem:$0x12A00] =	vst v63  }
0x19a: {  	_ =	swait.ge [sflag:s10], $0x800  }
0x19b: {  	[sflag:s10] =	ssyncset.done $0x0  }
0x19c: {  	[sflag:s10] =	ssyncadd.s32 $0xFFFFF800  }
0x19d: {  	_ =	sfence.sel $0x180000  }
0x19e: {  	[bflag:$0x0] =	sbarrier.arrive $0xFFFF  }
0x19f: {  	p0 =	sne.s32 s1, $0x0;
	_ =	strace $0x90000047  }
0x1a0: {  	s0 =	sadd.s32 @!p0 $0x100000, s0;
	[bflag:$0x2] =	sbarrier.arrive $0xFFFF  }
0x1a1: {  	[sflag:s0] =	ssyncadd.tile.s32 @!p0 $0x1;
	_ =	shalt  }
.Lfunc_end2:
_tile_overlayer_lowered:
.L_overlay_start_2:
0x1a2: {  	(tag) =	ssettag $0x2  }
0x1a3: {  	s0 =	rddreg [dreg:$0x0];
	s2 =	stileid.u32  }
0x1a4: {  	s1 =	rddreg [dreg:$0x1];
	p0 =	sne.s32 s2, $0x0  }
0x1a5: {  	s3 =	rddreg [dreg:$0x2];
	[bflag:$0x3] =	sbarrier.arrive $0xFFFF;
	s2 =	simm.s32 @!p0 $0x1C02  }
0x1a6: {  	[timem:s3], [sflag:s2] =	dma.local @!p0 [hbm:s0], s1  }
0x1a7: {  	s0 =	simm.s32 @!p0 $0x2  }
0x1a8: {  	_ =	swait.ge @!p0 [sflag:s0], s1  }
0x1a9: {  	s1 =	ssub.s32 @!p0 $0x0, s1;
	[sflag:s0] =	ssyncset.done @!p0 $0x0  }
0x1aa: {  	[sflag:s0] =	ssyncadd.s32 @!p0 s1  }
0x1ab: {  	[bflag:$0x3] =	sbarrier.arrive $0xFFFF  }
0x1ac: {  	_ =	shalt  }

</sc_bundles>
